<compile_context>
chip_gen: v7x
topology: tpu7x:2x2x1
jax: 0.10.2.dev20260603
libtpu: 0.0.44.dev20260713+nightly
codegen_flags: <defaults>
</compile_context>

<pallas_src>
import functools

import jax
import jax.numpy as jnp
from jax import lax
from jax.experimental import pallas as pl
from jax.experimental.pallas import tpu as pltpu
from jax.experimental.pallas import tpu_sc as plsc

C = 128
N_NODES = 10000
K_NBRS = 16
B_ROWS = N_NODES * K_NBRS
PAD = 16
H_ROWS = B_ROWS // 2
H_PADDED = H_ROWS + 2 * PAD


_NW = 20
_PER_W = H_ROWS // _NW
_CB = 40
_NBUF = 5
_NCHUNK = _PER_W // _CB
_NSUPER = _NCHUNK // _NBUF


def _make_sc_body(half):
  fbase = half * H_ROWS
  if half == 0:
    halo_src, halo_dst, zero_dst = H_ROWS, PAD + H_ROWS, 0
  else:
    halo_src, halo_dst, zero_dst = H_ROWS - PAD, 0, PAD + H_ROWS

  def body(xT, yT, i1, i0, zpad, xi_out, yj_out,
           idx1_v, idx0_v, xrows, yrows, hidx1_v, hidx0_v,
           hxrows, hyrows, zpad_v, gsem, osem):
    cid = lax.axis_index("c")
    sid = lax.axis_index("s")
    wid = sid * 2 + cid

    @pl.when(wid < _NW)
    def _main():
      base = wid * _PER_W

      pltpu.sync_copy(i1.at[pl.ds(fbase + base, _PER_W)], idx1_v)
      pltpu.sync_copy(i0.at[pl.ds(fbase + base, _PER_W)], idx0_v)

      def drain_out_copies():
        for b in range(_NBUF):
          pltpu.make_async_copy(
              xi_out.at[pl.ds(0, _CB)], xrows.at[b], osem).wait()
          pltpu.make_async_copy(
              yj_out.at[pl.ds(0, _CB)], yrows.at[b], osem).wait()

      def super_step(s, carry):
        @pl.when(s > 0)
        def _():
          drain_out_copies()
        gh = []
        for b in range(_NBUF):
          off = (s * _NBUF + b) * _CB
          gh.append(pltpu.async_copy(
              xT.at[idx1_v.at[pl.ds(off, _CB)]], xrows.at[b], gsem))
          gh.append(pltpu.async_copy(
              yT.at[idx0_v.at[pl.ds(off, _CB)]], yrows.at[b], gsem))
        for h in gh:
          h.wait()
        for b in range(_NBUF):
          off = (s * _NBUF + b) * _CB
          dst = PAD + base + off
          pltpu.async_copy(xrows.at[b], xi_out.at[pl.ds(dst, _CB)], osem)
          pltpu.async_copy(yrows.at[b], yj_out.at[pl.ds(dst, _CB)], osem)
        return carry

      lax.fori_loop(0, _NSUPER, super_step, 0, unroll=False)
      drain_out_copies()

    @pl.when(wid == _NW)
    def _halo():
      pltpu.sync_copy(i1.at[pl.ds(halo_src, PAD)], hidx1_v)
      pltpu.sync_copy(i0.at[pl.ds(halo_src, PAD)], hidx0_v)
      g1 = pltpu.async_copy(xT.at[hidx1_v], hxrows, gsem)
      g2 = pltpu.async_copy(yT.at[hidx0_v], hyrows, gsem)
      g1.wait()
      g2.wait()
      pltpu.sync_copy(hxrows, xi_out.at[pl.ds(halo_dst, PAD)])
      pltpu.sync_copy(hyrows, yj_out.at[pl.ds(halo_dst, PAD)])

    @pl.when(wid == _NW + 1)
    def _zero_pads():
      pltpu.sync_copy(zpad, zpad_v)
      pltpu.sync_copy(zpad_v, xi_out.at[pl.ds(zero_dst, PAD)])
      pltpu.sync_copy(zpad_v, yj_out.at[pl.ds(zero_dst, PAD)])

  return body


def _sc_double_gather(xT, yT, i1, i0, zpad, half):
  mesh = plsc.VectorSubcoreMesh(core_axis_name="c", subcore_axis_name="s")
  out = jax.ShapeDtypeStruct((H_PADDED, C), jnp.float32)
  kern = pl.kernel(
      _make_sc_body(half),
      mesh=mesh,
      out_type=[out, out],
      scratch_types=[
          pltpu.VMEM((_PER_W,), jnp.int32),
          pltpu.VMEM((_PER_W,), jnp.int32),
          pltpu.VMEM((_NBUF, _CB, C), jnp.float32),
          pltpu.VMEM((_NBUF, _CB, C), jnp.float32),
          pltpu.VMEM((PAD,), jnp.int32),
          pltpu.VMEM((PAD,), jnp.int32),
          pltpu.VMEM((PAD, C), jnp.float32),
          pltpu.VMEM((PAD, C), jnp.float32),
          pltpu.VMEM((PAD, C), jnp.float32),
          pltpu.SemaphoreType.DMA,
          pltpu.SemaphoreType.DMA,
      ],
  )
  return kern(xT, yT, i1, i0, zpad)



TILE_N = 200
L = TILE_N * K_NBRS
N_HALF = N_NODES // 2
N_TILES = N_HALF // TILE_N


def _conv_body(xiA, xiB, yjA, yjB, wc, maxv, minv, stats):
  t = pl.program_id(0)
  zrow = jnp.zeros((1, 2 * C), jnp.bfloat16)
  Pc = jnp.concatenate(
      [zrow,
       jnp.concatenate([xiA[...], yjA[...]], axis=1).astype(jnp.bfloat16),
       jnp.concatenate([xiB[...], yjB[...]], axis=1).astype(jnp.bfloat16),
       zrow], axis=0)

  p_iota = lax.broadcasted_iota(jnp.int32, (L + 34, 1), 0)
  mL = (p_iota % 16 != 0).astype(jnp.bfloat16)
  mR = (p_iota % 16 != 1).astype(jnp.bfloat16)
  QL = (Pc * mL)[0:L + 32]
  Q0 = Pc[1:L + 33]
  QR = (Pc * mR)[2:L + 34]

  acc = jnp.zeros((L, C), jnp.float32)
  for di in (-1, 0, 1):
    for dj in (-1, 0, 1):
      st = 16 + 16 * di
      tap = (di + 1) * 3 + (dj + 1)
      Sc = (QL if dj == -1 else QR if dj == 1 else Q0)[st:st + L]
      acc += jnp.dot(Sc, wc[tap], preferred_element_type=jnp.float32)

  m = acc.reshape(TILE_N, K_NBRS, C)
  maxv[...] = jnp.max(m, axis=1)
  minv[...] = jnp.min(m, axis=1)

  s0 = jnp.sum(acc, axis=0, keepdims=True)
  s1 = jnp.sum(acc * acc, axis=0, keepdims=True)
  srow = jnp.concatenate([s0, s1, jnp.zeros((6, C), jnp.float32)], axis=0)

  @pl.when(t == 0)
  def _init():
    stats[...] = srow

  @pl.when(t > 0)
  def _accum():
    stats[...] += srow


def _tc_conv(xi_g, yj_g, wc):
  grid = (N_TILES,)
  specA = pl.BlockSpec((L, C), lambda t: (t, 0))
  specB = pl.BlockSpec((32, C), lambda t: ((t + 1) * (L // 32), 0))
  specW = pl.BlockSpec((9, 2 * C, C), lambda t: (0, 0, 0))
  return pl.pallas_call(
      _conv_body,
      grid=grid,
      in_specs=[specA, specB, specA, specB, specW],
      out_specs=[
          pl.BlockSpec((TILE_N, C), lambda t: (t, 0)),
          pl.BlockSpec((TILE_N, C), lambda t: (t, 0)),
          pl.BlockSpec((8, C), lambda t: (0, 0)),
      ],
      out_shape=[
          jax.ShapeDtypeStruct((N_HALF, C), jnp.float32),
          jax.ShapeDtypeStruct((N_HALF, C), jnp.float32),
          jax.ShapeDtypeStruct((8, C), jnp.float32),
      ],
      compiler_params=pltpu.CompilerParams(
          dimension_semantics=("arbitrary",),
      ),
  )(xi_g, xi_g, yj_g, yj_g, wc)



_FT = 1000


def _finish_body(maxv, minv, statsA, statsB, gamma, beta, cb, out):
  cnt = jnp.float32(B_ROWS)
  stats = statsA[...] + statsB[...]
  mean_c = stats[0:1, :] / cnt
  ex2 = stats[1:2, :] / cnt
  var = ex2 - mean_c * mean_c
  mean = mean_c + cb[...]
  a = gamma[...] / jnp.sqrt(var + 1e-5)
  bb = beta[...] - mean * a
  sel = jnp.where(a >= 0, maxv[...], minv[...])
  out[...] = jnp.maximum(sel * a + bb, 0.0)


def _tc_finish(maxv, minv, statsA, statsB, gamma, beta, cb):
  grid = (N_HALF // _FT,)
  specT = pl.BlockSpec((_FT, C), lambda t: (t, 0))
  specS = pl.BlockSpec((8, C), lambda t: (0, 0))
  spec1 = pl.BlockSpec((1, C), lambda t: (0, 0))
  return pl.pallas_call(
      _finish_body,
      grid=grid,
      in_specs=[specT, specT, specS, specS, spec1, spec1, spec1],
      out_specs=specT,
      out_shape=jax.ShapeDtypeStruct((N_HALF, C), jnp.float32),
  )(maxv, minv, statsA, statsB, gamma, beta, cb)



@jax.jit
def kernel(x, edge_index, y, conv_w, conv_b, bn_gamma, bn_beta):
  xT = jnp.transpose(x[0, :, :, 0])
  yT = jnp.transpose(y[0, :, :, 0])
  i1 = edge_index[1].reshape(-1).astype(jnp.int32)
  i0 = edge_index[0].reshape(-1).astype(jnp.int32)

  w1 = conv_w[:, :C]
  w2 = conv_w[:, C:]
  wx = jnp.transpose(w1 - w2, (2, 3, 1, 0)).reshape(9, C, C)
  wy = jnp.transpose(w2, (2, 3, 1, 0)).reshape(9, C, C)
  wc = jnp.concatenate([wx, wy], axis=1).astype(jnp.bfloat16)

  zpad = jnp.zeros((PAD, C), jnp.float32)
  xi0, yj0 = _sc_double_gather(xT, yT, i1, i0, zpad, 0)
  xi1, yj1 = _sc_double_gather(xT, yT, i1, i0, zpad, 1)
  maxv0, minv0, stats0 = _tc_conv(xi0, yj0, wc)
  maxv1, minv1, stats1 = _tc_conv(xi1, yj1, wc)

  g = bn_gamma.reshape(1, C)
  b = bn_beta.reshape(1, C)
  cb = conv_b.reshape(1, C)
  res0 = _tc_finish(maxv0, minv0, stats0, stats1, g, b, cb)
  res1 = _tc_finish(maxv1, minv1, stats0, stats1, g, b, cb)
  res = jnp.concatenate([res0, res1], axis=0)
  return jnp.transpose(res)[None, :, :, None]

# --- scband reference (transcript-rebuilt; emitter-appended) ---
"""Pipeline reference for scband-graph-conv2d-30124900614637 (READ-ONLY COPY).

The authoritative reference and input builder live on the scoring server;
editing this copy changes nothing except your own understanding.
"""

import jax, jax.numpy as jnp
import numpy as np


def batched_index_select(x, idx):
    # x: (B, C, Nr, 1), idx: (B, N, k) -> (B, C, N, k)
    B, C, Nr = x.shape[:3]
    _, N, k = idx.shape
    idx_base = jnp.arange(B, dtype=idx.dtype).reshape(-1, 1, 1) * Nr
    idx_flat = (idx + idx_base).reshape(-1)
    flat = jnp.transpose(x, (0, 2, 1, 3)).reshape(B * Nr, -1)  # (B*Nr, C)
    feat = flat[idx_flat].reshape(B, N, k, C)
    return jnp.transpose(feat, (0, 3, 1, 2))


def setup_inputs(seed: int = 0):
    key = jax.random.key(seed)
    k1, k2, k3, k4 = jax.random.split(key, 4)
    B, C, N, K = 1, 128, 10000, 16
    out_c = 128
    x = jax.random.normal(k1, (B, C, N, 1), dtype=jnp.float32)
    y = jax.random.normal(k2, (B, C, N, 1), dtype=jnp.float32)
    edge_index = jax.random.randint(k3, (2, B, N, K), 0, N, dtype=jnp.int64 if jax.config.jax_enable_x64 else jnp.int32)
    fan_in = 2 * C * 3 * 3
    conv_w = jax.random.normal(k4, (out_c, 2 * C, 3, 3), dtype=jnp.float32) * np.sqrt(2.0 / fan_in)
    conv_b = jnp.zeros((out_c,), dtype=jnp.float32)
    bn_gamma = jnp.ones((out_c,), dtype=jnp.float32)
    bn_beta = jnp.zeros((out_c,), dtype=jnp.float32)
    return {"x": x, "edge_index": edge_index, "y": y, "conv_w": conv_w,
            "conv_b": conv_b, "bn_gamma": bn_gamma, "bn_beta": bn_beta}


def reference(x, edge_index, y, conv_w, conv_b, bn_gamma, bn_beta):
    x_i = batched_index_select(x, edge_index[1])          # (B, C, N, k)
    x_j = batched_index_select(y, edge_index[0])          # (B, C, N, k)
    h = jnp.concatenate([x_i, x_j - x_i], axis=1)         # (B, 2C, N, k)
    h = jax.lax.conv_general_dilated(
        h, conv_w, window_strides=(1, 1), padding=((1, 1), (1, 1)),
        dimension_numbers=("NCHW", "OIHW", "NCHW"))
    h = h + conv_b.reshape(1, -1, 1, 1)
    # BatchNorm2d (training-mode forward: batch statistics)
    mean = jnp.mean(h, axis=(0, 2, 3), keepdims=True)
    var = jnp.var(h, axis=(0, 2, 3), keepdims=True)
    h = (h - mean) / jnp.sqrt(var + 1e-5)
    h = h * bn_gamma.reshape(1, -1, 1, 1) + bn_beta.reshape(1, -1, 1, 1)
    h = jax.nn.relu(h)
    k = h.shape[-1]
    max_value = jax.lax.fori_loop(
        1, k, lambda i, acc: jnp.maximum(acc, jax.lax.dynamic_index_in_dim(h, i, axis=3, keepdims=False)),
        h[..., 0])[..., None]                             # (B, out_c, N, 1)
    return max_value

if __name__ == "__main__":
    import jax
    _d = setup_inputs()
    print(jax.jit(kernel)(*tuple(_d.values())))

</pallas_src>

<mosaic_0001>
#map = affine_map<(d0, d1) -> (0, 0)>
#map1 = affine_map<(d0, d1) -> (0)>
module attributes {stable_mosaic.version = 14 : i64} {
  func.func @body(%arg0: i32, %arg1: i32, %arg2: memref<10000x128xf32, #tpu.memory_space<hbm>>, %arg3: memref<10000x128xf32, #tpu.memory_space<hbm>>, %arg4: memref<160000xi32, #tpu.memory_space<hbm>>, %arg5: memref<160000xi32, #tpu.memory_space<hbm>>, %arg6: memref<16x128xf32, #tpu.memory_space<hbm>>, %arg7: memref<80032x128xf32, #tpu.memory_space<hbm>>, %arg8: memref<80032x128xf32, #tpu.memory_space<hbm>>, %arg9: memref<4000xi32, #tpu.memory_space<vmem>>, %arg10: memref<4000xi32, #tpu.memory_space<vmem>>, %arg11: memref<5x40x128xf32, #tpu.memory_space<vmem>>, %arg12: memref<5x40x128xf32, #tpu.memory_space<vmem>>, %arg13: memref<16xi32, #tpu.memory_space<vmem>>, %arg14: memref<16xi32, #tpu.memory_space<vmem>>, %arg15: memref<16x128xf32, #tpu.memory_space<vmem>>, %arg16: memref<16x128xf32, #tpu.memory_space<vmem>>, %arg17: memref<16x128xf32, #tpu.memory_space<vmem>>, %arg18: memref<!tpu.dma_semaphore, #tpu.memory_space<semaphore_mem>>, %arg19: memref<!tpu.dma_semaphore, #tpu.memory_space<semaphore_mem>>) attributes {dimension_semantics = [#tpu.dimension_semantics<core_parallel>, #tpu.dimension_semantics<subcore_parallel>], iteration_bounds = array<i64: 2, 16>, scalar_prefetch = 0 : i64, scratch_operands = 11 : i64, tpu.core_type = #tpu.core_type<sc_vector_subcore>, window_params = [{transform_indices = #map}, {transform_indices = #map}, {transform_indices = #map1}, {transform_indices = #map1}, {transform_indices = #map}, {transform_indices = #map}, {transform_indices = #map}]} {
    %mul3A = arith.constant 2 : i32
    %mul3A_0 = arith.muli %arg1, %mul3A : i32
    %add3A = arith.addi %mul3A_0, %arg0 : i32
    %lt3A = arith.constant 20 : i32
    %lt3A_1 = arith.cmpi slt, %add3A, %lt3A : i32
    %convert_element_type3A = arith.extui %lt3A_1 : i1 to i32
    %cond3A = arith.constant 0 : i32
    %cond3A_2 = arith.cmpi ne, %convert_element_type3A, %cond3A : i32
    scf.if %cond3A_2 {
      %mul3A_12 = arith.constant 4000 : i32
      %mul3A_13 = arith.muli %add3A, %mul3A_12 : i32
      %add3A_14 = arith.constant 0 : i32
      %add3A_15 = arith.addi %add3A_14, %mul3A_13 : i32
      "tpu.region"() ({
        %run_scoped3A = tpu.sem_alloc : memref<!tpu.dma_semaphore, #tpu.memory_space<semaphore_mem>>
        %dma_start3A = tpu.memref_slice %arg4[%add3A_15] : memref<160000xi32, #tpu.memory_space<hbm>> -> memref<4000xi32, #tpu.memory_space<hbm>>
        %dma_start3A_172 = tpu.memref_slice %arg4[%add3A_15] : memref<160000xi32, #tpu.memory_space<hbm>> -> memref<4000xi32, #tpu.memory_space<hbm>>
        tpu.enqueue_dma source(%dma_start3A_172 : memref<4000xi32, #tpu.memory_space<hbm>>) target(%arg9 : memref<4000xi32, #tpu.memory_space<vmem>>) target_semaphore(%run_scoped3A : memref<!tpu.dma_semaphore, #tpu.memory_space<semaphore_mem>>)
        %dma_wait3A_173 = tpu.memref_slice %arg4[%add3A_15] : memref<160000xi32, #tpu.memory_space<hbm>> -> memref<4000xi32, #tpu.memory_space<hbm>>
        %dma_wait3A_174 = tpu.memref_slice %arg4[%add3A_15] : memref<160000xi32, #tpu.memory_space<hbm>> -> memref<4000xi32, #tpu.memory_space<hbm>>
        tpu.wait_dma2 semaphore(%run_scoped3A : memref<!tpu.dma_semaphore, #tpu.memory_space<semaphore_mem>>) src(%dma_wait3A_174 : memref<4000xi32, #tpu.memory_space<hbm>>) dst(%arg9 : memref<4000xi32, #tpu.memory_space<vmem>>)
        tpu.yield
      }) : () -> ()
      %add3A_16 = arith.constant 0 : i32
      %add3A_17 = arith.addi %add3A_16, %mul3A_13 : i32
      "tpu.region"() ({
        %run_scoped3A = tpu.sem_alloc : memref<!tpu.dma_semaphore, #tpu.memory_space<semaphore_mem>>
        %dma_start3A = tpu.memref_slice %arg5[%add3A_17] : memref<160000xi32, #tpu.memory_space<hbm>> -> memref<4000xi32, #tpu.memory_space<hbm>>
        %dma_start3A_172 = tpu.memref_slice %arg5[%add3A_17] : memref<160000xi32, #tpu.memory_space<hbm>> -> memref<4000xi32, #tpu.memory_space<hbm>>
        tpu.enqueue_dma source(%dma_start3A_172 : memref<4000xi32, #tpu.memory_space<hbm>>) target(%arg10 : memref<4000xi32, #tpu.memory_space<vmem>>) target_semaphore(%run_scoped3A : memref<!tpu.dma_semaphore, #tpu.memory_space<semaphore_mem>>)
        %dma_wait3A_173 = tpu.memref_slice %arg5[%add3A_17] : memref<160000xi32, #tpu.memory_space<hbm>> -> memref<4000xi32, #tpu.memory_space<hbm>>
        %dma_wait3A_174 = tpu.memref_slice %arg5[%add3A_17] : memref<160000xi32, #tpu.memory_space<hbm>> -> memref<4000xi32, #tpu.memory_space<hbm>>
        tpu.wait_dma2 semaphore(%run_scoped3A : memref<!tpu.dma_semaphore, #tpu.memory_space<semaphore_mem>>) src(%dma_wait3A_174 : memref<4000xi32, #tpu.memory_space<hbm>>) dst(%arg10 : memref<4000xi32, #tpu.memory_space<vmem>>)
        tpu.yield
      }) : () -> ()
      %scan3A = arith.constant 0 : i32
      %scan3A_18 = arith.constant 0 : i32
      %scan3A_19 = arith.constant 20 : i32
      %scan3A_20 = arith.addi %scan3A_18, %scan3A_19 : i32
      %scan3A_21 = arith.constant 1 : i32
      scf.for %scan3A_172 = %scan3A_18 to %scan3A_20 step %scan3A_21  : i32 {
        %gt3A = arith.constant 0 : i32
        %gt3A_173 = arith.cmpi sgt, %scan3A_172, %gt3A : i32
        %convert_element_type3A_174 = arith.extui %gt3A_173 : i1 to i32
        %cond3A_175 = arith.constant 0 : i32
        %cond3A_176 = arith.cmpi ne, %convert_element_type3A_174, %cond3A_175 : i32
        scf.if %cond3A_176 {
          %dma_wait3A_561 = arith.constant 0 : i32
          %dma_wait3A_562 = arith.constant 0 : i32
          %dma_wait3A_563 = arith.constant 0 : i32
          %dma_wait3A_564 = tpu.memref_slice %arg11[%dma_wait3A_561, %dma_wait3A_562, %dma_wait3A_563] : memref<5x40x128xf32, #tpu.memory_space<vmem>> -> memref<1x40x128xf32, #tpu.memory_space<vmem>>
          %dma_wait3A_565 = tpu.memref_squeeze %dma_wait3A_564 : memref<1x40x128xf32, #tpu.memory_space<vmem>> -> memref<40x128xf32, #tpu.memory_space<vmem>>
          %dma_wait3A_566 = arith.constant 0 : i32
          %dma_wait3A_567 = arith.constant 0 : i32
          %dma_wait3A_568 = tpu.memref_slice %arg7[%dma_wait3A_566, %dma_wait3A_567] : memref<80032x128xf32, #tpu.memory_space<hbm>> -> memref<40x128xf32, #tpu.memory_space<hbm>>
          %dma_wait3A_569 = arith.constant 0 : i32
          %dma_wait3A_570 = arith.constant 0 : i32
          %dma_wait3A_571 = tpu.memref_slice %arg11[%dma_wait3A_561, %dma_wait3A_569, %dma_wait3A_570] : memref<5x40x128xf32, #tpu.memory_space<vmem>> -> memref<1x40x128xf32, #tpu.memory_space<vmem>>
          %dma_wait3A_572 = tpu.memref_squeeze %dma_wait3A_571 : memref<1x40x128xf32, #tpu.memory_space<vmem>> -> memref<40x128xf32, #tpu.memory_space<vmem>>
          %dma_wait3A_573 = arith.constant 0 : i32
          %dma_wait3A_574 = arith.constant 0 : i32
          %dma_wait3A_575 = tpu.memref_slice %arg7[%dma_wait3A_573, %dma_wait3A_574] : memref<80032x128xf32, #tpu.memory_space<hbm>> -> memref<40x128xf32, #tpu.memory_space<hbm>>
          tpu.wait_dma2 semaphore(%arg19 : memref<!tpu.dma_semaphore, #tpu.memory_space<semaphore_mem>>) src(%dma_wait3A_575 : memref<40x128xf32, #tpu.memory_space<hbm>>) dst(%dma_wait3A_572 : memref<40x128xf32, #tpu.memory_space<vmem>>)
          %dma_wait3A_576 = arith.constant 0 : i32
          %dma_wait3A_577 = arith.constant 0 : i32
          %dma_wait3A_578 = arith.constant 0 : i32
          %dma_wait3A_579 = tpu.memref_slice %arg12[%dma_wait3A_576, %dma_wait3A_577, %dma_wait3A_578] : memref<5x40x128xf32, #tpu.memory_space<vmem>> -> memref<1x40x128xf32, #tpu.memory_space<vmem>>
          %dma_wait3A_580 = tpu.memref_squeeze %dma_wait3A_579 : memref<1x40x128xf32, #tpu.memory_space<vmem>> -> memref<40x128xf32, #tpu.memory_space<vmem>>
          %dma_wait3A_581 = arith.constant 0 : i32
          %dma_wait3A_582 = arith.constant 0 : i32
          %dma_wait3A_583 = tpu.memref_slice %arg8[%dma_wait3A_581, %dma_wait3A_582] : memref<80032x128xf32, #tpu.memory_space<hbm>> -> memref<40x128xf32, #tpu.memory_space<hbm>>
          %dma_wait3A_584 = arith.constant 0 : i32
          %dma_wait3A_585 = arith.constant 0 : i32
          %dma_wait3A_586 = tpu.memref_slice %arg12[%dma_wait3A_576, %dma_wait3A_584, %dma_wait3A_585] : memref<5x40x128xf32, #tpu.memory_space<vmem>> -> memref<1x40x128xf32, #tpu.memory_space<vmem>>
          %dma_wait3A_587 = tpu.memref_squeeze %dma_wait3A_586 : memref<1x40x128xf32, #tpu.memory_space<vmem>> -> memref<40x128xf32, #tpu.memory_space<vmem>>
          %dma_wait3A_588 = arith.constant 0 : i32
          %dma_wait3A_589 = arith.constant 0 : i32
          %dma_wait3A_590 = tpu.memref_slice %arg8[%dma_wait3A_588, %dma_wait3A_589] : memref<80032x128xf32, #tpu.memory_space<hbm>> -> memref<40x128xf32, #tpu.memory_space<hbm>>
          tpu.wait_dma2 semaphore(%arg19 : memref<!tpu.dma_semaphore, #tpu.memory_space<semaphore_mem>>) src(%dma_wait3A_590 : memref<40x128xf32, #tpu.memory_space<hbm>>) dst(%dma_wait3A_587 : memref<40x128xf32, #tpu.memory_space<vmem>>)
          %dma_wait3A_591 = arith.constant 1 : i32
          %dma_wait3A_592 = arith.constant 0 : i32
          %dma_wait3A_593 = arith.constant 0 : i32
          %dma_wait3A_594 = tpu.memref_slice %arg11[%dma_wait3A_591, %dma_wait3A_592, %dma_wait3A_593] : memref<5x40x128xf32, #tpu.memory_space<vmem>> -> memref<1x40x128xf32, #tpu.memory_space<vmem>>
          %dma_wait3A_595 = tpu.memref_squeeze %dma_wait3A_594 : memref<1x40x128xf32, #tpu.memory_space<vmem>> -> memref<40x128xf32, #tpu.memory_space<vmem>>
          %dma_wait3A_596 = arith.constant 0 : i32
          %dma_wait3A_597 = arith.constant 0 : i32
          %dma_wait3A_598 = tpu.memref_slice %arg7[%dma_wait3A_596, %dma_wait3A_597] : memref<80032x128xf32, #tpu.memory_space<hbm>> -> memref<40x128xf32, #tpu.memory_space<hbm>>
          %dma_wait3A_599 = arith.constant 0 : i32
          %dma_wait3A_600 = arith.constant 0 : i32
          %dma_wait3A_601 = tpu.memref_slice %arg11[%dma_wait3A_591, %dma_wait3A_599, %dma_wait3A_600] : memref<5x40x128xf32, #tpu.memory_space<vmem>> -> memref<1x40x128xf32, #tpu.memory_space<vmem>>
          %dma_wait3A_602 = tpu.memref_squeeze %dma_wait3A_601 : memref<1x40x128xf32, #tpu.memory_space<vmem>> -> memref<40x128xf32, #tpu.memory_space<vmem>>
          %dma_wait3A_603 = arith.constant 0 : i32
          %dma_wait3A_604 = arith.constant 0 : i32
          %dma_wait3A_605 = tpu.memref_slice %arg7[%dma_wait3A_603, %dma_wait3A_604] : memref<80032x128xf32, #tpu.memory_space<hbm>> -> memref<40x128xf32, #tpu.memory_space<hbm>>
          tpu.wait_dma2 semaphore(%arg19 : memref<!tpu.dma_semaphore, #tpu.memory_space<semaphore_mem>>) src(%dma_wait3A_605 : memref<40x128xf32, #tpu.memory_space<hbm>>) dst(%dma_wait3A_602 : memref<40x128xf32, #tpu.memory_space<vmem>>)
          %dma_wait3A_606 = arith.constant 1 : i32
          %dma_wait3A_607 = arith.constant 0 : i32
          %dma_wait3A_608 = arith.constant 0 : i32
          %dma_wait3A_609 = tpu.memref_slice %arg12[%dma_wait3A_606, %dma_wait3A_607, %dma_wait3A_608] : memref<5x40x128xf32, #tpu.memory_space<vmem>> -> memref<1x40x128xf32, #tpu.memory_space<vmem>>
          %dma_wait3A_610 = tpu.memref_squeeze %dma_wait3A_609 : memref<1x40x128xf32, #tpu.memory_space<vmem>> -> memref<40x128xf32, #tpu.memory_space<vmem>>
          %dma_wait3A_611 = arith.constant 0 : i32
          %dma_wait3A_612 = arith.constant 0 : i32
          %dma_wait3A_613 = tpu.memref_slice %arg8[%dma_wait3A_611, %dma_wait3A_612] : memref<80032x128xf32, #tpu.memory_space<hbm>> -> memref<40x128xf32, #tpu.memory_space<hbm>>
          %dma_wait3A_614 = arith.constant 0 : i32
          %dma_wait3A_615 = arith.constant 0 : i32
          %dma_wait3A_616 = tpu.memref_slice %arg12[%dma_wait3A_606, %dma_wait3A_614, %dma_wait3A_615] : memref<5x40x128xf32, #tpu.memory_space<vmem>> -> memref<1x40x128xf32, #tpu.memory_space<vmem>>
          %dma_wait3A_617 = tpu.memref_squeeze %dma_wait3A_616 : memref<1x40x128xf32, #tpu.memory_space<vmem>> -> memref<40x128xf32, #tpu.memory_space<vmem>>
          %dma_wait3A_618 = arith.constant 0 : i32
          %dma_wait3A_619 = arith.constant 0 : i32
          %dma_wait3A_620 = tpu.memref_slice %arg8[%dma_wait3A_618, %dma_wait3A_619] : memref<80032x128xf32, #tpu.memory_space<hbm>> -> memref<40x128xf32, #tpu.memory_space<hbm>>
          tpu.wait_dma2 semaphore(%arg19 : memref<!tpu.dma_semaphore, #tpu.memory_space<semaphore_mem>>) src(%dma_wait3A_620 : memref<40x128xf32, #tpu.memory_space<hbm>>) dst(%dma_wait3A_617 : memref<40x128xf32, #tpu.memory_space<vmem>>)
          %dma_wait3A_621 = arith.constant 2 : i32
          %dma_wait3A_622 = arith.constant 0 : i32
          %dma_wait3A_623 = arith.constant 0 : i32
          %dma_wait3A_624 = tpu.memref_slice %arg11[%dma_wait3A_621, %dma_wait3A_622, %dma_wait3A_623] : memref<5x40x128xf32, #tpu.memory_space<vmem>> -> memref<1x40x128xf32, #tpu.memory_space<vmem>>
          %dma_wait3A_625 = tpu.memref_squeeze %dma_wait3A_624 : memref<1x40x128xf32, #tpu.memory_space<vmem>> -> memref<40x128xf32, #tpu.memory_space<vmem>>
          %dma_wait3A_626 = arith.constant 0 : i32
          %dma_wait3A_627 = arith.constant 0 : i32
          %dma_wait3A_628 = tpu.memref_slice %arg7[%dma_wait3A_626, %dma_wait3A_627] : memref<80032x128xf32, #tpu.memory_space<hbm>> -> memref<40x128xf32, #tpu.memory_space<hbm>>
          %dma_wait3A_629 = arith.constant 0 : i32
          %dma_wait3A_630 = arith.constant 0 : i32
          %dma_wait3A_631 = tpu.memref_slice %arg11[%dma_wait3A_621, %dma_wait3A_629, %dma_wait3A_630] : memref<5x40x128xf32, #tpu.memory_space<vmem>> -> memref<1x40x128xf32, #tpu.memory_space<vmem>>
          %dma_wait3A_632 = tpu.memref_squeeze %dma_wait3A_631 : memref<1x40x128xf32, #tpu.memory_space<vmem>> -> memref<40x128xf32, #tpu.memory_space<vmem>>
          %dma_wait3A_633 = arith.constant 0 : i32
          %dma_wait3A_634 = arith.constant 0 : i32
          %dma_wait3A_635 = tpu.memref_slice %arg7[%dma_wait3A_633, %dma_wait3A_634] : memref<80032x128xf32, #tpu.memory_space<hbm>> -> memref<40x128xf32, #tpu.memory_space<hbm>>
          tpu.wait_dma2 semaphore(%arg19 : memref<!tpu.dma_semaphore, #tpu.memory_space<semaphore_mem>>) src(%dma_wait3A_635 : memref<40x128xf32, #tpu.memory_space<hbm>>) dst(%dma_wait3A_632 : memref<40x128xf32, #tpu.memory_space<vmem>>)
          %dma_wait3A_636 = arith.constant 2 : i32
          %dma_wait3A_637 = arith.constant 0 : i32
          %dma_wait3A_638 = arith.constant 0 : i32
          %dma_wait3A_639 = tpu.memref_slice %arg12[%dma_wait3A_636, %dma_wait3A_637, %dma_wait3A_638] : memref<5x40x128xf32, #tpu.memory_space<vmem>> -> memref<1x40x128xf32, #tpu.memory_space<vmem>>
          %dma_wait3A_640 = tpu.memref_squeeze %dma_wait3A_639 : memref<1x40x128xf32, #tpu.memory_space<vmem>> -> memref<40x128xf32, #tpu.memory_space<vmem>>
          %dma_wait3A_641 = arith.constant 0 : i32
          %dma_wait3A_642 = arith.constant 0 : i32
          %dma_wait3A_643 = tpu.memref_slice %arg8[%dma_wait3A_641, %dma_wait3A_642] : memref<80032x128xf32, #tpu.memory_space<hbm>> -> memref<40x128xf32, #tpu.memory_space<hbm>>
          %dma_wait3A_644 = arith.constant 0 : i32
          %dma_wait3A_645 = arith.constant 0 : i32
          %dma_wait3A_646 = tpu.memref_slice %arg12[%dma_wait3A_636, %dma_wait3A_644, %dma_wait3A_645] : memref<5x40x128xf32, #tpu.memory_space<vmem>> -> memref<1x40x128xf32, #tpu.memory_space<vmem>>
          %dma_wait3A_647 = tpu.memref_squeeze %dma_wait3A_646 : memref<1x40x128xf32, #tpu.memory_space<vmem>> -> memref<40x128xf32, #tpu.memory_space<vmem>>
          %dma_wait3A_648 = arith.constant 0 : i32
          %dma_wait3A_649 = arith.constant 0 : i32
          %dma_wait3A_650 = tpu.memref_slice %arg8[%dma_wait3A_648, %dma_wait3A_649] : memref<80032x128xf32, #tpu.memory_space<hbm>> -> memref<40x128xf32, #tpu.memory_space<hbm>>
          tpu.wait_dma2 semaphore(%arg19 : memref<!tpu.dma_semaphore, #tpu.memory_space<semaphore_mem>>) src(%dma_wait3A_650 : memref<40x128xf32, #tpu.memory_space<hbm>>) dst(%dma_wait3A_647 : memref<40x128xf32, #tpu.memory_space<vmem>>)
          %dma_wait3A_651 = arith.constant 3 : i32
          %dma_wait3A_652 = arith.constant 0 : i32
          %dma_wait3A_653 = arith.constant 0 : i32
          %dma_wait3A_654 = tpu.memref_slice %arg11[%dma_wait3A_651, %dma_wait3A_652, %dma_wait3A_653] : memref<5x40x128xf32, #tpu.memory_space<vmem>> -> memref<1x40x128xf32, #tpu.memory_space<vmem>>
          %dma_wait3A_655 = tpu.memref_squeeze %dma_wait3A_654 : memref<1x40x128xf32, #tpu.memory_space<vmem>> -> memref<40x128xf32, #tpu.memory_space<vmem>>
          %dma_wait3A_656 = arith.constant 0 : i32
          %dma_wait3A_657 = arith.constant 0 : i32
          %dma_wait3A_658 = tpu.memref_slice %arg7[%dma_wait3A_656, %dma_wait3A_657] : memref<80032x128xf32, #tpu.memory_space<hbm>> -> memref<40x128xf32, #tpu.memory_space<hbm>>
          %dma_wait3A_659 = arith.constant 0 : i32
          %dma_wait3A_660 = arith.constant 0 : i32
          %dma_wait3A_661 = tpu.memref_slice %arg11[%dma_wait3A_651, %dma_wait3A_659, %dma_wait3A_660] : memref<5x40x128xf32, #tpu.memory_space<vmem>> -> memref<1x40x128xf32, #tpu.memory_space<vmem>>
          %dma_wait3A_662 = tpu.memref_squeeze %dma_wait3A_661 : memref<1x40x128xf32, #tpu.memory_space<vmem>> -> memref<40x128xf32, #tpu.memory_space<vmem>>
          %dma_wait3A_663 = arith.constant 0 : i32
          %dma_wait3A_664 = arith.constant 0 : i32
          %dma_wait3A_665 = tpu.memref_slice %arg7[%dma_wait3A_663, %dma_wait3A_664] : memref<80032x128xf32, #tpu.memory_space<hbm>> -> memref<40x128xf32, #tpu.memory_space<hbm>>
          tpu.wait_dma2 semaphore(%arg19 : memref<!tpu.dma_semaphore, #tpu.memory_space<semaphore_mem>>) src(%dma_wait3A_665 : memref<40x128xf32, #tpu.memory_space<hbm>>) dst(%dma_wait3A_662 : memref<40x128xf32, #tpu.memory_space<vmem>>)
          %dma_wait3A_666 = arith.constant 3 : i32
          %dma_wait3A_667 = arith.constant 0 : i32
          %dma_wait3A_668 = arith.constant 0 : i32
          %dma_wait3A_669 = tpu.memref_slice %arg12[%dma_wait3A_666, %dma_wait3A_667, %dma_wait3A_668] : memref<5x40x128xf32, #tpu.memory_space<vmem>> -> memref<1x40x128xf32, #tpu.memory_space<vmem>>
          %dma_wait3A_670 = tpu.memref_squeeze %dma_wait3A_669 : memref<1x40x128xf32, #tpu.memory_space<vmem>> -> memref<40x128xf32, #tpu.memory_space<vmem>>
          %dma_wait3A_671 = arith.constant 0 : i32
          %dma_wait3A_672 = arith.constant 0 : i32
          %dma_wait3A_673 = tpu.memref_slice %arg8[%dma_wait3A_671, %dma_wait3A_672] : memref<80032x128xf32, #tpu.memory_space<hbm>> -> memref<40x128xf32, #tpu.memory_space<hbm>>
          %dma_wait3A_674 = arith.constant 0 : i32
          %dma_wait3A_675 = arith.constant 0 : i32
          %dma_wait3A_676 = tpu.memref_slice %arg12[%dma_wait3A_666, %dma_wait3A_674, %dma_wait3A_675] : memref<5x40x128xf32, #tpu.memory_space<vmem>> -> memref<1x40x128xf32, #tpu.memory_space<vmem>>
          %dma_wait3A_677 = tpu.memref_squeeze %dma_wait3A_676 : memref<1x40x128xf32, #tpu.memory_space<vmem>> -> memref<40x128xf32, #tpu.memory_space<vmem>>
          %dma_wait3A_678 = arith.constant 0 : i32
          %dma_wait3A_679 = arith.constant 0 : i32
          %dma_wait3A_680 = tpu.memref_slice %arg8[%dma_wait3A_678, %dma_wait3A_679] : memref<80032x128xf32, #tpu.memory_space<hbm>> -> memref<40x128xf32, #tpu.memory_space<hbm>>
          tpu.wait_dma2 semaphore(%arg19 : memref<!tpu.dma_semaphore, #tpu.memory_space<semaphore_mem>>) src(%dma_wait3A_680 : memref<40x128xf32, #tpu.memory_space<hbm>>) dst(%dma_wait3A_677 : memref<40x128xf32, #tpu.memory_space<vmem>>)
          %dma_wait3A_681 = arith.constant 4 : i32
          %dma_wait3A_682 = arith.constant 0 : i32
          %dma_wait3A_683 = arith.constant 0 : i32
          %dma_wait3A_684 = tpu.memref_slice %arg11[%dma_wait3A_681, %dma_wait3A_682, %dma_wait3A_683] : memref<5x40x128xf32, #tpu.memory_space<vmem>> -> memref<1x40x128xf32, #tpu.memory_space<vmem>>
          %dma_wait3A_685 = tpu.memref_squeeze %dma_wait3A_684 : memref<1x40x128xf32, #tpu.memory_space<vmem>> -> memref<40x128xf32, #tpu.memory_space<vmem>>
          %dma_wait3A_686 = arith.constant 0 : i32
          %dma_wait3A_687 = arith.constant 0 : i32
          %dma_wait3A_688 = tpu.memref_slice %arg7[%dma_wait3A_686, %dma_wait3A_687] : memref<80032x128xf32, #tpu.memory_space<hbm>> -> memref<40x128xf32, #tpu.memory_space<hbm>>
          %dma_wait3A_689 = arith.constant 0 : i32
          %dma_wait3A_690 = arith.constant 0 : i32
          %dma_wait3A_691 = tpu.memref_slice %arg11[%dma_wait3A_681, %dma_wait3A_689, %dma_wait3A_690] : memref<5x40x128xf32, #tpu.memory_space<vmem>> -> memref<1x40x128xf32, #tpu.memory_space<vmem>>
          %dma_wait3A_692 = tpu.memref_squeeze %dma_wait3A_691 : memref<1x40x128xf32, #tpu.memory_space<vmem>> -> memref<40x128xf32, #tpu.memory_space<vmem>>
          %dma_wait3A_693 = arith.constant 0 : i32
          %dma_wait3A_694 = arith.constant 0 : i32
          %dma_wait3A_695 = tpu.memref_slice %arg7[%dma_wait3A_693, %dma_wait3A_694] : memref<80032x128xf32, #tpu.memory_space<hbm>> -> memref<40x128xf32, #tpu.memory_space<hbm>>
          tpu.wait_dma2 semaphore(%arg19 : memref<!tpu.dma_semaphore, #tpu.memory_space<semaphore_mem>>) src(%dma_wait3A_695 : memref<40x128xf32, #tpu.memory_space<hbm>>) dst(%dma_wait3A_692 : memref<40x128xf32, #tpu.memory_space<vmem>>)
          %dma_wait3A_696 = arith.constant 4 : i32
          %dma_wait3A_697 = arith.constant 0 : i32
          %dma_wait3A_698 = arith.constant 0 : i32
          %dma_wait3A_699 = tpu.memref_slice %arg12[%dma_wait3A_696, %dma_wait3A_697, %dma_wait3A_698] : memref<5x40x128xf32, #tpu.memory_space<vmem>> -> memref<1x40x128xf32, #tpu.memory_space<vmem>>
          %dma_wait3A_700 = tpu.memref_squeeze %dma_wait3A_699 : memref<1x40x128xf32, #tpu.memory_space<vmem>> -> memref<40x128xf32, #tpu.memory_space<vmem>>
          %dma_wait3A_701 = arith.constant 0 : i32
          %dma_wait3A_702 = arith.constant 0 : i32
          %dma_wait3A_703 = tpu.memref_slice %arg8[%dma_wait3A_701, %dma_wait3A_702] : memref<80032x128xf32, #tpu.memory_space<hbm>> -> memref<40x128xf32, #tpu.memory_space<hbm>>
          %dma_wait3A_704 = arith.constant 0 : i32
          %dma_wait3A_705 = arith.constant 0 : i32
          %dma_wait3A_706 = tpu.memref_slice %arg12[%dma_wait3A_696, %dma_wait3A_704, %dma_wait3A_705] : memref<5x40x128xf32, #tpu.memory_space<vmem>> -> memref<1x40x128xf32, #tpu.memory_space<vmem>>
          %dma_wait3A_707 = tpu.memref_squeeze %dma_wait3A_706 : memref<1x40x128xf32, #tpu.memory_space<vmem>> -> memref<40x128xf32, #tpu.memory_space<vmem>>
          %dma_wait3A_708 = arith.constant 0 : i32
          %dma_wait3A_709 = arith.constant 0 : i32
          %dma_wait3A_710 = tpu.memref_slice %arg8[%dma_wait3A_708, %dma_wait3A_709] : memref<80032x128xf32, #tpu.memory_space<hbm>> -> memref<40x128xf32, #tpu.memory_space<hbm>>
          tpu.wait_dma2 semaphore(%arg19 : memref<!tpu.dma_semaphore, #tpu.memory_space<semaphore_mem>>) src(%dma_wait3A_710 : memref<40x128xf32, #tpu.memory_space<hbm>>) dst(%dma_wait3A_707 : memref<40x128xf32, #tpu.memory_space<vmem>>)
        } else {
        }
        %mul3A_177 = arith.constant 5 : i32
        %mul3A_178 = arith.muli %scan3A_172, %mul3A_177 : i32
        %add3A_179 = arith.constant 0 : i32
        %add3A_180 = arith.addi %mul3A_178, %add3A_179 : i32
        %mul3A_181 = arith.constant 40 : i32
        %mul3A_182 = arith.muli %add3A_180, %mul3A_181 : i32
        %dma_start3A = arith.constant 0 : i32
        %dma_start3A_183 = arith.constant 0 : i32
        %dma_start3A_184 = arith.constant 0 : i32
        %dma_start3A_185 = tpu.memref_slice %arg11[%dma_start3A, %dma_start3A_183, %dma_start3A_184] : memref<5x40x128xf32, #tpu.memory_space<vmem>> -> memref<1x40x128xf32, #tpu.memory_space<vmem>>
        %dma_start3A_186 = tpu.memref_squeeze %dma_start3A_185 : memref<1x40x128xf32, #tpu.memory_space<vmem>> -> memref<40x128xf32, #tpu.memory_space<vmem>>
        %dma_start3A_187 = tpu.memref_slice %arg9[%mul3A_182] : memref<4000xi32, #tpu.memory_space<vmem>> -> memref<40xi32, #tpu.memory_space<vmem>>
        %dma_start3A_188 = arith.constant 0 : i32
        %dma_start3A_189 = arith.constant 0 : i32
        %dma_start3A_190 = tpu.memref_slice %arg2[%dma_start3A_188, %dma_start3A_189] : memref<10000x128xf32, #tpu.memory_space<hbm>> -> memref<10000x128xf32, #tpu.memory_space<hbm>>
        tpu.enqueue_indirect_dma source(%dma_start3A_190 : memref<10000x128xf32, #tpu.memory_space<hbm>>) target(%dma_start3A_186 : memref<40x128xf32, #tpu.memory_space<vmem>>) offsets(%dma_start3A_187 : memref<40xi32, #tpu.memory_space<vmem>>) semaphore(%arg18 : memref<!tpu.dma_semaphore, #tpu.memory_space<semaphore_mem>>)
        %dma_start3A_191 = arith.constant 0 : i32
        %dma_start3A_192 = arith.constant 0 : i32
        %dma_start3A_193 = arith.constant 0 : i32
        %dma_start3A_194 = tpu.memref_slice %arg12[%dma_start3A_191, %dma_start3A_192, %dma_start3A_193] : memref<5x40x128xf32, #tpu.memory_space<vmem>> -> memref<1x40x128xf32, #tpu.memory_space<vmem>>
        %dma_start3A_195 = tpu.memref_squeeze %dma_start3A_194 : memref<1x40x128xf32, #tpu.memory_space<vmem>> -> memref<40x128xf32, #tpu.memory_space<vmem>>
        %dma_start3A_196 = tpu.memref_slice %arg10[%mul3A_182] : memref<4000xi32, #tpu.memory_space<vmem>> -> memref<40xi32, #tpu.memory_space<vmem>>
        %dma_start3A_197 = arith.constant 0 : i32
        %dma_start3A_198 = arith.constant 0 : i32
        %dma_start3A_199 = tpu.memref_slice %arg3[%dma_start3A_197, %dma_start3A_198] : memref<10000x128xf32, #tpu.memory_space<hbm>> -> memref<10000x128xf32, #tpu.memory_space<hbm>>
        tpu.enqueue_indirect_dma source(%dma_start3A_199 : memref<10000x128xf32, #tpu.memory_space<hbm>>) target(%dma_start3A_195 : memref<40x128xf32, #tpu.memory_space<vmem>>) offsets(%dma_start3A_196 : memref<40xi32, #tpu.memory_space<vmem>>) semaphore(%arg18 : memref<!tpu.dma_semaphore, #tpu.memory_space<semaphore_mem>>)
        %mul3A_200 = arith.constant 5 : i32
        %mul3A_201 = arith.muli %scan3A_172, %mul3A_200 : i32
        %add3A_202 = arith.constant 1 : i32
        %add3A_203 = arith.addi %mul3A_201, %add3A_202 : i32
        %mul3A_204 = arith.constant 40 : i32
        %mul3A_205 = arith.muli %add3A_203, %mul3A_204 : i32
        %dma_start3A_206 = arith.constant 1 : i32
        %dma_start3A_207 = arith.constant 0 : i32
        %dma_start3A_208 = arith.constant 0 : i32
        %dma_start3A_209 = tpu.memref_slice %arg11[%dma_start3A_206, %dma_start3A_207, %dma_start3A_208] : memref<5x40x128xf32, #tpu.memory_space<vmem>> -> memref<1x40x128xf32, #tpu.memory_space<vmem>>
        %dma_start3A_210 = tpu.memref_squeeze %dma_start3A_209 : memref<1x40x128xf32, #tpu.memory_space<vmem>> -> memref<40x128xf32, #tpu.memory_space<vmem>>
        %dma_start3A_211 = tpu.memref_slice %arg9[%mul3A_205] : memref<4000xi32, #tpu.memory_space<vmem>> -> memref<40xi32, #tpu.memory_space<vmem>>
        %dma_start3A_212 = arith.constant 0 : i32
        %dma_start3A_213 = arith.constant 0 : i32
        %dma_start3A_214 = tpu.memref_slice %arg2[%dma_start3A_212, %dma_start3A_213] : memref<10000x128xf32, #tpu.memory_space<hbm>> -> memref<10000x128xf32, #tpu.memory_space<hbm>>
        tpu.enqueue_indirect_dma source(%dma_start3A_214 : memref<10000x128xf32, #tpu.memory_space<hbm>>) target(%dma_start3A_210 : memref<40x128xf32, #tpu.memory_space<vmem>>) offsets(%dma_start3A_211 : memref<40xi32, #tpu.memory_space<vmem>>) semaphore(%arg18 : memref<!tpu.dma_semaphore, #tpu.memory_space<semaphore_mem>>)
        %dma_start3A_215 = arith.constant 1 : i32
        %dma_start3A_216 = arith.constant 0 : i32
        %dma_start3A_217 = arith.constant 0 : i32
        %dma_start3A_218 = tpu.memref_slice %arg12[%dma_start3A_215, %dma_start3A_216, %dma_start3A_217] : memref<5x40x128xf32, #tpu.memory_space<vmem>> -> memref<1x40x128xf32, #tpu.memory_space<vmem>>
        %dma_start3A_219 = tpu.memref_squeeze %dma_start3A_218 : memref<1x40x128xf32, #tpu.memory_space<vmem>> -> memref<40x128xf32, #tpu.memory_space<vmem>>
        %dma_start3A_220 = tpu.memref_slice %arg10[%mul3A_205] : memref<4000xi32, #tpu.memory_space<vmem>> -> memref<40xi32, #tpu.memory_space<vmem>>
        %dma_start3A_221 = arith.constant 0 : i32
        %dma_start3A_222 = arith.constant 0 : i32
        %dma_start3A_223 = tpu.memref_slice %arg3[%dma_start3A_221, %dma_start3A_222] : memref<10000x128xf32, #tpu.memory_space<hbm>> -> memref<10000x128xf32, #tpu.memory_space<hbm>>
        tpu.enqueue_indirect_dma source(%dma_start3A_223 : memref<10000x128xf32, #tpu.memory_space<hbm>>) target(%dma_start3A_219 : memref<40x128xf32, #tpu.memory_space<vmem>>) offsets(%dma_start3A_220 : memref<40xi32, #tpu.memory_space<vmem>>) semaphore(%arg18 : memref<!tpu.dma_semaphore, #tpu.memory_space<semaphore_mem>>)
        %mul3A_224 = arith.constant 5 : i32
        %mul3A_225 = arith.muli %scan3A_172, %mul3A_224 : i32
        %add3A_226 = arith.constant 2 : i32
        %add3A_227 = arith.addi %mul3A_225, %add3A_226 : i32
        %mul3A_228 = arith.constant 40 : i32
        %mul3A_229 = arith.muli %add3A_227, %mul3A_228 : i32
        %dma_start3A_230 = arith.constant 2 : i32
        %dma_start3A_231 = arith.constant 0 : i32
        %dma_start3A_232 = arith.constant 0 : i32
        %dma_start3A_233 = tpu.memref_slice %arg11[%dma_start3A_230, %dma_start3A_231, %dma_start3A_232] : memref<5x40x128xf32, #tpu.memory_space<vmem>> -> memref<1x40x128xf32, #tpu.memory_space<vmem>>
        %dma_start3A_234 = tpu.memref_squeeze %dma_start3A_233 : memref<1x40x128xf32, #tpu.memory_space<vmem>> -> memref<40x128xf32, #tpu.memory_space<vmem>>
        %dma_start3A_235 = tpu.memref_slice %arg9[%mul3A_229] : memref<4000xi32, #tpu.memory_space<vmem>> -> memref<40xi32, #tpu.memory_space<vmem>>
        %dma_start3A_236 = arith.constant 0 : i32
        %dma_start3A_237 = arith.constant 0 : i32
        %dma_start3A_238 = tpu.memref_slice %arg2[%dma_start3A_236, %dma_start3A_237] : memref<10000x128xf32, #tpu.memory_space<hbm>> -> memref<10000x128xf32, #tpu.memory_space<hbm>>
        tpu.enqueue_indirect_dma source(%dma_start3A_238 : memref<10000x128xf32, #tpu.memory_space<hbm>>) target(%dma_start3A_234 : memref<40x128xf32, #tpu.memory_space<vmem>>) offsets(%dma_start3A_235 : memref<40xi32, #tpu.memory_space<vmem>>) semaphore(%arg18 : memref<!tpu.dma_semaphore, #tpu.memory_space<semaphore_mem>>)
        %dma_start3A_239 = arith.constant 2 : i32
        %dma_start3A_240 = arith.constant 0 : i32
        %dma_start3A_241 = arith.constant 0 : i32
        %dma_start3A_242 = tpu.memref_slice %arg12[%dma_start3A_239, %dma_start3A_240, %dma_start3A_241] : memref<5x40x128xf32, #tpu.memory_space<vmem>> -> memref<1x40x128xf32, #tpu.memory_space<vmem>>
        %dma_start3A_243 = tpu.memref_squeeze %dma_start3A_242 : memref<1x40x128xf32, #tpu.memory_space<vmem>> -> memref<40x128xf32, #tpu.memory_space<vmem>>
        %dma_start3A_244 = tpu.memref_slice %arg10[%mul3A_229] : memref<4000xi32, #tpu.memory_space<vmem>> -> memref<40xi32, #tpu.memory_space<vmem>>
        %dma_start3A_245 = arith.constant 0 : i32
        %dma_start3A_246 = arith.constant 0 : i32
        %dma_start3A_247 = tpu.memref_slice %arg3[%dma_start3A_245, %dma_start3A_246] : memref<10000x128xf32, #tpu.memory_space<hbm>> -> memref<10000x128xf32, #tpu.memory_space<hbm>>
        tpu.enqueue_indirect_dma source(%dma_start3A_247 : memref<10000x128xf32, #tpu.memory_space<hbm>>) target(%dma_start3A_243 : memref<40x128xf32, #tpu.memory_space<vmem>>) offsets(%dma_start3A_244 : memref<40xi32, #tpu.memory_space<vmem>>) semaphore(%arg18 : memref<!tpu.dma_semaphore, #tpu.memory_space<semaphore_mem>>)
        %mul3A_248 = arith.constant 5 : i32
        %mul3A_249 = arith.muli %scan3A_172, %mul3A_248 : i32
        %add3A_250 = arith.constant 3 : i32
        %add3A_251 = arith.addi %mul3A_249, %add3A_250 : i32
        %mul3A_252 = arith.constant 40 : i32
        %mul3A_253 = arith.muli %add3A_251, %mul3A_252 : i32
        %dma_start3A_254 = arith.constant 3 : i32
        %dma_start3A_255 = arith.constant 0 : i32
        %dma_start3A_256 = arith.constant 0 : i32
        %dma_start3A_257 = tpu.memref_slice %arg11[%dma_start3A_254, %dma_start3A_255, %dma_start3A_256] : memref<5x40x128xf32, #tpu.memory_space<vmem>> -> memref<1x40x128xf32, #tpu.memory_space<vmem>>
        %dma_start3A_258 = tpu.memref_squeeze %dma_start3A_257 : memref<1x40x128xf32, #tpu.memory_space<vmem>> -> memref<40x128xf32, #tpu.memory_space<vmem>>
        %dma_start3A_259 = tpu.memref_slice %arg9[%mul3A_253] : memref<4000xi32, #tpu.memory_space<vmem>> -> memref<40xi32, #tpu.memory_space<vmem>>
        %dma_start3A_260 = arith.constant 0 : i32
        %dma_start3A_261 = arith.constant 0 : i32
        %dma_start3A_262 = tpu.memref_slice %arg2[%dma_start3A_260, %dma_start3A_261] : memref<10000x128xf32, #tpu.memory_space<hbm>> -> memref<10000x128xf32, #tpu.memory_space<hbm>>
        tpu.enqueue_indirect_dma source(%dma_start3A_262 : memref<10000x128xf32, #tpu.memory_space<hbm>>) target(%dma_start3A_258 : memref<40x128xf32, #tpu.memory_space<vmem>>) offsets(%dma_start3A_259 : memref<40xi32, #tpu.memory_space<vmem>>) semaphore(%arg18 : memref<!tpu.dma_semaphore, #tpu.memory_space<semaphore_mem>>)
        %dma_start3A_263 = arith.constant 3 : i32
        %dma_start3A_264 = arith.constant 0 : i32
        %dma_start3A_265 = arith.constant 0 : i32
        %dma_start3A_266 = tpu.memref_slice %arg12[%dma_start3A_263, %dma_start3A_264, %dma_start3A_265] : memref<5x40x128xf32, #tpu.memory_space<vmem>> -> memref<1x40x128xf32, #tpu.memory_space<vmem>>
        %dma_start3A_267 = tpu.memref_squeeze %dma_start3A_266 : memref<1x40x128xf32, #tpu.memory_space<vmem>> -> memref<40x128xf32, #tpu.memory_space<vmem>>
        %dma_start3A_268 = tpu.memref_slice %arg10[%mul3A_253] : memref<4000xi32, #tpu.memory_space<vmem>> -> memref<40xi32, #tpu.memory_space<vmem>>
        %dma_start3A_269 = arith.constant 0 : i32
        %dma_start3A_270 = arith.constant 0 : i32
        %dma_start3A_271 = tpu.memref_slice %arg3[%dma_start3A_269, %dma_start3A_270] : memref<10000x128xf32, #tpu.memory_space<hbm>> -> memref<10000x128xf32, #tpu.memory_space<hbm>>
        tpu.enqueue_indirect_dma source(%dma_start3A_271 : memref<10000x128xf32, #tpu.memory_space<hbm>>) target(%dma_start3A_267 : memref<40x128xf32, #tpu.memory_space<vmem>>) offsets(%dma_start3A_268 : memref<40xi32, #tpu.memory_space<vmem>>) semaphore(%arg18 : memref<!tpu.dma_semaphore, #tpu.memory_space<semaphore_mem>>)
        %mul3A_272 = arith.constant 5 : i32
        %mul3A_273 = arith.muli %scan3A_172, %mul3A_272 : i32
        %add3A_274 = arith.constant 4 : i32
        %add3A_275 = arith.addi %mul3A_273, %add3A_274 : i32
        %mul3A_276 = arith.constant 40 : i32
        %mul3A_277 = arith.muli %add3A_275, %mul3A_276 : i32
        %dma_start3A_278 = arith.constant 4 : i32
        %dma_start3A_279 = arith.constant 0 : i32
        %dma_start3A_280 = arith.constant 0 : i32
        %dma_start3A_281 = tpu.memref_slice %arg11[%dma_start3A_278, %dma_start3A_279, %dma_start3A_280] : memref<5x40x128xf32, #tpu.memory_space<vmem>> -> memref<1x40x128xf32, #tpu.memory_space<vmem>>
        %dma_start3A_282 = tpu.memref_squeeze %dma_start3A_281 : memref<1x40x128xf32, #tpu.memory_space<vmem>> -> memref<40x128xf32, #tpu.memory_space<vmem>>
        %dma_start3A_283 = tpu.memref_slice %arg9[%mul3A_277] : memref<4000xi32, #tpu.memory_space<vmem>> -> memref<40xi32, #tpu.memory_space<vmem>>
        %dma_start3A_284 = arith.constant 0 : i32
        %dma_start3A_285 = arith.constant 0 : i32
        %dma_start3A_286 = tpu.memref_slice %arg2[%dma_start3A_284, %dma_start3A_285] : memref<10000x128xf32, #tpu.memory_space<hbm>> -> memref<10000x128xf32, #tpu.memory_space<hbm>>
        tpu.enqueue_indirect_dma source(%dma_start3A_286 : memref<10000x128xf32, #tpu.memory_space<hbm>>) target(%dma_start3A_282 : memref<40x128xf32, #tpu.memory_space<vmem>>) offsets(%dma_start3A_283 : memref<40xi32, #tpu.memory_space<vmem>>) semaphore(%arg18 : memref<!tpu.dma_semaphore, #tpu.memory_space<semaphore_mem>>)
        %dma_start3A_287 = arith.constant 4 : i32
        %dma_start3A_288 = arith.constant 0 : i32
        %dma_start3A_289 = arith.constant 0 : i32
        %dma_start3A_290 = tpu.memref_slice %arg12[%dma_start3A_287, %dma_start3A_288, %dma_start3A_289] : memref<5x40x128xf32, #tpu.memory_space<vmem>> -> memref<1x40x128xf32, #tpu.memory_space<vmem>>
        %dma_start3A_291 = tpu.memref_squeeze %dma_start3A_290 : memref<1x40x128xf32, #tpu.memory_space<vmem>> -> memref<40x128xf32, #tpu.memory_space<vmem>>
        %dma_start3A_292 = tpu.memref_slice %arg10[%mul3A_277] : memref<4000xi32, #tpu.memory_space<vmem>> -> memref<40xi32, #tpu.memory_space<vmem>>
        %dma_start3A_293 = arith.constant 0 : i32
        %dma_start3A_294 = arith.constant 0 : i32
        %dma_start3A_295 = tpu.memref_slice %arg3[%dma_start3A_293, %dma_start3A_294] : memref<10000x128xf32, #tpu.memory_space<hbm>> -> memref<10000x128xf32, #tpu.memory_space<hbm>>
        tpu.enqueue_indirect_dma source(%dma_start3A_295 : memref<10000x128xf32, #tpu.memory_space<hbm>>) target(%dma_start3A_291 : memref<40x128xf32, #tpu.memory_space<vmem>>) offsets(%dma_start3A_292 : memref<40xi32, #tpu.memory_space<vmem>>) semaphore(%arg18 : memref<!tpu.dma_semaphore, #tpu.memory_space<semaphore_mem>>)
        %dma_wait3A_296 = arith.constant 0 : i32
        %dma_wait3A_297 = arith.constant 0 : i32
        %dma_wait3A_298 = arith.constant 0 : i32
        %dma_wait3A_299 = tpu.memref_slice %arg11[%dma_wait3A_296, %dma_wait3A_297, %dma_wait3A_298] : memref<5x40x128xf32, #tpu.memory_space<vmem>> -> memref<1x40x128xf32, #tpu.memory_space<vmem>>
        %dma_wait3A_300 = tpu.memref_squeeze %dma_wait3A_299 : memref<1x40x128xf32, #tpu.memory_space<vmem>> -> memref<40x128xf32, #tpu.memory_space<vmem>>
        %dma_wait3A_301 = tpu.memref_slice %arg9[%mul3A_182] : memref<4000xi32, #tpu.memory_space<vmem>> -> memref<40xi32, #tpu.memory_space<vmem>>
        %dma_wait3A_302 = arith.constant 0 : i32
        %dma_wait3A_303 = arith.constant 0 : i32
        %dma_wait3A_304 = tpu.memref_slice %arg2[%dma_wait3A_302, %dma_wait3A_303] : memref<10000x128xf32, #tpu.memory_space<hbm>> -> memref<10000x128xf32, #tpu.memory_space<hbm>>
        tpu.wait_indirect_dma semaphore(%arg18 : memref<!tpu.dma_semaphore, #tpu.memory_space<semaphore_mem>>) src(%dma_wait3A_304 : memref<10000x128xf32, #tpu.memory_space<hbm>>) dst(%dma_wait3A_300 : memref<40x128xf32, #tpu.memory_space<vmem>>)
        %dma_wait3A_305 = arith.constant 0 : i32
        %dma_wait3A_306 = arith.constant 0 : i32
        %dma_wait3A_307 = arith.constant 0 : i32
        %dma_wait3A_308 = tpu.memref_slice %arg12[%dma_wait3A_305, %dma_wait3A_306, %dma_wait3A_307] : memref<5x40x128xf32, #tpu.memory_space<vmem>> -> memref<1x40x128xf32, #tpu.memory_space<vmem>>
        %dma_wait3A_309 = tpu.memref_squeeze %dma_wait3A_308 : memref<1x40x128xf32, #tpu.memory_space<vmem>> -> memref<40x128xf32, #tpu.memory_space<vmem>>
        %dma_wait3A_310 = tpu.memref_slice %arg10[%mul3A_182] : memref<4000xi32, #tpu.memory_space<vmem>> -> memref<40xi32, #tpu.memory_space<vmem>>
        %dma_wait3A_311 = arith.constant 0 : i32
        %dma_wait3A_312 = arith.constant 0 : i32
        %dma_wait3A_313 = tpu.memref_slice %arg3[%dma_wait3A_311, %dma_wait3A_312] : memref<10000x128xf32, #tpu.memory_space<hbm>> -> memref<10000x128xf32, #tpu.memory_space<hbm>>
        tpu.wait_indirect_dma semaphore(%arg18 : memref<!tpu.dma_semaphore, #tpu.memory_space<semaphore_mem>>) src(%dma_wait3A_313 : memref<10000x128xf32, #tpu.memory_space<hbm>>) dst(%dma_wait3A_309 : memref<40x128xf32, #tpu.memory_space<vmem>>)
        %dma_wait3A_314 = arith.constant 1 : i32
        %dma_wait3A_315 = arith.constant 0 : i32
        %dma_wait3A_316 = arith.constant 0 : i32
        %dma_wait3A_317 = tpu.memref_slice %arg11[%dma_wait3A_314, %dma_wait3A_315, %dma_wait3A_316] : memref<5x40x128xf32, #tpu.memory_space<vmem>> -> memref<1x40x128xf32, #tpu.memory_space<vmem>>
        %dma_wait3A_318 = tpu.memref_squeeze %dma_wait3A_317 : memref<1x40x128xf32, #tpu.memory_space<vmem>> -> memref<40x128xf32, #tpu.memory_space<vmem>>
        %dma_wait3A_319 = tpu.memref_slice %arg9[%mul3A_205] : memref<4000xi32, #tpu.memory_space<vmem>> -> memref<40xi32, #tpu.memory_space<vmem>>
        %dma_wait3A_320 = arith.constant 0 : i32
        %dma_wait3A_321 = arith.constant 0 : i32
        %dma_wait3A_322 = tpu.memref_slice %arg2[%dma_wait3A_320, %dma_wait3A_321] : memref<10000x128xf32, #tpu.memory_space<hbm>> -> memref<10000x128xf32, #tpu.memory_space<hbm>>
        tpu.wait_indirect_dma semaphore(%arg18 : memref<!tpu.dma_semaphore, #tpu.memory_space<semaphore_mem>>) src(%dma_wait3A_322 : memref<10000x128xf32, #tpu.memory_space<hbm>>) dst(%dma_wait3A_318 : memref<40x128xf32, #tpu.memory_space<vmem>>)
        %dma_wait3A_323 = arith.constant 1 : i32
        %dma_wait3A_324 = arith.constant 0 : i32
        %dma_wait3A_325 = arith.constant 0 : i32
        %dma_wait3A_326 = tpu.memref_slice %arg12[%dma_wait3A_323, %dma_wait3A_324, %dma_wait3A_325] : memref<5x40x128xf32, #tpu.memory_space<vmem>> -> memref<1x40x128xf32, #tpu.memory_space<vmem>>
        %dma_wait3A_327 = tpu.memref_squeeze %dma_wait3A_326 : memref<1x40x128xf32, #tpu.memory_space<vmem>> -> memref<40x128xf32, #tpu.memory_space<vmem>>
        %dma_wait3A_328 = tpu.memref_slice %arg10[%mul3A_205] : memref<4000xi32, #tpu.memory_space<vmem>> -> memref<40xi32, #tpu.memory_space<vmem>>
        %dma_wait3A_329 = arith.constant 0 : i32
        %dma_wait3A_330 = arith.constant 0 : i32
        %dma_wait3A_331 = tpu.memref_slice %arg3[%dma_wait3A_329, %dma_wait3A_330] : memref<10000x128xf32, #tpu.memory_space<hbm>> -> memref<10000x128xf32, #tpu.memory_space<hbm>>
        tpu.wait_indirect_dma semaphore(%arg18 : memref<!tpu.dma_semaphore, #tpu.memory_space<semaphore_mem>>) src(%dma_wait3A_331 : memref<10000x128xf32, #tpu.memory_space<hbm>>) dst(%dma_wait3A_327 : memref<40x128xf32, #tpu.memory_space<vmem>>)
        %dma_wait3A_332 = arith.constant 2 : i32
        %dma_wait3A_333 = arith.constant 0 : i32
        %dma_wait3A_334 = arith.constant 0 : i32
        %dma_wait3A_335 = tpu.memref_slice %arg11[%dma_wait3A_332, %dma_wait3A_333, %dma_wait3A_334] : memref<5x40x128xf32, #tpu.memory_space<vmem>> -> memref<1x40x128xf32, #tpu.memory_space<vmem>>
        %dma_wait3A_336 = tpu.memref_squeeze %dma_wait3A_335 : memref<1x40x128xf32, #tpu.memory_space<vmem>> -> memref<40x128xf32, #tpu.memory_space<vmem>>
        %dma_wait3A_337 = tpu.memref_slice %arg9[%mul3A_229] : memref<4000xi32, #tpu.memory_space<vmem>> -> memref<40xi32, #tpu.memory_space<vmem>>
        %dma_wait3A_338 = arith.constant 0 : i32
        %dma_wait3A_339 = arith.constant 0 : i32
        %dma_wait3A_340 = tpu.memref_slice %arg2[%dma_wait3A_338, %dma_wait3A_339] : memref<10000x128xf32, #tpu.memory_space<hbm>> -> memref<10000x128xf32, #tpu.memory_space<hbm>>
        tpu.wait_indirect_dma semaphore(%arg18 : memref<!tpu.dma_semaphore, #tpu.memory_space<semaphore_mem>>) src(%dma_wait3A_340 : memref<10000x128xf32, #tpu.memory_space<hbm>>) dst(%dma_wait3A_336 : memref<40x128xf32, #tpu.memory_space<vmem>>)
        %dma_wait3A_341 = arith.constant 2 : i32
        %dma_wait3A_342 = arith.constant 0 : i32
        %dma_wait3A_343 = arith.constant 0 : i32
        %dma_wait3A_344 = tpu.memref_slice %arg12[%dma_wait3A_341, %dma_wait3A_342, %dma_wait3A_343] : memref<5x40x128xf32, #tpu.memory_space<vmem>> -> memref<1x40x128xf32, #tpu.memory_space<vmem>>
        %dma_wait3A_345 = tpu.memref_squeeze %dma_wait3A_344 : memref<1x40x128xf32, #tpu.memory_space<vmem>> -> memref<40x128xf32, #tpu.memory_space<vmem>>
        %dma_wait3A_346 = tpu.memref_slice %arg10[%mul3A_229] : memref<4000xi32, #tpu.memory_space<vmem>> -> memref<40xi32, #tpu.memory_space<vmem>>
        %dma_wait3A_347 = arith.constant 0 : i32
        %dma_wait3A_348 = arith.constant 0 : i32
        %dma_wait3A_349 = tpu.memref_slice %arg3[%dma_wait3A_347, %dma_wait3A_348] : memref<10000x128xf32, #tpu.memory_space<hbm>> -> memref<10000x128xf32, #tpu.memory_space<hbm>>
        tpu.wait_indirect_dma semaphore(%arg18 : memref<!tpu.dma_semaphore, #tpu.memory_space<semaphore_mem>>) src(%dma_wait3A_349 : memref<10000x128xf32, #tpu.memory_space<hbm>>) dst(%dma_wait3A_345 : memref<40x128xf32, #tpu.memory_space<vmem>>)
        %dma_wait3A_350 = arith.constant 3 : i32
        %dma_wait3A_351 = arith.constant 0 : i32
        %dma_wait3A_352 = arith.constant 0 : i32
        %dma_wait3A_353 = tpu.memref_slice %arg11[%dma_wait3A_350, %dma_wait3A_351, %dma_wait3A_352] : memref<5x40x128xf32, #tpu.memory_space<vmem>> -> memref<1x40x128xf32, #tpu.memory_space<vmem>>
        %dma_wait3A_354 = tpu.memref_squeeze %dma_wait3A_353 : memref<1x40x128xf32, #tpu.memory_space<vmem>> -> memref<40x128xf32, #tpu.memory_space<vmem>>
        %dma_wait3A_355 = tpu.memref_slice %arg9[%mul3A_253] : memref<4000xi32, #tpu.memory_space<vmem>> -> memref<40xi32, #tpu.memory_space<vmem>>
        %dma_wait3A_356 = arith.constant 0 : i32
        %dma_wait3A_357 = arith.constant 0 : i32
        %dma_wait3A_358 = tpu.memref_slice %arg2[%dma_wait3A_356, %dma_wait3A_357] : memref<10000x128xf32, #tpu.memory_space<hbm>> -> memref<10000x128xf32, #tpu.memory_space<hbm>>
        tpu.wait_indirect_dma semaphore(%arg18 : memref<!tpu.dma_semaphore, #tpu.memory_space<semaphore_mem>>) src(%dma_wait3A_358 : memref<10000x128xf32, #tpu.memory_space<hbm>>) dst(%dma_wait3A_354 : memref<40x128xf32, #tpu.memory_space<vmem>>)
        %dma_wait3A_359 = arith.constant 3 : i32
        %dma_wait3A_360 = arith.constant 0 : i32
        %dma_wait3A_361 = arith.constant 0 : i32
        %dma_wait3A_362 = tpu.memref_slice %arg12[%dma_wait3A_359, %dma_wait3A_360, %dma_wait3A_361] : memref<5x40x128xf32, #tpu.memory_space<vmem>> -> memref<1x40x128xf32, #tpu.memory_space<vmem>>
        %dma_wait3A_363 = tpu.memref_squeeze %dma_wait3A_362 : memref<1x40x128xf32, #tpu.memory_space<vmem>> -> memref<40x128xf32, #tpu.memory_space<vmem>>
        %dma_wait3A_364 = tpu.memref_slice %arg10[%mul3A_253] : memref<4000xi32, #tpu.memory_space<vmem>> -> memref<40xi32, #tpu.memory_space<vmem>>
        %dma_wait3A_365 = arith.constant 0 : i32
        %dma_wait3A_366 = arith.constant 0 : i32
        %dma_wait3A_367 = tpu.memref_slice %arg3[%dma_wait3A_365, %dma_wait3A_366] : memref<10000x128xf32, #tpu.memory_space<hbm>> -> memref<10000x128xf32, #tpu.memory_space<hbm>>
        tpu.wait_indirect_dma semaphore(%arg18 : memref<!tpu.dma_semaphore, #tpu.memory_space<semaphore_mem>>) src(%dma_wait3A_367 : memref<10000x128xf32, #tpu.memory_space<hbm>>) dst(%dma_wait3A_363 : memref<40x128xf32, #tpu.memory_space<vmem>>)
        %dma_wait3A_368 = arith.constant 4 : i32
        %dma_wait3A_369 = arith.constant 0 : i32
        %dma_wait3A_370 = arith.constant 0 : i32
        %dma_wait3A_371 = tpu.memref_slice %arg11[%dma_wait3A_368, %dma_wait3A_369, %dma_wait3A_370] : memref<5x40x128xf32, #tpu.memory_space<vmem>> -> memref<1x40x128xf32, #tpu.memory_space<vmem>>
        %dma_wait3A_372 = tpu.memref_squeeze %dma_wait3A_371 : memref<1x40x128xf32, #tpu.memory_space<vmem>> -> memref<40x128xf32, #tpu.memory_space<vmem>>
        %dma_wait3A_373 = tpu.memref_slice %arg9[%mul3A_277] : memref<4000xi32, #tpu.memory_space<vmem>> -> memref<40xi32, #tpu.memory_space<vmem>>
        %dma_wait3A_374 = arith.constant 0 : i32
        %dma_wait3A_375 = arith.constant 0 : i32
        %dma_wait3A_376 = tpu.memref_slice %arg2[%dma_wait3A_374, %dma_wait3A_375] : memref<10000x128xf32, #tpu.memory_space<hbm>> -> memref<10000x128xf32, #tpu.memory_space<hbm>>
        tpu.wait_indirect_dma semaphore(%arg18 : memref<!tpu.dma_semaphore, #tpu.memory_space<semaphore_mem>>) src(%dma_wait3A_376 : memref<10000x128xf32, #tpu.memory_space<hbm>>) dst(%dma_wait3A_372 : memref<40x128xf32, #tpu.memory_space<vmem>>)
        %dma_wait3A_377 = arith.constant 4 : i32
        %dma_wait3A_378 = arith.constant 0 : i32
        %dma_wait3A_379 = arith.constant 0 : i32
        %dma_wait3A_380 = tpu.memref_slice %arg12[%dma_wait3A_377, %dma_wait3A_378, %dma_wait3A_379] : memref<5x40x128xf32, #tpu.memory_space<vmem>> -> memref<1x40x128xf32, #tpu.memory_space<vmem>>
        %dma_wait3A_381 = tpu.memref_squeeze %dma_wait3A_380 : memref<1x40x128xf32, #tpu.memory_space<vmem>> -> memref<40x128xf32, #tpu.memory_space<vmem>>
        %dma_wait3A_382 = tpu.memref_slice %arg10[%mul3A_277] : memref<4000xi32, #tpu.memory_space<vmem>> -> memref<40xi32, #tpu.memory_space<vmem>>
        %dma_wait3A_383 = arith.constant 0 : i32
        %dma_wait3A_384 = arith.constant 0 : i32
        %dma_wait3A_385 = tpu.memref_slice %arg3[%dma_wait3A_383, %dma_wait3A_384] : memref<10000x128xf32, #tpu.memory_space<hbm>> -> memref<10000x128xf32, #tpu.memory_space<hbm>>
        tpu.wait_indirect_dma semaphore(%arg18 : memref<!tpu.dma_semaphore, #tpu.memory_space<semaphore_mem>>) src(%dma_wait3A_385 : memref<10000x128xf32, #tpu.memory_space<hbm>>) dst(%dma_wait3A_381 : memref<40x128xf32, #tpu.memory_space<vmem>>)
        %mul3A_386 = arith.constant 5 : i32
        %mul3A_387 = arith.muli %scan3A_172, %mul3A_386 : i32
        %add3A_388 = arith.constant 0 : i32
        %add3A_389 = arith.addi %mul3A_387, %add3A_388 : i32
        %mul3A_390 = arith.constant 40 : i32
        %mul3A_391 = arith.muli %add3A_389, %mul3A_390 : i32
        %add3A_392 = arith.constant 16 : i32
        %add3A_393 = arith.addi %add3A_392, %mul3A_13 : i32
        %add3A_394 = arith.addi %add3A_393, %mul3A_391 : i32
        %dma_start3A_395 = arith.constant 0 : i32
        %dma_start3A_396 = arith.constant 0 : i32
        %dma_start3A_397 = arith.constant 0 : i32
        %dma_start3A_398 = tpu.memref_slice %arg11[%dma_start3A_395, %dma_start3A_396, %dma_start3A_397] : memref<5x40x128xf32, #tpu.memory_space<vmem>> -> memref<1x40x128xf32, #tpu.memory_space<vmem>>
        %dma_start3A_399 = tpu.memref_squeeze %dma_start3A_398 : memref<1x40x128xf32, #tpu.memory_space<vmem>> -> memref<40x128xf32, #tpu.memory_space<vmem>>
        %dma_start3A_400 = arith.constant 0 : i32
        %dma_start3A_401 = tpu.memref_slice %arg7[%add3A_394, %dma_start3A_400] : memref<80032x128xf32, #tpu.memory_space<hbm>> -> memref<40x128xf32, #tpu.memory_space<hbm>>
        %dma_start3A_402 = arith.constant 0 : i32
        %dma_start3A_403 = tpu.memref_slice %arg7[%add3A_394, %dma_start3A_402] : memref<80032x128xf32, #tpu.memory_space<hbm>> -> memref<40x128xf32, #tpu.memory_space<hbm>>
        %dma_start3A_404 = arith.constant 0 : i32
        %dma_start3A_405 = arith.constant 0 : i32
        %dma_start3A_406 = tpu.memref_slice %arg11[%dma_start3A_395, %dma_start3A_404, %dma_start3A_405] : memref<5x40x128xf32, #tpu.memory_space<vmem>> -> memref<1x40x128xf32, #tpu.memory_space<vmem>>
        %dma_start3A_407 = tpu.memref_squeeze %dma_start3A_406 : memref<1x40x128xf32, #tpu.memory_space<vmem>> -> memref<40x128xf32, #tpu.memory_space<vmem>>
        tpu.enqueue_dma source(%dma_start3A_407 : memref<40x128xf32, #tpu.memory_space<vmem>>) target(%dma_start3A_403 : memref<40x128xf32, #tpu.memory_space<hbm>>) target_semaphore(%arg19 : memref<!tpu.dma_semaphore, #tpu.memory_space<semaphore_mem>>)
        %dma_start3A_408 = arith.constant 0 : i32
        %dma_start3A_409 = arith.constant 0 : i32
        %dma_start3A_410 = arith.constant 0 : i32
        %dma_start3A_411 = tpu.memref_slice %arg12[%dma_start3A_408, %dma_start3A_409, %dma_start3A_410] : memref<5x40x128xf32, #tpu.memory_space<vmem>> -> memref<1x40x128xf32, #tpu.memory_space<vmem>>
        %dma_start3A_412 = tpu.memref_squeeze %dma_start3A_411 : memref<1x40x128xf32, #tpu.memory_space<vmem>> -> memref<40x128xf32, #tpu.memory_space<vmem>>
        %dma_start3A_413 = arith.constant 0 : i32
        %dma_start3A_414 = tpu.memref_slice %arg8[%add3A_394, %dma_start3A_413] : memref<80032x128xf32, #tpu.memory_space<hbm>> -> memref<40x128xf32, #tpu.memory_space<hbm>>
        %dma_start3A_415 = arith.constant 0 : i32
        %dma_start3A_416 = tpu.memref_slice %arg8[%add3A_394, %dma_start3A_415] : memref<80032x128xf32, #tpu.memory_space<hbm>> -> memref<40x128xf32, #tpu.memory_space<hbm>>
        %dma_start3A_417 = arith.constant 0 : i32
        %dma_start3A_418 = arith.constant 0 : i32
        %dma_start3A_419 = tpu.memref_slice %arg12[%dma_start3A_408, %dma_start3A_417, %dma_start3A_418] : memref<5x40x128xf32, #tpu.memory_space<vmem>> -> memref<1x40x128xf32, #tpu.memory_space<vmem>>
        %dma_start3A_420 = tpu.memref_squeeze %dma_start3A_419 : memref<1x40x128xf32, #tpu.memory_space<vmem>> -> memref<40x128xf32, #tpu.memory_space<vmem>>
        tpu.enqueue_dma source(%dma_start3A_420 : memref<40x128xf32, #tpu.memory_space<vmem>>) target(%dma_start3A_416 : memref<40x128xf32, #tpu.memory_space<hbm>>) target_semaphore(%arg19 : memref<!tpu.dma_semaphore, #tpu.memory_space<semaphore_mem>>)
        %mul3A_421 = arith.constant 5 : i32
        %mul3A_422 = arith.muli %scan3A_172, %mul3A_421 : i32
        %add3A_423 = arith.constant 1 : i32
        %add3A_424 = arith.addi %mul3A_422, %add3A_423 : i32
        %mul3A_425 = arith.constant 40 : i32
        %mul3A_426 = arith.muli %add3A_424, %mul3A_425 : i32
        %add3A_427 = arith.constant 16 : i32
        %add3A_428 = arith.addi %add3A_427, %mul3A_13 : i32
        %add3A_429 = arith.addi %add3A_428, %mul3A_426 : i32
        %dma_start3A_430 = arith.constant 1 : i32
        %dma_start3A_431 = arith.constant 0 : i32
        %dma_start3A_432 = arith.constant 0 : i32
        %dma_start3A_433 = tpu.memref_slice %arg11[%dma_start3A_430, %dma_start3A_431, %dma_start3A_432] : memref<5x40x128xf32, #tpu.memory_space<vmem>> -> memref<1x40x128xf32, #tpu.memory_space<vmem>>
        %dma_start3A_434 = tpu.memref_squeeze %dma_start3A_433 : memref<1x40x128xf32, #tpu.memory_space<vmem>> -> memref<40x128xf32, #tpu.memory_space<vmem>>
        %dma_start3A_435 = arith.constant 0 : i32
        %dma_start3A_436 = tpu.memref_slice %arg7[%add3A_429, %dma_start3A_435] : memref<80032x128xf32, #tpu.memory_space<hbm>> -> memref<40x128xf32, #tpu.memory_space<hbm>>
        %dma_start3A_437 = arith.constant 0 : i32
        %dma_start3A_438 = tpu.memref_slice %arg7[%add3A_429, %dma_start3A_437] : memref<80032x128xf32, #tpu.memory_space<hbm>> -> memref<40x128xf32, #tpu.memory_space<hbm>>
        %dma_start3A_439 = arith.constant 0 : i32
        %dma_start3A_440 = arith.constant 0 : i32
        %dma_start3A_441 = tpu.memref_slice %arg11[%dma_start3A_430, %dma_start3A_439, %dma_start3A_440] : memref<5x40x128xf32, #tpu.memory_space<vmem>> -> memref<1x40x128xf32, #tpu.memory_space<vmem>>
        %dma_start3A_442 = tpu.memref_squeeze %dma_start3A_441 : memref<1x40x128xf32, #tpu.memory_space<vmem>> -> memref<40x128xf32, #tpu.memory_space<vmem>>
        tpu.enqueue_dma source(%dma_start3A_442 : memref<40x128xf32, #tpu.memory_space<vmem>>) target(%dma_start3A_438 : memref<40x128xf32, #tpu.memory_space<hbm>>) target_semaphore(%arg19 : memref<!tpu.dma_semaphore, #tpu.memory_space<semaphore_mem>>)
        %dma_start3A_443 = arith.constant 1 : i32
        %dma_start3A_444 = arith.constant 0 : i32
        %dma_start3A_445 = arith.constant 0 : i32
        %dma_start3A_446 = tpu.memref_slice %arg12[%dma_start3A_443, %dma_start3A_444, %dma_start3A_445] : memref<5x40x128xf32, #tpu.memory_space<vmem>> -> memref<1x40x128xf32, #tpu.memory_space<vmem>>
        %dma_start3A_447 = tpu.memref_squeeze %dma_start3A_446 : memref<1x40x128xf32, #tpu.memory_space<vmem>> -> memref<40x128xf32, #tpu.memory_space<vmem>>
        %dma_start3A_448 = arith.constant 0 : i32
        %dma_start3A_449 = tpu.memref_slice %arg8[%add3A_429, %dma_start3A_448] : memref<80032x128xf32, #tpu.memory_space<hbm>> -> memref<40x128xf32, #tpu.memory_space<hbm>>
        %dma_start3A_450 = arith.constant 0 : i32
        %dma_start3A_451 = tpu.memref_slice %arg8[%add3A_429, %dma_start3A_450] : memref<80032x128xf32, #tpu.memory_space<hbm>> -> memref<40x128xf32, #tpu.memory_space<hbm>>
        %dma_start3A_452 = arith.constant 0 : i32
        %dma_start3A_453 = arith.constant 0 : i32
        %dma_start3A_454 = tpu.memref_slice %arg12[%dma_start3A_443, %dma_start3A_452, %dma_start3A_453] : memref<5x40x128xf32, #tpu.memory_space<vmem>> -> memref<1x40x128xf32, #tpu.memory_space<vmem>>
        %dma_start3A_455 = tpu.memref_squeeze %dma_start3A_454 : memref<1x40x128xf32, #tpu.memory_space<vmem>> -> memref<40x128xf32, #tpu.memory_space<vmem>>
        tpu.enqueue_dma source(%dma_start3A_455 : memref<40x128xf32, #tpu.memory_space<vmem>>) target(%dma_start3A_451 : memref<40x128xf32, #tpu.memory_space<hbm>>) target_semaphore(%arg19 : memref<!tpu.dma_semaphore, #tpu.memory_space<semaphore_mem>>)
        %mul3A_456 = arith.constant 5 : i32
        %mul3A_457 = arith.muli %scan3A_172, %mul3A_456 : i32
        %add3A_458 = arith.constant 2 : i32
        %add3A_459 = arith.addi %mul3A_457, %add3A_458 : i32
        %mul3A_460 = arith.constant 40 : i32
        %mul3A_461 = arith.muli %add3A_459, %mul3A_460 : i32
        %add3A_462 = arith.constant 16 : i32
        %add3A_463 = arith.addi %add3A_462, %mul3A_13 : i32
        %add3A_464 = arith.addi %add3A_463, %mul3A_461 : i32
        %dma_start3A_465 = arith.constant 2 : i32
        %dma_start3A_466 = arith.constant 0 : i32
        %dma_start3A_467 = arith.constant 0 : i32
        %dma_start3A_468 = tpu.memref_slice %arg11[%dma_start3A_465, %dma_start3A_466, %dma_start3A_467] : memref<5x40x128xf32, #tpu.memory_space<vmem>> -> memref<1x40x128xf32, #tpu.memory_space<vmem>>
        %dma_start3A_469 = tpu.memref_squeeze %dma_start3A_468 : memref<1x40x128xf32, #tpu.memory_space<vmem>> -> memref<40x128xf32, #tpu.memory_space<vmem>>
        %dma_start3A_470 = arith.constant 0 : i32
        %dma_start3A_471 = tpu.memref_slice %arg7[%add3A_464, %dma_start3A_470] : memref<80032x128xf32, #tpu.memory_space<hbm>> -> memref<40x128xf32, #tpu.memory_space<hbm>>
        %dma_start3A_472 = arith.constant 0 : i32
        %dma_start3A_473 = tpu.memref_slice %arg7[%add3A_464, %dma_start3A_472] : memref<80032x128xf32, #tpu.memory_space<hbm>> -> memref<40x128xf32, #tpu.memory_space<hbm>>
        %dma_start3A_474 = arith.constant 0 : i32
        %dma_start3A_475 = arith.constant 0 : i32
        %dma_start3A_476 = tpu.memref_slice %arg11[%dma_start3A_465, %dma_start3A_474, %dma_start3A_475] : memref<5x40x128xf32, #tpu.memory_space<vmem>> -> memref<1x40x128xf32, #tpu.memory_space<vmem>>
        %dma_start3A_477 = tpu.memref_squeeze %dma_start3A_476 : memref<1x40x128xf32, #tpu.memory_space<vmem>> -> memref<40x128xf32, #tpu.memory_space<vmem>>
        tpu.enqueue_dma source(%dma_start3A_477 : memref<40x128xf32, #tpu.memory_space<vmem>>) target(%dma_start3A_473 : memref<40x128xf32, #tpu.memory_space<hbm>>) target_semaphore(%arg19 : memref<!tpu.dma_semaphore, #tpu.memory_space<semaphore_mem>>)
        %dma_start3A_478 = arith.constant 2 : i32
        %dma_start3A_479 = arith.constant 0 : i32
        %dma_start3A_480 = arith.constant 0 : i32
        %dma_start3A_481 = tpu.memref_slice %arg12[%dma_start3A_478, %dma_start3A_479, %dma_start3A_480] : memref<5x40x128xf32, #tpu.memory_space<vmem>> -> memref<1x40x128xf32, #tpu.memory_space<vmem>>
        %dma_start3A_482 = tpu.memref_squeeze %dma_start3A_481 : memref<1x40x128xf32, #tpu.memory_space<vmem>> -> memref<40x128xf32, #tpu.memory_space<vmem>>
        %dma_start3A_483 = arith.constant 0 : i32
        %dma_start3A_484 = tpu.memref_slice %arg8[%add3A_464, %dma_start3A_483] : memref<80032x128xf32, #tpu.memory_space<hbm>> -> memref<40x128xf32, #tpu.memory_space<hbm>>
        %dma_start3A_485 = arith.constant 0 : i32
        %dma_start3A_486 = tpu.memref_slice %arg8[%add3A_464, %dma_start3A_485] : memref<80032x128xf32, #tpu.memory_space<hbm>> -> memref<40x128xf32, #tpu.memory_space<hbm>>
        %dma_start3A_487 = arith.constant 0 : i32
        %dma_start3A_488 = arith.constant 0 : i32
        %dma_start3A_489 = tpu.memref_slice %arg12[%dma_start3A_478, %dma_start3A_487, %dma_start3A_488] : memref<5x40x128xf32, #tpu.memory_space<vmem>> -> memref<1x40x128xf32, #tpu.memory_space<vmem>>
        %dma_start3A_490 = tpu.memref_squeeze %dma_start3A_489 : memref<1x40x128xf32, #tpu.memory_space<vmem>> -> memref<40x128xf32, #tpu.memory_space<vmem>>
        tpu.enqueue_dma source(%dma_start3A_490 : memref<40x128xf32, #tpu.memory_space<vmem>>) target(%dma_start3A_486 : memref<40x128xf32, #tpu.memory_space<hbm>>) target_semaphore(%arg19 : memref<!tpu.dma_semaphore, #tpu.memory_space<semaphore_mem>>)
        %mul3A_491 = arith.constant 5 : i32
        %mul3A_492 = arith.muli %scan3A_172, %mul3A_491 : i32
        %add3A_493 = arith.constant 3 : i32
        %add3A_494 = arith.addi %mul3A_492, %add3A_493 : i32
        %mul3A_495 = arith.constant 40 : i32
        %mul3A_496 = arith.muli %add3A_494, %mul3A_495 : i32
        %add3A_497 = arith.constant 16 : i32
        %add3A_498 = arith.addi %add3A_497, %mul3A_13 : i32
        %add3A_499 = arith.addi %add3A_498, %mul3A_496 : i32
        %dma_start3A_500 = arith.constant 3 : i32
        %dma_start3A_501 = arith.constant 0 : i32
        %dma_start3A_502 = arith.constant 0 : i32
        %dma_start3A_503 = tpu.memref_slice %arg11[%dma_start3A_500, %dma_start3A_501, %dma_start3A_502] : memref<5x40x128xf32, #tpu.memory_space<vmem>> -> memref<1x40x128xf32, #tpu.memory_space<vmem>>
        %dma_start3A_504 = tpu.memref_squeeze %dma_start3A_503 : memref<1x40x128xf32, #tpu.memory_space<vmem>> -> memref<40x128xf32, #tpu.memory_space<vmem>>
        %dma_start3A_505 = arith.constant 0 : i32
        %dma_start3A_506 = tpu.memref_slice %arg7[%add3A_499, %dma_start3A_505] : memref<80032x128xf32, #tpu.memory_space<hbm>> -> memref<40x128xf32, #tpu.memory_space<hbm>>
        %dma_start3A_507 = arith.constant 0 : i32
        %dma_start3A_508 = tpu.memref_slice %arg7[%add3A_499, %dma_start3A_507] : memref<80032x128xf32, #tpu.memory_space<hbm>> -> memref<40x128xf32, #tpu.memory_space<hbm>>
        %dma_start3A_509 = arith.constant 0 : i32
        %dma_start3A_510 = arith.constant 0 : i32
        %dma_start3A_511 = tpu.memref_slice %arg11[%dma_start3A_500, %dma_start3A_509, %dma_start3A_510] : memref<5x40x128xf32, #tpu.memory_space<vmem>> -> memref<1x40x128xf32, #tpu.memory_space<vmem>>
        %dma_start3A_512 = tpu.memref_squeeze %dma_start3A_511 : memref<1x40x128xf32, #tpu.memory_space<vmem>> -> memref<40x128xf32, #tpu.memory_space<vmem>>
        tpu.enqueue_dma source(%dma_start3A_512 : memref<40x128xf32, #tpu.memory_space<vmem>>) target(%dma_start3A_508 : memref<40x128xf32, #tpu.memory_space<hbm>>) target_semaphore(%arg19 : memref<!tpu.dma_semaphore, #tpu.memory_space<semaphore_mem>>)
        %dma_start3A_513 = arith.constant 3 : i32
        %dma_start3A_514 = arith.constant 0 : i32
        %dma_start3A_515 = arith.constant 0 : i32
        %dma_start3A_516 = tpu.memref_slice %arg12[%dma_start3A_513, %dma_start3A_514, %dma_start3A_515] : memref<5x40x128xf32, #tpu.memory_space<vmem>> -> memref<1x40x128xf32, #tpu.memory_space<vmem>>
        %dma_start3A_517 = tpu.memref_squeeze %dma_start3A_516 : memref<1x40x128xf32, #tpu.memory_space<vmem>> -> memref<40x128xf32, #tpu.memory_space<vmem>>
        %dma_start3A_518 = arith.constant 0 : i32
        %dma_start3A_519 = tpu.memref_slice %arg8[%add3A_499, %dma_start3A_518] : memref<80032x128xf32, #tpu.memory_space<hbm>> -> memref<40x128xf32, #tpu.memory_space<hbm>>
        %dma_start3A_520 = arith.constant 0 : i32
        %dma_start3A_521 = tpu.memref_slice %arg8[%add3A_499, %dma_start3A_520] : memref<80032x128xf32, #tpu.memory_space<hbm>> -> memref<40x128xf32, #tpu.memory_space<hbm>>
        %dma_start3A_522 = arith.constant 0 : i32
        %dma_start3A_523 = arith.constant 0 : i32
        %dma_start3A_524 = tpu.memref_slice %arg12[%dma_start3A_513, %dma_start3A_522, %dma_start3A_523] : memref<5x40x128xf32, #tpu.memory_space<vmem>> -> memref<1x40x128xf32, #tpu.memory_space<vmem>>
        %dma_start3A_525 = tpu.memref_squeeze %dma_start3A_524 : memref<1x40x128xf32, #tpu.memory_space<vmem>> -> memref<40x128xf32, #tpu.memory_space<vmem>>
        tpu.enqueue_dma source(%dma_start3A_525 : memref<40x128xf32, #tpu.memory_space<vmem>>) target(%dma_start3A_521 : memref<40x128xf32, #tpu.memory_space<hbm>>) target_semaphore(%arg19 : memref<!tpu.dma_semaphore, #tpu.memory_space<semaphore_mem>>)
        %mul3A_526 = arith.constant 5 : i32
        %mul3A_527 = arith.muli %scan3A_172, %mul3A_526 : i32
        %add3A_528 = arith.constant 4 : i32
        %add3A_529 = arith.addi %mul3A_527, %add3A_528 : i32
        %mul3A_530 = arith.constant 40 : i32
        %mul3A_531 = arith.muli %add3A_529, %mul3A_530 : i32
        %add3A_532 = arith.constant 16 : i32
        %add3A_533 = arith.addi %add3A_532, %mul3A_13 : i32
        %add3A_534 = arith.addi %add3A_533, %mul3A_531 : i32
        %dma_start3A_535 = arith.constant 4 : i32
        %dma_start3A_536 = arith.constant 0 : i32
        %dma_start3A_537 = arith.constant 0 : i32
        %dma_start3A_538 = tpu.memref_slice %arg11[%dma_start3A_535, %dma_start3A_536, %dma_start3A_537] : memref<5x40x128xf32, #tpu.memory_space<vmem>> -> memref<1x40x128xf32, #tpu.memory_space<vmem>>
        %dma_start3A_539 = tpu.memref_squeeze %dma_start3A_538 : memref<1x40x128xf32, #tpu.memory_space<vmem>> -> memref<40x128xf32, #tpu.memory_space<vmem>>
        %dma_start3A_540 = arith.constant 0 : i32
        %dma_start3A_541 = tpu.memref_slice %arg7[%add3A_534, %dma_start3A_540] : memref<80032x128xf32, #tpu.memory_space<hbm>> -> memref<40x128xf32, #tpu.memory_space<hbm>>
        %dma_start3A_542 = arith.constant 0 : i32
        %dma_start3A_543 = tpu.memref_slice %arg7[%add3A_534, %dma_start3A_542] : memref<80032x128xf32, #tpu.memory_space<hbm>> -> memref<40x128xf32, #tpu.memory_space<hbm>>
        %dma_start3A_544 = arith.constant 0 : i32
        %dma_start3A_545 = arith.constant 0 : i32
        %dma_start3A_546 = tpu.memref_slice %arg11[%dma_start3A_535, %dma_start3A_544, %dma_start3A_545] : memref<5x40x128xf32, #tpu.memory_space<vmem>> -> memref<1x40x128xf32, #tpu.memory_space<vmem>>
        %dma_start3A_547 = tpu.memref_squeeze %dma_start3A_546 : memref<1x40x128xf32, #tpu.memory_space<vmem>> -> memref<40x128xf32, #tpu.memory_space<vmem>>
        tpu.enqueue_dma source(%dma_start3A_547 : memref<40x128xf32, #tpu.memory_space<vmem>>) target(%dma_start3A_543 : memref<40x128xf32, #tpu.memory_space<hbm>>) target_semaphore(%arg19 : memref<!tpu.dma_semaphore, #tpu.memory_space<semaphore_mem>>)
        %dma_start3A_548 = arith.constant 4 : i32
        %dma_start3A_549 = arith.constant 0 : i32
        %dma_start3A_550 = arith.constant 0 : i32
        %dma_start3A_551 = tpu.memref_slice %arg12[%dma_start3A_548, %dma_start3A_549, %dma_start3A_550] : memref<5x40x128xf32, #tpu.memory_space<vmem>> -> memref<1x40x128xf32, #tpu.memory_space<vmem>>
        %dma_start3A_552 = tpu.memref_squeeze %dma_start3A_551 : memref<1x40x128xf32, #tpu.memory_space<vmem>> -> memref<40x128xf32, #tpu.memory_space<vmem>>
        %dma_start3A_553 = arith.constant 0 : i32
        %dma_start3A_554 = tpu.memref_slice %arg8[%add3A_534, %dma_start3A_553] : memref<80032x128xf32, #tpu.memory_space<hbm>> -> memref<40x128xf32, #tpu.memory_space<hbm>>
        %dma_start3A_555 = arith.constant 0 : i32
        %dma_start3A_556 = tpu.memref_slice %arg8[%add3A_534, %dma_start3A_555] : memref<80032x128xf32, #tpu.memory_space<hbm>> -> memref<40x128xf32, #tpu.memory_space<hbm>>
        %dma_start3A_557 = arith.constant 0 : i32
        %dma_start3A_558 = arith.constant 0 : i32
        %dma_start3A_559 = tpu.memref_slice %arg12[%dma_start3A_548, %dma_start3A_557, %dma_start3A_558] : memref<5x40x128xf32, #tpu.memory_space<vmem>> -> memref<1x40x128xf32, #tpu.memory_space<vmem>>
        %dma_start3A_560 = tpu.memref_squeeze %dma_start3A_559 : memref<1x40x128xf32, #tpu.memory_space<vmem>> -> memref<40x128xf32, #tpu.memory_space<vmem>>
        tpu.enqueue_dma source(%dma_start3A_560 : memref<40x128xf32, #tpu.memory_space<vmem>>) target(%dma_start3A_556 : memref<40x128xf32, #tpu.memory_space<hbm>>) target_semaphore(%arg19 : memref<!tpu.dma_semaphore, #tpu.memory_space<semaphore_mem>>)
      }
      %scan3A_22 = arith.constant 20 : i32
      %dma_wait3A = arith.constant 0 : i32
      %dma_wait3A_23 = arith.constant 0 : i32
      %dma_wait3A_24 = arith.constant 0 : i32
      %dma_wait3A_25 = tpu.memref_slice %arg11[%dma_wait3A, %dma_wait3A_23, %dma_wait3A_24] : memref<5x40x128xf32, #tpu.memory_space<vmem>> -> memref<1x40x128xf32, #tpu.memory_space<vmem>>
      %dma_wait3A_26 = tpu.memref_squeeze %dma_wait3A_25 : memref<1x40x128xf32, #tpu.memory_space<vmem>> -> memref<40x128xf32, #tpu.memory_space<vmem>>
      %dma_wait3A_27 = arith.constant 0 : i32
      %dma_wait3A_28 = arith.constant 0 : i32
      %dma_wait3A_29 = tpu.memref_slice %arg7[%dma_wait3A_27, %dma_wait3A_28] : memref<80032x128xf32, #tpu.memory_space<hbm>> -> memref<40x128xf32, #tpu.memory_space<hbm>>
      %dma_wait3A_30 = arith.constant 0 : i32
      %dma_wait3A_31 = arith.constant 0 : i32
      %dma_wait3A_32 = tpu.memref_slice %arg11[%dma_wait3A, %dma_wait3A_30, %dma_wait3A_31] : memref<5x40x128xf32, #tpu.memory_space<vmem>> -> memref<1x40x128xf32, #tpu.memory_space<vmem>>
      %dma_wait3A_33 = tpu.memref_squeeze %dma_wait3A_32 : memref<1x40x128xf32, #tpu.memory_space<vmem>> -> memref<40x128xf32, #tpu.memory_space<vmem>>
      %dma_wait3A_34 = arith.constant 0 : i32
      %dma_wait3A_35 = arith.constant 0 : i32
      %dma_wait3A_36 = tpu.memref_slice %arg7[%dma_wait3A_34, %dma_wait3A_35] : memref<80032x128xf32, #tpu.memory_space<hbm>> -> memref<40x128xf32, #tpu.memory_space<hbm>>
      tpu.wait_dma2 semaphore(%arg19 : memref<!tpu.dma_semaphore, #tpu.memory_space<semaphore_mem>>) src(%dma_wait3A_36 : memref<40x128xf32, #tpu.memory_space<hbm>>) dst(%dma_wait3A_33 : memref<40x128xf32, #tpu.memory_space<vmem>>)
      %dma_wait3A_37 = arith.constant 0 : i32
      %dma_wait3A_38 = arith.constant 0 : i32
      %dma_wait3A_39 = arith.constant 0 : i32
      %dma_wait3A_40 = tpu.memref_slice %arg12[%dma_wait3A_37, %dma_wait3A_38, %dma_wait3A_39] : memref<5x40x128xf32, #tpu.memory_space<vmem>> -> memref<1x40x128xf32, #tpu.memory_space<vmem>>
      %dma_wait3A_41 = tpu.memref_squeeze %dma_wait3A_40 : memref<1x40x128xf32, #tpu.memory_space<vmem>> -> memref<40x128xf32, #tpu.memory_space<vmem>>
      %dma_wait3A_42 = arith.constant 0 : i32
      %dma_wait3A_43 = arith.constant 0 : i32
      %dma_wait3A_44 = tpu.memref_slice %arg8[%dma_wait3A_42, %dma_wait3A_43] : memref<80032x128xf32, #tpu.memory_space<hbm>> -> memref<40x128xf32, #tpu.memory_space<hbm>>
      %dma_wait3A_45 = arith.constant 0 : i32
      %dma_wait3A_46 = arith.constant 0 : i32
      %dma_wait3A_47 = tpu.memref_slice %arg12[%dma_wait3A_37, %dma_wait3A_45, %dma_wait3A_46] : memref<5x40x128xf32, #tpu.memory_space<vmem>> -> memref<1x40x128xf32, #tpu.memory_space<vmem>>
      %dma_wait3A_48 = tpu.memref_squeeze %dma_wait3A_47 : memref<1x40x128xf32, #tpu.memory_space<vmem>> -> memref<40x128xf32, #tpu.memory_space<vmem>>
      %dma_wait3A_49 = arith.constant 0 : i32
      %dma_wait3A_50 = arith.constant 0 : i32
      %dma_wait3A_51 = tpu.memref_slice %arg8[%dma_wait3A_49, %dma_wait3A_50] : memref<80032x128xf32, #tpu.memory_space<hbm>> -> memref<40x128xf32, #tpu.memory_space<hbm>>
      tpu.wait_dma2 semaphore(%arg19 : memref<!tpu.dma_semaphore, #tpu.memory_space<semaphore_mem>>) src(%dma_wait3A_51 : memref<40x128xf32, #tpu.memory_space<hbm>>) dst(%dma_wait3A_48 : memref<40x128xf32, #tpu.memory_space<vmem>>)
      %dma_wait3A_52 = arith.constant 1 : i32
      %dma_wait3A_53 = arith.constant 0 : i32
      %dma_wait3A_54 = arith.constant 0 : i32
      %dma_wait3A_55 = tpu.memref_slice %arg11[%dma_wait3A_52, %dma_wait3A_53, %dma_wait3A_54] : memref<5x40x128xf32, #tpu.memory_space<vmem>> -> memref<1x40x128xf32, #tpu.memory_space<vmem>>
      %dma_wait3A_56 = tpu.memref_squeeze %dma_wait3A_55 : memref<1x40x128xf32, #tpu.memory_space<vmem>> -> memref<40x128xf32, #tpu.memory_space<vmem>>
      %dma_wait3A_57 = arith.constant 0 : i32
      %dma_wait3A_58 = arith.constant 0 : i32
      %dma_wait3A_59 = tpu.memref_slice %arg7[%dma_wait3A_57, %dma_wait3A_58] : memref<80032x128xf32, #tpu.memory_space<hbm>> -> memref<40x128xf32, #tpu.memory_space<hbm>>
      %dma_wait3A_60 = arith.constant 0 : i32
      %dma_wait3A_61 = arith.constant 0 : i32
      %dma_wait3A_62 = tpu.memref_slice %arg11[%dma_wait3A_52, %dma_wait3A_60, %dma_wait3A_61] : memref<5x40x128xf32, #tpu.memory_space<vmem>> -> memref<1x40x128xf32, #tpu.memory_space<vmem>>
      %dma_wait3A_63 = tpu.memref_squeeze %dma_wait3A_62 : memref<1x40x128xf32, #tpu.memory_space<vmem>> -> memref<40x128xf32, #tpu.memory_space<vmem>>
      %dma_wait3A_64 = arith.constant 0 : i32
      %dma_wait3A_65 = arith.constant 0 : i32
      %dma_wait3A_66 = tpu.memref_slice %arg7[%dma_wait3A_64, %dma_wait3A_65] : memref<80032x128xf32, #tpu.memory_space<hbm>> -> memref<40x128xf32, #tpu.memory_space<hbm>>
      tpu.wait_dma2 semaphore(%arg19 : memref<!tpu.dma_semaphore, #tpu.memory_space<semaphore_mem>>) src(%dma_wait3A_66 : memref<40x128xf32, #tpu.memory_space<hbm>>) dst(%dma_wait3A_63 : memref<40x128xf32, #tpu.memory_space<vmem>>)
      %dma_wait3A_67 = arith.constant 1 : i32
      %dma_wait3A_68 = arith.constant 0 : i32
      %dma_wait3A_69 = arith.constant 0 : i32
      %dma_wait3A_70 = tpu.memref_slice %arg12[%dma_wait3A_67, %dma_wait3A_68, %dma_wait3A_69] : memref<5x40x128xf32, #tpu.memory_space<vmem>> -> memref<1x40x128xf32, #tpu.memory_space<vmem>>
      %dma_wait3A_71 = tpu.memref_squeeze %dma_wait3A_70 : memref<1x40x128xf32, #tpu.memory_space<vmem>> -> memref<40x128xf32, #tpu.memory_space<vmem>>
      %dma_wait3A_72 = arith.constant 0 : i32
      %dma_wait3A_73 = arith.constant 0 : i32
      %dma_wait3A_74 = tpu.memref_slice %arg8[%dma_wait3A_72, %dma_wait3A_73] : memref<80032x128xf32, #tpu.memory_space<hbm>> -> memref<40x128xf32, #tpu.memory_space<hbm>>
      %dma_wait3A_75 = arith.constant 0 : i32
      %dma_wait3A_76 = arith.constant 0 : i32
      %dma_wait3A_77 = tpu.memref_slice %arg12[%dma_wait3A_67, %dma_wait3A_75, %dma_wait3A_76] : memref<5x40x128xf32, #tpu.memory_space<vmem>> -> memref<1x40x128xf32, #tpu.memory_space<vmem>>
      %dma_wait3A_78 = tpu.memref_squeeze %dma_wait3A_77 : memref<1x40x128xf32, #tpu.memory_space<vmem>> -> memref<40x128xf32, #tpu.memory_space<vmem>>
      %dma_wait3A_79 = arith.constant 0 : i32
      %dma_wait3A_80 = arith.constant 0 : i32
      %dma_wait3A_81 = tpu.memref_slice %arg8[%dma_wait3A_79, %dma_wait3A_80] : memref<80032x128xf32, #tpu.memory_space<hbm>> -> memref<40x128xf32, #tpu.memory_space<hbm>>
      tpu.wait_dma2 semaphore(%arg19 : memref<!tpu.dma_semaphore, #tpu.memory_space<semaphore_mem>>) src(%dma_wait3A_81 : memref<40x128xf32, #tpu.memory_space<hbm>>) dst(%dma_wait3A_78 : memref<40x128xf32, #tpu.memory_space<vmem>>)
      %dma_wait3A_82 = arith.constant 2 : i32
      %dma_wait3A_83 = arith.constant 0 : i32
      %dma_wait3A_84 = arith.constant 0 : i32
      %dma_wait3A_85 = tpu.memref_slice %arg11[%dma_wait3A_82, %dma_wait3A_83, %dma_wait3A_84] : memref<5x40x128xf32, #tpu.memory_space<vmem>> -> memref<1x40x128xf32, #tpu.memory_space<vmem>>
      %dma_wait3A_86 = tpu.memref_squeeze %dma_wait3A_85 : memref<1x40x128xf32, #tpu.memory_space<vmem>> -> memref<40x128xf32, #tpu.memory_space<vmem>>
      %dma_wait3A_87 = arith.constant 0 : i32
      %dma_wait3A_88 = arith.constant 0 : i32
      %dma_wait3A_89 = tpu.memref_slice %arg7[%dma_wait3A_87, %dma_wait3A_88] : memref<80032x128xf32, #tpu.memory_space<hbm>> -> memref<40x128xf32, #tpu.memory_space<hbm>>
      %dma_wait3A_90 = arith.constant 0 : i32
      %dma_wait3A_91 = arith.constant 0 : i32
      %dma_wait3A_92 = tpu.memref_slice %arg11[%dma_wait3A_82, %dma_wait3A_90, %dma_wait3A_91] : memref<5x40x128xf32, #tpu.memory_space<vmem>> -> memref<1x40x128xf32, #tpu.memory_space<vmem>>
      %dma_wait3A_93 = tpu.memref_squeeze %dma_wait3A_92 : memref<1x40x128xf32, #tpu.memory_space<vmem>> -> memref<40x128xf32, #tpu.memory_space<vmem>>
      %dma_wait3A_94 = arith.constant 0 : i32
      %dma_wait3A_95 = arith.constant 0 : i32
      %dma_wait3A_96 = tpu.memref_slice %arg7[%dma_wait3A_94, %dma_wait3A_95] : memref<80032x128xf32, #tpu.memory_space<hbm>> -> memref<40x128xf32, #tpu.memory_space<hbm>>
      tpu.wait_dma2 semaphore(%arg19 : memref<!tpu.dma_semaphore, #tpu.memory_space<semaphore_mem>>) src(%dma_wait3A_96 : memref<40x128xf32, #tpu.memory_space<hbm>>) dst(%dma_wait3A_93 : memref<40x128xf32, #tpu.memory_space<vmem>>)
      %dma_wait3A_97 = arith.constant 2 : i32
      %dma_wait3A_98 = arith.constant 0 : i32
      %dma_wait3A_99 = arith.constant 0 : i32
      %dma_wait3A_100 = tpu.memref_slice %arg12[%dma_wait3A_97, %dma_wait3A_98, %dma_wait3A_99] : memref<5x40x128xf32, #tpu.memory_space<vmem>> -> memref<1x40x128xf32, #tpu.memory_space<vmem>>
      %dma_wait3A_101 = tpu.memref_squeeze %dma_wait3A_100 : memref<1x40x128xf32, #tpu.memory_space<vmem>> -> memref<40x128xf32, #tpu.memory_space<vmem>>
      %dma_wait3A_102 = arith.constant 0 : i32
      %dma_wait3A_103 = arith.constant 0 : i32
      %dma_wait3A_104 = tpu.memref_slice %arg8[%dma_wait3A_102, %dma_wait3A_103] : memref<80032x128xf32, #tpu.memory_space<hbm>> -> memref<40x128xf32, #tpu.memory_space<hbm>>
      %dma_wait3A_105 = arith.constant 0 : i32
      %dma_wait3A_106 = arith.constant 0 : i32
      %dma_wait3A_107 = tpu.memref_slice %arg12[%dma_wait3A_97, %dma_wait3A_105, %dma_wait3A_106] : memref<5x40x128xf32, #tpu.memory_space<vmem>> -> memref<1x40x128xf32, #tpu.memory_space<vmem>>
      %dma_wait3A_108 = tpu.memref_squeeze %dma_wait3A_107 : memref<1x40x128xf32, #tpu.memory_space<vmem>> -> memref<40x128xf32, #tpu.memory_space<vmem>>
      %dma_wait3A_109 = arith.constant 0 : i32
      %dma_wait3A_110 = arith.constant 0 : i32
      %dma_wait3A_111 = tpu.memref_slice %arg8[%dma_wait3A_109, %dma_wait3A_110] : memref<80032x128xf32, #tpu.memory_space<hbm>> -> memref<40x128xf32, #tpu.memory_space<hbm>>
      tpu.wait_dma2 semaphore(%arg19 : memref<!tpu.dma_semaphore, #tpu.memory_space<semaphore_mem>>) src(%dma_wait3A_111 : memref<40x128xf32, #tpu.memory_space<hbm>>) dst(%dma_wait3A_108 : memref<40x128xf32, #tpu.memory_space<vmem>>)
      %dma_wait3A_112 = arith.constant 3 : i32
      %dma_wait3A_113 = arith.constant 0 : i32
      %dma_wait3A_114 = arith.constant 0 : i32
      %dma_wait3A_115 = tpu.memref_slice %arg11[%dma_wait3A_112, %dma_wait3A_113, %dma_wait3A_114] : memref<5x40x128xf32, #tpu.memory_space<vmem>> -> memref<1x40x128xf32, #tpu.memory_space<vmem>>
      %dma_wait3A_116 = tpu.memref_squeeze %dma_wait3A_115 : memref<1x40x128xf32, #tpu.memory_space<vmem>> -> memref<40x128xf32, #tpu.memory_space<vmem>>
      %dma_wait3A_117 = arith.constant 0 : i32
      %dma_wait3A_118 = arith.constant 0 : i32
      %dma_wait3A_119 = tpu.memref_slice %arg7[%dma_wait3A_117, %dma_wait3A_118] : memref<80032x128xf32, #tpu.memory_space<hbm>> -> memref<40x128xf32, #tpu.memory_space<hbm>>
      %dma_wait3A_120 = arith.constant 0 : i32
      %dma_wait3A_121 = arith.constant 0 : i32
      %dma_wait3A_122 = tpu.memref_slice %arg11[%dma_wait3A_112, %dma_wait3A_120, %dma_wait3A_121] : memref<5x40x128xf32, #tpu.memory_space<vmem>> -> memref<1x40x128xf32, #tpu.memory_space<vmem>>
      %dma_wait3A_123 = tpu.memref_squeeze %dma_wait3A_122 : memref<1x40x128xf32, #tpu.memory_space<vmem>> -> memref<40x128xf32, #tpu.memory_space<vmem>>
      %dma_wait3A_124 = arith.constant 0 : i32
      %dma_wait3A_125 = arith.constant 0 : i32
      %dma_wait3A_126 = tpu.memref_slice %arg7[%dma_wait3A_124, %dma_wait3A_125] : memref<80032x128xf32, #tpu.memory_space<hbm>> -> memref<40x128xf32, #tpu.memory_space<hbm>>
      tpu.wait_dma2 semaphore(%arg19 : memref<!tpu.dma_semaphore, #tpu.memory_space<semaphore_mem>>) src(%dma_wait3A_126 : memref<40x128xf32, #tpu.memory_space<hbm>>) dst(%dma_wait3A_123 : memref<40x128xf32, #tpu.memory_space<vmem>>)
      %dma_wait3A_127 = arith.constant 3 : i32
      %dma_wait3A_128 = arith.constant 0 : i32
      %dma_wait3A_129 = arith.constant 0 : i32
      %dma_wait3A_130 = tpu.memref_slice %arg12[%dma_wait3A_127, %dma_wait3A_128, %dma_wait3A_129] : memref<5x40x128xf32, #tpu.memory_space<vmem>> -> memref<1x40x128xf32, #tpu.memory_space<vmem>>
      %dma_wait3A_131 = tpu.memref_squeeze %dma_wait3A_130 : memref<1x40x128xf32, #tpu.memory_space<vmem>> -> memref<40x128xf32, #tpu.memory_space<vmem>>
      %dma_wait3A_132 = arith.constant 0 : i32
      %dma_wait3A_133 = arith.constant 0 : i32
      %dma_wait3A_134 = tpu.memref_slice %arg8[%dma_wait3A_132, %dma_wait3A_133] : memref<80032x128xf32, #tpu.memory_space<hbm>> -> memref<40x128xf32, #tpu.memory_space<hbm>>
      %dma_wait3A_135 = arith.constant 0 : i32
      %dma_wait3A_136 = arith.constant 0 : i32
      %dma_wait3A_137 = tpu.memref_slice %arg12[%dma_wait3A_127, %dma_wait3A_135, %dma_wait3A_136] : memref<5x40x128xf32, #tpu.memory_space<vmem>> -> memref<1x40x128xf32, #tpu.memory_space<vmem>>
      %dma_wait3A_138 = tpu.memref_squeeze %dma_wait3A_137 : memref<1x40x128xf32, #tpu.memory_space<vmem>> -> memref<40x128xf32, #tpu.memory_space<vmem>>
      %dma_wait3A_139 = arith.constant 0 : i32
      %dma_wait3A_140 = arith.constant 0 : i32
      %dma_wait3A_141 = tpu.memref_slice %arg8[%dma_wait3A_139, %dma_wait3A_140] : memref<80032x128xf32, #tpu.memory_space<hbm>> -> memref<40x128xf32, #tpu.memory_space<hbm>>
      tpu.wait_dma2 semaphore(%arg19 : memref<!tpu.dma_semaphore, #tpu.memory_space<semaphore_mem>>) src(%dma_wait3A_141 : memref<40x128xf32, #tpu.memory_space<hbm>>) dst(%dma_wait3A_138 : memref<40x128xf32, #tpu.memory_space<vmem>>)
      %dma_wait3A_142 = arith.constant 4 : i32
      %dma_wait3A_143 = arith.constant 0 : i32
      %dma_wait3A_144 = arith.constant 0 : i32
      %dma_wait3A_145 = tpu.memref_slice %arg11[%dma_wait3A_142, %dma_wait3A_143, %dma_wait3A_144] : memref<5x40x128xf32, #tpu.memory_space<vmem>> -> memref<1x40x128xf32, #tpu.memory_space<vmem>>
      %dma_wait3A_146 = tpu.memref_squeeze %dma_wait3A_145 : memref<1x40x128xf32, #tpu.memory_space<vmem>> -> memref<40x128xf32, #tpu.memory_space<vmem>>
      %dma_wait3A_147 = arith.constant 0 : i32
      %dma_wait3A_148 = arith.constant 0 : i32
      %dma_wait3A_149 = tpu.memref_slice %arg7[%dma_wait3A_147, %dma_wait3A_148] : memref<80032x128xf32, #tpu.memory_space<hbm>> -> memref<40x128xf32, #tpu.memory_space<hbm>>
      %dma_wait3A_150 = arith.constant 0 : i32
      %dma_wait3A_151 = arith.constant 0 : i32
      %dma_wait3A_152 = tpu.memref_slice %arg11[%dma_wait3A_142, %dma_wait3A_150, %dma_wait3A_151] : memref<5x40x128xf32, #tpu.memory_space<vmem>> -> memref<1x40x128xf32, #tpu.memory_space<vmem>>
      %dma_wait3A_153 = tpu.memref_squeeze %dma_wait3A_152 : memref<1x40x128xf32, #tpu.memory_space<vmem>> -> memref<40x128xf32, #tpu.memory_space<vmem>>
      %dma_wait3A_154 = arith.constant 0 : i32
      %dma_wait3A_155 = arith.constant 0 : i32
      %dma_wait3A_156 = tpu.memref_slice %arg7[%dma_wait3A_154, %dma_wait3A_155] : memref<80032x128xf32, #tpu.memory_space<hbm>> -> memref<40x128xf32, #tpu.memory_space<hbm>>
      tpu.wait_dma2 semaphore(%arg19 : memref<!tpu.dma_semaphore, #tpu.memory_space<semaphore_mem>>) src(%dma_wait3A_156 : memref<40x128xf32, #tpu.memory_space<hbm>>) dst(%dma_wait3A_153 : memref<40x128xf32, #tpu.memory_space<vmem>>)
      %dma_wait3A_157 = arith.constant 4 : i32
      %dma_wait3A_158 = arith.constant 0 : i32
      %dma_wait3A_159 = arith.constant 0 : i32
      %dma_wait3A_160 = tpu.memref_slice %arg12[%dma_wait3A_157, %dma_wait3A_158, %dma_wait3A_159] : memref<5x40x128xf32, #tpu.memory_space<vmem>> -> memref<1x40x128xf32, #tpu.memory_space<vmem>>
      %dma_wait3A_161 = tpu.memref_squeeze %dma_wait3A_160 : memref<1x40x128xf32, #tpu.memory_space<vmem>> -> memref<40x128xf32, #tpu.memory_space<vmem>>
      %dma_wait3A_162 = arith.constant 0 : i32
      %dma_wait3A_163 = arith.constant 0 : i32
      %dma_wait3A_164 = tpu.memref_slice %arg8[%dma_wait3A_162, %dma_wait3A_163] : memref<80032x128xf32, #tpu.memory_space<hbm>> -> memref<40x128xf32, #tpu.memory_space<hbm>>
      %dma_wait3A_165 = arith.constant 0 : i32
      %dma_wait3A_166 = arith.constant 0 : i32
      %dma_wait3A_167 = tpu.memref_slice %arg12[%dma_wait3A_157, %dma_wait3A_165, %dma_wait3A_166] : memref<5x40x128xf32, #tpu.memory_space<vmem>> -> memref<1x40x128xf32, #tpu.memory_space<vmem>>
      %dma_wait3A_168 = tpu.memref_squeeze %dma_wait3A_167 : memref<1x40x128xf32, #tpu.memory_space<vmem>> -> memref<40x128xf32, #tpu.memory_space<vmem>>
      %dma_wait3A_169 = arith.constant 0 : i32
      %dma_wait3A_170 = arith.constant 0 : i32
      %dma_wait3A_171 = tpu.memref_slice %arg8[%dma_wait3A_169, %dma_wait3A_170] : memref<80032x128xf32, #tpu.memory_space<hbm>> -> memref<40x128xf32, #tpu.memory_space<hbm>>
      tpu.wait_dma2 semaphore(%arg19 : memref<!tpu.dma_semaphore, #tpu.memory_space<semaphore_mem>>) src(%dma_wait3A_171 : memref<40x128xf32, #tpu.memory_space<hbm>>) dst(%dma_wait3A_168 : memref<40x128xf32, #tpu.memory_space<vmem>>)
    } else {
    }
    %eq3A = arith.constant 20 : i32
    %eq3A_3 = arith.cmpi eq, %add3A, %eq3A : i32
    %convert_element_type3A_4 = arith.extui %eq3A_3 : i1 to i32
    %cond3A_5 = arith.constant 0 : i32
    %cond3A_6 = arith.cmpi ne, %convert_element_type3A_4, %cond3A_5 : i32
    scf.if %cond3A_6 {
      "tpu.region"() ({
        %run_scoped3A = tpu.sem_alloc : memref<!tpu.dma_semaphore, #tpu.memory_space<semaphore_mem>>
        %dma_start3A_22 = arith.constant 80000 : i32
        %dma_start3A_23 = tpu.memref_slice %arg4[%dma_start3A_22] : memref<160000xi32, #tpu.memory_space<hbm>> -> memref<16xi32, #tpu.memory_space<hbm>>
        %dma_start3A_24 = arith.constant 80000 : i32
        %dma_start3A_25 = tpu.memref_slice %arg4[%dma_start3A_24] : memref<160000xi32, #tpu.memory_space<hbm>> -> memref<16xi32, #tpu.memory_space<hbm>>
        tpu.enqueue_dma source(%dma_start3A_25 : memref<16xi32, #tpu.memory_space<hbm>>) target(%arg13 : memref<16xi32, #tpu.memory_space<vmem>>) target_semaphore(%run_scoped3A : memref<!tpu.dma_semaphore, #tpu.memory_space<semaphore_mem>>)
        %dma_wait3A_26 = arith.constant 80000 : i32
        %dma_wait3A_27 = tpu.memref_slice %arg4[%dma_wait3A_26] : memref<160000xi32, #tpu.memory_space<hbm>> -> memref<16xi32, #tpu.memory_space<hbm>>
        %dma_wait3A_28 = arith.constant 80000 : i32
        %dma_wait3A_29 = tpu.memref_slice %arg4[%dma_wait3A_28] : memref<160000xi32, #tpu.memory_space<hbm>> -> memref<16xi32, #tpu.memory_space<hbm>>
        tpu.wait_dma2 semaphore(%run_scoped3A : memref<!tpu.dma_semaphore, #tpu.memory_space<semaphore_mem>>) src(%dma_wait3A_29 : memref<16xi32, #tpu.memory_space<hbm>>) dst(%arg13 : memref<16xi32, #tpu.memory_space<vmem>>)
        tpu.yield
      }) : () -> ()
      "tpu.region"() ({
        %run_scoped3A = tpu.sem_alloc : memref<!tpu.dma_semaphore, #tpu.memory_space<semaphore_mem>>
        %dma_start3A_22 = arith.constant 80000 : i32
        %dma_start3A_23 = tpu.memref_slice %arg5[%dma_start3A_22] : memref<160000xi32, #tpu.memory_space<hbm>> -> memref<16xi32, #tpu.memory_space<hbm>>
        %dma_start3A_24 = arith.constant 80000 : i32
        %dma_start3A_25 = tpu.memref_slice %arg5[%dma_start3A_24] : memref<160000xi32, #tpu.memory_space<hbm>> -> memref<16xi32, #tpu.memory_space<hbm>>
        tpu.enqueue_dma source(%dma_start3A_25 : memref<16xi32, #tpu.memory_space<hbm>>) target(%arg14 : memref<16xi32, #tpu.memory_space<vmem>>) target_semaphore(%run_scoped3A : memref<!tpu.dma_semaphore, #tpu.memory_space<semaphore_mem>>)
        %dma_wait3A_26 = arith.constant 80000 : i32
        %dma_wait3A_27 = tpu.memref_slice %arg5[%dma_wait3A_26] : memref<160000xi32, #tpu.memory_space<hbm>> -> memref<16xi32, #tpu.memory_space<hbm>>
        %dma_wait3A_28 = arith.constant 80000 : i32
        %dma_wait3A_29 = tpu.memref_slice %arg5[%dma_wait3A_28] : memref<160000xi32, #tpu.memory_space<hbm>> -> memref<16xi32, #tpu.memory_space<hbm>>
        tpu.wait_dma2 semaphore(%run_scoped3A : memref<!tpu.dma_semaphore, #tpu.memory_space<semaphore_mem>>) src(%dma_wait3A_29 : memref<16xi32, #tpu.memory_space<hbm>>) dst(%arg14 : memref<16xi32, #tpu.memory_space<vmem>>)
        tpu.yield
      }) : () -> ()
      %dma_start3A = arith.constant 0 : i32
      %dma_start3A_12 = arith.constant 0 : i32
      %dma_start3A_13 = tpu.memref_slice %arg2[%dma_start3A, %dma_start3A_12] : memref<10000x128xf32, #tpu.memory_space<hbm>> -> memref<10000x128xf32, #tpu.memory_space<hbm>>
      tpu.enqueue_indirect_dma source(%dma_start3A_13 : memref<10000x128xf32, #tpu.memory_space<hbm>>) target(%arg15 : memref<16x128xf32, #tpu.memory_space<vmem>>) offsets(%arg13 : memref<16xi32, #tpu.memory_space<vmem>>) semaphore(%arg18 : memref<!tpu.dma_semaphore, #tpu.memory_space<semaphore_mem>>)
      %dma_start3A_14 = arith.constant 0 : i32
      %dma_start3A_15 = arith.constant 0 : i32
      %dma_start3A_16 = tpu.memref_slice %arg3[%dma_start3A_14, %dma_start3A_15] : memref<10000x128xf32, #tpu.memory_space<hbm>> -> memref<10000x128xf32, #tpu.memory_space<hbm>>
      tpu.enqueue_indirect_dma source(%dma_start3A_16 : memref<10000x128xf32, #tpu.memory_space<hbm>>) target(%arg16 : memref<16x128xf32, #tpu.memory_space<vmem>>) offsets(%arg14 : memref<16xi32, #tpu.memory_space<vmem>>) semaphore(%arg18 : memref<!tpu.dma_semaphore, #tpu.memory_space<semaphore_mem>>)
      %dma_wait3A = arith.constant 0 : i32
      %dma_wait3A_17 = arith.constant 0 : i32
      %dma_wait3A_18 = tpu.memref_slice %arg2[%dma_wait3A, %dma_wait3A_17] : memref<10000x128xf32, #tpu.memory_space<hbm>> -> memref<10000x128xf32, #tpu.memory_space<hbm>>
      tpu.wait_indirect_dma semaphore(%arg18 : memref<!tpu.dma_semaphore, #tpu.memory_space<semaphore_mem>>) src(%dma_wait3A_18 : memref<10000x128xf32, #tpu.memory_space<hbm>>) dst(%arg15 : memref<16x128xf32, #tpu.memory_space<vmem>>)
      %dma_wait3A_19 = arith.constant 0 : i32
      %dma_wait3A_20 = arith.constant 0 : i32
      %dma_wait3A_21 = tpu.memref_slice %arg3[%dma_wait3A_19, %dma_wait3A_20] : memref<10000x128xf32, #tpu.memory_space<hbm>> -> memref<10000x128xf32, #tpu.memory_space<hbm>>
      tpu.wait_indirect_dma semaphore(%arg18 : memref<!tpu.dma_semaphore, #tpu.memory_space<semaphore_mem>>) src(%dma_wait3A_21 : memref<10000x128xf32, #tpu.memory_space<hbm>>) dst(%arg16 : memref<16x128xf32, #tpu.memory_space<vmem>>)
      "tpu.region"() ({
        %run_scoped3A = tpu.sem_alloc : memref<!tpu.dma_semaphore, #tpu.memory_space<semaphore_mem>>
        %dma_start3A_22 = arith.constant 80016 : i32
        %dma_start3A_23 = arith.constant 0 : i32
        %dma_start3A_24 = tpu.memref_slice %arg7[%dma_start3A_22, %dma_start3A_23] : memref<80032x128xf32, #tpu.memory_space<hbm>> -> memref<16x128xf32, #tpu.memory_space<hbm>>
        %dma_start3A_25 = arith.constant 80016 : i32
        %dma_start3A_26 = arith.constant 0 : i32
        %dma_start3A_27 = tpu.memref_slice %arg7[%dma_start3A_25, %dma_start3A_26] : memref<80032x128xf32, #tpu.memory_space<hbm>> -> memref<16x128xf32, #tpu.memory_space<hbm>>
        tpu.enqueue_dma source(%arg15 : memref<16x128xf32, #tpu.memory_space<vmem>>) target(%dma_start3A_27 : memref<16x128xf32, #tpu.memory_space<hbm>>) target_semaphore(%run_scoped3A : memref<!tpu.dma_semaphore, #tpu.memory_space<semaphore_mem>>)
        %dma_wait3A_28 = arith.constant 80016 : i32
        %dma_wait3A_29 = arith.constant 0 : i32
        %dma_wait3A_30 = tpu.memref_slice %arg7[%dma_wait3A_28, %dma_wait3A_29] : memref<80032x128xf32, #tpu.memory_space<hbm>> -> memref<16x128xf32, #tpu.memory_space<hbm>>
        %dma_wait3A_31 = arith.constant 80016 : i32
        %dma_wait3A_32 = arith.constant 0 : i32
        %dma_wait3A_33 = tpu.memref_slice %arg7[%dma_wait3A_31, %dma_wait3A_32] : memref<80032x128xf32, #tpu.memory_space<hbm>> -> memref<16x128xf32, #tpu.memory_space<hbm>>
        tpu.wait_dma2 semaphore(%run_scoped3A : memref<!tpu.dma_semaphore, #tpu.memory_space<semaphore_mem>>) src(%arg15 : memref<16x128xf32, #tpu.memory_space<vmem>>) dst(%dma_wait3A_33 : memref<16x128xf32, #tpu.memory_space<hbm>>)
        tpu.yield
      }) : () -> ()
      "tpu.region"() ({
        %run_scoped3A = tpu.sem_alloc : memref<!tpu.dma_semaphore, #tpu.memory_space<semaphore_mem>>
        %dma_start3A_22 = arith.constant 80016 : i32
        %dma_start3A_23 = arith.constant 0 : i32
        %dma_start3A_24 = tpu.memref_slice %arg8[%dma_start3A_22, %dma_start3A_23] : memref<80032x128xf32, #tpu.memory_space<hbm>> -> memref<16x128xf32, #tpu.memory_space<hbm>>
        %dma_start3A_25 = arith.constant 80016 : i32
        %dma_start3A_26 = arith.constant 0 : i32
        %dma_start3A_27 = tpu.memref_slice %arg8[%dma_start3A_25, %dma_start3A_26] : memref<80032x128xf32, #tpu.memory_space<hbm>> -> memref<16x128xf32, #tpu.memory_space<hbm>>
        tpu.enqueue_dma source(%arg16 : memref<16x128xf32, #tpu.memory_space<vmem>>) target(%dma_start3A_27 : memref<16x128xf32, #tpu.memory_space<hbm>>) target_semaphore(%run_scoped3A : memref<!tpu.dma_semaphore, #tpu.memory_space<semaphore_mem>>)
        %dma_wait3A_28 = arith.constant 80016 : i32
        %dma_wait3A_29 = arith.constant 0 : i32
        %dma_wait3A_30 = tpu.memref_slice %arg8[%dma_wait3A_28, %dma_wait3A_29] : memref<80032x128xf32, #tpu.memory_space<hbm>> -> memref<16x128xf32, #tpu.memory_space<hbm>>
        %dma_wait3A_31 = arith.constant 80016 : i32
        %dma_wait3A_32 = arith.constant 0 : i32
        %dma_wait3A_33 = tpu.memref_slice %arg8[%dma_wait3A_31, %dma_wait3A_32] : memref<80032x128xf32, #tpu.memory_space<hbm>> -> memref<16x128xf32, #tpu.memory_space<hbm>>
        tpu.wait_dma2 semaphore(%run_scoped3A : memref<!tpu.dma_semaphore, #tpu.memory_space<semaphore_mem>>) src(%arg16 : memref<16x128xf32, #tpu.memory_space<vmem>>) dst(%dma_wait3A_33 : memref<16x128xf32, #tpu.memory_space<hbm>>)
        tpu.yield
      }) : () -> ()
    } else {
    }
    %eq3A_7 = arith.constant 21 : i32
    %eq3A_8 = arith.cmpi eq, %add3A, %eq3A_7 : i32
    %convert_element_type3A_9 = arith.extui %eq3A_8 : i1 to i32
    %cond3A_10 = arith.constant 0 : i32
    %cond3A_11 = arith.cmpi ne, %convert_element_type3A_9, %cond3A_10 : i32
    scf.if %cond3A_11 {
      "tpu.region"() ({
        %run_scoped3A = tpu.sem_alloc : memref<!tpu.dma_semaphore, #tpu.memory_space<semaphore_mem>>
        tpu.enqueue_dma source(%arg6 : memref<16x128xf32, #tpu.memory_space<hbm>>) target(%arg17 : memref<16x128xf32, #tpu.memory_space<vmem>>) target_semaphore(%run_scoped3A : memref<!tpu.dma_semaphore, #tpu.memory_space<semaphore_mem>>)
        tpu.wait_dma2 semaphore(%run_scoped3A : memref<!tpu.dma_semaphore, #tpu.memory_space<semaphore_mem>>) src(%arg6 : memref<16x128xf32, #tpu.memory_space<hbm>>) dst(%arg17 : memref<16x128xf32, #tpu.memory_space<vmem>>)
        tpu.yield
      }) : () -> ()
      "tpu.region"() ({
        %run_scoped3A = tpu.sem_alloc : memref<!tpu.dma_semaphore, #tpu.memory_space<semaphore_mem>>
        %dma_start3A = arith.constant 0 : i32
        %dma_start3A_12 = arith.constant 0 : i32
        %dma_start3A_13 = tpu.memref_slice %arg7[%dma_start3A, %dma_start3A_12] : memref<80032x128xf32, #tpu.memory_space<hbm>> -> memref<16x128xf32, #tpu.memory_space<hbm>>
        %dma_start3A_14 = arith.constant 0 : i32
        %dma_start3A_15 = arith.constant 0 : i32
        %dma_start3A_16 = tpu.memref_slice %arg7[%dma_start3A_14, %dma_start3A_15] : memref<80032x128xf32, #tpu.memory_space<hbm>> -> memref<16x128xf32, #tpu.memory_space<hbm>>
        tpu.enqueue_dma source(%arg17 : memref<16x128xf32, #tpu.memory_space<vmem>>) target(%dma_start3A_16 : memref<16x128xf32, #tpu.memory_space<hbm>>) target_semaphore(%run_scoped3A : memref<!tpu.dma_semaphore, #tpu.memory_space<semaphore_mem>>)
        %dma_wait3A = arith.constant 0 : i32
        %dma_wait3A_17 = arith.constant 0 : i32
        %dma_wait3A_18 = tpu.memref_slice %arg7[%dma_wait3A, %dma_wait3A_17] : memref<80032x128xf32, #tpu.memory_space<hbm>> -> memref<16x128xf32, #tpu.memory_space<hbm>>
        %dma_wait3A_19 = arith.constant 0 : i32
        %dma_wait3A_20 = arith.constant 0 : i32
        %dma_wait3A_21 = tpu.memref_slice %arg7[%dma_wait3A_19, %dma_wait3A_20] : memref<80032x128xf32, #tpu.memory_space<hbm>> -> memref<16x128xf32, #tpu.memory_space<hbm>>
        tpu.wait_dma2 semaphore(%run_scoped3A : memref<!tpu.dma_semaphore, #tpu.memory_space<semaphore_mem>>) src(%arg17 : memref<16x128xf32, #tpu.memory_space<vmem>>) dst(%dma_wait3A_21 : memref<16x128xf32, #tpu.memory_space<hbm>>)
        tpu.yield
      }) : () -> ()
      "tpu.region"() ({
        %run_scoped3A = tpu.sem_alloc : memref<!tpu.dma_semaphore, #tpu.memory_space<semaphore_mem>>
        %dma_start3A = arith.constant 0 : i32
        %dma_start3A_12 = arith.constant 0 : i32
        %dma_start3A_13 = tpu.memref_slice %arg8[%dma_start3A, %dma_start3A_12] : memref<80032x128xf32, #tpu.memory_space<hbm>> -> memref<16x128xf32, #tpu.memory_space<hbm>>
        %dma_start3A_14 = arith.constant 0 : i32
        %dma_start3A_15 = arith.constant 0 : i32
        %dma_start3A_16 = tpu.memref_slice %arg8[%dma_start3A_14, %dma_start3A_15] : memref<80032x128xf32, #tpu.memory_space<hbm>> -> memref<16x128xf32, #tpu.memory_space<hbm>>
        tpu.enqueue_dma source(%arg17 : memref<16x128xf32, #tpu.memory_space<vmem>>) target(%dma_start3A_16 : memref<16x128xf32, #tpu.memory_space<hbm>>) target_semaphore(%run_scoped3A : memref<!tpu.dma_semaphore, #tpu.memory_space<semaphore_mem>>)
        %dma_wait3A = arith.constant 0 : i32
        %dma_wait3A_17 = arith.constant 0 : i32
        %dma_wait3A_18 = tpu.memref_slice %arg8[%dma_wait3A, %dma_wait3A_17] : memref<80032x128xf32, #tpu.memory_space<hbm>> -> memref<16x128xf32, #tpu.memory_space<hbm>>
        %dma_wait3A_19 = arith.constant 0 : i32
        %dma_wait3A_20 = arith.constant 0 : i32
        %dma_wait3A_21 = tpu.memref_slice %arg8[%dma_wait3A_19, %dma_wait3A_20] : memref<80032x128xf32, #tpu.memory_space<hbm>> -> memref<16x128xf32, #tpu.memory_space<hbm>>
        tpu.wait_dma2 semaphore(%run_scoped3A : memref<!tpu.dma_semaphore, #tpu.memory_space<semaphore_mem>>) src(%arg17 : memref<16x128xf32, #tpu.memory_space<vmem>>) dst(%dma_wait3A_21 : memref<16x128xf32, #tpu.memory_space<hbm>>)
        tpu.yield
      }) : () -> ()
    } else {
    }
    return
  }
}

#map = affine_map<(d0, d1) -> (0, 0)>
#map1 = affine_map<(d0, d1) -> (0)>
module attributes {stable_mosaic.version = 14 : i64} {
  func.func @body(%arg0: i32, %arg1: i32, %arg2: memref<10000x128xf32, #tpu.memory_space<hbm>>, %arg3: memref<10000x128xf32, #tpu.memory_space<hbm>>, %arg4: memref<160000xi32, #tpu.memory_space<hbm>>, %arg5: memref<160000xi32, #tpu.memory_space<hbm>>, %arg6: memref<16x128xf32, #tpu.memory_space<hbm>>, %arg7: memref<80032x128xf32, #tpu.memory_space<hbm>>, %arg8: memref<80032x128xf32, #tpu.memory_space<hbm>>, %arg9: memref<4000xi32, #tpu.memory_space<vmem>>, %arg10: memref<4000xi32, #tpu.memory_space<vmem>>, %arg11: memref<5x40x128xf32, #tpu.memory_space<vmem>>, %arg12: memref<5x40x128xf32, #tpu.memory_space<vmem>>, %arg13: memref<16xi32, #tpu.memory_space<vmem>>, %arg14: memref<16xi32, #tpu.memory_space<vmem>>, %arg15: memref<16x128xf32, #tpu.memory_space<vmem>>, %arg16: memref<16x128xf32, #tpu.memory_space<vmem>>, %arg17: memref<16x128xf32, #tpu.memory_space<vmem>>, %arg18: memref<!tpu.dma_semaphore, #tpu.memory_space<semaphore_mem>>, %arg19: memref<!tpu.dma_semaphore, #tpu.memory_space<semaphore_mem>>) attributes {dimension_semantics = [#tpu.dimension_semantics<core_parallel>, #tpu.dimension_semantics<subcore_parallel>], iteration_bounds = array<i64: 2, 16>, scalar_prefetch = 0 : i64, scratch_operands = 11 : i64, tpu.core_type = #tpu.core_type<sc_vector_subcore>, window_params = [{transform_indices = #map}, {transform_indices = #map}, {transform_indices = #map1}, {transform_indices = #map1}, {transform_indices = #map}, {transform_indices = #map}, {transform_indices = #map}]} {
    %mul3A = arith.constant 2 : i32
    %mul3A_0 = arith.muli %arg1, %mul3A : i32
    %add3A = arith.addi %mul3A_0, %arg0 : i32
    %lt3A = arith.constant 20 : i32
    %lt3A_1 = arith.cmpi slt, %add3A, %lt3A : i32
    %convert_element_type3A = arith.extui %lt3A_1 : i1 to i32
    %cond3A = arith.constant 0 : i32
    %cond3A_2 = arith.cmpi ne, %convert_element_type3A, %cond3A : i32
    scf.if %cond3A_2 {
      %mul3A_12 = arith.constant 4000 : i32
      %mul3A_13 = arith.muli %add3A, %mul3A_12 : i32
      %add3A_14 = arith.constant 80000 : i32
      %add3A_15 = arith.addi %add3A_14, %mul3A_13 : i32
      "tpu.region"() ({
        %run_scoped3A = tpu.sem_alloc : memref<!tpu.dma_semaphore, #tpu.memory_space<semaphore_mem>>
        %dma_start3A = tpu.memref_slice %arg4[%add3A_15] : memref<160000xi32, #tpu.memory_space<hbm>> -> memref<4000xi32, #tpu.memory_space<hbm>>
        %dma_start3A_172 = tpu.memref_slice %arg4[%add3A_15] : memref<160000xi32, #tpu.memory_space<hbm>> -> memref<4000xi32, #tpu.memory_space<hbm>>
        tpu.enqueue_dma source(%dma_start3A_172 : memref<4000xi32, #tpu.memory_space<hbm>>) target(%arg9 : memref<4000xi32, #tpu.memory_space<vmem>>) target_semaphore(%run_scoped3A : memref<!tpu.dma_semaphore, #tpu.memory_space<semaphore_mem>>)
        %dma_wait3A_173 = tpu.memref_slice %arg4[%add3A_15] : memref<160000xi32, #tpu.memory_space<hbm>> -> memref<4000xi32, #tpu.memory_space<hbm>>
        %dma_wait3A_174 = tpu.memref_slice %arg4[%add3A_15] : memref<160000xi32, #tpu.memory_space<hbm>> -> memref<4000xi32, #tpu.memory_space<hbm>>
        tpu.wait_dma2 semaphore(%run_scoped3A : memref<!tpu.dma_semaphore, #tpu.memory_space<semaphore_mem>>) src(%dma_wait3A_174 : memref<4000xi32, #tpu.memory_space<hbm>>) dst(%arg9 : memref<4000xi32, #tpu.memory_space<vmem>>)
        tpu.yield
      }) : () -> ()
      %add3A_16 = arith.constant 80000 : i32
      %add3A_17 = arith.addi %add3A_16, %mul3A_13 : i32
      "tpu.region"() ({
        %run_scoped3A = tpu.sem_alloc : memref<!tpu.dma_semaphore, #tpu.memory_space<semaphore_mem>>
        %dma_start3A = tpu.memref_slice %arg5[%add3A_17] : memref<160000xi32, #tpu.memory_space<hbm>> -> memref<4000xi32, #tpu.memory_space<hbm>>
        %dma_start3A_172 = tpu.memref_slice %arg5[%add3A_17] : memref<160000xi32, #tpu.memory_space<hbm>> -> memref<4000xi32, #tpu.memory_space<hbm>>
        tpu.enqueue_dma source(%dma_start3A_172 : memref<4000xi32, #tpu.memory_space<hbm>>) target(%arg10 : memref<4000xi32, #tpu.memory_space<vmem>>) target_semaphore(%run_scoped3A : memref<!tpu.dma_semaphore, #tpu.memory_space<semaphore_mem>>)
        %dma_wait3A_173 = tpu.memref_slice %arg5[%add3A_17] : memref<160000xi32, #tpu.memory_space<hbm>> -> memref<4000xi32, #tpu.memory_space<hbm>>
        %dma_wait3A_174 = tpu.memref_slice %arg5[%add3A_17] : memref<160000xi32, #tpu.memory_space<hbm>> -> memref<4000xi32, #tpu.memory_space<hbm>>
        tpu.wait_dma2 semaphore(%run_scoped3A : memref<!tpu.dma_semaphore, #tpu.memory_space<semaphore_mem>>) src(%dma_wait3A_174 : memref<4000xi32, #tpu.memory_space<hbm>>) dst(%arg10 : memref<4000xi32, #tpu.memory_space<vmem>>)
        tpu.yield
      }) : () -> ()
      %scan3A = arith.constant 0 : i32
      %scan3A_18 = arith.constant 0 : i32
      %scan3A_19 = arith.constant 20 : i32
      %scan3A_20 = arith.addi %scan3A_18, %scan3A_19 : i32
      %scan3A_21 = arith.constant 1 : i32
      scf.for %scan3A_172 = %scan3A_18 to %scan3A_20 step %scan3A_21  : i32 {
        %gt3A = arith.constant 0 : i32
        %gt3A_173 = arith.cmpi sgt, %scan3A_172, %gt3A : i32
        %convert_element_type3A_174 = arith.extui %gt3A_173 : i1 to i32
        %cond3A_175 = arith.constant 0 : i32
        %cond3A_176 = arith.cmpi ne, %convert_element_type3A_174, %cond3A_175 : i32
        scf.if %cond3A_176 {
          %dma_wait3A_561 = arith.constant 0 : i32
          %dma_wait3A_562 = arith.constant 0 : i32
          %dma_wait3A_563 = arith.constant 0 : i32
          %dma_wait3A_564 = tpu.memref_slice %arg11[%dma_wait3A_561, %dma_wait3A_562, %dma_wait3A_563] : memref<5x40x128xf32, #tpu.memory_space<vmem>> -> memref<1x40x128xf32, #tpu.memory_space<vmem>>
          %dma_wait3A_565 = tpu.memref_squeeze %dma_wait3A_564 : memref<1x40x128xf32, #tpu.memory_space<vmem>> -> memref<40x128xf32, #tpu.memory_space<vmem>>
          %dma_wait3A_566 = arith.constant 0 : i32
          %dma_wait3A_567 = arith.constant 0 : i32
          %dma_wait3A_568 = tpu.memref_slice %arg7[%dma_wait3A_566, %dma_wait3A_567] : memref<80032x128xf32, #tpu.memory_space<hbm>> -> memref<40x128xf32, #tpu.memory_space<hbm>>
          %dma_wait3A_569 = arith.constant 0 : i32
          %dma_wait3A_570 = arith.constant 0 : i32
          %dma_wait3A_571 = tpu.memref_slice %arg11[%dma_wait3A_561, %dma_wait3A_569, %dma_wait3A_570] : memref<5x40x128xf32, #tpu.memory_space<vmem>> -> memref<1x40x128xf32, #tpu.memory_space<vmem>>
          %dma_wait3A_572 = tpu.memref_squeeze %dma_wait3A_571 : memref<1x40x128xf32, #tpu.memory_space<vmem>> -> memref<40x128xf32, #tpu.memory_space<vmem>>
          %dma_wait3A_573 = arith.constant 0 : i32
          %dma_wait3A_574 = arith.constant 0 : i32
          %dma_wait3A_575 = tpu.memref_slice %arg7[%dma_wait3A_573, %dma_wait3A_574] : memref<80032x128xf32, #tpu.memory_space<hbm>> -> memref<40x128xf32, #tpu.memory_space<hbm>>
          tpu.wait_dma2 semaphore(%arg19 : memref<!tpu.dma_semaphore, #tpu.memory_space<semaphore_mem>>) src(%dma_wait3A_575 : memref<40x128xf32, #tpu.memory_space<hbm>>) dst(%dma_wait3A_572 : memref<40x128xf32, #tpu.memory_space<vmem>>)
          %dma_wait3A_576 = arith.constant 0 : i32
          %dma_wait3A_577 = arith.constant 0 : i32
          %dma_wait3A_578 = arith.constant 0 : i32
          %dma_wait3A_579 = tpu.memref_slice %arg12[%dma_wait3A_576, %dma_wait3A_577, %dma_wait3A_578] : memref<5x40x128xf32, #tpu.memory_space<vmem>> -> memref<1x40x128xf32, #tpu.memory_space<vmem>>
          %dma_wait3A_580 = tpu.memref_squeeze %dma_wait3A_579 : memref<1x40x128xf32, #tpu.memory_space<vmem>> -> memref<40x128xf32, #tpu.memory_space<vmem>>
          %dma_wait3A_581 = arith.constant 0 : i32
          %dma_wait3A_582 = arith.constant 0 : i32
          %dma_wait3A_583 = tpu.memref_slice %arg8[%dma_wait3A_581, %dma_wait3A_582] : memref<80032x128xf32, #tpu.memory_space<hbm>> -> memref<40x128xf32, #tpu.memory_space<hbm>>
          %dma_wait3A_584 = arith.constant 0 : i32
          %dma_wait3A_585 = arith.constant 0 : i32
          %dma_wait3A_586 = tpu.memref_slice %arg12[%dma_wait3A_576, %dma_wait3A_584, %dma_wait3A_585] : memref<5x40x128xf32, #tpu.memory_space<vmem>> -> memref<1x40x128xf32, #tpu.memory_space<vmem>>
          %dma_wait3A_587 = tpu.memref_squeeze %dma_wait3A_586 : memref<1x40x128xf32, #tpu.memory_space<vmem>> -> memref<40x128xf32, #tpu.memory_space<vmem>>
          %dma_wait3A_588 = arith.constant 0 : i32
          %dma_wait3A_589 = arith.constant 0 : i32
          %dma_wait3A_590 = tpu.memref_slice %arg8[%dma_wait3A_588, %dma_wait3A_589] : memref<80032x128xf32, #tpu.memory_space<hbm>> -> memref<40x128xf32, #tpu.memory_space<hbm>>
          tpu.wait_dma2 semaphore(%arg19 : memref<!tpu.dma_semaphore, #tpu.memory_space<semaphore_mem>>) src(%dma_wait3A_590 : memref<40x128xf32, #tpu.memory_space<hbm>>) dst(%dma_wait3A_587 : memref<40x128xf32, #tpu.memory_space<vmem>>)
          %dma_wait3A_591 = arith.constant 1 : i32
          %dma_wait3A_592 = arith.constant 0 : i32
          %dma_wait3A_593 = arith.constant 0 : i32
          %dma_wait3A_594 = tpu.memref_slice %arg11[%dma_wait3A_591, %dma_wait3A_592, %dma_wait3A_593] : memref<5x40x128xf32, #tpu.memory_space<vmem>> -> memref<1x40x128xf32, #tpu.memory_space<vmem>>
          %dma_wait3A_595 = tpu.memref_squeeze %dma_wait3A_594 : memref<1x40x128xf32, #tpu.memory_space<vmem>> -> memref<40x128xf32, #tpu.memory_space<vmem>>
          %dma_wait3A_596 = arith.constant 0 : i32
          %dma_wait3A_597 = arith.constant 0 : i32
          %dma_wait3A_598 = tpu.memref_slice %arg7[%dma_wait3A_596, %dma_wait3A_597] : memref<80032x128xf32, #tpu.memory_space<hbm>> -> memref<40x128xf32, #tpu.memory_space<hbm>>
          %dma_wait3A_599 = arith.constant 0 : i32
          %dma_wait3A_600 = arith.constant 0 : i32
          %dma_wait3A_601 = tpu.memref_slice %arg11[%dma_wait3A_591, %dma_wait3A_599, %dma_wait3A_600] : memref<5x40x128xf32, #tpu.memory_space<vmem>> -> memref<1x40x128xf32, #tpu.memory_space<vmem>>
          %dma_wait3A_602 = tpu.memref_squeeze %dma_wait3A_601 : memref<1x40x128xf32, #tpu.memory_space<vmem>> -> memref<40x128xf32, #tpu.memory_space<vmem>>
          %dma_wait3A_603 = arith.constant 0 : i32
          %dma_wait3A_604 = arith.constant 0 : i32
          %dma_wait3A_605 = tpu.memref_slice %arg7[%dma_wait3A_603, %dma_wait3A_604] : memref<80032x128xf32, #tpu.memory_space<hbm>> -> memref<40x128xf32, #tpu.memory_space<hbm>>
          tpu.wait_dma2 semaphore(%arg19 : memref<!tpu.dma_semaphore, #tpu.memory_space<semaphore_mem>>) src(%dma_wait3A_605 : memref<40x128xf32, #tpu.memory_space<hbm>>) dst(%dma_wait3A_602 : memref<40x128xf32, #tpu.memory_space<vmem>>)
          %dma_wait3A_606 = arith.constant 1 : i32
          %dma_wait3A_607 = arith.constant 0 : i32
          %dma_wait3A_608 = arith.constant 0 : i32
          %dma_wait3A_609 = tpu.memref_slice %arg12[%dma_wait3A_606, %dma_wait3A_607, %dma_wait3A_608] : memref<5x40x128xf32, #tpu.memory_space<vmem>> -> memref<1x40x128xf32, #tpu.memory_space<vmem>>
          %dma_wait3A_610 = tpu.memref_squeeze %dma_wait3A_609 : memref<1x40x128xf32, #tpu.memory_space<vmem>> -> memref<40x128xf32, #tpu.memory_space<vmem>>
          %dma_wait3A_611 = arith.constant 0 : i32
          %dma_wait3A_612 = arith.constant 0 : i32
          %dma_wait3A_613 = tpu.memref_slice %arg8[%dma_wait3A_611, %dma_wait3A_612] : memref<80032x128xf32, #tpu.memory_space<hbm>> -> memref<40x128xf32, #tpu.memory_space<hbm>>
          %dma_wait3A_614 = arith.constant 0 : i32
          %dma_wait3A_615 = arith.constant 0 : i32
          %dma_wait3A_616 = tpu.memref_slice %arg12[%dma_wait3A_606, %dma_wait3A_614, %dma_wait3A_615] : memref<5x40x128xf32, #tpu.memory_space<vmem>> -> memref<1x40x128xf32, #tpu.memory_space<vmem>>
          %dma_wait3A_617 = tpu.memref_squeeze %dma_wait3A_616 : memref<1x40x128xf32, #tpu.memory_space<vmem>> -> memref<40x128xf32, #tpu.memory_space<vmem>>
          %dma_wait3A_618 = arith.constant 0 : i32
          %dma_wait3A_619 = arith.constant 0 : i32
          %dma_wait3A_620 = tpu.memref_slice %arg8[%dma_wait3A_618, %dma_wait3A_619] : memref<80032x128xf32, #tpu.memory_space<hbm>> -> memref<40x128xf32, #tpu.memory_space<hbm>>
          tpu.wait_dma2 semaphore(%arg19 : memref<!tpu.dma_semaphore, #tpu.memory_space<semaphore_mem>>) src(%dma_wait3A_620 : memref<40x128xf32, #tpu.memory_space<hbm>>) dst(%dma_wait3A_617 : memref<40x128xf32, #tpu.memory_space<vmem>>)
          %dma_wait3A_621 = arith.constant 2 : i32
          %dma_wait3A_622 = arith.constant 0 : i32
          %dma_wait3A_623 = arith.constant 0 : i32
          %dma_wait3A_624 = tpu.memref_slice %arg11[%dma_wait3A_621, %dma_wait3A_622, %dma_wait3A_623] : memref<5x40x128xf32, #tpu.memory_space<vmem>> -> memref<1x40x128xf32, #tpu.memory_space<vmem>>
          %dma_wait3A_625 = tpu.memref_squeeze %dma_wait3A_624 : memref<1x40x128xf32, #tpu.memory_space<vmem>> -> memref<40x128xf32, #tpu.memory_space<vmem>>
          %dma_wait3A_626 = arith.constant 0 : i32
          %dma_wait3A_627 = arith.constant 0 : i32
          %dma_wait3A_628 = tpu.memref_slice %arg7[%dma_wait3A_626, %dma_wait3A_627] : memref<80032x128xf32, #tpu.memory_space<hbm>> -> memref<40x128xf32, #tpu.memory_space<hbm>>
          %dma_wait3A_629 = arith.constant 0 : i32
          %dma_wait3A_630 = arith.constant 0 : i32
          %dma_wait3A_631 = tpu.memref_slice %arg11[%dma_wait3A_621, %dma_wait3A_629, %dma_wait3A_630] : memref<5x40x128xf32, #tpu.memory_space<vmem>> -> memref<1x40x128xf32, #tpu.memory_space<vmem>>
          %dma_wait3A_632 = tpu.memref_squeeze %dma_wait3A_631 : memref<1x40x128xf32, #tpu.memory_space<vmem>> -> memref<40x128xf32, #tpu.memory_space<vmem>>
          %dma_wait3A_633 = arith.constant 0 : i32
          %dma_wait3A_634 = arith.constant 0 : i32
          %dma_wait3A_635 = tpu.memref_slice %arg7[%dma_wait3A_633, %dma_wait3A_634] : memref<80032x128xf32, #tpu.memory_space<hbm>> -> memref<40x128xf32, #tpu.memory_space<hbm>>
          tpu.wait_dma2 semaphore(%arg19 : memref<!tpu.dma_semaphore, #tpu.memory_space<semaphore_mem>>) src(%dma_wait3A_635 : memref<40x128xf32, #tpu.memory_space<hbm>>) dst(%dma_wait3A_632 : memref<40x128xf32, #tpu.memory_space<vmem>>)
          %dma_wait3A_636 = arith.constant 2 : i32
          %dma_wait3A_637 = arith.constant 0 : i32
          %dma_wait3A_638 = arith.constant 0 : i32
          %dma_wait3A_639 = tpu.memref_slice %arg12[%dma_wait3A_636, %dma_wait3A_637, %dma_wait3A_638] : memref<5x40x128xf32, #tpu.memory_space<vmem>> -> memref<1x40x128xf32, #tpu.memory_space<vmem>>
          %dma_wait3A_640 = tpu.memref_squeeze %dma_wait3A_639 : memref<1x40x128xf32, #tpu.memory_space<vmem>> -> memref<40x128xf32, #tpu.memory_space<vmem>>
          %dma_wait3A_641 = arith.constant 0 : i32
          %dma_wait3A_642 = arith.constant 0 : i32
          %dma_wait3A_643 = tpu.memref_slice %arg8[%dma_wait3A_641, %dma_wait3A_642] : memref<80032x128xf32, #tpu.memory_space<hbm>> -> memref<40x128xf32, #tpu.memory_space<hbm>>
          %dma_wait3A_644 = arith.constant 0 : i32
          %dma_wait3A_645 = arith.constant 0 : i32
          %dma_wait3A_646 = tpu.memref_slice %arg12[%dma_wait3A_636, %dma_wait3A_644, %dma_wait3A_645] : memref<5x40x128xf32, #tpu.memory_space<vmem>> -> memref<1x40x128xf32, #tpu.memory_space<vmem>>
          %dma_wait3A_647 = tpu.memref_squeeze %dma_wait3A_646 : memref<1x40x128xf32, #tpu.memory_space<vmem>> -> memref<40x128xf32, #tpu.memory_space<vmem>>
          %dma_wait3A_648 = arith.constant 0 : i32
          %dma_wait3A_649 = arith.constant 0 : i32
          %dma_wait3A_650 = tpu.memref_slice %arg8[%dma_wait3A_648, %dma_wait3A_649] : memref<80032x128xf32, #tpu.memory_space<hbm>> -> memref<40x128xf32, #tpu.memory_space<hbm>>
          tpu.wait_dma2 semaphore(%arg19 : memref<!tpu.dma_semaphore, #tpu.memory_space<semaphore_mem>>) src(%dma_wait3A_650 : memref<40x128xf32, #tpu.memory_space<hbm>>) dst(%dma_wait3A_647 : memref<40x128xf32, #tpu.memory_space<vmem>>)
          %dma_wait3A_651 = arith.constant 3 : i32
          %dma_wait3A_652 = arith.constant 0 : i32
          %dma_wait3A_653 = arith.constant 0 : i32
          %dma_wait3A_654 = tpu.memref_slice %arg11[%dma_wait3A_651, %dma_wait3A_652, %dma_wait3A_653] : memref<5x40x128xf32, #tpu.memory_space<vmem>> -> memref<1x40x128xf32, #tpu.memory_space<vmem>>
          %dma_wait3A_655 = tpu.memref_squeeze %dma_wait3A_654 : memref<1x40x128xf32, #tpu.memory_space<vmem>> -> memref<40x128xf32, #tpu.memory_space<vmem>>
          %dma_wait3A_656 = arith.constant 0 : i32
          %dma_wait3A_657 = arith.constant 0 : i32
          %dma_wait3A_658 = tpu.memref_slice %arg7[%dma_wait3A_656, %dma_wait3A_657] : memref<80032x128xf32, #tpu.memory_space<hbm>> -> memref<40x128xf32, #tpu.memory_space<hbm>>
          %dma_wait3A_659 = arith.constant 0 : i32
          %dma_wait3A_660 = arith.constant 0 : i32
          %dma_wait3A_661 = tpu.memref_slice %arg11[%dma_wait3A_651, %dma_wait3A_659, %dma_wait3A_660] : memref<5x40x128xf32, #tpu.memory_space<vmem>> -> memref<1x40x128xf32, #tpu.memory_space<vmem>>
          %dma_wait3A_662 = tpu.memref_squeeze %dma_wait3A_661 : memref<1x40x128xf32, #tpu.memory_space<vmem>> -> memref<40x128xf32, #tpu.memory_space<vmem>>
          %dma_wait3A_663 = arith.constant 0 : i32
          %dma_wait3A_664 = arith.constant 0 : i32
          %dma_wait3A_665 = tpu.memref_slice %arg7[%dma_wait3A_663, %dma_wait3A_664] : memref<80032x128xf32, #tpu.memory_space<hbm>> -> memref<40x128xf32, #tpu.memory_space<hbm>>
          tpu.wait_dma2 semaphore(%arg19 : memref<!tpu.dma_semaphore, #tpu.memory_space<semaphore_mem>>) src(%dma_wait3A_665 : memref<40x128xf32, #tpu.memory_space<hbm>>) dst(%dma_wait3A_662 : memref<40x128xf32, #tpu.memory_space<vmem>>)
          %dma_wait3A_666 = arith.constant 3 : i32
          %dma_wait3A_667 = arith.constant 0 : i32
          %dma_wait3A_668 = arith.constant 0 : i32
          %dma_wait3A_669 = tpu.memref_slice %arg12[%dma_wait3A_666, %dma_wait3A_667, %dma_wait3A_668] : memref<5x40x128xf32, #tpu.memory_space<vmem>> -> memref<1x40x128xf32, #tpu.memory_space<vmem>>
          %dma_wait3A_670 = tpu.memref_squeeze %dma_wait3A_669 : memref<1x40x128xf32, #tpu.memory_space<vmem>> -> memref<40x128xf32, #tpu.memory_space<vmem>>
          %dma_wait3A_671 = arith.constant 0 : i32
          %dma_wait3A_672 = arith.constant 0 : i32
          %dma_wait3A_673 = tpu.memref_slice %arg8[%dma_wait3A_671, %dma_wait3A_672] : memref<80032x128xf32, #tpu.memory_space<hbm>> -> memref<40x128xf32, #tpu.memory_space<hbm>>
          %dma_wait3A_674 = arith.constant 0 : i32
          %dma_wait3A_675 = arith.constant 0 : i32
          %dma_wait3A_676 = tpu.memref_slice %arg12[%dma_wait3A_666, %dma_wait3A_674, %dma_wait3A_675] : memref<5x40x128xf32, #tpu.memory_space<vmem>> -> memref<1x40x128xf32, #tpu.memory_space<vmem>>
          %dma_wait3A_677 = tpu.memref_squeeze %dma_wait3A_676 : memref<1x40x128xf32, #tpu.memory_space<vmem>> -> memref<40x128xf32, #tpu.memory_space<vmem>>
          %dma_wait3A_678 = arith.constant 0 : i32
          %dma_wait3A_679 = arith.constant 0 : i32
          %dma_wait3A_680 = tpu.memref_slice %arg8[%dma_wait3A_678, %dma_wait3A_679] : memref<80032x128xf32, #tpu.memory_space<hbm>> -> memref<40x128xf32, #tpu.memory_space<hbm>>
          tpu.wait_dma2 semaphore(%arg19 : memref<!tpu.dma_semaphore, #tpu.memory_space<semaphore_mem>>) src(%dma_wait3A_680 : memref<40x128xf32, #tpu.memory_space<hbm>>) dst(%dma_wait3A_677 : memref<40x128xf32, #tpu.memory_space<vmem>>)
          %dma_wait3A_681 = arith.constant 4 : i32
          %dma_wait3A_682 = arith.constant 0 : i32
          %dma_wait3A_683 = arith.constant 0 : i32
          %dma_wait3A_684 = tpu.memref_slice %arg11[%dma_wait3A_681, %dma_wait3A_682, %dma_wait3A_683] : memref<5x40x128xf32, #tpu.memory_space<vmem>> -> memref<1x40x128xf32, #tpu.memory_space<vmem>>
          %dma_wait3A_685 = tpu.memref_squeeze %dma_wait3A_684 : memref<1x40x128xf32, #tpu.memory_space<vmem>> -> memref<40x128xf32, #tpu.memory_space<vmem>>
          %dma_wait3A_686 = arith.constant 0 : i32
          %dma_wait3A_687 = arith.constant 0 : i32
          %dma_wait3A_688 = tpu.memref_slice %arg7[%dma_wait3A_686, %dma_wait3A_687] : memref<80032x128xf32, #tpu.memory_space<hbm>> -> memref<40x128xf32, #tpu.memory_space<hbm>>
          %dma_wait3A_689 = arith.constant 0 : i32
          %dma_wait3A_690 = arith.constant 0 : i32
          %dma_wait3A_691 = tpu.memref_slice %arg11[%dma_wait3A_681, %dma_wait3A_689, %dma_wait3A_690] : memref<5x40x128xf32, #tpu.memory_space<vmem>> -> memref<1x40x128xf32, #tpu.memory_space<vmem>>
          %dma_wait3A_692 = tpu.memref_squeeze %dma_wait3A_691 : memref<1x40x128xf32, #tpu.memory_space<vmem>> -> memref<40x128xf32, #tpu.memory_space<vmem>>
          %dma_wait3A_693 = arith.constant 0 : i32
          %dma_wait3A_694 = arith.constant 0 : i32
          %dma_wait3A_695 = tpu.memref_slice %arg7[%dma_wait3A_693, %dma_wait3A_694] : memref<80032x128xf32, #tpu.memory_space<hbm>> -> memref<40x128xf32, #tpu.memory_space<hbm>>
          tpu.wait_dma2 semaphore(%arg19 : memref<!tpu.dma_semaphore, #tpu.memory_space<semaphore_mem>>) src(%dma_wait3A_695 : memref<40x128xf32, #tpu.memory_space<hbm>>) dst(%dma_wait3A_692 : memref<40x128xf32, #tpu.memory_space<vmem>>)
          %dma_wait3A_696 = arith.constant 4 : i32
          %dma_wait3A_697 = arith.constant 0 : i32
          %dma_wait3A_698 = arith.constant 0 : i32
          %dma_wait3A_699 = tpu.memref_slice %arg12[%dma_wait3A_696, %dma_wait3A_697, %dma_wait3A_698] : memref<5x40x128xf32, #tpu.memory_space<vmem>> -> memref<1x40x128xf32, #tpu.memory_space<vmem>>
          %dma_wait3A_700 = tpu.memref_squeeze %dma_wait3A_699 : memref<1x40x128xf32, #tpu.memory_space<vmem>> -> memref<40x128xf32, #tpu.memory_space<vmem>>
          %dma_wait3A_701 = arith.constant 0 : i32
          %dma_wait3A_702 = arith.constant 0 : i32
          %dma_wait3A_703 = tpu.memref_slice %arg8[%dma_wait3A_701, %dma_wait3A_702] : memref<80032x128xf32, #tpu.memory_space<hbm>> -> memref<40x128xf32, #tpu.memory_space<hbm>>
          %dma_wait3A_704 = arith.constant 0 : i32
          %dma_wait3A_705 = arith.constant 0 : i32
          %dma_wait3A_706 = tpu.memref_slice %arg12[%dma_wait3A_696, %dma_wait3A_704, %dma_wait3A_705] : memref<5x40x128xf32, #tpu.memory_space<vmem>> -> memref<1x40x128xf32, #tpu.memory_space<vmem>>
          %dma_wait3A_707 = tpu.memref_squeeze %dma_wait3A_706 : memref<1x40x128xf32, #tpu.memory_space<vmem>> -> memref<40x128xf32, #tpu.memory_space<vmem>>
          %dma_wait3A_708 = arith.constant 0 : i32
          %dma_wait3A_709 = arith.constant 0 : i32
          %dma_wait3A_710 = tpu.memref_slice %arg8[%dma_wait3A_708, %dma_wait3A_709] : memref<80032x128xf32, #tpu.memory_space<hbm>> -> memref<40x128xf32, #tpu.memory_space<hbm>>
          tpu.wait_dma2 semaphore(%arg19 : memref<!tpu.dma_semaphore, #tpu.memory_space<semaphore_mem>>) src(%dma_wait3A_710 : memref<40x128xf32, #tpu.memory_space<hbm>>) dst(%dma_wait3A_707 : memref<40x128xf32, #tpu.memory_space<vmem>>)
        } else {
        }
        %mul3A_177 = arith.constant 5 : i32
        %mul3A_178 = arith.muli %scan3A_172, %mul3A_177 : i32
        %add3A_179 = arith.constant 0 : i32
        %add3A_180 = arith.addi %mul3A_178, %add3A_179 : i32
        %mul3A_181 = arith.constant 40 : i32
        %mul3A_182 = arith.muli %add3A_180, %mul3A_181 : i32
        %dma_start3A = arith.constant 0 : i32
        %dma_start3A_183 = arith.constant 0 : i32
        %dma_start3A_184 = arith.constant 0 : i32
        %dma_start3A_185 = tpu.memref_slice %arg11[%dma_start3A, %dma_start3A_183, %dma_start3A_184] : memref<5x40x128xf32, #tpu.memory_space<vmem>> -> memref<1x40x128xf32, #tpu.memory_space<vmem>>
        %dma_start3A_186 = tpu.memref_squeeze %dma_start3A_185 : memref<1x40x128xf32, #tpu.memory_space<vmem>> -> memref<40x128xf32, #tpu.memory_space<vmem>>
        %dma_start3A_187 = tpu.memref_slice %arg9[%mul3A_182] : memref<4000xi32, #tpu.memory_space<vmem>> -> memref<40xi32, #tpu.memory_space<vmem>>
        %dma_start3A_188 = arith.constant 0 : i32
        %dma_start3A_189 = arith.constant 0 : i32
        %dma_start3A_190 = tpu.memref_slice %arg2[%dma_start3A_188, %dma_start3A_189] : memref<10000x128xf32, #tpu.memory_space<hbm>> -> memref<10000x128xf32, #tpu.memory_space<hbm>>
        tpu.enqueue_indirect_dma source(%dma_start3A_190 : memref<10000x128xf32, #tpu.memory_space<hbm>>) target(%dma_start3A_186 : memref<40x128xf32, #tpu.memory_space<vmem>>) offsets(%dma_start3A_187 : memref<40xi32, #tpu.memory_space<vmem>>) semaphore(%arg18 : memref<!tpu.dma_semaphore, #tpu.memory_space<semaphore_mem>>)
        %dma_start3A_191 = arith.constant 0 : i32
        %dma_start3A_192 = arith.constant 0 : i32
        %dma_start3A_193 = arith.constant 0 : i32
        %dma_start3A_194 = tpu.memref_slice %arg12[%dma_start3A_191, %dma_start3A_192, %dma_start3A_193] : memref<5x40x128xf32, #tpu.memory_space<vmem>> -> memref<1x40x128xf32, #tpu.memory_space<vmem>>
        %dma_start3A_195 = tpu.memref_squeeze %dma_start3A_194 : memref<1x40x128xf32, #tpu.memory_space<vmem>> -> memref<40x128xf32, #tpu.memory_space<vmem>>
        %dma_start3A_196 = tpu.memref_slice %arg10[%mul3A_182] : memref<4000xi32, #tpu.memory_space<vmem>> -> memref<40xi32, #tpu.memory_space<vmem>>
        %dma_start3A_197 = arith.constant 0 : i32
        %dma_start3A_198 = arith.constant 0 : i32
        %dma_start3A_199 = tpu.memref_slice %arg3[%dma_start3A_197, %dma_start3A_198] : memref<10000x128xf32, #tpu.memory_space<hbm>> -> memref<10000x128xf32, #tpu.memory_space<hbm>>
        tpu.enqueue_indirect_dma source(%dma_start3A_199 : memref<10000x128xf32, #tpu.memory_space<hbm>>) target(%dma_start3A_195 : memref<40x128xf32, #tpu.memory_space<vmem>>) offsets(%dma_start3A_196 : memref<40xi32, #tpu.memory_space<vmem>>) semaphore(%arg18 : memref<!tpu.dma_semaphore, #tpu.memory_space<semaphore_mem>>)
        %mul3A_200 = arith.constant 5 : i32
        %mul3A_201 = arith.muli %scan3A_172, %mul3A_200 : i32
        %add3A_202 = arith.constant 1 : i32
        %add3A_203 = arith.addi %mul3A_201, %add3A_202 : i32
        %mul3A_204 = arith.constant 40 : i32
        %mul3A_205 = arith.muli %add3A_203, %mul3A_204 : i32
        %dma_start3A_206 = arith.constant 1 : i32
        %dma_start3A_207 = arith.constant 0 : i32
        %dma_start3A_208 = arith.constant 0 : i32
        %dma_start3A_209 = tpu.memref_slice %arg11[%dma_start3A_206, %dma_start3A_207, %dma_start3A_208] : memref<5x40x128xf32, #tpu.memory_space<vmem>> -> memref<1x40x128xf32, #tpu.memory_space<vmem>>
        %dma_start3A_210 = tpu.memref_squeeze %dma_start3A_209 : memref<1x40x128xf32, #tpu.memory_space<vmem>> -> memref<40x128xf32, #tpu.memory_space<vmem>>
        %dma_start3A_211 = tpu.memref_slice %arg9[%mul3A_205] : memref<4000xi32, #tpu.memory_space<vmem>> -> memref<40xi32, #tpu.memory_space<vmem>>
        %dma_start3A_212 = arith.constant 0 : i32
        %dma_start3A_213 = arith.constant 0 : i32
        %dma_start3A_214 = tpu.memref_slice %arg2[%dma_start3A_212, %dma_start3A_213] : memref<10000x128xf32, #tpu.memory_space<hbm>> -> memref<10000x128xf32, #tpu.memory_space<hbm>>
        tpu.enqueue_indirect_dma source(%dma_start3A_214 : memref<10000x128xf32, #tpu.memory_space<hbm>>) target(%dma_start3A_210 : memref<40x128xf32, #tpu.memory_space<vmem>>) offsets(%dma_start3A_211 : memref<40xi32, #tpu.memory_space<vmem>>) semaphore(%arg18 : memref<!tpu.dma_semaphore, #tpu.memory_space<semaphore_mem>>)
        %dma_start3A_215 = arith.constant 1 : i32
        %dma_start3A_216 = arith.constant 0 : i32
        %dma_start3A_217 = arith.constant 0 : i32
        %dma_start3A_218 = tpu.memref_slice %arg12[%dma_start3A_215, %dma_start3A_216, %dma_start3A_217] : memref<5x40x128xf32, #tpu.memory_space<vmem>> -> memref<1x40x128xf32, #tpu.memory_space<vmem>>
        %dma_start3A_219 = tpu.memref_squeeze %dma_start3A_218 : memref<1x40x128xf32, #tpu.memory_space<vmem>> -> memref<40x128xf32, #tpu.memory_space<vmem>>
        %dma_start3A_220 = tpu.memref_slice %arg10[%mul3A_205] : memref<4000xi32, #tpu.memory_space<vmem>> -> memref<40xi32, #tpu.memory_space<vmem>>
        %dma_start3A_221 = arith.constant 0 : i32
        %dma_start3A_222 = arith.constant 0 : i32
        %dma_start3A_223 = tpu.memref_slice %arg3[%dma_start3A_221, %dma_start3A_222] : memref<10000x128xf32, #tpu.memory_space<hbm>> -> memref<10000x128xf32, #tpu.memory_space<hbm>>
        tpu.enqueue_indirect_dma source(%dma_start3A_223 : memref<10000x128xf32, #tpu.memory_space<hbm>>) target(%dma_start3A_219 : memref<40x128xf32, #tpu.memory_space<vmem>>) offsets(%dma_start3A_220 : memref<40xi32, #tpu.memory_space<vmem>>) semaphore(%arg18 : memref<!tpu.dma_semaphore, #tpu.memory_space<semaphore_mem>>)
        %mul3A_224 = arith.constant 5 : i32
        %mul3A_225 = arith.muli %scan3A_172, %mul3A_224 : i32
        %add3A_226 = arith.constant 2 : i32
        %add3A_227 = arith.addi %mul3A_225, %add3A_226 : i32
        %mul3A_228 = arith.constant 40 : i32
        %mul3A_229 = arith.muli %add3A_227, %mul3A_228 : i32
        %dma_start3A_230 = arith.constant 2 : i32
        %dma_start3A_231 = arith.constant 0 : i32
        %dma_start3A_232 = arith.constant 0 : i32
        %dma_start3A_233 = tpu.memref_slice %arg11[%dma_start3A_230, %dma_start3A_231, %dma_start3A_232] : memref<5x40x128xf32, #tpu.memory_space<vmem>> -> memref<1x40x128xf32, #tpu.memory_space<vmem>>
        %dma_start3A_234 = tpu.memref_squeeze %dma_start3A_233 : memref<1x40x128xf32, #tpu.memory_space<vmem>> -> memref<40x128xf32, #tpu.memory_space<vmem>>
        %dma_start3A_235 = tpu.memref_slice %arg9[%mul3A_229] : memref<4000xi32, #tpu.memory_space<vmem>> -> memref<40xi32, #tpu.memory_space<vmem>>
        %dma_start3A_236 = arith.constant 0 : i32
        %dma_start3A_237 = arith.constant 0 : i32
        %dma_start3A_238 = tpu.memref_slice %arg2[%dma_start3A_236, %dma_start3A_237] : memref<10000x128xf32, #tpu.memory_space<hbm>> -> memref<10000x128xf32, #tpu.memory_space<hbm>>
        tpu.enqueue_indirect_dma source(%dma_start3A_238 : memref<10000x128xf32, #tpu.memory_space<hbm>>) target(%dma_start3A_234 : memref<40x128xf32, #tpu.memory_space<vmem>>) offsets(%dma_start3A_235 : memref<40xi32, #tpu.memory_space<vmem>>) semaphore(%arg18 : memref<!tpu.dma_semaphore, #tpu.memory_space<semaphore_mem>>)
        %dma_start3A_239 = arith.constant 2 : i32
        %dma_start3A_240 = arith.constant 0 : i32
        %dma_start3A_241 = arith.constant 0 : i32
        %dma_start3A_242 = tpu.memref_slice %arg12[%dma_start3A_239, %dma_start3A_240, %dma_start3A_241] : memref<5x40x128xf32, #tpu.memory_space<vmem>> -> memref<1x40x128xf32, #tpu.memory_space<vmem>>
        %dma_start3A_243 = tpu.memref_squeeze %dma_start3A_242 : memref<1x40x128xf32, #tpu.memory_space<vmem>> -> memref<40x128xf32, #tpu.memory_space<vmem>>
        %dma_start3A_244 = tpu.memref_slice %arg10[%mul3A_229] : memref<4000xi32, #tpu.memory_space<vmem>> -> memref<40xi32, #tpu.memory_space<vmem>>
        %dma_start3A_245 = arith.constant 0 : i32
        %dma_start3A_246 = arith.constant 0 : i32
        %dma_start3A_247 = tpu.memref_slice %arg3[%dma_start3A_245, %dma_start3A_246] : memref<10000x128xf32, #tpu.memory_space<hbm>> -> memref<10000x128xf32, #tpu.memory_space<hbm>>
        tpu.enqueue_indirect_dma source(%dma_start3A_247 : memref<10000x128xf32, #tpu.memory_space<hbm>>) target(%dma_start3A_243 : memref<40x128xf32, #tpu.memory_space<vmem>>) offsets(%dma_start3A_244 : memref<40xi32, #tpu.memory_space<vmem>>) semaphore(%arg18 : memref<!tpu.dma_semaphore, #tpu.memory_space<semaphore_mem>>)
        %mul3A_248 = arith.constant 5 : i32
        %mul3A_249 = arith.muli %scan3A_172, %mul3A_248 : i32
        %add3A_250 = arith.constant 3 : i32
        %add3A_251 = arith.addi %mul3A_249, %add3A_250 : i32
        %mul3A_252 = arith.constant 40 : i32
        %mul3A_253 = arith.muli %add3A_251, %mul3A_252 : i32
        %dma_start3A_254 = arith.constant 3 : i32
        %dma_start3A_255 = arith.constant 0 : i32
        %dma_start3A_256 = arith.constant 0 : i32
        %dma_start3A_257 = tpu.memref_slice %arg11[%dma_start3A_254, %dma_start3A_255, %dma_start3A_256] : memref<5x40x128xf32, #tpu.memory_space<vmem>> -> memref<1x40x128xf32, #tpu.memory_space<vmem>>
        %dma_start3A_258 = tpu.memref_squeeze %dma_start3A_257 : memref<1x40x128xf32, #tpu.memory_space<vmem>> -> memref<40x128xf32, #tpu.memory_space<vmem>>
        %dma_start3A_259 = tpu.memref_slice %arg9[%mul3A_253] : memref<4000xi32, #tpu.memory_space<vmem>> -> memref<40xi32, #tpu.memory_space<vmem>>
        %dma_start3A_260 = arith.constant 0 : i32
        %dma_start3A_261 = arith.constant 0 : i32
        %dma_start3A_262 = tpu.memref_slice %arg2[%dma_start3A_260, %dma_start3A_261] : memref<10000x128xf32, #tpu.memory_space<hbm>> -> memref<10000x128xf32, #tpu.memory_space<hbm>>
        tpu.enqueue_indirect_dma source(%dma_start3A_262 : memref<10000x128xf32, #tpu.memory_space<hbm>>) target(%dma_start3A_258 : memref<40x128xf32, #tpu.memory_space<vmem>>) offsets(%dma_start3A_259 : memref<40xi32, #tpu.memory_space<vmem>>) semaphore(%arg18 : memref<!tpu.dma_semaphore, #tpu.memory_space<semaphore_mem>>)
        %dma_start3A_263 = arith.constant 3 : i32
        %dma_start3A_264 = arith.constant 0 : i32
        %dma_start3A_265 = arith.constant 0 : i32
        %dma_start3A_266 = tpu.memref_slice %arg12[%dma_start3A_263, %dma_start3A_264, %dma_start3A_265] : memref<5x40x128xf32, #tpu.memory_space<vmem>> -> memref<1x40x128xf32, #tpu.memory_space<vmem>>
        %dma_start3A_267 = tpu.memref_squeeze %dma_start3A_266 : memref<1x40x128xf32, #tpu.memory_space<vmem>> -> memref<40x128xf32, #tpu.memory_space<vmem>>
        %dma_start3A_268 = tpu.memref_slice %arg10[%mul3A_253] : memref<4000xi32, #tpu.memory_space<vmem>> -> memref<40xi32, #tpu.memory_space<vmem>>
        %dma_start3A_269 = arith.constant 0 : i32
        %dma_start3A_270 = arith.constant 0 : i32
        %dma_start3A_271 = tpu.memref_slice %arg3[%dma_start3A_269, %dma_start3A_270] : memref<10000x128xf32, #tpu.memory_space<hbm>> -> memref<10000x128xf32, #tpu.memory_space<hbm>>
        tpu.enqueue_indirect_dma source(%dma_start3A_271 : memref<10000x128xf32, #tpu.memory_space<hbm>>) target(%dma_start3A_267 : memref<40x128xf32, #tpu.memory_space<vmem>>) offsets(%dma_start3A_268 : memref<40xi32, #tpu.memory_space<vmem>>) semaphore(%arg18 : memref<!tpu.dma_semaphore, #tpu.memory_space<semaphore_mem>>)
        %mul3A_272 = arith.constant 5 : i32
        %mul3A_273 = arith.muli %scan3A_172, %mul3A_272 : i32
        %add3A_274 = arith.constant 4 : i32
        %add3A_275 = arith.addi %mul3A_273, %add3A_274 : i32
        %mul3A_276 = arith.constant 40 : i32
        %mul3A_277 = arith.muli %add3A_275, %mul3A_276 : i32
        %dma_start3A_278 = arith.constant 4 : i32
        %dma_start3A_279 = arith.constant 0 : i32
        %dma_start3A_280 = arith.constant 0 : i32
        %dma_start3A_281 = tpu.memref_slice %arg11[%dma_start3A_278, %dma_start3A_279, %dma_start3A_280] : memref<5x40x128xf32, #tpu.memory_space<vmem>> -> memref<1x40x128xf32, #tpu.memory_space<vmem>>
        %dma_start3A_282 = tpu.memref_squeeze %dma_start3A_281 : memref<1x40x128xf32, #tpu.memory_space<vmem>> -> memref<40x128xf32, #tpu.memory_space<vmem>>
        %dma_start3A_283 = tpu.memref_slice %arg9[%mul3A_277] : memref<4000xi32, #tpu.memory_space<vmem>> -> memref<40xi32, #tpu.memory_space<vmem>>
        %dma_start3A_284 = arith.constant 0 : i32
        %dma_start3A_285 = arith.constant 0 : i32
        %dma_start3A_286 = tpu.memref_slice %arg2[%dma_start3A_284, %dma_start3A_285] : memref<10000x128xf32, #tpu.memory_space<hbm>> -> memref<10000x128xf32, #tpu.memory_space<hbm>>
        tpu.enqueue_indirect_dma source(%dma_start3A_286 : memref<10000x128xf32, #tpu.memory_space<hbm>>) target(%dma_start3A_282 : memref<40x128xf32, #tpu.memory_space<vmem>>) offsets(%dma_start3A_283 : memref<40xi32, #tpu.memory_space<vmem>>) semaphore(%arg18 : memref<!tpu.dma_semaphore, #tpu.memory_space<semaphore_mem>>)
        %dma_start3A_287 = arith.constant 4 : i32
        %dma_start3A_288 = arith.constant 0 : i32
        %dma_start3A_289 = arith.constant 0 : i32
        %dma_start3A_290 = tpu.memref_slice %arg12[%dma_start3A_287, %dma_start3A_288, %dma_start3A_289] : memref<5x40x128xf32, #tpu.memory_space<vmem>> -> memref<1x40x128xf32, #tpu.memory_space<vmem>>
        %dma_start3A_291 = tpu.memref_squeeze %dma_start3A_290 : memref<1x40x128xf32, #tpu.memory_space<vmem>> -> memref<40x128xf32, #tpu.memory_space<vmem>>
        %dma_start3A_292 = tpu.memref_slice %arg10[%mul3A_277] : memref<4000xi32, #tpu.memory_space<vmem>> -> memref<40xi32, #tpu.memory_space<vmem>>
        %dma_start3A_293 = arith.constant 0 : i32
        %dma_start3A_294 = arith.constant 0 : i32
        %dma_start3A_295 = tpu.memref_slice %arg3[%dma_start3A_293, %dma_start3A_294] : memref<10000x128xf32, #tpu.memory_space<hbm>> -> memref<10000x128xf32, #tpu.memory_space<hbm>>
        tpu.enqueue_indirect_dma source(%dma_start3A_295 : memref<10000x128xf32, #tpu.memory_space<hbm>>) target(%dma_start3A_291 : memref<40x128xf32, #tpu.memory_space<vmem>>) offsets(%dma_start3A_292 : memref<40xi32, #tpu.memory_space<vmem>>) semaphore(%arg18 : memref<!tpu.dma_semaphore, #tpu.memory_space<semaphore_mem>>)
        %dma_wait3A_296 = arith.constant 0 : i32
        %dma_wait3A_297 = arith.constant 0 : i32
        %dma_wait3A_298 = arith.constant 0 : i32
        %dma_wait3A_299 = tpu.memref_slice %arg11[%dma_wait3A_296, %dma_wait3A_297, %dma_wait3A_298] : memref<5x40x128xf32, #tpu.memory_space<vmem>> -> memref<1x40x128xf32, #tpu.memory_space<vmem>>
        %dma_wait3A_300 = tpu.memref_squeeze %dma_wait3A_299 : memref<1x40x128xf32, #tpu.memory_space<vmem>> -> memref<40x128xf32, #tpu.memory_space<vmem>>
        %dma_wait3A_301 = tpu.memref_slice %arg9[%mul3A_182] : memref<4000xi32, #tpu.memory_space<vmem>> -> memref<40xi32, #tpu.memory_space<vmem>>
        %dma_wait3A_302 = arith.constant 0 : i32
        %dma_wait3A_303 = arith.constant 0 : i32
        %dma_wait3A_304 = tpu.memref_slice %arg2[%dma_wait3A_302, %dma_wait3A_303] : memref<10000x128xf32, #tpu.memory_space<hbm>> -> memref<10000x128xf32, #tpu.memory_space<hbm>>
        tpu.wait_indirect_dma semaphore(%arg18 : memref<!tpu.dma_semaphore, #tpu.memory_space<semaphore_mem>>) src(%dma_wait3A_304 : memref<10000x128xf32, #tpu.memory_space<hbm>>) dst(%dma_wait3A_300 : memref<40x128xf32, #tpu.memory_space<vmem>>)
        %dma_wait3A_305 = arith.constant 0 : i32
        %dma_wait3A_306 = arith.constant 0 : i32
        %dma_wait3A_307 = arith.constant 0 : i32
        %dma_wait3A_308 = tpu.memref_slice %arg12[%dma_wait3A_305, %dma_wait3A_306, %dma_wait3A_307] : memref<5x40x128xf32, #tpu.memory_space<vmem>> -> memref<1x40x128xf32, #tpu.memory_space<vmem>>
        %dma_wait3A_309 = tpu.memref_squeeze %dma_wait3A_308 : memref<1x40x128xf32, #tpu.memory_space<vmem>> -> memref<40x128xf32, #tpu.memory_space<vmem>>
        %dma_wait3A_310 = tpu.memref_slice %arg10[%mul3A_182] : memref<4000xi32, #tpu.memory_space<vmem>> -> memref<40xi32, #tpu.memory_space<vmem>>
        %dma_wait3A_311 = arith.constant 0 : i32
        %dma_wait3A_312 = arith.constant 0 : i32
        %dma_wait3A_313 = tpu.memref_slice %arg3[%dma_wait3A_311, %dma_wait3A_312] : memref<10000x128xf32, #tpu.memory_space<hbm>> -> memref<10000x128xf32, #tpu.memory_space<hbm>>
        tpu.wait_indirect_dma semaphore(%arg18 : memref<!tpu.dma_semaphore, #tpu.memory_space<semaphore_mem>>) src(%dma_wait3A_313 : memref<10000x128xf32, #tpu.memory_space<hbm>>) dst(%dma_wait3A_309 : memref<40x128xf32, #tpu.memory_space<vmem>>)
        %dma_wait3A_314 = arith.constant 1 : i32
        %dma_wait3A_315 = arith.constant 0 : i32
        %dma_wait3A_316 = arith.constant 0 : i32
        %dma_wait3A_317 = tpu.memref_slice %arg11[%dma_wait3A_314, %dma_wait3A_315, %dma_wait3A_316] : memref<5x40x128xf32, #tpu.memory_space<vmem>> -> memref<1x40x128xf32, #tpu.memory_space<vmem>>
        %dma_wait3A_318 = tpu.memref_squeeze %dma_wait3A_317 : memref<1x40x128xf32, #tpu.memory_space<vmem>> -> memref<40x128xf32, #tpu.memory_space<vmem>>
        %dma_wait3A_319 = tpu.memref_slice %arg9[%mul3A_205] : memref<4000xi32, #tpu.memory_space<vmem>> -> memref<40xi32, #tpu.memory_space<vmem>>
        %dma_wait3A_320 = arith.constant 0 : i32
        %dma_wait3A_321 = arith.constant 0 : i32
        %dma_wait3A_322 = tpu.memref_slice %arg2[%dma_wait3A_320, %dma_wait3A_321] : memref<10000x128xf32, #tpu.memory_space<hbm>> -> memref<10000x128xf32, #tpu.memory_space<hbm>>
        tpu.wait_indirect_dma semaphore(%arg18 : memref<!tpu.dma_semaphore, #tpu.memory_space<semaphore_mem>>) src(%dma_wait3A_322 : memref<10000x128xf32, #tpu.memory_space<hbm>>) dst(%dma_wait3A_318 : memref<40x128xf32, #tpu.memory_space<vmem>>)
        %dma_wait3A_323 = arith.constant 1 : i32
        %dma_wait3A_324 = arith.constant 0 : i32
        %dma_wait3A_325 = arith.constant 0 : i32
        %dma_wait3A_326 = tpu.memref_slice %arg12[%dma_wait3A_323, %dma_wait3A_324, %dma_wait3A_325] : memref<5x40x128xf32, #tpu.memory_space<vmem>> -> memref<1x40x128xf32, #tpu.memory_space<vmem>>
        %dma_wait3A_327 = tpu.memref_squeeze %dma_wait3A_326 : memref<1x40x128xf32, #tpu.memory_space<vmem>> -> memref<40x128xf32, #tpu.memory_space<vmem>>
        %dma_wait3A_328 = tpu.memref_slice %arg10[%mul3A_205] : memref<4000xi32, #tpu.memory_space<vmem>> -> memref<40xi32, #tpu.memory_space<vmem>>
        %dma_wait3A_329 = arith.constant 0 : i32
        %dma_wait3A_330 = arith.constant 0 : i32
        %dma_wait3A_331 = tpu.memref_slice %arg3[%dma_wait3A_329, %dma_wait3A_330] : memref<10000x128xf32, #tpu.memory_space<hbm>> -> memref<10000x128xf32, #tpu.memory_space<hbm>>
        tpu.wait_indirect_dma semaphore(%arg18 : memref<!tpu.dma_semaphore, #tpu.memory_space<semaphore_mem>>) src(%dma_wait3A_331 : memref<10000x128xf32, #tpu.memory_space<hbm>>) dst(%dma_wait3A_327 : memref<40x128xf32, #tpu.memory_space<vmem>>)
        %dma_wait3A_332 = arith.constant 2 : i32
        %dma_wait3A_333 = arith.constant 0 : i32
        %dma_wait3A_334 = arith.constant 0 : i32
        %dma_wait3A_335 = tpu.memref_slice %arg11[%dma_wait3A_332, %dma_wait3A_333, %dma_wait3A_334] : memref<5x40x128xf32, #tpu.memory_space<vmem>> -> memref<1x40x128xf32, #tpu.memory_space<vmem>>
        %dma_wait3A_336 = tpu.memref_squeeze %dma_wait3A_335 : memref<1x40x128xf32, #tpu.memory_space<vmem>> -> memref<40x128xf32, #tpu.memory_space<vmem>>
        %dma_wait3A_337 = tpu.memref_slice %arg9[%mul3A_229] : memref<4000xi32, #tpu.memory_space<vmem>> -> memref<40xi32, #tpu.memory_space<vmem>>
        %dma_wait3A_338 = arith.constant 0 : i32
        %dma_wait3A_339 = arith.constant 0 : i32
        %dma_wait3A_340 = tpu.memref_slice %arg2[%dma_wait3A_338, %dma_wait3A_339] : memref<10000x128xf32, #tpu.memory_space<hbm>> -> memref<10000x128xf32, #tpu.memory_space<hbm>>
        tpu.wait_indirect_dma semaphore(%arg18 : memref<!tpu.dma_semaphore, #tpu.memory_space<semaphore_mem>>) src(%dma_wait3A_340 : memref<10000x128xf32, #tpu.memory_space<hbm>>) dst(%dma_wait3A_336 : memref<40x128xf32, #tpu.memory_space<vmem>>)
        %dma_wait3A_341 = arith.constant 2 : i32
        %dma_wait3A_342 = arith.constant 0 : i32
        %dma_wait3A_343 = arith.constant 0 : i32
        %dma_wait3A_344 = tpu.memref_slice %arg12[%dma_wait3A_341, %dma_wait3A_342, %dma_wait3A_343] : memref<5x40x128xf32, #tpu.memory_space<vmem>> -> memref<1x40x128xf32, #tpu.memory_space<vmem>>
        %dma_wait3A_345 = tpu.memref_squeeze %dma_wait3A_344 : memref<1x40x128xf32, #tpu.memory_space<vmem>> -> memref<40x128xf32, #tpu.memory_space<vmem>>
        %dma_wait3A_346 = tpu.memref_slice %arg10[%mul3A_229] : memref<4000xi32, #tpu.memory_space<vmem>> -> memref<40xi32, #tpu.memory_space<vmem>>
        %dma_wait3A_347 = arith.constant 0 : i32
        %dma_wait3A_348 = arith.constant 0 : i32
        %dma_wait3A_349 = tpu.memref_slice %arg3[%dma_wait3A_347, %dma_wait3A_348] : memref<10000x128xf32, #tpu.memory_space<hbm>> -> memref<10000x128xf32, #tpu.memory_space<hbm>>
        tpu.wait_indirect_dma semaphore(%arg18 : memref<!tpu.dma_semaphore, #tpu.memory_space<semaphore_mem>>) src(%dma_wait3A_349 : memref<10000x128xf32, #tpu.memory_space<hbm>>) dst(%dma_wait3A_345 : memref<40x128xf32, #tpu.memory_space<vmem>>)
        %dma_wait3A_350 = arith.constant 3 : i32
        %dma_wait3A_351 = arith.constant 0 : i32
        %dma_wait3A_352 = arith.constant 0 : i32
        %dma_wait3A_353 = tpu.memref_slice %arg11[%dma_wait3A_350, %dma_wait3A_351, %dma_wait3A_352] : memref<5x40x128xf32, #tpu.memory_space<vmem>> -> memref<1x40x128xf32, #tpu.memory_space<vmem>>
        %dma_wait3A_354 = tpu.memref_squeeze %dma_wait3A_353 : memref<1x40x128xf32, #tpu.memory_space<vmem>> -> memref<40x128xf32, #tpu.memory_space<vmem>>
        %dma_wait3A_355 = tpu.memref_slice %arg9[%mul3A_253] : memref<4000xi32, #tpu.memory_space<vmem>> -> memref<40xi32, #tpu.memory_space<vmem>>
        %dma_wait3A_356 = arith.constant 0 : i32
        %dma_wait3A_357 = arith.constant 0 : i32
        %dma_wait3A_358 = tpu.memref_slice %arg2[%dma_wait3A_356, %dma_wait3A_357] : memref<10000x128xf32, #tpu.memory_space<hbm>> -> memref<10000x128xf32, #tpu.memory_space<hbm>>
        tpu.wait_indirect_dma semaphore(%arg18 : memref<!tpu.dma_semaphore, #tpu.memory_space<semaphore_mem>>) src(%dma_wait3A_358 : memref<10000x128xf32, #tpu.memory_space<hbm>>) dst(%dma_wait3A_354 : memref<40x128xf32, #tpu.memory_space<vmem>>)
        %dma_wait3A_359 = arith.constant 3 : i32
        %dma_wait3A_360 = arith.constant 0 : i32
        %dma_wait3A_361 = arith.constant 0 : i32
        %dma_wait3A_362 = tpu.memref_slice %arg12[%dma_wait3A_359, %dma_wait3A_360, %dma_wait3A_361] : memref<5x40x128xf32, #tpu.memory_space<vmem>> -> memref<1x40x128xf32, #tpu.memory_space<vmem>>
        %dma_wait3A_363 = tpu.memref_squeeze %dma_wait3A_362 : memref<1x40x128xf32, #tpu.memory_space<vmem>> -> memref<40x128xf32, #tpu.memory_space<vmem>>
        %dma_wait3A_364 = tpu.memref_slice %arg10[%mul3A_253] : memref<4000xi32, #tpu.memory_space<vmem>> -> memref<40xi32, #tpu.memory_space<vmem>>
        %dma_wait3A_365 = arith.constant 0 : i32
        %dma_wait3A_366 = arith.constant 0 : i32
        %dma_wait3A_367 = tpu.memref_slice %arg3[%dma_wait3A_365, %dma_wait3A_366] : memref<10000x128xf32, #tpu.memory_space<hbm>> -> memref<10000x128xf32, #tpu.memory_space<hbm>>
        tpu.wait_indirect_dma semaphore(%arg18 : memref<!tpu.dma_semaphore, #tpu.memory_space<semaphore_mem>>) src(%dma_wait3A_367 : memref<10000x128xf32, #tpu.memory_space<hbm>>) dst(%dma_wait3A_363 : memref<40x128xf32, #tpu.memory_space<vmem>>)
        %dma_wait3A_368 = arith.constant 4 : i32
        %dma_wait3A_369 = arith.constant 0 : i32
        %dma_wait3A_370 = arith.constant 0 : i32
        %dma_wait3A_371 = tpu.memref_slice %arg11[%dma_wait3A_368, %dma_wait3A_369, %dma_wait3A_370] : memref<5x40x128xf32, #tpu.memory_space<vmem>> -> memref<1x40x128xf32, #tpu.memory_space<vmem>>
        %dma_wait3A_372 = tpu.memref_squeeze %dma_wait3A_371 : memref<1x40x128xf32, #tpu.memory_space<vmem>> -> memref<40x128xf32, #tpu.memory_space<vmem>>
        %dma_wait3A_373 = tpu.memref_slice %arg9[%mul3A_277] : memref<4000xi32, #tpu.memory_space<vmem>> -> memref<40xi32, #tpu.memory_space<vmem>>
        %dma_wait3A_374 = arith.constant 0 : i32
        %dma_wait3A_375 = arith.constant 0 : i32
        %dma_wait3A_376 = tpu.memref_slice %arg2[%dma_wait3A_374, %dma_wait3A_375] : memref<10000x128xf32, #tpu.memory_space<hbm>> -> memref<10000x128xf32, #tpu.memory_space<hbm>>
        tpu.wait_indirect_dma semaphore(%arg18 : memref<!tpu.dma_semaphore, #tpu.memory_space<semaphore_mem>>) src(%dma_wait3A_376 : memref<10000x128xf32, #tpu.memory_space<hbm>>) dst(%dma_wait3A_372 : memref<40x128xf32, #tpu.memory_space<vmem>>)
        %dma_wait3A_377 = arith.constant 4 : i32
        %dma_wait3A_378 = arith.constant 0 : i32
        %dma_wait3A_379 = arith.constant 0 : i32
        %dma_wait3A_380 = tpu.memref_slice %arg12[%dma_wait3A_377, %dma_wait3A_378, %dma_wait3A_379] : memref<5x40x128xf32, #tpu.memory_space<vmem>> -> memref<1x40x128xf32, #tpu.memory_space<vmem>>
        %dma_wait3A_381 = tpu.memref_squeeze %dma_wait3A_380 : memref<1x40x128xf32, #tpu.memory_space<vmem>> -> memref<40x128xf32, #tpu.memory_space<vmem>>
        %dma_wait3A_382 = tpu.memref_slice %arg10[%mul3A_277] : memref<4000xi32, #tpu.memory_space<vmem>> -> memref<40xi32, #tpu.memory_space<vmem>>
        %dma_wait3A_383 = arith.constant 0 : i32
        %dma_wait3A_384 = arith.constant 0 : i32
        %dma_wait3A_385 = tpu.memref_slice %arg3[%dma_wait3A_383, %dma_wait3A_384] : memref<10000x128xf32, #tpu.memory_space<hbm>> -> memref<10000x128xf32, #tpu.memory_space<hbm>>
        tpu.wait_indirect_dma semaphore(%arg18 : memref<!tpu.dma_semaphore, #tpu.memory_space<semaphore_mem>>) src(%dma_wait3A_385 : memref<10000x128xf32, #tpu.memory_space<hbm>>) dst(%dma_wait3A_381 : memref<40x128xf32, #tpu.memory_space<vmem>>)
        %mul3A_386 = arith.constant 5 : i32
        %mul3A_387 = arith.muli %scan3A_172, %mul3A_386 : i32
        %add3A_388 = arith.constant 0 : i32
        %add3A_389 = arith.addi %mul3A_387, %add3A_388 : i32
        %mul3A_390 = arith.constant 40 : i32
        %mul3A_391 = arith.muli %add3A_389, %mul3A_390 : i32
        %add3A_392 = arith.constant 16 : i32
        %add3A_393 = arith.addi %add3A_392, %mul3A_13 : i32
        %add3A_394 = arith.addi %add3A_393, %mul3A_391 : i32
        %dma_start3A_395 = arith.constant 0 : i32
        %dma_start3A_396 = arith.constant 0 : i32
        %dma_start3A_397 = arith.constant 0 : i32
        %dma_start3A_398 = tpu.memref_slice %arg11[%dma_start3A_395, %dma_start3A_396, %dma_start3A_397] : memref<5x40x128xf32, #tpu.memory_space<vmem>> -> memref<1x40x128xf32, #tpu.memory_space<vmem>>
        %dma_start3A_399 = tpu.memref_squeeze %dma_start3A_398 : memref<1x40x128xf32, #tpu.memory_space<vmem>> -> memref<40x128xf32, #tpu.memory_space<vmem>>
        %dma_start3A_400 = arith.constant 0 : i32
        %dma_start3A_401 = tpu.memref_slice %arg7[%add3A_394, %dma_start3A_400] : memref<80032x128xf32, #tpu.memory_space<hbm>> -> memref<40x128xf32, #tpu.memory_space<hbm>>
        %dma_start3A_402 = arith.constant 0 : i32
        %dma_start3A_403 = tpu.memref_slice %arg7[%add3A_394, %dma_start3A_402] : memref<80032x128xf32, #tpu.memory_space<hbm>> -> memref<40x128xf32, #tpu.memory_space<hbm>>
        %dma_start3A_404 = arith.constant 0 : i32
        %dma_start3A_405 = arith.constant 0 : i32
        %dma_start3A_406 = tpu.memref_slice %arg11[%dma_start3A_395, %dma_start3A_404, %dma_start3A_405] : memref<5x40x128xf32, #tpu.memory_space<vmem>> -> memref<1x40x128xf32, #tpu.memory_space<vmem>>
        %dma_start3A_407 = tpu.memref_squeeze %dma_start3A_406 : memref<1x40x128xf32, #tpu.memory_space<vmem>> -> memref<40x128xf32, #tpu.memory_space<vmem>>
        tpu.enqueue_dma source(%dma_start3A_407 : memref<40x128xf32, #tpu.memory_space<vmem>>) target(%dma_start3A_403 : memref<40x128xf32, #tpu.memory_space<hbm>>) target_semaphore(%arg19 : memref<!tpu.dma_semaphore, #tpu.memory_space<semaphore_mem>>)
        %dma_start3A_408 = arith.constant 0 : i32
        %dma_start3A_409 = arith.constant 0 : i32
        %dma_start3A_410 = arith.constant 0 : i32
        %dma_start3A_411 = tpu.memref_slice %arg12[%dma_start3A_408, %dma_start3A_409, %dma_start3A_410] : memref<5x40x128xf32, #tpu.memory_space<vmem>> -> memref<1x40x128xf32, #tpu.memory_space<vmem>>
        %dma_start3A_412 = tpu.memref_squeeze %dma_start3A_411 : memref<1x40x128xf32, #tpu.memory_space<vmem>> -> memref<40x128xf32, #tpu.memory_space<vmem>>
        %dma_start3A_413 = arith.constant 0 : i32
        %dma_start3A_414 = tpu.memref_slice %arg8[%add3A_394, %dma_start3A_413] : memref<80032x128xf32, #tpu.memory_space<hbm>> -> memref<40x128xf32, #tpu.memory_space<hbm>>
        %dma_start3A_415 = arith.constant 0 : i32
        %dma_start3A_416 = tpu.memref_slice %arg8[%add3A_394, %dma_start3A_415] : memref<80032x128xf32, #tpu.memory_space<hbm>> -> memref<40x128xf32, #tpu.memory_space<hbm>>
        %dma_start3A_417 = arith.constant 0 : i32
        %dma_start3A_418 = arith.constant 0 : i32
        %dma_start3A_419 = tpu.memref_slice %arg12[%dma_start3A_408, %dma_start3A_417, %dma_start3A_418] : memref<5x40x128xf32, #tpu.memory_space<vmem>> -> memref<1x40x128xf32, #tpu.memory_space<vmem>>
        %dma_start3A_420 = tpu.memref_squeeze %dma_start3A_419 : memref<1x40x128xf32, #tpu.memory_space<vmem>> -> memref<40x128xf32, #tpu.memory_space<vmem>>
        tpu.enqueue_dma source(%dma_start3A_420 : memref<40x128xf32, #tpu.memory_space<vmem>>) target(%dma_start3A_416 : memref<40x128xf32, #tpu.memory_space<hbm>>) target_semaphore(%arg19 : memref<!tpu.dma_semaphore, #tpu.memory_space<semaphore_mem>>)
        %mul3A_421 = arith.constant 5 : i32
        %mul3A_422 = arith.muli %scan3A_172, %mul3A_421 : i32
        %add3A_423 = arith.constant 1 : i32
        %add3A_424 = arith.addi %mul3A_422, %add3A_423 : i32
        %mul3A_425 = arith.constant 40 : i32
        %mul3A_426 = arith.muli %add3A_424, %mul3A_425 : i32
        %add3A_427 = arith.constant 16 : i32
        %add3A_428 = arith.addi %add3A_427, %mul3A_13 : i32
        %add3A_429 = arith.addi %add3A_428, %mul3A_426 : i32
        %dma_start3A_430 = arith.constant 1 : i32
        %dma_start3A_431 = arith.constant 0 : i32
        %dma_start3A_432 = arith.constant 0 : i32
        %dma_start3A_433 = tpu.memref_slice %arg11[%dma_start3A_430, %dma_start3A_431, %dma_start3A_432] : memref<5x40x128xf32, #tpu.memory_space<vmem>> -> memref<1x40x128xf32, #tpu.memory_space<vmem>>
        %dma_start3A_434 = tpu.memref_squeeze %dma_start3A_433 : memref<1x40x128xf32, #tpu.memory_space<vmem>> -> memref<40x128xf32, #tpu.memory_space<vmem>>
        %dma_start3A_435 = arith.constant 0 : i32
        %dma_start3A_436 = tpu.memref_slice %arg7[%add3A_429, %dma_start3A_435] : memref<80032x128xf32, #tpu.memory_space<hbm>> -> memref<40x128xf32, #tpu.memory_space<hbm>>
        %dma_start3A_437 = arith.constant 0 : i32
        %dma_start3A_438 = tpu.memref_slice %arg7[%add3A_429, %dma_start3A_437] : memref<80032x128xf32, #tpu.memory_space<hbm>> -> memref<40x128xf32, #tpu.memory_space<hbm>>
        %dma_start3A_439 = arith.constant 0 : i32
        %dma_start3A_440 = arith.constant 0 : i32
        %dma_start3A_441 = tpu.memref_slice %arg11[%dma_start3A_430, %dma_start3A_439, %dma_start3A_440] : memref<5x40x128xf32, #tpu.memory_space<vmem>> -> memref<1x40x128xf32, #tpu.memory_space<vmem>>
        %dma_start3A_442 = tpu.memref_squeeze %dma_start3A_441 : memref<1x40x128xf32, #tpu.memory_space<vmem>> -> memref<40x128xf32, #tpu.memory_space<vmem>>
        tpu.enqueue_dma source(%dma_start3A_442 : memref<40x128xf32, #tpu.memory_space<vmem>>) target(%dma_start3A_438 : memref<40x128xf32, #tpu.memory_space<hbm>>) target_semaphore(%arg19 : memref<!tpu.dma_semaphore, #tpu.memory_space<semaphore_mem>>)
        %dma_start3A_443 = arith.constant 1 : i32
        %dma_start3A_444 = arith.constant 0 : i32
        %dma_start3A_445 = arith.constant 0 : i32
        %dma_start3A_446 = tpu.memref_slice %arg12[%dma_start3A_443, %dma_start3A_444, %dma_start3A_445] : memref<5x40x128xf32, #tpu.memory_space<vmem>> -> memref<1x40x128xf32, #tpu.memory_space<vmem>>
        %dma_start3A_447 = tpu.memref_squeeze %dma_start3A_446 : memref<1x40x128xf32, #tpu.memory_space<vmem>> -> memref<40x128xf32, #tpu.memory_space<vmem>>
        %dma_start3A_448 = arith.constant 0 : i32
        %dma_start3A_449 = tpu.memref_slice %arg8[%add3A_429, %dma_start3A_448] : memref<80032x128xf32, #tpu.memory_space<hbm>> -> memref<40x128xf32, #tpu.memory_space<hbm>>
        %dma_start3A_450 = arith.constant 0 : i32
        %dma_start3A_451 = tpu.memref_slice %arg8[%add3A_429, %dma_start3A_450] : memref<80032x128xf32, #tpu.memory_space<hbm>> -> memref<40x128xf32, #tpu.memory_space<hbm>>
        %dma_start3A_452 = arith.constant 0 : i32
        %dma_start3A_453 = arith.constant 0 : i32
        %dma_start3A_454 = tpu.memref_slice %arg12[%dma_start3A_443, %dma_start3A_452, %dma_start3A_453] : memref<5x40x128xf32, #tpu.memory_space<vmem>> -> memref<1x40x128xf32, #tpu.memory_space<vmem>>
        %dma_start3A_455 = tpu.memref_squeeze %dma_start3A_454 : memref<1x40x128xf32, #tpu.memory_space<vmem>> -> memref<40x128xf32, #tpu.memory_space<vmem>>
        tpu.enqueue_dma source(%dma_start3A_455 : memref<40x128xf32, #tpu.memory_space<vmem>>) target(%dma_start3A_451 : memref<40x128xf32, #tpu.memory_space<hbm>>) target_semaphore(%arg19 : memref<!tpu.dma_semaphore, #tpu.memory_space<semaphore_mem>>)
        %mul3A_456 = arith.constant 5 : i32
        %mul3A_457 = arith.muli %scan3A_172, %mul3A_456 : i32
        %add3A_458 = arith.constant 2 : i32
        %add3A_459 = arith.addi %mul3A_457, %add3A_458 : i32
        %mul3A_460 = arith.constant 40 : i32
        %mul3A_461 = arith.muli %add3A_459, %mul3A_460 : i32
        %add3A_462 = arith.constant 16 : i32
        %add3A_463 = arith.addi %add3A_462, %mul3A_13 : i32
        %add3A_464 = arith.addi %add3A_463, %mul3A_461 : i32
        %dma_start3A_465 = arith.constant 2 : i32
        %dma_start3A_466 = arith.constant 0 : i32
        %dma_start3A_467 = arith.constant 0 : i32
        %dma_start3A_468 = tpu.memref_slice %arg11[%dma_start3A_465, %dma_start3A_466, %dma_start3A_467] : memref<5x40x128xf32, #tpu.memory_space<vmem>> -> memref<1x40x128xf32, #tpu.memory_space<vmem>>
        %dma_start3A_469 = tpu.memref_squeeze %dma_start3A_468 : memref<1x40x128xf32, #tpu.memory_space<vmem>> -> memref<40x128xf32, #tpu.memory_space<vmem>>
        %dma_start3A_470 = arith.constant 0 : i32
        %dma_start3A_471 = tpu.memref_slice %arg7[%add3A_464, %dma_start3A_470] : memref<80032x128xf32, #tpu.memory_space<hbm>> -> memref<40x128xf32, #tpu.memory_space<hbm>>
        %dma_start3A_472 = arith.constant 0 : i32
        %dma_start3A_473 = tpu.memref_slice %arg7[%add3A_464, %dma_start3A_472] : memref<80032x128xf32, #tpu.memory_space<hbm>> -> memref<40x128xf32, #tpu.memory_space<hbm>>
        %dma_start3A_474 = arith.constant 0 : i32
        %dma_start3A_475 = arith.constant 0 : i32
        %dma_start3A_476 = tpu.memref_slice %arg11[%dma_start3A_465, %dma_start3A_474, %dma_start3A_475] : memref<5x40x128xf32, #tpu.memory_space<vmem>> -> memref<1x40x128xf32, #tpu.memory_space<vmem>>
        %dma_start3A_477 = tpu.memref_squeeze %dma_start3A_476 : memref<1x40x128xf32, #tpu.memory_space<vmem>> -> memref<40x128xf32, #tpu.memory_space<vmem>>
        tpu.enqueue_dma source(%dma_start3A_477 : memref<40x128xf32, #tpu.memory_space<vmem>>) target(%dma_start3A_473 : memref<40x128xf32, #tpu.memory_space<hbm>>) target_semaphore(%arg19 : memref<!tpu.dma_semaphore, #tpu.memory_space<semaphore_mem>>)
        %dma_start3A_478 = arith.constant 2 : i32
        %dma_start3A_479 = arith.constant 0 : i32
        %dma_start3A_480 = arith.constant 0 : i32
        %dma_start3A_481 = tpu.memref_slice %arg12[%dma_start3A_478, %dma_start3A_479, %dma_start3A_480] : memref<5x40x128xf32, #tpu.memory_space<vmem>> -> memref<1x40x128xf32, #tpu.memory_space<vmem>>
        %dma_start3A_482 = tpu.memref_squeeze %dma_start3A_481 : memref<1x40x128xf32, #tpu.memory_space<vmem>> -> memref<40x128xf32, #tpu.memory_space<vmem>>
        %dma_start3A_483 = arith.constant 0 : i32
        %dma_start3A_484 = tpu.memref_slice %arg8[%add3A_464, %dma_start3A_483] : memref<80032x128xf32, #tpu.memory_space<hbm>> -> memref<40x128xf32, #tpu.memory_space<hbm>>
        %dma_start3A_485 = arith.constant 0 : i32
        %dma_start3A_486 = tpu.memref_slice %arg8[%add3A_464, %dma_start3A_485] : memref<80032x128xf32, #tpu.memory_space<hbm>> -> memref<40x128xf32, #tpu.memory_space<hbm>>
        %dma_start3A_487 = arith.constant 0 : i32
        %dma_start3A_488 = arith.constant 0 : i32
        %dma_start3A_489 = tpu.memref_slice %arg12[%dma_start3A_478, %dma_start3A_487, %dma_start3A_488] : memref<5x40x128xf32, #tpu.memory_space<vmem>> -> memref<1x40x128xf32, #tpu.memory_space<vmem>>
        %dma_start3A_490 = tpu.memref_squeeze %dma_start3A_489 : memref<1x40x128xf32, #tpu.memory_space<vmem>> -> memref<40x128xf32, #tpu.memory_space<vmem>>
        tpu.enqueue_dma source(%dma_start3A_490 : memref<40x128xf32, #tpu.memory_space<vmem>>) target(%dma_start3A_486 : memref<40x128xf32, #tpu.memory_space<hbm>>) target_semaphore(%arg19 : memref<!tpu.dma_semaphore, #tpu.memory_space<semaphore_mem>>)
        %mul3A_491 = arith.constant 5 : i32
        %mul3A_492 = arith.muli %scan3A_172, %mul3A_491 : i32
        %add3A_493 = arith.constant 3 : i32
        %add3A_494 = arith.addi %mul3A_492, %add3A_493 : i32
        %mul3A_495 = arith.constant 40 : i32
        %mul3A_496 = arith.muli %add3A_494, %mul3A_495 : i32
        %add3A_497 = arith.constant 16 : i32
        %add3A_498 = arith.addi %add3A_497, %mul3A_13 : i32
        %add3A_499 = arith.addi %add3A_498, %mul3A_496 : i32
        %dma_start3A_500 = arith.constant 3 : i32
        %dma_start3A_501 = arith.constant 0 : i32
        %dma_start3A_502 = arith.constant 0 : i32
        %dma_start3A_503 = tpu.memref_slice %arg11[%dma_start3A_500, %dma_start3A_501, %dma_start3A_502] : memref<5x40x128xf32, #tpu.memory_space<vmem>> -> memref<1x40x128xf32, #tpu.memory_space<vmem>>
        %dma_start3A_504 = tpu.memref_squeeze %dma_start3A_503 : memref<1x40x128xf32, #tpu.memory_space<vmem>> -> memref<40x128xf32, #tpu.memory_space<vmem>>
        %dma_start3A_505 = arith.constant 0 : i32
        %dma_start3A_506 = tpu.memref_slice %arg7[%add3A_499, %dma_start3A_505] : memref<80032x128xf32, #tpu.memory_space<hbm>> -> memref<40x128xf32, #tpu.memory_space<hbm>>
        %dma_start3A_507 = arith.constant 0 : i32
        %dma_start3A_508 = tpu.memref_slice %arg7[%add3A_499, %dma_start3A_507] : memref<80032x128xf32, #tpu.memory_space<hbm>> -> memref<40x128xf32, #tpu.memory_space<hbm>>
        %dma_start3A_509 = arith.constant 0 : i32
        %dma_start3A_510 = arith.constant 0 : i32
        %dma_start3A_511 = tpu.memref_slice %arg11[%dma_start3A_500, %dma_start3A_509, %dma_start3A_510] : memref<5x40x128xf32, #tpu.memory_space<vmem>> -> memref<1x40x128xf32, #tpu.memory_space<vmem>>
        %dma_start3A_512 = tpu.memref_squeeze %dma_start3A_511 : memref<1x40x128xf32, #tpu.memory_space<vmem>> -> memref<40x128xf32, #tpu.memory_space<vmem>>
        tpu.enqueue_dma source(%dma_start3A_512 : memref<40x128xf32, #tpu.memory_space<vmem>>) target(%dma_start3A_508 : memref<40x128xf32, #tpu.memory_space<hbm>>) target_semaphore(%arg19 : memref<!tpu.dma_semaphore, #tpu.memory_space<semaphore_mem>>)
        %dma_start3A_513 = arith.constant 3 : i32
        %dma_start3A_514 = arith.constant 0 : i32
        %dma_start3A_515 = arith.constant 0 : i32
        %dma_start3A_516 = tpu.memref_slice %arg12[%dma_start3A_513, %dma_start3A_514, %dma_start3A_515] : memref<5x40x128xf32, #tpu.memory_space<vmem>> -> memref<1x40x128xf32, #tpu.memory_space<vmem>>
        %dma_start3A_517 = tpu.memref_squeeze %dma_start3A_516 : memref<1x40x128xf32, #tpu.memory_space<vmem>> -> memref<40x128xf32, #tpu.memory_space<vmem>>
        %dma_start3A_518 = arith.constant 0 : i32
        %dma_start3A_519 = tpu.memref_slice %arg8[%add3A_499, %dma_start3A_518] : memref<80032x128xf32, #tpu.memory_space<hbm>> -> memref<40x128xf32, #tpu.memory_space<hbm>>
        %dma_start3A_520 = arith.constant 0 : i32
        %dma_start3A_521 = tpu.memref_slice %arg8[%add3A_499, %dma_start3A_520] : memref<80032x128xf32, #tpu.memory_space<hbm>> -> memref<40x128xf32, #tpu.memory_space<hbm>>
        %dma_start3A_522 = arith.constant 0 : i32
        %dma_start3A_523 = arith.constant 0 : i32
        %dma_start3A_524 = tpu.memref_slice %arg12[%dma_start3A_513, %dma_start3A_522, %dma_start3A_523] : memref<5x40x128xf32, #tpu.memory_space<vmem>> -> memref<1x40x128xf32, #tpu.memory_space<vmem>>
        %dma_start3A_525 = tpu.memref_squeeze %dma_start3A_524 : memref<1x40x128xf32, #tpu.memory_space<vmem>> -> memref<40x128xf32, #tpu.memory_space<vmem>>
        tpu.enqueue_dma source(%dma_start3A_525 : memref<40x128xf32, #tpu.memory_space<vmem>>) target(%dma_start3A_521 : memref<40x128xf32, #tpu.memory_space<hbm>>) target_semaphore(%arg19 : memref<!tpu.dma_semaphore, #tpu.memory_space<semaphore_mem>>)
        %mul3A_526 = arith.constant 5 : i32
        %mul3A_527 = arith.muli %scan3A_172, %mul3A_526 : i32
        %add3A_528 = arith.constant 4 : i32
        %add3A_529 = arith.addi %mul3A_527, %add3A_528 : i32
        %mul3A_530 = arith.constant 40 : i32
        %mul3A_531 = arith.muli %add3A_529, %mul3A_530 : i32
        %add3A_532 = arith.constant 16 : i32
        %add3A_533 = arith.addi %add3A_532, %mul3A_13 : i32
        %add3A_534 = arith.addi %add3A_533, %mul3A_531 : i32
        %dma_start3A_535 = arith.constant 4 : i32
        %dma_start3A_536 = arith.constant 0 : i32
        %dma_start3A_537 = arith.constant 0 : i32
        %dma_start3A_538 = tpu.memref_slice %arg11[%dma_start3A_535, %dma_start3A_536, %dma_start3A_537] : memref<5x40x128xf32, #tpu.memory_space<vmem>> -> memref<1x40x128xf32, #tpu.memory_space<vmem>>
        %dma_start3A_539 = tpu.memref_squeeze %dma_start3A_538 : memref<1x40x128xf32, #tpu.memory_space<vmem>> -> memref<40x128xf32, #tpu.memory_space<vmem>>
        %dma_start3A_540 = arith.constant 0 : i32
        %dma_start3A_541 = tpu.memref_slice %arg7[%add3A_534, %dma_start3A_540] : memref<80032x128xf32, #tpu.memory_space<hbm>> -> memref<40x128xf32, #tpu.memory_space<hbm>>
        %dma_start3A_542 = arith.constant 0 : i32
        %dma_start3A_543 = tpu.memref_slice %arg7[%add3A_534, %dma_start3A_542] : memref<80032x128xf32, #tpu.memory_space<hbm>> -> memref<40x128xf32, #tpu.memory_space<hbm>>
        %dma_start3A_544 = arith.constant 0 : i32
        %dma_start3A_545 = arith.constant 0 : i32
        %dma_start3A_546 = tpu.memref_slice %arg11[%dma_start3A_535, %dma_start3A_544, %dma_start3A_545] : memref<5x40x128xf32, #tpu.memory_space<vmem>> -> memref<1x40x128xf32, #tpu.memory_space<vmem>>
        %dma_start3A_547 = tpu.memref_squeeze %dma_start3A_546 : memref<1x40x128xf32, #tpu.memory_space<vmem>> -> memref<40x128xf32, #tpu.memory_space<vmem>>
        tpu.enqueue_dma source(%dma_start3A_547 : memref<40x128xf32, #tpu.memory_space<vmem>>) target(%dma_start3A_543 : memref<40x128xf32, #tpu.memory_space<hbm>>) target_semaphore(%arg19 : memref<!tpu.dma_semaphore, #tpu.memory_space<semaphore_mem>>)
        %dma_start3A_548 = arith.constant 4 : i32
        %dma_start3A_549 = arith.constant 0 : i32
        %dma_start3A_550 = arith.constant 0 : i32
        %dma_start3A_551 = tpu.memref_slice %arg12[%dma_start3A_548, %dma_start3A_549, %dma_start3A_550] : memref<5x40x128xf32, #tpu.memory_space<vmem>> -> memref<1x40x128xf32, #tpu.memory_space<vmem>>
        %dma_start3A_552 = tpu.memref_squeeze %dma_start3A_551 : memref<1x40x128xf32, #tpu.memory_space<vmem>> -> memref<40x128xf32, #tpu.memory_space<vmem>>
        %dma_start3A_553 = arith.constant 0 : i32
        %dma_start3A_554 = tpu.memref_slice %arg8[%add3A_534, %dma_start3A_553] : memref<80032x128xf32, #tpu.memory_space<hbm>> -> memref<40x128xf32, #tpu.memory_space<hbm>>
        %dma_start3A_555 = arith.constant 0 : i32
        %dma_start3A_556 = tpu.memref_slice %arg8[%add3A_534, %dma_start3A_555] : memref<80032x128xf32, #tpu.memory_space<hbm>> -> memref<40x128xf32, #tpu.memory_space<hbm>>
        %dma_start3A_557 = arith.constant 0 : i32
        %dma_start3A_558 = arith.constant 0 : i32
        %dma_start3A_559 = tpu.memref_slice %arg12[%dma_start3A_548, %dma_start3A_557, %dma_start3A_558] : memref<5x40x128xf32, #tpu.memory_space<vmem>> -> memref<1x40x128xf32, #tpu.memory_space<vmem>>
        %dma_start3A_560 = tpu.memref_squeeze %dma_start3A_559 : memref<1x40x128xf32, #tpu.memory_space<vmem>> -> memref<40x128xf32, #tpu.memory_space<vmem>>
        tpu.enqueue_dma source(%dma_start3A_560 : memref<40x128xf32, #tpu.memory_space<vmem>>) target(%dma_start3A_556 : memref<40x128xf32, #tpu.memory_space<hbm>>) target_semaphore(%arg19 : memref<!tpu.dma_semaphore, #tpu.memory_space<semaphore_mem>>)
      }
      %scan3A_22 = arith.constant 20 : i32
      %dma_wait3A = arith.constant 0 : i32
      %dma_wait3A_23 = arith.constant 0 : i32
      %dma_wait3A_24 = arith.constant 0 : i32
      %dma_wait3A_25 = tpu.memref_slice %arg11[%dma_wait3A, %dma_wait3A_23, %dma_wait3A_24] : memref<5x40x128xf32, #tpu.memory_space<vmem>> -> memref<1x40x128xf32, #tpu.memory_space<vmem>>
      %dma_wait3A_26 = tpu.memref_squeeze %dma_wait3A_25 : memref<1x40x128xf32, #tpu.memory_space<vmem>> -> memref<40x128xf32, #tpu.memory_space<vmem>>
      %dma_wait3A_27 = arith.constant 0 : i32
      %dma_wait3A_28 = arith.constant 0 : i32
      %dma_wait3A_29 = tpu.memref_slice %arg7[%dma_wait3A_27, %dma_wait3A_28] : memref<80032x128xf32, #tpu.memory_space<hbm>> -> memref<40x128xf32, #tpu.memory_space<hbm>>
      %dma_wait3A_30 = arith.constant 0 : i32
      %dma_wait3A_31 = arith.constant 0 : i32
      %dma_wait3A_32 = tpu.memref_slice %arg11[%dma_wait3A, %dma_wait3A_30, %dma_wait3A_31] : memref<5x40x128xf32, #tpu.memory_space<vmem>> -> memref<1x40x128xf32, #tpu.memory_space<vmem>>
      %dma_wait3A_33 = tpu.memref_squeeze %dma_wait3A_32 : memref<1x40x128xf32, #tpu.memory_space<vmem>> -> memref<40x128xf32, #tpu.memory_space<vmem>>
      %dma_wait3A_34 = arith.constant 0 : i32
      %dma_wait3A_35 = arith.constant 0 : i32
      %dma_wait3A_36 = tpu.memref_slice %arg7[%dma_wait3A_34, %dma_wait3A_35] : memref<80032x128xf32, #tpu.memory_space<hbm>> -> memref<40x128xf32, #tpu.memory_space<hbm>>
      tpu.wait_dma2 semaphore(%arg19 : memref<!tpu.dma_semaphore, #tpu.memory_space<semaphore_mem>>) src(%dma_wait3A_36 : memref<40x128xf32, #tpu.memory_space<hbm>>) dst(%dma_wait3A_33 : memref<40x128xf32, #tpu.memory_space<vmem>>)
      %dma_wait3A_37 = arith.constant 0 : i32
      %dma_wait3A_38 = arith.constant 0 : i32
      %dma_wait3A_39 = arith.constant 0 : i32
      %dma_wait3A_40 = tpu.memref_slice %arg12[%dma_wait3A_37, %dma_wait3A_38, %dma_wait3A_39] : memref<5x40x128xf32, #tpu.memory_space<vmem>> -> memref<1x40x128xf32, #tpu.memory_space<vmem>>
      %dma_wait3A_41 = tpu.memref_squeeze %dma_wait3A_40 : memref<1x40x128xf32, #tpu.memory_space<vmem>> -> memref<40x128xf32, #tpu.memory_space<vmem>>
      %dma_wait3A_42 = arith.constant 0 : i32
      %dma_wait3A_43 = arith.constant 0 : i32
      %dma_wait3A_44 = tpu.memref_slice %arg8[%dma_wait3A_42, %dma_wait3A_43] : memref<80032x128xf32, #tpu.memory_space<hbm>> -> memref<40x128xf32, #tpu.memory_space<hbm>>
      %dma_wait3A_45 = arith.constant 0 : i32
      %dma_wait3A_46 = arith.constant 0 : i32
      %dma_wait3A_47 = tpu.memref_slice %arg12[%dma_wait3A_37, %dma_wait3A_45, %dma_wait3A_46] : memref<5x40x128xf32, #tpu.memory_space<vmem>> -> memref<1x40x128xf32, #tpu.memory_space<vmem>>
      %dma_wait3A_48 = tpu.memref_squeeze %dma_wait3A_47 : memref<1x40x128xf32, #tpu.memory_space<vmem>> -> memref<40x128xf32, #tpu.memory_space<vmem>>
      %dma_wait3A_49 = arith.constant 0 : i32
      %dma_wait3A_50 = arith.constant 0 : i32
      %dma_wait3A_51 = tpu.memref_slice %arg8[%dma_wait3A_49, %dma_wait3A_50] : memref<80032x128xf32, #tpu.memory_space<hbm>> -> memref<40x128xf32, #tpu.memory_space<hbm>>
      tpu.wait_dma2 semaphore(%arg19 : memref<!tpu.dma_semaphore, #tpu.memory_space<semaphore_mem>>) src(%dma_wait3A_51 : memref<40x128xf32, #tpu.memory_space<hbm>>) dst(%dma_wait3A_48 : memref<40x128xf32, #tpu.memory_space<vmem>>)
      %dma_wait3A_52 = arith.constant 1 : i32
      %dma_wait3A_53 = arith.constant 0 : i32
      %dma_wait3A_54 = arith.constant 0 : i32
      %dma_wait3A_55 = tpu.memref_slice %arg11[%dma_wait3A_52, %dma_wait3A_53, %dma_wait3A_54] : memref<5x40x128xf32, #tpu.memory_space<vmem>> -> memref<1x40x128xf32, #tpu.memory_space<vmem>>
      %dma_wait3A_56 = tpu.memref_squeeze %dma_wait3A_55 : memref<1x40x128xf32, #tpu.memory_space<vmem>> -> memref<40x128xf32, #tpu.memory_space<vmem>>
      %dma_wait3A_57 = arith.constant 0 : i32
      %dma_wait3A_58 = arith.constant 0 : i32
      %dma_wait3A_59 = tpu.memref_slice %arg7[%dma_wait3A_57, %dma_wait3A_58] : memref<80032x128xf32, #tpu.memory_space<hbm>> -> memref<40x128xf32, #tpu.memory_space<hbm>>
      %dma_wait3A_60 = arith.constant 0 : i32
      %dma_wait3A_61 = arith.constant 0 : i32
      %dma_wait3A_62 = tpu.memref_slice %arg11[%dma_wait3A_52, %dma_wait3A_60, %dma_wait3A_61] : memref<5x40x128xf32, #tpu.memory_space<vmem>> -> memref<1x40x128xf32, #tpu.memory_space<vmem>>
      %dma_wait3A_63 = tpu.memref_squeeze %dma_wait3A_62 : memref<1x40x128xf32, #tpu.memory_space<vmem>> -> memref<40x128xf32, #tpu.memory_space<vmem>>
      %dma_wait3A_64 = arith.constant 0 : i32
      %dma_wait3A_65 = arith.constant 0 : i32
      %dma_wait3A_66 = tpu.memref_slice %arg7[%dma_wait3A_64, %dma_wait3A_65] : memref<80032x128xf32, #tpu.memory_space<hbm>> -> memref<40x128xf32, #tpu.memory_space<hbm>>
      tpu.wait_dma2 semaphore(%arg19 : memref<!tpu.dma_semaphore, #tpu.memory_space<semaphore_mem>>) src(%dma_wait3A_66 : memref<40x128xf32, #tpu.memory_space<hbm>>) dst(%dma_wait3A_63 : memref<40x128xf32, #tpu.memory_space<vmem>>)
      %dma_wait3A_67 = arith.constant 1 : i32
      %dma_wait3A_68 = arith.constant 0 : i32
      %dma_wait3A_69 = arith.constant 0 : i32
      %dma_wait3A_70 = tpu.memref_slice %arg12[%dma_wait3A_67, %dma_wait3A_68, %dma_wait3A_69] : memref<5x40x128xf32, #tpu.memory_space<vmem>> -> memref<1x40x128xf32, #tpu.memory_space<vmem>>
      %dma_wait3A_71 = tpu.memref_squeeze %dma_wait3A_70 : memref<1x40x128xf32, #tpu.memory_space<vmem>> -> memref<40x128xf32, #tpu.memory_space<vmem>>
      %dma_wait3A_72 = arith.constant 0 : i32
      %dma_wait3A_73 = arith.constant 0 : i32
      %dma_wait3A_74 = tpu.memref_slice %arg8[%dma_wait3A_72, %dma_wait3A_73] : memref<80032x128xf32, #tpu.memory_space<hbm>> -> memref<40x128xf32, #tpu.memory_space<hbm>>
      %dma_wait3A_75 = arith.constant 0 : i32
      %dma_wait3A_76 = arith.constant 0 : i32
      %dma_wait3A_77 = tpu.memref_slice %arg12[%dma_wait3A_67, %dma_wait3A_75, %dma_wait3A_76] : memref<5x40x128xf32, #tpu.memory_space<vmem>> -> memref<1x40x128xf32, #tpu.memory_space<vmem>>
      %dma_wait3A_78 = tpu.memref_squeeze %dma_wait3A_77 : memref<1x40x128xf32, #tpu.memory_space<vmem>> -> memref<40x128xf32, #tpu.memory_space<vmem>>
      %dma_wait3A_79 = arith.constant 0 : i32
      %dma_wait3A_80 = arith.constant 0 : i32
      %dma_wait3A_81 = tpu.memref_slice %arg8[%dma_wait3A_79, %dma_wait3A_80] : memref<80032x128xf32, #tpu.memory_space<hbm>> -> memref<40x128xf32, #tpu.memory_space<hbm>>
      tpu.wait_dma2 semaphore(%arg19 : memref<!tpu.dma_semaphore, #tpu.memory_space<semaphore_mem>>) src(%dma_wait3A_81 : memref<40x128xf32, #tpu.memory_space<hbm>>) dst(%dma_wait3A_78 : memref<40x128xf32, #tpu.memory_space<vmem>>)
      %dma_wait3A_82 = arith.constant 2 : i32
      %dma_wait3A_83 = arith.constant 0 : i32
      %dma_wait3A_84 = arith.constant 0 : i32
      %dma_wait3A_85 = tpu.memref_slice %arg11[%dma_wait3A_82, %dma_wait3A_83, %dma_wait3A_84] : memref<5x40x128xf32, #tpu.memory_space<vmem>> -> memref<1x40x128xf32, #tpu.memory_space<vmem>>
      %dma_wait3A_86 = tpu.memref_squeeze %dma_wait3A_85 : memref<1x40x128xf32, #tpu.memory_space<vmem>> -> memref<40x128xf32, #tpu.memory_space<vmem>>
      %dma_wait3A_87 = arith.constant 0 : i32
      %dma_wait3A_88 = arith.constant 0 : i32
      %dma_wait3A_89 = tpu.memref_slice %arg7[%dma_wait3A_87, %dma_wait3A_88] : memref<80032x128xf32, #tpu.memory_space<hbm>> -> memref<40x128xf32, #tpu.memory_space<hbm>>
      %dma_wait3A_90 = arith.constant 0 : i32
      %dma_wait3A_91 = arith.constant 0 : i32
      %dma_wait3A_92 = tpu.memref_slice %arg11[%dma_wait3A_82, %dma_wait3A_90, %dma_wait3A_91] : memref<5x40x128xf32, #tpu.memory_space<vmem>> -> memref<1x40x128xf32, #tpu.memory_space<vmem>>
      %dma_wait3A_93 = tpu.memref_squeeze %dma_wait3A_92 : memref<1x40x128xf32, #tpu.memory_space<vmem>> -> memref<40x128xf32, #tpu.memory_space<vmem>>
      %dma_wait3A_94 = arith.constant 0 : i32
      %dma_wait3A_95 = arith.constant 0 : i32
      %dma_wait3A_96 = tpu.memref_slice %arg7[%dma_wait3A_94, %dma_wait3A_95] : memref<80032x128xf32, #tpu.memory_space<hbm>> -> memref<40x128xf32, #tpu.memory_space<hbm>>
      tpu.wait_dma2 semaphore(%arg19 : memref<!tpu.dma_semaphore, #tpu.memory_space<semaphore_mem>>) src(%dma_wait3A_96 : memref<40x128xf32, #tpu.memory_space<hbm>>) dst(%dma_wait3A_93 : memref<40x128xf32, #tpu.memory_space<vmem>>)
      %dma_wait3A_97 = arith.constant 2 : i32
      %dma_wait3A_98 = arith.constant 0 : i32
      %dma_wait3A_99 = arith.constant 0 : i32
      %dma_wait3A_100 = tpu.memref_slice %arg12[%dma_wait3A_97, %dma_wait3A_98, %dma_wait3A_99] : memref<5x40x128xf32, #tpu.memory_space<vmem>> -> memref<1x40x128xf32, #tpu.memory_space<vmem>>
      %dma_wait3A_101 = tpu.memref_squeeze %dma_wait3A_100 : memref<1x40x128xf32, #tpu.memory_space<vmem>> -> memref<40x128xf32, #tpu.memory_space<vmem>>
      %dma_wait3A_102 = arith.constant 0 : i32
      %dma_wait3A_103 = arith.constant 0 : i32
      %dma_wait3A_104 = tpu.memref_slice %arg8[%dma_wait3A_102, %dma_wait3A_103] : memref<80032x128xf32, #tpu.memory_space<hbm>> -> memref<40x128xf32, #tpu.memory_space<hbm>>
      %dma_wait3A_105 = arith.constant 0 : i32
      %dma_wait3A_106 = arith.constant 0 : i32
      %dma_wait3A_107 = tpu.memref_slice %arg12[%dma_wait3A_97, %dma_wait3A_105, %dma_wait3A_106] : memref<5x40x128xf32, #tpu.memory_space<vmem>> -> memref<1x40x128xf32, #tpu.memory_space<vmem>>
      %dma_wait3A_108 = tpu.memref_squeeze %dma_wait3A_107 : memref<1x40x128xf32, #tpu.memory_space<vmem>> -> memref<40x128xf32, #tpu.memory_space<vmem>>
      %dma_wait3A_109 = arith.constant 0 : i32
      %dma_wait3A_110 = arith.constant 0 : i32
      %dma_wait3A_111 = tpu.memref_slice %arg8[%dma_wait3A_109, %dma_wait3A_110] : memref<80032x128xf32, #tpu.memory_space<hbm>> -> memref<40x128xf32, #tpu.memory_space<hbm>>
      tpu.wait_dma2 semaphore(%arg19 : memref<!tpu.dma_semaphore, #tpu.memory_space<semaphore_mem>>) src(%dma_wait3A_111 : memref<40x128xf32, #tpu.memory_space<hbm>>) dst(%dma_wait3A_108 : memref<40x128xf32, #tpu.memory_space<vmem>>)
      %dma_wait3A_112 = arith.constant 3 : i32
      %dma_wait3A_113 = arith.constant 0 : i32
      %dma_wait3A_114 = arith.constant 0 : i32
      %dma_wait3A_115 = tpu.memref_slice %arg11[%dma_wait3A_112, %dma_wait3A_113, %dma_wait3A_114] : memref<5x40x128xf32, #tpu.memory_space<vmem>> -> memref<1x40x128xf32, #tpu.memory_space<vmem>>
      %dma_wait3A_116 = tpu.memref_squeeze %dma_wait3A_115 : memref<1x40x128xf32, #tpu.memory_space<vmem>> -> memref<40x128xf32, #tpu.memory_space<vmem>>
      %dma_wait3A_117 = arith.constant 0 : i32
      %dma_wait3A_118 = arith.constant 0 : i32
      %dma_wait3A_119 = tpu.memref_slice %arg7[%dma_wait3A_117, %dma_wait3A_118] : memref<80032x128xf32, #tpu.memory_space<hbm>> -> memref<40x128xf32, #tpu.memory_space<hbm>>
      %dma_wait3A_120 = arith.constant 0 : i32
      %dma_wait3A_121 = arith.constant 0 : i32
      %dma_wait3A_122 = tpu.memref_slice %arg11[%dma_wait3A_112, %dma_wait3A_120, %dma_wait3A_121] : memref<5x40x128xf32, #tpu.memory_space<vmem>> -> memref<1x40x128xf32, #tpu.memory_space<vmem>>
      %dma_wait3A_123 = tpu.memref_squeeze %dma_wait3A_122 : memref<1x40x128xf32, #tpu.memory_space<vmem>> -> memref<40x128xf32, #tpu.memory_space<vmem>>
      %dma_wait3A_124 = arith.constant 0 : i32
      %dma_wait3A_125 = arith.constant 0 : i32
      %dma_wait3A_126 = tpu.memref_slice %arg7[%dma_wait3A_124, %dma_wait3A_125] : memref<80032x128xf32, #tpu.memory_space<hbm>> -> memref<40x128xf32, #tpu.memory_space<hbm>>
      tpu.wait_dma2 semaphore(%arg19 : memref<!tpu.dma_semaphore, #tpu.memory_space<semaphore_mem>>) src(%dma_wait3A_126 : memref<40x128xf32, #tpu.memory_space<hbm>>) dst(%dma_wait3A_123 : memref<40x128xf32, #tpu.memory_space<vmem>>)
      %dma_wait3A_127 = arith.constant 3 : i32
      %dma_wait3A_128 = arith.constant 0 : i32
      %dma_wait3A_129 = arith.constant 0 : i32
      %dma_wait3A_130 = tpu.memref_slice %arg12[%dma_wait3A_127, %dma_wait3A_128, %dma_wait3A_129] : memref<5x40x128xf32, #tpu.memory_space<vmem>> -> memref<1x40x128xf32, #tpu.memory_space<vmem>>
      %dma_wait3A_131 = tpu.memref_squeeze %dma_wait3A_130 : memref<1x40x128xf32, #tpu.memory_space<vmem>> -> memref<40x128xf32, #tpu.memory_space<vmem>>
      %dma_wait3A_132 = arith.constant 0 : i32
      %dma_wait3A_133 = arith.constant 0 : i32
      %dma_wait3A_134 = tpu.memref_slice %arg8[%dma_wait3A_132, %dma_wait3A_133] : memref<80032x128xf32, #tpu.memory_space<hbm>> -> memref<40x128xf32, #tpu.memory_space<hbm>>
      %dma_wait3A_135 = arith.constant 0 : i32
      %dma_wait3A_136 = arith.constant 0 : i32
      %dma_wait3A_137 = tpu.memref_slice %arg12[%dma_wait3A_127, %dma_wait3A_135, %dma_wait3A_136] : memref<5x40x128xf32, #tpu.memory_space<vmem>> -> memref<1x40x128xf32, #tpu.memory_space<vmem>>
      %dma_wait3A_138 = tpu.memref_squeeze %dma_wait3A_137 : memref<1x40x128xf32, #tpu.memory_space<vmem>> -> memref<40x128xf32, #tpu.memory_space<vmem>>
      %dma_wait3A_139 = arith.constant 0 : i32
      %dma_wait3A_140 = arith.constant 0 : i32
      %dma_wait3A_141 = tpu.memref_slice %arg8[%dma_wait3A_139, %dma_wait3A_140] : memref<80032x128xf32, #tpu.memory_space<hbm>> -> memref<40x128xf32, #tpu.memory_space<hbm>>
      tpu.wait_dma2 semaphore(%arg19 : memref<!tpu.dma_semaphore, #tpu.memory_space<semaphore_mem>>) src(%dma_wait3A_141 : memref<40x128xf32, #tpu.memory_space<hbm>>) dst(%dma_wait3A_138 : memref<40x128xf32, #tpu.memory_space<vmem>>)
      %dma_wait3A_142 = arith.constant 4 : i32
      %dma_wait3A_143 = arith.constant 0 : i32
      %dma_wait3A_144 = arith.constant 0 : i32
      %dma_wait3A_145 = tpu.memref_slice %arg11[%dma_wait3A_142, %dma_wait3A_143, %dma_wait3A_144] : memref<5x40x128xf32, #tpu.memory_space<vmem>> -> memref<1x40x128xf32, #tpu.memory_space<vmem>>
      %dma_wait3A_146 = tpu.memref_squeeze %dma_wait3A_145 : memref<1x40x128xf32, #tpu.memory_space<vmem>> -> memref<40x128xf32, #tpu.memory_space<vmem>>
      %dma_wait3A_147 = arith.constant 0 : i32
      %dma_wait3A_148 = arith.constant 0 : i32
      %dma_wait3A_149 = tpu.memref_slice %arg7[%dma_wait3A_147, %dma_wait3A_148] : memref<80032x128xf32, #tpu.memory_space<hbm>> -> memref<40x128xf32, #tpu.memory_space<hbm>>
      %dma_wait3A_150 = arith.constant 0 : i32
      %dma_wait3A_151 = arith.constant 0 : i32
      %dma_wait3A_152 = tpu.memref_slice %arg11[%dma_wait3A_142, %dma_wait3A_150, %dma_wait3A_151] : memref<5x40x128xf32, #tpu.memory_space<vmem>> -> memref<1x40x128xf32, #tpu.memory_space<vmem>>
      %dma_wait3A_153 = tpu.memref_squeeze %dma_wait3A_152 : memref<1x40x128xf32, #tpu.memory_space<vmem>> -> memref<40x128xf32, #tpu.memory_space<vmem>>
      %dma_wait3A_154 = arith.constant 0 : i32
      %dma_wait3A_155 = arith.constant 0 : i32
      %dma_wait3A_156 = tpu.memref_slice %arg7[%dma_wait3A_154, %dma_wait3A_155] : memref<80032x128xf32, #tpu.memory_space<hbm>> -> memref<40x128xf32, #tpu.memory_space<hbm>>
      tpu.wait_dma2 semaphore(%arg19 : memref<!tpu.dma_semaphore, #tpu.memory_space<semaphore_mem>>) src(%dma_wait3A_156 : memref<40x128xf32, #tpu.memory_space<hbm>>) dst(%dma_wait3A_153 : memref<40x128xf32, #tpu.memory_space<vmem>>)
      %dma_wait3A_157 = arith.constant 4 : i32
      %dma_wait3A_158 = arith.constant 0 : i32
      %dma_wait3A_159 = arith.constant 0 : i32
      %dma_wait3A_160 = tpu.memref_slice %arg12[%dma_wait3A_157, %dma_wait3A_158, %dma_wait3A_159] : memref<5x40x128xf32, #tpu.memory_space<vmem>> -> memref<1x40x128xf32, #tpu.memory_space<vmem>>
      %dma_wait3A_161 = tpu.memref_squeeze %dma_wait3A_160 : memref<1x40x128xf32, #tpu.memory_space<vmem>> -> memref<40x128xf32, #tpu.memory_space<vmem>>
      %dma_wait3A_162 = arith.constant 0 : i32
      %dma_wait3A_163 = arith.constant 0 : i32
      %dma_wait3A_164 = tpu.memref_slice %arg8[%dma_wait3A_162, %dma_wait3A_163] : memref<80032x128xf32, #tpu.memory_space<hbm>> -> memref<40x128xf32, #tpu.memory_space<hbm>>
      %dma_wait3A_165 = arith.constant 0 : i32
      %dma_wait3A_166 = arith.constant 0 : i32
      %dma_wait3A_167 = tpu.memref_slice %arg12[%dma_wait3A_157, %dma_wait3A_165, %dma_wait3A_166] : memref<5x40x128xf32, #tpu.memory_space<vmem>> -> memref<1x40x128xf32, #tpu.memory_space<vmem>>
      %dma_wait3A_168 = tpu.memref_squeeze %dma_wait3A_167 : memref<1x40x128xf32, #tpu.memory_space<vmem>> -> memref<40x128xf32, #tpu.memory_space<vmem>>
      %dma_wait3A_169 = arith.constant 0 : i32
      %dma_wait3A_170 = arith.constant 0 : i32
      %dma_wait3A_171 = tpu.memref_slice %arg8[%dma_wait3A_169, %dma_wait3A_170] : memref<80032x128xf32, #tpu.memory_space<hbm>> -> memref<40x128xf32, #tpu.memory_space<hbm>>
      tpu.wait_dma2 semaphore(%arg19 : memref<!tpu.dma_semaphore, #tpu.memory_space<semaphore_mem>>) src(%dma_wait3A_171 : memref<40x128xf32, #tpu.memory_space<hbm>>) dst(%dma_wait3A_168 : memref<40x128xf32, #tpu.memory_space<vmem>>)
    } else {
    }
    %eq3A = arith.constant 20 : i32
    %eq3A_3 = arith.cmpi eq, %add3A, %eq3A : i32
    %convert_element_type3A_4 = arith.extui %eq3A_3 : i1 to i32
    %cond3A_5 = arith.constant 0 : i32
    %cond3A_6 = arith.cmpi ne, %convert_element_type3A_4, %cond3A_5 : i32
    scf.if %cond3A_6 {
      "tpu.region"() ({
        %run_scoped3A = tpu.sem_alloc : memref<!tpu.dma_semaphore, #tpu.memory_space<semaphore_mem>>
        %dma_start3A_22 = arith.constant 79984 : i32
        %dma_start3A_23 = tpu.memref_slice %arg4[%dma_start3A_22] : memref<160000xi32, #tpu.memory_space<hbm>> -> memref<16xi32, #tpu.memory_space<hbm>>
        %dma_start3A_24 = arith.constant 79984 : i32
        %dma_start3A_25 = tpu.memref_slice %arg4[%dma_start3A_24] : memref<160000xi32, #tpu.memory_space<hbm>> -> memref<16xi32, #tpu.memory_space<hbm>>
        tpu.enqueue_dma source(%dma_start3A_25 : memref<16xi32, #tpu.memory_space<hbm>>) target(%arg13 : memref<16xi32, #tpu.memory_space<vmem>>) target_semaphore(%run_scoped3A : memref<!tpu.dma_semaphore, #tpu.memory_space<semaphore_mem>>)
        %dma_wait3A_26 = arith.constant 79984 : i32
        %dma_wait3A_27 = tpu.memref_slice %arg4[%dma_wait3A_26] : memref<160000xi32, #tpu.memory_space<hbm>> -> memref<16xi32, #tpu.memory_space<hbm>>
        %dma_wait3A_28 = arith.constant 79984 : i32
        %dma_wait3A_29 = tpu.memref_slice %arg4[%dma_wait3A_28] : memref<160000xi32, #tpu.memory_space<hbm>> -> memref<16xi32, #tpu.memory_space<hbm>>
        tpu.wait_dma2 semaphore(%run_scoped3A : memref<!tpu.dma_semaphore, #tpu.memory_space<semaphore_mem>>) src(%dma_wait3A_29 : memref<16xi32, #tpu.memory_space<hbm>>) dst(%arg13 : memref<16xi32, #tpu.memory_space<vmem>>)
        tpu.yield
      }) : () -> ()
      "tpu.region"() ({
        %run_scoped3A = tpu.sem_alloc : memref<!tpu.dma_semaphore, #tpu.memory_space<semaphore_mem>>
        %dma_start3A_22 = arith.constant 79984 : i32
        %dma_start3A_23 = tpu.memref_slice %arg5[%dma_start3A_22] : memref<160000xi32, #tpu.memory_space<hbm>> -> memref<16xi32, #tpu.memory_space<hbm>>
        %dma_start3A_24 = arith.constant 79984 : i32
        %dma_start3A_25 = tpu.memref_slice %arg5[%dma_start3A_24] : memref<160000xi32, #tpu.memory_space<hbm>> -> memref<16xi32, #tpu.memory_space<hbm>>
        tpu.enqueue_dma source(%dma_start3A_25 : memref<16xi32, #tpu.memory_space<hbm>>) target(%arg14 : memref<16xi32, #tpu.memory_space<vmem>>) target_semaphore(%run_scoped3A : memref<!tpu.dma_semaphore, #tpu.memory_space<semaphore_mem>>)
        %dma_wait3A_26 = arith.constant 79984 : i32
        %dma_wait3A_27 = tpu.memref_slice %arg5[%dma_wait3A_26] : memref<160000xi32, #tpu.memory_space<hbm>> -> memref<16xi32, #tpu.memory_space<hbm>>
        %dma_wait3A_28 = arith.constant 79984 : i32
        %dma_wait3A_29 = tpu.memref_slice %arg5[%dma_wait3A_28] : memref<160000xi32, #tpu.memory_space<hbm>> -> memref<16xi32, #tpu.memory_space<hbm>>
        tpu.wait_dma2 semaphore(%run_scoped3A : memref<!tpu.dma_semaphore, #tpu.memory_space<semaphore_mem>>) src(%dma_wait3A_29 : memref<16xi32, #tpu.memory_space<hbm>>) dst(%arg14 : memref<16xi32, #tpu.memory_space<vmem>>)
        tpu.yield
      }) : () -> ()
      %dma_start3A = arith.constant 0 : i32
      %dma_start3A_12 = arith.constant 0 : i32
      %dma_start3A_13 = tpu.memref_slice %arg2[%dma_start3A, %dma_start3A_12] : memref<10000x128xf32, #tpu.memory_space<hbm>> -> memref<10000x128xf32, #tpu.memory_space<hbm>>
      tpu.enqueue_indirect_dma source(%dma_start3A_13 : memref<10000x128xf32, #tpu.memory_space<hbm>>) target(%arg15 : memref<16x128xf32, #tpu.memory_space<vmem>>) offsets(%arg13 : memref<16xi32, #tpu.memory_space<vmem>>) semaphore(%arg18 : memref<!tpu.dma_semaphore, #tpu.memory_space<semaphore_mem>>)
      %dma_start3A_14 = arith.constant 0 : i32
      %dma_start3A_15 = arith.constant 0 : i32
      %dma_start3A_16 = tpu.memref_slice %arg3[%dma_start3A_14, %dma_start3A_15] : memref<10000x128xf32, #tpu.memory_space<hbm>> -> memref<10000x128xf32, #tpu.memory_space<hbm>>
      tpu.enqueue_indirect_dma source(%dma_start3A_16 : memref<10000x128xf32, #tpu.memory_space<hbm>>) target(%arg16 : memref<16x128xf32, #tpu.memory_space<vmem>>) offsets(%arg14 : memref<16xi32, #tpu.memory_space<vmem>>) semaphore(%arg18 : memref<!tpu.dma_semaphore, #tpu.memory_space<semaphore_mem>>)
      %dma_wait3A = arith.constant 0 : i32
      %dma_wait3A_17 = arith.constant 0 : i32
      %dma_wait3A_18 = tpu.memref_slice %arg2[%dma_wait3A, %dma_wait3A_17] : memref<10000x128xf32, #tpu.memory_space<hbm>> -> memref<10000x128xf32, #tpu.memory_space<hbm>>
      tpu.wait_indirect_dma semaphore(%arg18 : memref<!tpu.dma_semaphore, #tpu.memory_space<semaphore_mem>>) src(%dma_wait3A_18 : memref<10000x128xf32, #tpu.memory_space<hbm>>) dst(%arg15 : memref<16x128xf32, #tpu.memory_space<vmem>>)
      %dma_wait3A_19 = arith.constant 0 : i32
      %dma_wait3A_20 = arith.constant 0 : i32
      %dma_wait3A_21 = tpu.memref_slice %arg3[%dma_wait3A_19, %dma_wait3A_20] : memref<10000x128xf32, #tpu.memory_space<hbm>> -> memref<10000x128xf32, #tpu.memory_space<hbm>>
      tpu.wait_indirect_dma semaphore(%arg18 : memref<!tpu.dma_semaphore, #tpu.memory_space<semaphore_mem>>) src(%dma_wait3A_21 : memref<10000x128xf32, #tpu.memory_space<hbm>>) dst(%arg16 : memref<16x128xf32, #tpu.memory_space<vmem>>)
      "tpu.region"() ({
        %run_scoped3A = tpu.sem_alloc : memref<!tpu.dma_semaphore, #tpu.memory_space<semaphore_mem>>
        %dma_start3A_22 = arith.constant 0 : i32
        %dma_start3A_23 = arith.constant 0 : i32
        %dma_start3A_24 = tpu.memref_slice %arg7[%dma_start3A_22, %dma_start3A_23] : memref<80032x128xf32, #tpu.memory_space<hbm>> -> memref<16x128xf32, #tpu.memory_space<hbm>>
        %dma_start3A_25 = arith.constant 0 : i32
        %dma_start3A_26 = arith.constant 0 : i32
        %dma_start3A_27 = tpu.memref_slice %arg7[%dma_start3A_25, %dma_start3A_26] : memref<80032x128xf32, #tpu.memory_space<hbm>> -> memref<16x128xf32, #tpu.memory_space<hbm>>
        tpu.enqueue_dma source(%arg15 : memref<16x128xf32, #tpu.memory_space<vmem>>) target(%dma_start3A_27 : memref<16x128xf32, #tpu.memory_space<hbm>>) target_semaphore(%run_scoped3A : memref<!tpu.dma_semaphore, #tpu.memory_space<semaphore_mem>>)
        %dma_wait3A_28 = arith.constant 0 : i32
        %dma_wait3A_29 = arith.constant 0 : i32
        %dma_wait3A_30 = tpu.memref_slice %arg7[%dma_wait3A_28, %dma_wait3A_29] : memref<80032x128xf32, #tpu.memory_space<hbm>> -> memref<16x128xf32, #tpu.memory_space<hbm>>
        %dma_wait3A_31 = arith.constant 0 : i32
        %dma_wait3A_32 = arith.constant 0 : i32
        %dma_wait3A_33 = tpu.memref_slice %arg7[%dma_wait3A_31, %dma_wait3A_32] : memref<80032x128xf32, #tpu.memory_space<hbm>> -> memref<16x128xf32, #tpu.memory_space<hbm>>
        tpu.wait_dma2 semaphore(%run_scoped3A : memref<!tpu.dma_semaphore, #tpu.memory_space<semaphore_mem>>) src(%arg15 : memref<16x128xf32, #tpu.memory_space<vmem>>) dst(%dma_wait3A_33 : memref<16x128xf32, #tpu.memory_space<hbm>>)
        tpu.yield
      }) : () -> ()
      "tpu.region"() ({
        %run_scoped3A = tpu.sem_alloc : memref<!tpu.dma_semaphore, #tpu.memory_space<semaphore_mem>>
        %dma_start3A_22 = arith.constant 0 : i32
        %dma_start3A_23 = arith.constant 0 : i32
        %dma_start3A_24 = tpu.memref_slice %arg8[%dma_start3A_22, %dma_start3A_23] : memref<80032x128xf32, #tpu.memory_space<hbm>> -> memref<16x128xf32, #tpu.memory_space<hbm>>
        %dma_start3A_25 = arith.constant 0 : i32
        %dma_start3A_26 = arith.constant 0 : i32
        %dma_start3A_27 = tpu.memref_slice %arg8[%dma_start3A_25, %dma_start3A_26] : memref<80032x128xf32, #tpu.memory_space<hbm>> -> memref<16x128xf32, #tpu.memory_space<hbm>>
        tpu.enqueue_dma source(%arg16 : memref<16x128xf32, #tpu.memory_space<vmem>>) target(%dma_start3A_27 : memref<16x128xf32, #tpu.memory_space<hbm>>) target_semaphore(%run_scoped3A : memref<!tpu.dma_semaphore, #tpu.memory_space<semaphore_mem>>)
        %dma_wait3A_28 = arith.constant 0 : i32
        %dma_wait3A_29 = arith.constant 0 : i32
        %dma_wait3A_30 = tpu.memref_slice %arg8[%dma_wait3A_28, %dma_wait3A_29] : memref<80032x128xf32, #tpu.memory_space<hbm>> -> memref<16x128xf32, #tpu.memory_space<hbm>>
        %dma_wait3A_31 = arith.constant 0 : i32
        %dma_wait3A_32 = arith.constant 0 : i32
        %dma_wait3A_33 = tpu.memref_slice %arg8[%dma_wait3A_31, %dma_wait3A_32] : memref<80032x128xf32, #tpu.memory_space<hbm>> -> memref<16x128xf32, #tpu.memory_space<hbm>>
        tpu.wait_dma2 semaphore(%run_scoped3A : memref<!tpu.dma_semaphore, #tpu.memory_space<semaphore_mem>>) src(%arg16 : memref<16x128xf32, #tpu.memory_space<vmem>>) dst(%dma_wait3A_33 : memref<16x128xf32, #tpu.memory_space<hbm>>)
        tpu.yield
      }) : () -> ()
    } else {
    }
    %eq3A_7 = arith.constant 21 : i32
    %eq3A_8 = arith.cmpi eq, %add3A, %eq3A_7 : i32
    %convert_element_type3A_9 = arith.extui %eq3A_8 : i1 to i32
    %cond3A_10 = arith.constant 0 : i32
    %cond3A_11 = arith.cmpi ne, %convert_element_type3A_9, %cond3A_10 : i32
    scf.if %cond3A_11 {
      "tpu.region"() ({
        %run_scoped3A = tpu.sem_alloc : memref<!tpu.dma_semaphore, #tpu.memory_space<semaphore_mem>>
        tpu.enqueue_dma source(%arg6 : memref<16x128xf32, #tpu.memory_space<hbm>>) target(%arg17 : memref<16x128xf32, #tpu.memory_space<vmem>>) target_semaphore(%run_scoped3A : memref<!tpu.dma_semaphore, #tpu.memory_space<semaphore_mem>>)
        tpu.wait_dma2 semaphore(%run_scoped3A : memref<!tpu.dma_semaphore, #tpu.memory_space<semaphore_mem>>) src(%arg6 : memref<16x128xf32, #tpu.memory_space<hbm>>) dst(%arg17 : memref<16x128xf32, #tpu.memory_space<vmem>>)
        tpu.yield
      }) : () -> ()
      "tpu.region"() ({
        %run_scoped3A = tpu.sem_alloc : memref<!tpu.dma_semaphore, #tpu.memory_space<semaphore_mem>>
        %dma_start3A = arith.constant 80016 : i32
        %dma_start3A_12 = arith.constant 0 : i32
        %dma_start3A_13 = tpu.memref_slice %arg7[%dma_start3A, %dma_start3A_12] : memref<80032x128xf32, #tpu.memory_space<hbm>> -> memref<16x128xf32, #tpu.memory_space<hbm>>
        %dma_start3A_14 = arith.constant 80016 : i32
        %dma_start3A_15 = arith.constant 0 : i32
        %dma_start3A_16 = tpu.memref_slice %arg7[%dma_start3A_14, %dma_start3A_15] : memref<80032x128xf32, #tpu.memory_space<hbm>> -> memref<16x128xf32, #tpu.memory_space<hbm>>
        tpu.enqueue_dma source(%arg17 : memref<16x128xf32, #tpu.memory_space<vmem>>) target(%dma_start3A_16 : memref<16x128xf32, #tpu.memory_space<hbm>>) target_semaphore(%run_scoped3A : memref<!tpu.dma_semaphore, #tpu.memory_space<semaphore_mem>>)
        %dma_wait3A = arith.constant 80016 : i32
        %dma_wait3A_17 = arith.constant 0 : i32
        %dma_wait3A_18 = tpu.memref_slice %arg7[%dma_wait3A, %dma_wait3A_17] : memref<80032x128xf32, #tpu.memory_space<hbm>> -> memref<16x128xf32, #tpu.memory_space<hbm>>
        %dma_wait3A_19 = arith.constant 80016 : i32
        %dma_wait3A_20 = arith.constant 0 : i32
        %dma_wait3A_21 = tpu.memref_slice %arg7[%dma_wait3A_19, %dma_wait3A_20] : memref<80032x128xf32, #tpu.memory_space<hbm>> -> memref<16x128xf32, #tpu.memory_space<hbm>>
        tpu.wait_dma2 semaphore(%run_scoped3A : memref<!tpu.dma_semaphore, #tpu.memory_space<semaphore_mem>>) src(%arg17 : memref<16x128xf32, #tpu.memory_space<vmem>>) dst(%dma_wait3A_21 : memref<16x128xf32, #tpu.memory_space<hbm>>)
        tpu.yield
      }) : () -> ()
      "tpu.region"() ({
        %run_scoped3A = tpu.sem_alloc : memref<!tpu.dma_semaphore, #tpu.memory_space<semaphore_mem>>
        %dma_start3A = arith.constant 80016 : i32
        %dma_start3A_12 = arith.constant 0 : i32
        %dma_start3A_13 = tpu.memref_slice %arg8[%dma_start3A, %dma_start3A_12] : memref<80032x128xf32, #tpu.memory_space<hbm>> -> memref<16x128xf32, #tpu.memory_space<hbm>>
        %dma_start3A_14 = arith.constant 80016 : i32
        %dma_start3A_15 = arith.constant 0 : i32
        %dma_start3A_16 = tpu.memref_slice %arg8[%dma_start3A_14, %dma_start3A_15] : memref<80032x128xf32, #tpu.memory_space<hbm>> -> memref<16x128xf32, #tpu.memory_space<hbm>>
        tpu.enqueue_dma source(%arg17 : memref<16x128xf32, #tpu.memory_space<vmem>>) target(%dma_start3A_16 : memref<16x128xf32, #tpu.memory_space<hbm>>) target_semaphore(%run_scoped3A : memref<!tpu.dma_semaphore, #tpu.memory_space<semaphore_mem>>)
        %dma_wait3A = arith.constant 80016 : i32
        %dma_wait3A_17 = arith.constant 0 : i32
        %dma_wait3A_18 = tpu.memref_slice %arg8[%dma_wait3A, %dma_wait3A_17] : memref<80032x128xf32, #tpu.memory_space<hbm>> -> memref<16x128xf32, #tpu.memory_space<hbm>>
        %dma_wait3A_19 = arith.constant 80016 : i32
        %dma_wait3A_20 = arith.constant 0 : i32
        %dma_wait3A_21 = tpu.memref_slice %arg8[%dma_wait3A_19, %dma_wait3A_20] : memref<80032x128xf32, #tpu.memory_space<hbm>> -> memref<16x128xf32, #tpu.memory_space<hbm>>
        tpu.wait_dma2 semaphore(%run_scoped3A : memref<!tpu.dma_semaphore, #tpu.memory_space<semaphore_mem>>) src(%arg17 : memref<16x128xf32, #tpu.memory_space<vmem>>) dst(%dma_wait3A_21 : memref<16x128xf32, #tpu.memory_space<hbm>>)
        tpu.yield
      }) : () -> ()
    } else {
    }
    return
  }
}

module attributes {stable_mosaic.version = 14 : i64} {
  func.func @_finish_body(%arg0: i32, %arg1: memref<1000x128xf32, #tpu.memory_space<vmem>>, %arg2: memref<1000x128xf32, #tpu.memory_space<vmem>>, %arg3: memref<8x128xf32, #tpu.memory_space<vmem>>, %arg4: memref<8x128xf32, #tpu.memory_space<vmem>>, %arg5: memref<1x128xf32, #tpu.memory_space<vmem>>, %arg6: memref<1x128xf32, #tpu.memory_space<vmem>>, %arg7: memref<1x128xf32, #tpu.memory_space<vmem>>, %arg8: memref<1000x128xf32, #tpu.memory_space<vmem>>) attributes {dimension_semantics = [#tpu.dimension_semantics<arbitrary>], iteration_bounds = array<i64: 5>, scalar_prefetch = 0 : i64, scratch_operands = 0 : i64, tpu.core_type = #tpu.core_type<tc>, window_params = [{transform_indices = @transform_0, window_bounds = array<i64: 1000, 128>}, {transform_indices = @transform_1, window_bounds = array<i64: 1000, 128>}, {pipeline_mode = #tpu.pipeline_mode<synchronous>, transform_indices = @transform_2, window_bounds = array<i64: 8, 128>}, {pipeline_mode = #tpu.pipeline_mode<synchronous>, transform_indices = @transform_3, window_bounds = array<i64: 8, 128>}, {pipeline_mode = #tpu.pipeline_mode<synchronous>, transform_indices = @transform_4, window_bounds = array<i64: 1, 128>}, {pipeline_mode = #tpu.pipeline_mode<synchronous>, transform_indices = @transform_5, window_bounds = array<i64: 1, 128>}, {pipeline_mode = #tpu.pipeline_mode<synchronous>, transform_indices = @transform_6, window_bounds = array<i64: 1, 128>}, {transform_indices = @transform_7, window_bounds = array<i64: 1000, 128>}]} {
    %get3A = arith.constant 0 : index
    %get3A_0 = arith.constant 0 : index
    %get3A_1 = vector.load %arg3[%get3A, %get3A_0] : memref<8x128xf32, #tpu.memory_space<vmem>>, vector<8x128xf32>
    %get3A_2 = arith.constant 0 : index
    %get3A_3 = arith.constant 0 : index
    %get3A_4 = vector.load %arg4[%get3A_2, %get3A_3] : memref<8x128xf32, #tpu.memory_space<vmem>>, vector<8x128xf32>
    %add3A = arith.addf %get3A_1, %get3A_4 : vector<8x128xf32>
    %slice3A = vector.extract_strided_slice %add3A {offsets = [0, 0], sizes = [1, 128], strides = [1, 1]} : vector<8x128xf32> to vector<1x128xf32>
    %div3A = arith.constant 1.600000e+05 : f32
    %div3A_5 = vector.broadcast %div3A : f32 to vector<1x128xf32>
    %div3A_6 = arith.divf %slice3A, %div3A_5 : vector<1x128xf32>
    %slice3A_7 = vector.extract_strided_slice %add3A {offsets = [1, 0], sizes = [1, 128], strides = [1, 1]} : vector<8x128xf32> to vector<1x128xf32>
    %div3A_8 = arith.constant 1.600000e+05 : f32
    %div3A_9 = vector.broadcast %div3A_8 : f32 to vector<1x128xf32>
    %div3A_10 = arith.divf %slice3A_7, %div3A_9 : vector<1x128xf32>
    %mul3A = arith.mulf %div3A_6, %div3A_6 : vector<1x128xf32>
    %sub3A = arith.subf %div3A_10, %mul3A : vector<1x128xf32>
    %get3A_11 = arith.constant 0 : index
    %get3A_12 = arith.constant 0 : index
    %get3A_13 = vector.load %arg7[%get3A_11, %get3A_12] : memref<1x128xf32, #tpu.memory_space<vmem>>, vector<1x128xf32>
    %add3A_14 = arith.addf %div3A_6, %get3A_13 : vector<1x128xf32>
    %get3A_15 = arith.constant 0 : index
    %get3A_16 = arith.constant 0 : index
    %get3A_17 = vector.load %arg5[%get3A_15, %get3A_16] : memref<1x128xf32, #tpu.memory_space<vmem>>, vector<1x128xf32>
    %add3A_18 = arith.constant 9.99999974E-6 : f32
    %add3A_19 = vector.broadcast %add3A_18 : f32 to vector<1x128xf32>
    %add3A_20 = arith.addf %sub3A, %add3A_19 : vector<1x128xf32>
    %sqrt3A = math.sqrt %add3A_20 : vector<1x128xf32>
    %div3A_21 = arith.divf %get3A_17, %sqrt3A : vector<1x128xf32>
    %get3A_22 = arith.constant 0 : index
    %get3A_23 = arith.constant 0 : index
    %get3A_24 = vector.load %arg6[%get3A_22, %get3A_23] : memref<1x128xf32, #tpu.memory_space<vmem>>, vector<1x128xf32>
    %mul3A_25 = arith.mulf %add3A_14, %div3A_21 : vector<1x128xf32>
    %sub3A_26 = arith.subf %get3A_24, %mul3A_25 : vector<1x128xf32>
    %ge3A = arith.constant 0.000000e+00 : f32
    %ge3A_27 = vector.broadcast %ge3A : f32 to vector<1x128xf32>
    %ge3A_28 = arith.cmpf oge, %div3A_21, %ge3A_27 : vector<1x128xf32>
    %get3A_29 = arith.constant 0 : index
    %get3A_30 = arith.constant 0 : index
    %get3A_31 = vector.load %arg1[%get3A_29, %get3A_30] : memref<1000x128xf32, #tpu.memory_space<vmem>>, vector<1000x128xf32>
    %get3A_32 = arith.constant 0 : index
    %get3A_33 = arith.constant 0 : index
    %get3A_34 = vector.load %arg2[%get3A_32, %get3A_33] : memref<1000x128xf32, #tpu.memory_space<vmem>>, vector<1000x128xf32>
    %broadcast_in_dim3A = vector.shape_cast %ge3A_28 : vector<1x128xi1> to vector<1x128xi1>
    %broadcast_in_dim3A_35 = vector.broadcast %broadcast_in_dim3A : vector<1x128xi1> to vector<1000x128xi1>
    %select_n3A = arith.select %broadcast_in_dim3A_35, %get3A_31, %get3A_34 : vector<1000x128xi1>, vector<1000x128xf32>
    %mul3A_36 = vector.broadcast %div3A_21 : vector<1x128xf32> to vector<1000x128xf32>
    %mul3A_37 = arith.mulf %select_n3A, %mul3A_36 : vector<1000x128xf32>
    %add3A_38 = vector.broadcast %sub3A_26 : vector<1x128xf32> to vector<1000x128xf32>
    %add3A_39 = arith.addf %mul3A_37, %add3A_38 : vector<1000x128xf32>
    %max3A = arith.constant 0.000000e+00 : f32
    %max3A_40 = vector.broadcast %max3A : f32 to vector<1000x128xf32>
    %max3A_41 = arith.maximumf %add3A_39, %max3A_40 : vector<1000x128xf32>
    %swap3A = arith.constant 0 : index
    %swap3A_42 = arith.constant 0 : index
    %swap3A_43 = vector.load %arg8[%swap3A, %swap3A_42] : memref<1000x128xf32, #tpu.memory_space<vmem>>, vector<1000x128xf32>
    tpu.vector_store %arg8[%swap3A, %swap3A_42], %max3A_41 {strides = array<i32>} : memref<1000x128xf32, #tpu.memory_space<vmem>>, vector<1000x128xf32>,
    return
  }
  func.func @transform_0(%arg0: i32) -> (i32, i32) {
    %c0_i32 = arith.constant 0 : i32
    %c0_i32_0 = arith.constant 0 : i32
    return %arg0, %c0_i32 : i32, i32
  }
  func.func @transform_1(%arg0: i32) -> (i32, i32) {
    %c0_i32 = arith.constant 0 : i32
    %c0_i32_0 = arith.constant 0 : i32
    return %arg0, %c0_i32 : i32, i32
  }
  func.func @transform_2(%arg0: i32) -> (i32, i32) {
    %c0_i32 = arith.constant 0 : i32
    %c0_i32_0 = arith.constant 0 : i32
    %c0_i32_1 = arith.constant 0 : i32
    return %c0_i32, %c0_i32_0 : i32, i32
  }
  func.func @transform_3(%arg0: i32) -> (i32, i32) {
    %c0_i32 = arith.constant 0 : i32
    %c0_i32_0 = arith.constant 0 : i32
    %c0_i32_1 = arith.constant 0 : i32
    return %c0_i32, %c0_i32_0 : i32, i32
  }
  func.func @transform_4(%arg0: i32) -> (i32, i32) {
    %c0_i32 = arith.constant 0 : i32
    %c0_i32_0 = arith.constant 0 : i32
    %c0_i32_1 = arith.constant 0 : i32
    return %c0_i32, %c0_i32_0 : i32, i32
  }
  func.func @transform_5(%arg0: i32) -> (i32, i32) {
    %c0_i32 = arith.constant 0 : i32
    %c0_i32_0 = arith.constant 0 : i32
    %c0_i32_1 = arith.constant 0 : i32
    return %c0_i32, %c0_i32_0 : i32, i32
  }
  func.func @transform_6(%arg0: i32) -> (i32, i32) {
    %c0_i32 = arith.constant 0 : i32
    %c0_i32_0 = arith.constant 0 : i32
    %c0_i32_1 = arith.constant 0 : i32
    return %c0_i32, %c0_i32_0 : i32, i32
  }
  func.func @transform_7(%arg0: i32) -> (i32, i32) {
    %c0_i32 = arith.constant 0 : i32
    %c0_i32_0 = arith.constant 0 : i32
    return %arg0, %c0_i32 : i32, i32
  }
}

module attributes {stable_mosaic.version = 14 : i64} {
  func.func @_conv_body(%arg0: i32, %arg1: memref<3200x128xf32, #tpu.memory_space<vmem>>, %arg2: memref<32x128xf32, #tpu.memory_space<vmem>>, %arg3: memref<3200x128xf32, #tpu.memory_space<vmem>>, %arg4: memref<32x128xf32, #tpu.memory_space<vmem>>, %arg5: memref<9x256x128xbf16, #tpu.memory_space<vmem>>, %arg6: memref<200x128xf32, #tpu.memory_space<vmem>>, %arg7: memref<200x128xf32, #tpu.memory_space<vmem>>, %arg8: memref<8x128xf32, #tpu.memory_space<vmem>>) attributes {dimension_semantics = [#tpu.dimension_semantics<arbitrary>], iteration_bounds = array<i64: 25>, scalar_prefetch = 0 : i64, scratch_operands = 0 : i64, tpu.core_type = #tpu.core_type<tc>, window_params = [{transform_indices = @transform_0, window_bounds = array<i64: 3200, 128>}, {transform_indices = @transform_1, window_bounds = array<i64: 32, 128>}, {transform_indices = @transform_2, window_bounds = array<i64: 3200, 128>}, {transform_indices = @transform_3, window_bounds = array<i64: 32, 128>}, {pipeline_mode = #tpu.pipeline_mode<synchronous>, transform_indices = @transform_4, window_bounds = array<i64: 9, 256, 128>}, {transform_indices = @transform_5, window_bounds = array<i64: 200, 128>}, {transform_indices = @transform_6, window_bounds = array<i64: 200, 128>}, {pipeline_mode = #tpu.pipeline_mode<synchronous>, transform_indices = @transform_7, window_bounds = array<i64: 8, 128>}]} {
    %broadcast_in_dim3A = arith.constant 0.000000e+00 : bf16
    %broadcast_in_dim3A_0 = vector.broadcast %broadcast_in_dim3A : bf16 to vector<1x256xbf16>
    %get3A = arith.constant 0 : index
    %get3A_1 = arith.constant 0 : index
    %get3A_2 = vector.load %arg1[%get3A, %get3A_1] : memref<3200x128xf32, #tpu.memory_space<vmem>>, vector<3200x128xf32>
    %get3A_3 = arith.constant 0 : index
    %get3A_4 = arith.constant 0 : index
    %get3A_5 = vector.load %arg3[%get3A_3, %get3A_4] : memref<3200x128xf32, #tpu.memory_space<vmem>>, vector<3200x128xf32>
    %concatenate3A = tpu.concatenate %get3A_2, %get3A_5 in 1 : vector<3200x128xf32>, vector<3200x128xf32> -> vector<3200x256xf32>
    %convert_element_type3A = arith.truncf %concatenate3A : vector<3200x256xf32> to vector<3200x256xbf16>
    %get3A_6 = arith.constant 0 : index
    %get3A_7 = arith.constant 0 : index
    %get3A_8 = vector.load %arg2[%get3A_6, %get3A_7] : memref<32x128xf32, #tpu.memory_space<vmem>>, vector<32x128xf32>
    %get3A_9 = arith.constant 0 : index
    %get3A_10 = arith.constant 0 : index
    %get3A_11 = vector.load %arg4[%get3A_9, %get3A_10] : memref<32x128xf32, #tpu.memory_space<vmem>>, vector<32x128xf32>
    %concatenate3A_12 = tpu.concatenate %get3A_8, %get3A_11 in 1 : vector<32x128xf32>, vector<32x128xf32> -> vector<32x256xf32>
    %convert_element_type3A_13 = arith.truncf %concatenate3A_12 : vector<32x256xf32> to vector<32x256xbf16>
    %concatenate3A_14 = tpu.concatenate %broadcast_in_dim3A_0, %convert_element_type3A, %convert_element_type3A_13, %broadcast_in_dim3A_0 in 0 : vector<1x256xbf16>, vector<3200x256xbf16>, vector<32x256xbf16>, vector<1x256xbf16> -> vector<3234x256xbf16>
    %iota3A = tpu.iota {dimensions = array<i32: 0>} : vector<3234x1xi32>
    %jit3A = arith.constant 16 : i32
    %eq3A = arith.constant 0 : i32
    %eq3A_15 = arith.cmpi eq, %jit3A, %eq3A : i32
    %jit3A_16 = arith.constant 1 : i32
    %select_n3A = arith.select %eq3A_15, %jit3A_16, %jit3A : i32
    %rem3A = vector.broadcast %select_n3A : i32 to vector<3234x1xi32>
    %rem3A_17 = arith.remsi %iota3A, %rem3A : vector<3234x1xi32>
    %ne3A = arith.constant 0 : i32
    %ne3A_18 = vector.broadcast %ne3A : i32 to vector<3234x1xi32>
    %ne3A_19 = arith.cmpi ne, %rem3A_17, %ne3A_18 : vector<3234x1xi32>
    %lt3A = arith.constant 0 : i32
    %lt3A_20 = vector.broadcast %lt3A : i32 to vector<3234x1xi32>
    %lt3A_21 = arith.cmpi slt, %rem3A_17, %lt3A_20 : vector<3234x1xi32>
    %lt3A_22 = arith.constant 0 : i32
    %lt3A_23 = arith.cmpi slt, %select_n3A, %lt3A_22 : i32
    %ne3A_24 = vector.broadcast %lt3A_23 : i1 to vector<3234x1xi1>
    %ne3A_25 = vector.broadcast %ne3A_24 : vector<3234x1xi1> to vector<3234x1xi1>
    %ne3A_26 = arith.xori %lt3A_21, %ne3A_25 : vector<3234x1xi1>
    %and3A = arith.andi %ne3A_26, %ne3A_19 : vector<3234x1xi1>
    %add3A = vector.broadcast %select_n3A : i32 to vector<3234x1xi32>
    %add3A_27 = arith.addi %rem3A_17, %add3A : vector<3234x1xi32>
    %select_n3A_28 = arith.select %and3A, %add3A_27, %rem3A_17 : vector<3234x1xi1>, vector<3234x1xi32>
    %ne3A_29 = arith.constant 0 : i32
    %ne3A_30 = vector.broadcast %ne3A_29 : i32 to vector<3234x1xi32>
    %ne3A_31 = arith.cmpi ne, %select_n3A_28, %ne3A_30 : vector<3234x1xi32>
    %convert_element_type3A_32 = arith.extui %ne3A_31 : vector<3234x1xi1> to vector<3234x1xi32>
    %convert_element_type3A_33 = arith.sitofp %convert_element_type3A_32 : vector<3234x1xi32> to vector<3234x1xf32>
    %convert_element_type3A_34 = arith.truncf %convert_element_type3A_33 : vector<3234x1xf32> to vector<3234x1xbf16>
    %jit3A_35 = arith.constant 16 : i32
    %eq3A_36 = arith.constant 0 : i32
    %eq3A_37 = arith.cmpi eq, %jit3A_35, %eq3A_36 : i32
    %jit3A_38 = arith.constant 1 : i32
    %select_n3A_39 = arith.select %eq3A_37, %jit3A_38, %jit3A_35 : i32
    %rem3A_40 = vector.broadcast %select_n3A_39 : i32 to vector<3234x1xi32>
    %rem3A_41 = arith.remsi %iota3A, %rem3A_40 : vector<3234x1xi32>
    %ne3A_42 = arith.constant 0 : i32
    %ne3A_43 = vector.broadcast %ne3A_42 : i32 to vector<3234x1xi32>
    %ne3A_44 = arith.cmpi ne, %rem3A_41, %ne3A_43 : vector<3234x1xi32>
    %lt3A_45 = arith.constant 0 : i32
    %lt3A_46 = vector.broadcast %lt3A_45 : i32 to vector<3234x1xi32>
    %lt3A_47 = arith.cmpi slt, %rem3A_41, %lt3A_46 : vector<3234x1xi32>
    %lt3A_48 = arith.constant 0 : i32
    %lt3A_49 = arith.cmpi slt, %select_n3A_39, %lt3A_48 : i32
    %ne3A_50 = vector.broadcast %lt3A_49 : i1 to vector<3234x1xi1>
    %ne3A_51 = vector.broadcast %ne3A_50 : vector<3234x1xi1> to vector<3234x1xi1>
    %ne3A_52 = arith.xori %lt3A_47, %ne3A_51 : vector<3234x1xi1>
    %and3A_53 = arith.andi %ne3A_52, %ne3A_44 : vector<3234x1xi1>
    %add3A_54 = vector.broadcast %select_n3A_39 : i32 to vector<3234x1xi32>
    %add3A_55 = arith.addi %rem3A_41, %add3A_54 : vector<3234x1xi32>
    %select_n3A_56 = arith.select %and3A_53, %add3A_55, %rem3A_41 : vector<3234x1xi1>, vector<3234x1xi32>
    %ne3A_57 = arith.constant 1 : i32
    %ne3A_58 = vector.broadcast %ne3A_57 : i32 to vector<3234x1xi32>
    %ne3A_59 = arith.cmpi ne, %select_n3A_56, %ne3A_58 : vector<3234x1xi32>
    %convert_element_type3A_60 = arith.extui %ne3A_59 : vector<3234x1xi1> to vector<3234x1xi32>
    %convert_element_type3A_61 = arith.sitofp %convert_element_type3A_60 : vector<3234x1xi32> to vector<3234x1xf32>
    %convert_element_type3A_62 = arith.truncf %convert_element_type3A_61 : vector<3234x1xf32> to vector<3234x1xbf16>
    %mul3A = vector.broadcast %convert_element_type3A_34 : vector<3234x1xbf16> to vector<3234x256xbf16>
    %mul3A_63 = arith.mulf %concatenate3A_14, %mul3A : vector<3234x256xbf16>
    %slice3A = vector.extract_strided_slice %mul3A_63 {offsets = [0, 0], sizes = [3232, 256], strides = [1, 1]} : vector<3234x256xbf16> to vector<3232x256xbf16>
    %slice3A_64 = vector.extract_strided_slice %concatenate3A_14 {offsets = [1, 0], sizes = [3232, 256], strides = [1, 1]} : vector<3234x256xbf16> to vector<3232x256xbf16>
    %mul3A_65 = vector.broadcast %convert_element_type3A_62 : vector<3234x1xbf16> to vector<3234x256xbf16>
    %mul3A_66 = arith.mulf %concatenate3A_14, %mul3A_65 : vector<3234x256xbf16>
    %slice3A_67 = vector.extract_strided_slice %mul3A_66 {offsets = [2, 0], sizes = [3232, 256], strides = [1, 1]} : vector<3234x256xbf16> to vector<3232x256xbf16>
    %broadcast_in_dim3A_68 = arith.constant 0.000000e+00 : f32
    %broadcast_in_dim3A_69 = vector.broadcast %broadcast_in_dim3A_68 : f32 to vector<3200x128xf32>
    %slice3A_70 = vector.extract_strided_slice %slice3A {offsets = [0, 0], sizes = [3200, 256], strides = [1, 1]} : vector<3232x256xbf16> to vector<3200x256xbf16>
    %get3A_71 = arith.constant 0 : index
    %get3A_72 = arith.constant 0 : index
    %get3A_73 = arith.constant 0 : index
    %get3A_74 = vector.load %arg5[%get3A_71, %get3A_72, %get3A_73] : memref<9x256x128xbf16, #tpu.memory_space<vmem>>, vector<1x256x128xbf16>
    %get3A_75 = vector.shape_cast %get3A_74 : vector<1x256x128xbf16> to vector<256x128xbf16>
    %dot_general3A = arith.constant dense<0.000000e+00> : vector<3200x128xf32>
    %dot_general3A_76 = tpu.matmul %slice3A_70, %get3A_75, %dot_general3A {dimension_numbers = #tpu.dot_dimension_numbers<[1], [0], [0], [1], [0, 0, 1, 1], [], []>, transpose_lhs_hint = false} : vector<3200x256xbf16>, vector<256x128xbf16>, vector<3200x128xf32> -> vector<3200x128xf32>
    %add3A_77 = arith.addf %broadcast_in_dim3A_69, %dot_general3A_76 : vector<3200x128xf32>
    %slice3A_78 = vector.extract_strided_slice %slice3A_64 {offsets = [0, 0], sizes = [3200, 256], strides = [1, 1]} : vector<3232x256xbf16> to vector<3200x256xbf16>
    %get3A_79 = arith.constant 1 : index
    %get3A_80 = arith.constant 0 : index
    %get3A_81 = arith.constant 0 : index
    %get3A_82 = vector.load %arg5[%get3A_79, %get3A_80, %get3A_81] : memref<9x256x128xbf16, #tpu.memory_space<vmem>>, vector<1x256x128xbf16>
    %get3A_83 = vector.shape_cast %get3A_82 : vector<1x256x128xbf16> to vector<256x128xbf16>
    %dot_general3A_84 = arith.constant dense<0.000000e+00> : vector<3200x128xf32>
    %dot_general3A_85 = tpu.matmul %slice3A_78, %get3A_83, %dot_general3A_84 {dimension_numbers = #tpu.dot_dimension_numbers<[1], [0], [0], [1], [0, 0, 1, 1], [], []>, transpose_lhs_hint = false} : vector<3200x256xbf16>, vector<256x128xbf16>, vector<3200x128xf32> -> vector<3200x128xf32>
    %add3A_86 = arith.addf %add3A_77, %dot_general3A_85 : vector<3200x128xf32>
    %slice3A_87 = vector.extract_strided_slice %slice3A_67 {offsets = [0, 0], sizes = [3200, 256], strides = [1, 1]} : vector<3232x256xbf16> to vector<3200x256xbf16>
    %get3A_88 = arith.constant 2 : index
    %get3A_89 = arith.constant 0 : index
    %get3A_90 = arith.constant 0 : index
    %get3A_91 = vector.load %arg5[%get3A_88, %get3A_89, %get3A_90] : memref<9x256x128xbf16, #tpu.memory_space<vmem>>, vector<1x256x128xbf16>
    %get3A_92 = vector.shape_cast %get3A_91 : vector<1x256x128xbf16> to vector<256x128xbf16>
    %dot_general3A_93 = arith.constant dense<0.000000e+00> : vector<3200x128xf32>
    %dot_general3A_94 = tpu.matmul %slice3A_87, %get3A_92, %dot_general3A_93 {dimension_numbers = #tpu.dot_dimension_numbers<[1], [0], [0], [1], [0, 0, 1, 1], [], []>, transpose_lhs_hint = false} : vector<3200x256xbf16>, vector<256x128xbf16>, vector<3200x128xf32> -> vector<3200x128xf32>
    %add3A_95 = arith.addf %add3A_86, %dot_general3A_94 : vector<3200x128xf32>
    %slice3A_96 = vector.extract_strided_slice %slice3A {offsets = [16, 0], sizes = [3200, 256], strides = [1, 1]} : vector<3232x256xbf16> to vector<3200x256xbf16>
    %get3A_97 = arith.constant 3 : index
    %get3A_98 = arith.constant 0 : index
    %get3A_99 = arith.constant 0 : index
    %get3A_100 = vector.load %arg5[%get3A_97, %get3A_98, %get3A_99] : memref<9x256x128xbf16, #tpu.memory_space<vmem>>, vector<1x256x128xbf16>
    %get3A_101 = vector.shape_cast %get3A_100 : vector<1x256x128xbf16> to vector<256x128xbf16>
    %dot_general3A_102 = arith.constant dense<0.000000e+00> : vector<3200x128xf32>
    %dot_general3A_103 = tpu.matmul %slice3A_96, %get3A_101, %dot_general3A_102 {dimension_numbers = #tpu.dot_dimension_numbers<[1], [0], [0], [1], [0, 0, 1, 1], [], []>, transpose_lhs_hint = false} : vector<3200x256xbf16>, vector<256x128xbf16>, vector<3200x128xf32> -> vector<3200x128xf32>
    %add3A_104 = arith.addf %add3A_95, %dot_general3A_103 : vector<3200x128xf32>
    %slice3A_105 = vector.extract_strided_slice %slice3A_64 {offsets = [16, 0], sizes = [3200, 256], strides = [1, 1]} : vector<3232x256xbf16> to vector<3200x256xbf16>
    %get3A_106 = arith.constant 4 : index
    %get3A_107 = arith.constant 0 : index
    %get3A_108 = arith.constant 0 : index
    %get3A_109 = vector.load %arg5[%get3A_106, %get3A_107, %get3A_108] : memref<9x256x128xbf16, #tpu.memory_space<vmem>>, vector<1x256x128xbf16>
    %get3A_110 = vector.shape_cast %get3A_109 : vector<1x256x128xbf16> to vector<256x128xbf16>
    %dot_general3A_111 = arith.constant dense<0.000000e+00> : vector<3200x128xf32>
    %dot_general3A_112 = tpu.matmul %slice3A_105, %get3A_110, %dot_general3A_111 {dimension_numbers = #tpu.dot_dimension_numbers<[1], [0], [0], [1], [0, 0, 1, 1], [], []>, transpose_lhs_hint = false} : vector<3200x256xbf16>, vector<256x128xbf16>, vector<3200x128xf32> -> vector<3200x128xf32>
    %add3A_113 = arith.addf %add3A_104, %dot_general3A_112 : vector<3200x128xf32>
    %slice3A_114 = vector.extract_strided_slice %slice3A_67 {offsets = [16, 0], sizes = [3200, 256], strides = [1, 1]} : vector<3232x256xbf16> to vector<3200x256xbf16>
    %get3A_115 = arith.constant 5 : index
    %get3A_116 = arith.constant 0 : index
    %get3A_117 = arith.constant 0 : index
    %get3A_118 = vector.load %arg5[%get3A_115, %get3A_116, %get3A_117] : memref<9x256x128xbf16, #tpu.memory_space<vmem>>, vector<1x256x128xbf16>
    %get3A_119 = vector.shape_cast %get3A_118 : vector<1x256x128xbf16> to vector<256x128xbf16>
    %dot_general3A_120 = arith.constant dense<0.000000e+00> : vector<3200x128xf32>
    %dot_general3A_121 = tpu.matmul %slice3A_114, %get3A_119, %dot_general3A_120 {dimension_numbers = #tpu.dot_dimension_numbers<[1], [0], [0], [1], [0, 0, 1, 1], [], []>, transpose_lhs_hint = false} : vector<3200x256xbf16>, vector<256x128xbf16>, vector<3200x128xf32> -> vector<3200x128xf32>
    %add3A_122 = arith.addf %add3A_113, %dot_general3A_121 : vector<3200x128xf32>
    %slice3A_123 = vector.extract_strided_slice %slice3A {offsets = [32, 0], sizes = [3200, 256], strides = [1, 1]} : vector<3232x256xbf16> to vector<3200x256xbf16>
    %get3A_124 = arith.constant 6 : index
    %get3A_125 = arith.constant 0 : index
    %get3A_126 = arith.constant 0 : index
    %get3A_127 = vector.load %arg5[%get3A_124, %get3A_125, %get3A_126] : memref<9x256x128xbf16, #tpu.memory_space<vmem>>, vector<1x256x128xbf16>
    %get3A_128 = vector.shape_cast %get3A_127 : vector<1x256x128xbf16> to vector<256x128xbf16>
    %dot_general3A_129 = arith.constant dense<0.000000e+00> : vector<3200x128xf32>
    %dot_general3A_130 = tpu.matmul %slice3A_123, %get3A_128, %dot_general3A_129 {dimension_numbers = #tpu.dot_dimension_numbers<[1], [0], [0], [1], [0, 0, 1, 1], [], []>, transpose_lhs_hint = false} : vector<3200x256xbf16>, vector<256x128xbf16>, vector<3200x128xf32> -> vector<3200x128xf32>
    %add3A_131 = arith.addf %add3A_122, %dot_general3A_130 : vector<3200x128xf32>
    %slice3A_132 = vector.extract_strided_slice %slice3A_64 {offsets = [32, 0], sizes = [3200, 256], strides = [1, 1]} : vector<3232x256xbf16> to vector<3200x256xbf16>
    %get3A_133 = arith.constant 7 : index
    %get3A_134 = arith.constant 0 : index
    %get3A_135 = arith.constant 0 : index
    %get3A_136 = vector.load %arg5[%get3A_133, %get3A_134, %get3A_135] : memref<9x256x128xbf16, #tpu.memory_space<vmem>>, vector<1x256x128xbf16>
    %get3A_137 = vector.shape_cast %get3A_136 : vector<1x256x128xbf16> to vector<256x128xbf16>
    %dot_general3A_138 = arith.constant dense<0.000000e+00> : vector<3200x128xf32>
    %dot_general3A_139 = tpu.matmul %slice3A_132, %get3A_137, %dot_general3A_138 {dimension_numbers = #tpu.dot_dimension_numbers<[1], [0], [0], [1], [0, 0, 1, 1], [], []>, transpose_lhs_hint = false} : vector<3200x256xbf16>, vector<256x128xbf16>, vector<3200x128xf32> -> vector<3200x128xf32>
    %add3A_140 = arith.addf %add3A_131, %dot_general3A_139 : vector<3200x128xf32>
    %slice3A_141 = vector.extract_strided_slice %slice3A_67 {offsets = [32, 0], sizes = [3200, 256], strides = [1, 1]} : vector<3232x256xbf16> to vector<3200x256xbf16>
    %get3A_142 = arith.constant 8 : index
    %get3A_143 = arith.constant 0 : index
    %get3A_144 = arith.constant 0 : index
    %get3A_145 = vector.load %arg5[%get3A_142, %get3A_143, %get3A_144] : memref<9x256x128xbf16, #tpu.memory_space<vmem>>, vector<1x256x128xbf16>
    %get3A_146 = vector.shape_cast %get3A_145 : vector<1x256x128xbf16> to vector<256x128xbf16>
    %dot_general3A_147 = arith.constant dense<0.000000e+00> : vector<3200x128xf32>
    %dot_general3A_148 = tpu.matmul %slice3A_141, %get3A_146, %dot_general3A_147 {dimension_numbers = #tpu.dot_dimension_numbers<[1], [0], [0], [1], [0, 0, 1, 1], [], []>, transpose_lhs_hint = false} : vector<3200x256xbf16>, vector<256x128xbf16>, vector<3200x128xf32> -> vector<3200x128xf32>
    %add3A_149 = arith.addf %add3A_140, %dot_general3A_148 : vector<3200x128xf32>
    %reshape3A = vector.shape_cast %add3A_149 : vector<3200x128xf32> to vector<200x16x128xf32>
    %reduce_max3A = arith.constant dense<0xFF800000> : vector<200x128xf32>
    %reduce_max3A_150 = vector.multi_reduction <maximumf>, %reshape3A, %reduce_max3A [1] : vector<200x16x128xf32> to vector<200x128xf32>
    %swap3A = arith.constant 0 : index
    %swap3A_151 = arith.constant 0 : index
    %swap3A_152 = vector.load %arg6[%swap3A, %swap3A_151] : memref<200x128xf32, #tpu.memory_space<vmem>>, vector<200x128xf32>
    tpu.vector_store %arg6[%swap3A, %swap3A_151], %reduce_max3A_150 {strides = array<i32>} : memref<200x128xf32, #tpu.memory_space<vmem>>, vector<200x128xf32>,
    %reduce_min3A = arith.constant dense<0x7F800000> : vector<200x128xf32>
    %reduce_min3A_153 = vector.multi_reduction <minimumf>, %reshape3A, %reduce_min3A [1] : vector<200x16x128xf32> to vector<200x128xf32>
    %swap3A_154 = arith.constant 0 : index
    %swap3A_155 = arith.constant 0 : index
    %swap3A_156 = vector.load %arg7[%swap3A_154, %swap3A_155] : memref<200x128xf32, #tpu.memory_space<vmem>>, vector<200x128xf32>
    tpu.vector_store %arg7[%swap3A_154, %swap3A_155], %reduce_min3A_153 {strides = array<i32>} : memref<200x128xf32, #tpu.memory_space<vmem>>, vector<200x128xf32>,
    %reduce_sum3A = arith.constant dense<0.000000e+00> : vector<128xf32>
    %reduce_sum3A_157 = vector.multi_reduction <add>, %add3A_149, %reduce_sum3A [0] : vector<3200x128xf32> to vector<128xf32>
    %broadcast_in_dim3A_158 = vector.shape_cast %reduce_sum3A_157 : vector<128xf32> to vector<1x128xf32>
    %mul3A_159 = arith.mulf %add3A_149, %add3A_149 : vector<3200x128xf32>
    %reduce_sum3A_160 = arith.constant dense<0.000000e+00> : vector<128xf32>
    %reduce_sum3A_161 = vector.multi_reduction <add>, %mul3A_159, %reduce_sum3A_160 [0] : vector<3200x128xf32> to vector<128xf32>
    %broadcast_in_dim3A_162 = vector.shape_cast %reduce_sum3A_161 : vector<128xf32> to vector<1x128xf32>
    %broadcast_in_dim3A_163 = arith.constant 0.000000e+00 : f32
    %broadcast_in_dim3A_164 = vector.broadcast %broadcast_in_dim3A_163 : f32 to vector<6x128xf32>
    %concatenate3A_165 = tpu.concatenate %broadcast_in_dim3A_158, %broadcast_in_dim3A_162, %broadcast_in_dim3A_164 in 0 : vector<1x128xf32>, vector<1x128xf32>, vector<6x128xf32> -> vector<8x128xf32>
    %eq3A_166 = arith.constant 0 : i32
    %eq3A_167 = arith.cmpi eq, %arg0, %eq3A_166 : i32
    %convert_element_type3A_168 = arith.extui %eq3A_167 : i1 to i32
    %cond3A = arith.constant 0 : i32
    %cond3A_169 = arith.cmpi ne, %convert_element_type3A_168, %cond3A : i32
    scf.if %cond3A_169 {
      %swap3A_174 = arith.constant 0 : index
      %swap3A_175 = arith.constant 0 : index
      %swap3A_176 = vector.load %arg8[%swap3A_174, %swap3A_175] : memref<8x128xf32, #tpu.memory_space<vmem>>, vector<8x128xf32>
      tpu.vector_store %arg8[%swap3A_174, %swap3A_175], %concatenate3A_165 {strides = array<i32>} : memref<8x128xf32, #tpu.memory_space<vmem>>, vector<8x128xf32>,
    } else {
    }
    %gt3A = arith.constant 0 : i32
    %gt3A_170 = arith.cmpi sgt, %arg0, %gt3A : i32
    %convert_element_type3A_171 = arith.extui %gt3A_170 : i1 to i32
    %cond3A_172 = arith.constant 0 : i32
    %cond3A_173 = arith.cmpi ne, %convert_element_type3A_171, %cond3A_172 : i32
    scf.if %cond3A_173 {
      %get3A_174 = arith.constant 0 : index
      %get3A_175 = arith.constant 0 : index
      %get3A_176 = vector.load %arg8[%get3A_174, %get3A_175] : memref<8x128xf32, #tpu.memory_space<vmem>>, vector<8x128xf32>
      %add3A_177 = arith.addf %get3A_176, %concatenate3A_165 : vector<8x128xf32>
      %swap3A_178 = arith.constant 0 : index
      %swap3A_179 = arith.constant 0 : index
      %swap3A_180 = vector.load %arg8[%swap3A_178, %swap3A_179] : memref<8x128xf32, #tpu.memory_space<vmem>>, vector<8x128xf32>
      tpu.vector_store %arg8[%swap3A_178, %swap3A_179], %add3A_177 {strides = array<i32>} : memref<8x128xf32, #tpu.memory_space<vmem>>, vector<8x128xf32>,
    } else {
    }
    return
  }
  func.func @transform_0(%arg0: i32) -> (i32, i32) {
    %c0_i32 = arith.constant 0 : i32
    %c0_i32_0 = arith.constant 0 : i32
    return %arg0, %c0_i32 : i32, i32
  }
  func.func @transform_1(%arg0: i32) -> (i32, i32) {
    %add3A = arith.constant 1 : i32
    %add3A_0 = arith.addi %arg0, %add3A : i32
    %mul3A = arith.constant 100 : i32
    %mul3A_1 = arith.muli %add3A_0, %mul3A : i32
    %c0_i32 = arith.constant 0 : i32
    %c0_i32_2 = arith.constant 0 : i32
    return %mul3A_1, %c0_i32 : i32, i32
  }
  func.func @transform_2(%arg0: i32) -> (i32, i32) {
    %c0_i32 = arith.constant 0 : i32
    %c0_i32_0 = arith.constant 0 : i32
    return %arg0, %c0_i32 : i32, i32
  }
  func.func @transform_3(%arg0: i32) -> (i32, i32) {
    %add3A = arith.constant 1 : i32
    %add3A_0 = arith.addi %arg0, %add3A : i32
    %mul3A = arith.constant 100 : i32
    %mul3A_1 = arith.muli %add3A_0, %mul3A : i32
    %c0_i32 = arith.constant 0 : i32
    %c0_i32_2 = arith.constant 0 : i32
    return %mul3A_1, %c0_i32 : i32, i32
  }
  func.func @transform_4(%arg0: i32) -> (i32, i32, i32) {
    %c0_i32 = arith.constant 0 : i32
    %c0_i32_0 = arith.constant 0 : i32
    %c0_i32_1 = arith.constant 0 : i32
    %c0_i32_2 = arith.constant 0 : i32
    return %c0_i32, %c0_i32_0, %c0_i32_1 : i32, i32, i32
  }
  func.func @transform_5(%arg0: i32) -> (i32, i32) {
    %c0_i32 = arith.constant 0 : i32
    %c0_i32_0 = arith.constant 0 : i32
    return %arg0, %c0_i32 : i32, i32
  }
  func.func @transform_6(%arg0: i32) -> (i32, i32) {
    %c0_i32 = arith.constant 0 : i32
    %c0_i32_0 = arith.constant 0 : i32
    return %arg0, %c0_i32 : i32, i32
  }
  func.func @transform_7(%arg0: i32) -> (i32, i32) {
    %c0_i32 = arith.constant 0 : i32
    %c0_i32_0 = arith.constant 0 : i32
    %c0_i32_1 = arith.constant 0 : i32
    return %c0_i32, %c0_i32_0 : i32, i32
  }
}

</mosaic_0001>

<sc_bundles>
// kernel: kernel.11.cloned.1.call-start
scs
__scs_entry_jumppad:
0x0: {  	(pc) =	sbr.rel $0x88, $3  }
0x1: {  	(tag) =	ssettag $0x0;
	lr =	simm.s32 $0x1  }
0x2: {  	[smem:$0x3F9A] =	sst lr;
	_ =	strace $0xD0000000  }
0x3: {  	_ = 	snop  }
0x4: {  	_ = 	snop  }
0x5: {  	_ = 	snop  }
0x6: {  	_ = 	snop  }
0x7: {  	_ = 	snop  }
__scs_overlays_trampoline_lowered:
0x8: {  	[smem:$0x3FA9] =	sst s0  }
0x9: {  	[smem:$0x3FAA] =	sst s1  }
0xa: {  	[smem:$0x3FAB] =	sst s2  }
0xb: {  	[smem:$0x3FAC] =	sst s3  }
0xc: {  	[smem:$0x3FAD] =	sst s4  }
0xd: {  	[smem:$0x3FAE] =	sst s5  }
0xe: {  	[smem:$0x3FAF] =	sst s6  }
0xf: {  	[smem:$0x3FB0] =	sst s7  }
0x10: {  	[smem:$0x3FB1] =	sst s8  }
0x11: {  	[smem:$0x3FB2] =	sst s9;
	s0 =	simm.s32 @!p0 $0x0  }
0x12: {  	s1 =	sld [smem:$0x3F98];
	s0 =	simm.s32 @p0 $0x1  }
0x13: {  	[smem:$0x3FB3] =	sst s0;
	s0 =	simm.s32 @!p1 $0x0  }
0x14: {  	s2 =	sld [smem:$0x3F97];
	s0 =	simm.s32 @p1 $0x1  }
0x15: {  	[smem:$0x3FB4] =	sst s0;
	s0 =	simm.s32 @!p2 $0x0  }
0x16: {  	s3 =	sld [smem:$0x3FDB];
	s0 =	simm.s32 @p2 $0x1  }
0x17: {  	s4 =	simm.s32 $0x1BF5;
	[smem:$0x3FB6] =	sst s0  }
0x18: {  	s0 =	sld [smem:$0x3F99];
	_ =	swait.ge [sflag:s4], $0x0  }
0x19: {  	s7 =	sld [smem:$0x3F9A]  }
0x1a: {  	s8 =	sadd.s32 $0xFFFFE003, lr  }
0x1b: {  	s9 =	sadd.s32 $0xFFFFFEF7, lr;
	s5 =	simm.s32 $0xFFFFFFFF;
	p2 =	slt.u32 s8, $0xFFFFF086  }
0x1c: {  	p1 =	slt.u32 s9, $0xF7A;
	s5 =	simm.s32 @!p2 $0x0  }
0x1d: {  	s5 =	simm.s32 @p1 $0x1;
	p0 =	seq.s32 s7, s2  }
0x1e: {  	s7 =	smul.u32 @!p0 $0xF7A, s2;
	p2 =	seq.s32 @!p0 s5, $0x0  }
0x1f: {  	s9 =	smul.u32 $0xF7A, s1;
	s8 =	simm.s32 @!p0 $0x1BF5;
	p2 =	por !p2, p0  }
0x20: {  	[sflag:s8] =	ssyncset.s32 @!p0 $0xFFFFF086;
	s6 =	sadd.s32 @!p0 s3, s7;
	s7 =	simm.s32 @!p0 $0x108  }
0x21: {  	s3 =	sadd.s32 s3, s9;
	s6 =	sadd.s32 @!p0 $0x88, s6;
	s7 =	simm.s32 @p2 $0x1082  }
0x22: {  	[simem:s7], [sflag:s8] =	dma.local @!p0 [hbm:s6], $0xF7A  }
0x23: {  	s9 =	sor.u32 $0xD0000000, s2;
	s6 =	simm.s32 $0x108;
	_ =	swait.ge @!p0 [sflag:s8], $0x0  }
0x24: {  	s3 =	sadd.s32 $0x88, s3;
	s6 =	simm.s32 @!p1 $0x1082;
	[sflag:s4] =	ssyncset.s32 $0xFFFFF086  }
0x25: {  	[simem:s6], [sflag:s4] =	dma.local [hbm:s3], $0xF7A  }
0x26: {  	[smem:$0x3F9A] =	sst s1;
	(tag) =	ssettag s2;
	_ =	strace s9  }
0x27: {  	s1 =	sld [smem:$0x3FAA]  }
0x28: {  	s2 =	sld [smem:$0x3FAB]  }
0x29: {  	s4 =	sld [smem:$0x3FAD]  }
0x2a: {  	p0 =	seq.s32 s5, $0x0;
	s5 =	sld [smem:$0x3FAE]  }
0x2b: {  	s6 =	sld [smem:$0x3FAF]  }
0x2c: {  	s7 =	sld [smem:$0x3FB0]  }
0x2d: {  	s3 =	simm.s32 $0x108;
	s8 =	sld [smem:$0x3FB1]  }
0x2e: {  	s3 =	simm.s32 @!p0 $0x1082;
	s9 =	sld [smem:$0x3FB2]  }
0x2f: {  	lr =	sadd.s32 s0, s3;
	s0 =	sld [smem:$0x3FA9]  }
0x30: {  	s3 =	sld [smem:$0x3FAC]  }
0x31: {  	[smem:$0x3FB5] =	sst s10  }
0x32: {  	s10 =	sld [smem:$0x3FB3];
	_ =	sdelay $0x3  }
0x33: {  	p0 =	seq.s32 s10, $0x1;
	s10 =	sld [smem:$0x3FB5];
	_ =	sdelay $0x3  }
0x34: {  	[smem:$0x3FB5] =	sst s10  }
0x35: {  	s10 =	sld [smem:$0x3FB4];
	_ =	sdelay $0x3  }
0x36: {  	p1 =	seq.s32 s10, $0x1;
	s10 =	sld [smem:$0x3FB5];
	_ =	sdelay $0x3  }
0x37: {  	[smem:$0x3FB5] =	sst s10  }
0x38: {  	s10 =	sld [smem:$0x3FB6]  }
0x39: {  	_ = 	snop;
	(pc) =	sbr.ind lr, $3  }
0x3a: {  	_ = 	snop  }
0x3b: {  	_ = 	snop  }
0x3c: {  	p2 =	seq.s32 s10, $0x1;
	s10 =	sld [smem:$0x3FB5]  }
0x3d: {  	_ =	shalt  }
0x3e: {  	_ =	shalt  }
0x3f: {  	_ =	shalt  }
0x40: {  	_ =	shalt  }
0x41: {  	_ =	shalt  }
0x42: {  	_ =	shalt  }
0x43: {  	_ =	shalt  }
0x44: {  	_ =	shalt  }
0x45: {  	_ =	shalt  }
0x46: {  	_ =	shalt  }
0x47: {  	_ =	shalt  }
0x48: {  	_ =	shalt  }
0x49: {  	_ =	shalt  }
0x4a: {  	_ =	shalt  }
0x4b: {  	_ =	shalt  }
0x4c: {  	_ =	shalt  }
0x4d: {  	_ =	shalt  }
0x4e: {  	_ =	shalt  }
0x4f: {  	_ =	shalt  }
0x50: {  	_ =	shalt  }
0x51: {  	_ =	shalt  }
0x52: {  	_ =	shalt  }
0x53: {  	_ =	shalt  }
0x54: {  	_ =	shalt  }
0x55: {  	_ =	shalt  }
0x56: {  	_ =	shalt  }
0x57: {  	_ =	shalt  }
0x58: {  	_ =	shalt  }
0x59: {  	_ =	shalt  }
0x5a: {  	_ =	shalt  }
0x5b: {  	_ =	shalt  }
0x5c: {  	_ =	shalt  }
0x5d: {  	_ =	shalt  }
0x5e: {  	_ =	shalt  }
0x5f: {  	_ =	shalt  }
0x60: {  	_ =	shalt  }
0x61: {  	_ =	shalt  }
0x62: {  	_ =	shalt  }
0x63: {  	_ =	shalt  }
0x64: {  	_ =	shalt  }
0x65: {  	_ =	shalt  }
0x66: {  	_ =	shalt  }
0x67: {  	_ =	shalt  }
0x68: {  	_ =	shalt  }
0x69: {  	_ =	shalt  }
0x6a: {  	_ =	shalt  }
0x6b: {  	_ =	shalt  }
0x6c: {  	_ =	shalt  }
0x6d: {  	_ =	shalt  }
0x6e: {  	_ =	shalt  }
0x6f: {  	_ =	shalt  }
0x70: {  	_ =	shalt  }
0x71: {  	_ =	shalt  }
0x72: {  	_ =	shalt  }
0x73: {  	_ =	shalt  }
0x74: {  	_ =	shalt  }
0x75: {  	_ =	shalt  }
0x76: {  	_ =	shalt  }
0x77: {  	_ =	shalt  }
0x78: {  	_ =	shalt  }
0x79: {  	_ =	shalt  }
0x7a: {  	_ =	shalt  }
0x7b: {  	_ =	shalt  }
0x7c: {  	_ =	shalt  }
0x7d: {  	_ =	shalt  }
0x7e: {  	_ =	shalt  }
0x7f: {  	_ =	shalt  }
0x80: {  	_ =	shalt  }
0x81: {  	_ =	shalt  }
0x82: {  	_ =	shalt  }
0x83: {  	_ =	shalt  }
0x84: {  	_ =	shalt  }
0x85: {  	_ =	shalt  }
0x86: {  	_ =	shalt  }
0x87: {  	_ =	shalt  }
.Lfunc_end0:
.L_simem_size_0:
called_computation.1_lowered:
.L_overlay_start_0:
0x88: {  	s2 =	sld [smem:$0x3FD9]  }
0x89: {  	s3 =	sld [smem:$0x3FFE];
	_ =	sdelay $0x1  }
0x8a: {  	s1 =	srdreg.scid  }
0x8b: {  	s0 =	sand.u32 $0x1, s1  }
0x8c: {  	s17 =	sshll.u32 s0, $0xA;
	s2 =	sadd.s32 s3, s2  }
0x8d: {  	s2 =	sadd.s32 s2, s17  }
0x8e: {  	[smem:$0x3FC1] =	sst s2  }
0x8f: {  	_ = 	snop  }
0x90: {  	s2 =	sld [smem:$0x3FC9]  }
0x91: {  	s18 =	sld [smem:$0x3FC7]  }
0x92: {  	s4 =	sld [smem:$0x3FD0];
	(tm) =	ssettm $0x1  }
0x93: {  	s5 =	sld [smem:$0x3FFB];
	_ =	sdelay $0x3  }
0x94: {  	_ =	strace s5  }
0x95: {  	s5 =	sld [smem:$0x3FFC];
	_ =	sdelay $0x3  }
0x96: {  	_ =	strace s5  }
0x97: {  	s5 =	sld [smem:$0x3FFD];
	_ =	sdelay $0x3  }
0x98: {  	_ =	strace s5  }
0x99: {  	_ =	strace $0x8FFFFFFF  }
0x9a: {  	s19 =	sld [smem:$0x3FDB];
	_ =	sdelay $0x1  }
0x9b: {  	s6 =	simm.s32 $_scs_section_size  }
0x9c: {  	s7 =	simm.s32 $_size__tile_overlayer_lowered;
	s8 =	simm.s32 $_tile_overlayer_lowered  }
0x9d: {  	s22 =	simm.s32 $0x1BFF;
	s21 =	sshll.u32 s8, $0x1;
	s5 =	sadd.s32 s6, s19  }
0x9e: {  	s9 =	simm.s32 $0x0;
	s20 =	sshll.u32 s7, $0x1;
	s7 =	sadd.s32 s21, s5  }
0x9f: {  	[timem:s9], [sflag:s22] =	dma.local [hbm:s7], s20  }
0xa0: {  	_ =	swait.ge [sflag:s22], s20  }
0xa1: {  	s6 =	ssub.s32 $0x0, s20;
	[sflag:s22] =	ssyncset.done $0x0  }
0xa2: {  	[sflag:s22] =	ssyncadd.s32 s6;
	_ =	sdelay $0x1  }
0xa3: {  	s23 =	simm.s32 $0x1B8B  }
0xa4: {  	_ =	swait.ge [sflag:s23], $0x1  }
0xa5: {  	[sflag:s23] =	ssyncset.done $0x0  }
0xa6: {  	s25 =	simm.s32 $0x1B8E;
	s24 =	sld [smem:$0x3FFE];
	[sflag:s23] =	ssyncadd.s32 $0xFFFFFFFF  }
0xa7: {  	s26 =	simm.s32 $execute0_lowered;
	[smem:$0x3FD2] =	sst s25  }
0xa8: {  	s7 =	sshll.u32 s26, $0x1;
	_ =	strace $0x80000046;
	[dreg:$0x1] =	wrdreg $0xFFFFFFFF  }
0xa9: {  	s28 =	simm.s32 $_size_execute0_lowered;
	s5 =	sadd.s32 s5, s7;
	[dreg:$0x0] =	wrdreg $0x0  }
0xaa: {  	s7 =	sshll.u32 s28, $0x1;
	[dreg:$0x2] =	wrdreg s5  }
0xab: {  	[dreg:$0x3] =	wrdreg s7  }
0xac: {  	[dreg:$0x4] =	wrdreg $0xC0  }
0xad: {  	_ =	task [dreg:s9], $0x5FFFF  }
0xae: {  	[dreg:$0x1] =	wrdreg $0xFFFFFFFF  }
0xaf: {  	[dreg:$0x0] =	wrdreg $0x60  }
0xb0: {  	[dreg:$0x2] =	wrdreg s2  }
0xb1: {  	[dreg:$0x3] =	wrdreg s18  }
0xb2: {  	[dreg:$0x4] =	wrdreg s4  }
0xb3: {  	[dreg:$0x5] =	wrdreg s24  }
0xb4: {  	[dreg:$0x6] =	wrdreg $0xA  }
0xb5: {  	_ =	task.clear_ibuf [dreg:s9], $0x7FFFF;
	_ =	strace $0x90000046  }
0xb6: {  	s29 =	simm.s32 $0xA;
	_ =	strace $0x80000048  }
0xb7: {  	_ =	swait.ge [sflag:s29], $0x1  }
0xb8: {  	[sflag:s29] =	ssyncadd.s32 $0xFFFFFFFF  }
0xb9: {  	_ =	strace $0x90000048  }
0xba: {  	_ =	sfence  }
0xbb: {  	s30 =	sld [smem:$0x0];
	_ =	sdelay $0x2  }
0xbc: {  	s31 =	sshll.u32 s1, $0xD;
	s1 =	sshrl.u32 s1, $0x2  }
0xbd: {  	s3 =	sand.u32 $0x4000, s31;
	s1 =	sadd.s32 s1, s30  }
0xbe: {  	s0 =	sor.u32 s3, s0;
	s1 =	sshll.u32 s1, $0x11  }
0xbf: {  	s0 =	sor.u32 s1, s0  }
0xc0: {  	s0 =	sadd.s32 $0x8F2B, s0  }
0xc1: {  	[sflag:s0] =	ssyncadd.remote.s32 $0x1  }
0xc2: {  	_ =	sfence.sel $0xFFFF  }
0xc3: {  	[dreg:$0x0] =	wrdreg $0xFFFFFFFF;
	(pc) =	sbr.abs _section_cstart, $3  }
0xc4: {  	[dreg:$0x1] =	wrdreg $0xFFFFFFFF  }
0xc5: {  	_ =	task.clear_ibuf [dreg:s9], $0x2FFFF;
	_ =	strace $0x9FFFFFFF  }
0xc6: {  	(tm) =	ssettm $0x7FFFFFFF  }
0xc7: {  	_ =	shalt  }
tec
execute0_lowered:
.L_overlay_start_1:
0x0: {  	(tag) =	ssettag $0x1  }
0x1: {  	s1 =	rddreg [dreg:$0x0]  }
0x2: {  	s0 =	srdreg.scid;
	s3 =	rddreg [dreg:$0x1]  }
0x3: {  	s15 =	stileid.u32;
	s5 =	rddreg [dreg:$0x2]  }
0x4: {  	s10 =	rddreg [dreg:$0x3];
	s4 =	simm.s32 $0x0;
	s17 =	simm.s32 $0x28  }
0x5: {  	s18 =	simm.s32 $0x2000;
	s19 =	simm.s32 $0x8400;
	s20 =	simm.s32 $0x3400  }
0x6: {  	s21 =	simm.s32 $0x9800;
	s28 =	simm.s32 $0xD400;
	s29 =	simm.s32 $0x1  }
0x7: {  	s30 =	simm.s32 $0x2;
	s31 =	simm.s32 $0xF900;
	s0 =	sand.u32 $0x1, s0  }
0x8: {  	s2 =	sshll.u32 s15, $0x1;
	[smem:$0x7FF] =	sst s4;
	s7 =	sadd.s32 $0x13FA00, s10  }
0x9: {  	s22 =	sadd.s32 $0x6E00, s10;
	s23 =	smul.u32 $0x1F400, s15;
	s13 =	sadd.s32 $0x13F900, s10  }
0xa: {  	s24 =	sadd.s32 $0x278300, s10;
	p0 =	sgt.u32 s15, $0x9;
	s15 =	simm.s32 $0x3  }
0xb: {  	s2 =	sor.u32 s0, s2;
	_ =	strace $0x80000047;
	[dreg:$0x7] =	wrdreg s22  }
0xc: {  	s11 =	ssub.s32 $0x2, s0;
	s0 =	smul.u32 $0xFA00, s0;
	[dreg:$0x8] =	wrdreg s13  }
0xd: {  	[dreg:$0x9] =	wrdreg s24;
	s22 =	simm.s32 $0x4800;
	s6 =	smul.u32 $0xFA0, s2  }
0xe: {  	s24 =	simm.s32 $0x5C00;
	s12 =	sshrl.u32 s11, $0x1;
	p1 =	seq.s32 s2, $0x15  }
0xf: {  	p2 =	sne.s32 s2, $0x14;
	s11 =	ssub.s32 s11, s12;
	s6 =	sshrl.u32 s6, $0x3  }
0x10: {  	s12 =	sadd.s32 s23, s7;
	s14 =	smax.u32 s11, $0x1;
	s8 =	sadd.s32 $0x2710, s6  }
0x11: {  	s11 =	simm.s32 $0x0;
	s6 =	sadd.s32 $0x7000, s10;
	s9 =	sadd.s32 s8, s10  }
.Ltmp0:
0x12: {  	s8 =	sadd.s32 s5, s8;
	s5 =	sadd.s32 $0x270E, s5;
	(pc) =	sbr.rel .LBB2_1-.Ltmp0, $4  }
0x13: {  	s25 =	sadd.s32 s23, s6;
	s10 =	sadd.s32 $0x450E, s10;
	[dreg:$0xa] =	wrdreg s5  }
0x14: {  	s23 =	simm.s32 $0xAC00;
	s26 =	sadd.s32 s0, s25;
	[dreg:$0xb] =	wrdreg s10  }
0x15: {  	s9 =	sadd.s32 $0x1E00, s9;
	s0 =	sadd.s32 s0, s12;
	[dreg:$0x5] =	wrdreg s26  }
0x16: {  	s25 =	simm.s32 $0xC000;
	[dreg:$0x6] =	wrdreg s0;
	s26 =	simm.s32 $0x7000  }
.LBB2_8:
0x17: {  	s0 =	rddreg [dreg:$0x7]  }
0x18: {  	[tilespmem:s31], [sflag:$0x3] =	stream.linear.gather [hbm4b:s0+s4], $0x800, $0x38;
	[tilespmem:$0x10100] =	vst v63  }
0x19: {  	_ =	swait.ge [sflag:s15], $0x800  }
0x1a: {  	[sflag:s15] =	ssyncset.done $0x0  }
0x1b: {  	s13 =	rddreg [dreg:$0x8];
	[sflag:s15] =	ssyncadd.s32 $0xFFFFF800  }
0x1c: {  	[hbm4b:s13+s4] =	stream.linear.scatter [tilespmem:s31], [sflag:$0x3], $0x800, $0x38;
	[tilespmem:$0x10100] =	vst v63  }
0x1d: {  	_ =	swait.ge [sflag:s15], $0x800  }
0x1e: {  	[sflag:s15] =	ssyncset.done $0x0  }
0x1f: {  	s16 =	rddreg [dreg:$0x9];
	[sflag:s15] =	ssyncadd.s32 $0xFFFFF800  }
0x20: {  	[hbm4b:s16+s4] =	stream.linear.scatter [tilespmem:s31], [sflag:$0x3], $0x800, $0x38;
	[tilespmem:$0x10100] =	vst v63  }
.LBB2_9:
0x21: {  	_ =	swait.ge [sflag:s15], $0x800  }
0x22: {  	[sflag:s15] =	ssyncset.done $0x0  }
0x23: {  	[sflag:s15] =	ssyncadd.s32 $0xFFFFF800  }
.LBB2_10:
0x24: {  	s11 =	sadd.s32 $0x1, s11  }
0x25: {  	p3 =	sne.s32 s11, s14  }
.Ltmp1:
0x26: {  	_ = 	snop;
	(pc) =	sbr.rel @!p3 .LBB2_11-.Ltmp1, $1  }
0x27: {  	_ =	sdelay $0x3  }
.LBB2_1:
.Ltmp2:
0x28: {  	(pc) =	sbr.rel @p0 .LBB2_5-.Ltmp2, $1  }
0x29: {  	_ =	sdelay $0x3  }
0x2a: {  	s0 =	simm.s32 $0x0  }
0x2b: {  	[tilespmem:s0], [sflag:$0x3] =	stream.linear.gather [hbm4b:s8+s0], $0xFA0, $0x38;
	[tilespmem:$0x10100] =	vst v63  }
0x2c: {  	_ =	swait.ge [sflag:s15], $0xFA0  }
0x2d: {  	[sflag:s15] =	ssyncset.done $0x0  }
0x2e: {  	s2 =	simm.s32 $0x1000;
	[sflag:s15] =	ssyncadd.s32 $0xFFFFF060  }
0x2f: {  	[tilespmem:s2], [sflag:$0x3] =	stream.linear.gather [hbm4b:s9+s0], $0xFA0, $0x38;
	[tilespmem:$0x10100] =	vst v63  }
0x30: {  	p3 =	por $0x1, $0x1;
	_ =	swait.ge [sflag:s15], $0xFA0  }
0x31: {  	p3 =	por p3, p3;
	[sflag:s15] =	ssyncset.done $0x0  }
0x32: {  	s0 =	simm.s32 @!p3 $0x2;
	[sflag:s15] =	ssyncadd.s32 $0xFFFFF060  }
0x33: {  	_ =	swait.ge @!p3 [sflag:s0], $0x1400  }
0x34: {  	[sflag:s0] =	ssyncset.done @!p3 $0x0  }
0x35: {  	[sflag:s0] =	ssyncadd.s32 @!p3 $0xFFFFEC00  }
0x36: {  	_ =	swait.ge @!p3 [sflag:s0], $0x1400  }
0x37: {  	[sflag:s0] =	ssyncset.done @!p3 $0x0  }
0x38: {  	[sflag:s0] =	ssyncadd.s32 @!p3 $0xFFFFEC00  }
0x39: {  	_ =	swait.ge @!p3 [sflag:s0], $0x1400  }
0x3a: {  	[sflag:s0] =	ssyncset.done @!p3 $0x0  }
0x3b: {  	[sflag:s0] =	ssyncadd.s32 @!p3 $0xFFFFEC00  }
0x3c: {  	_ =	swait.ge @!p3 [sflag:s0], $0x1400  }
0x3d: {  	[sflag:s0] =	ssyncset.done @!p3 $0x0  }
0x3e: {  	[sflag:s0] =	ssyncadd.s32 @!p3 $0xFFFFEC00  }
0x3f: {  	_ =	swait.ge @!p3 [sflag:s0], $0x1400  }
0x40: {  	[sflag:s0] =	ssyncset.done @!p3 $0x0  }
0x41: {  	[sflag:s0] =	ssyncadd.s32 @!p3 $0xFFFFEC00  }
0x42: {  	_ =	swait.ge @!p3 [sflag:s0], $0x1400  }
0x43: {  	[sflag:s0] =	ssyncset.done @!p3 $0x0  }
0x44: {  	[sflag:s0] =	ssyncadd.s32 @!p3 $0xFFFFEC00  }
0x45: {  	_ =	swait.ge @!p3 [sflag:s0], $0x1400  }
0x46: {  	[sflag:s0] =	ssyncset.done @!p3 $0x0  }
0x47: {  	[sflag:s0] =	ssyncadd.s32 @!p3 $0xFFFFEC00  }
0x48: {  	_ =	swait.ge @!p3 [sflag:s0], $0x1400  }
0x49: {  	[sflag:s0] =	ssyncset.done @!p3 $0x0  }
0x4a: {  	[sflag:s0] =	ssyncadd.s32 @!p3 $0xFFFFEC00  }
0x4b: {  	_ =	swait.ge @!p3 [sflag:s0], $0x1400  }
0x4c: {  	[sflag:s0] =	ssyncset.done @!p3 $0x0  }
0x4d: {  	[sflag:s0] =	ssyncadd.s32 @!p3 $0xFFFFEC00  }
0x4e: {  	_ =	swait.ge @!p3 [sflag:s0], $0x1400  }
0x4f: {  	[sflag:s0] =	ssyncset.done @!p3 $0x0  }
0x50: {  	s10 =	simm.s32 $0x0;
	[sflag:s0] =	ssyncadd.s32 @!p3 $0xFFFFEC00  }
0x51: {  	[tilespmem:s18], [sflag:$0x1] =	stream.indirect.gather [hbm4b:s1+s17], $0x80, s10, s17, $0xb8;
	[tilespmem:$0x10100] =	vst v63  }
0x52: {  	s12 =	simm.s32 $0x1000  }
0x53: {  	[tilespmem:s19], [sflag:$0x1] =	stream.indirect.gather [hbm4b:s3+s17], $0x80, s12, s17, $0xb8;
	[tilespmem:$0x10100] =	vst v63  }
0x54: {  	s13 =	simm.s32 $0x28  }
0x55: {  	[tilespmem:s20], [sflag:$0x1] =	stream.indirect.gather [hbm4b:s1+s17], $0x80, s13, s17, $0xb8;
	[tilespmem:$0x10100] =	vst v63  }
0x56: {  	s16 =	simm.s32 $0x1028  }
0x57: {  	[tilespmem:s21], [sflag:$0x1] =	stream.indirect.gather [hbm4b:s3+s17], $0x80, s16, s17, $0xb8;
	[tilespmem:$0x10100] =	vst v63  }
0x58: {  	s2 =	simm.s32 $0x50  }
0x59: {  	[tilespmem:s22], [sflag:$0x1] =	stream.indirect.gather [hbm4b:s1+s17], $0x80, s2, s17, $0xb8;
	[tilespmem:$0x10100] =	vst v63  }
0x5a: {  	s5 =	simm.s32 $0x1050  }
0x5b: {  	[tilespmem:s23], [sflag:$0x1] =	stream.indirect.gather [hbm4b:s3+s17], $0x80, s5, s17, $0xb8;
	[tilespmem:$0x10100] =	vst v63  }
0x5c: {  	s10 =	simm.s32 $0x78  }
0x5d: {  	[tilespmem:s24], [sflag:$0x1] =	stream.indirect.gather [hbm4b:s1+s17], $0x80, s10, s17, $0xb8;
	[tilespmem:$0x10100] =	vst v63  }
0x5e: {  	s12 =	simm.s32 $0x1078  }
0x5f: {  	[tilespmem:s25], [sflag:$0x1] =	stream.indirect.gather [hbm4b:s3+s17], $0x80, s12, s17, $0xb8;
	[tilespmem:$0x10100] =	vst v63  }
0x60: {  	s13 =	simm.s32 $0xA0  }
0x61: {  	[tilespmem:s26], [sflag:$0x1] =	stream.indirect.gather [hbm4b:s1+s17], $0x80, s13, s17, $0xb8;
	[tilespmem:$0x10100] =	vst v63  }
0x62: {  	s16 =	simm.s32 $0x10A0  }
0x63: {  	[tilespmem:s28], [sflag:$0x1] =	stream.indirect.gather [hbm4b:s3+s17], $0x80, s16, s17, $0xb8;
	[tilespmem:$0x10100] =	vst v63  }
0x64: {  	_ =	swait.ge [sflag:s29], $0x1400  }
0x65: {  	[sflag:s29] =	ssyncset.done $0x0  }
0x66: {  	[sflag:s29] =	ssyncadd.s32 $0xFFFFEC00  }
0x67: {  	_ =	swait.ge [sflag:s29], $0x1400  }
0x68: {  	[sflag:s29] =	ssyncset.done $0x0  }
0x69: {  	[sflag:s29] =	ssyncadd.s32 $0xFFFFEC00  }
0x6a: {  	_ =	swait.ge [sflag:s29], $0x1400  }
0x6b: {  	[sflag:s29] =	ssyncset.done $0x0  }
0x6c: {  	[sflag:s29] =	ssyncadd.s32 $0xFFFFEC00  }
0x6d: {  	_ =	swait.ge [sflag:s29], $0x1400  }
0x6e: {  	[sflag:s29] =	ssyncset.done $0x0  }
0x6f: {  	[sflag:s29] =	ssyncadd.s32 $0xFFFFEC00  }
0x70: {  	_ =	swait.ge [sflag:s29], $0x1400  }
0x71: {  	[sflag:s29] =	ssyncset.done $0x0  }
0x72: {  	[sflag:s29] =	ssyncadd.s32 $0xFFFFEC00  }
0x73: {  	_ =	swait.ge [sflag:s29], $0x1400  }
0x74: {  	[sflag:s29] =	ssyncset.done $0x0  }
0x75: {  	[sflag:s29] =	ssyncadd.s32 $0xFFFFEC00  }
0x76: {  	_ =	swait.ge [sflag:s29], $0x1400  }
0x77: {  	[sflag:s29] =	ssyncset.done $0x0  }
0x78: {  	[sflag:s29] =	ssyncadd.s32 $0xFFFFEC00  }
0x79: {  	_ =	swait.ge [sflag:s29], $0x1400  }
0x7a: {  	[sflag:s29] =	ssyncset.done $0x0  }
0x7b: {  	[sflag:s29] =	ssyncadd.s32 $0xFFFFEC00  }
0x7c: {  	_ =	swait.ge [sflag:s29], $0x1400  }
0x7d: {  	[sflag:s29] =	ssyncset.done $0x0  }
0x7e: {  	[sflag:s29] =	ssyncadd.s32 $0xFFFFEC00  }
0x7f: {  	_ =	swait.ge [sflag:s29], $0x1400  }
0x80: {  	s2 =	rddreg [dreg:$0x5]  }
0x81: {  	s5 =	rddreg [dreg:$0x6];
	[sflag:s29] =	ssyncset.done $0x0;
	s0 =	sadd.s32 $0x0, s2  }
0x82: {  	[sflag:s29] =	ssyncadd.s32 $0xFFFFEC00;
	s2 =	sadd.s32 $0x0, s5;
	s12 =	sadd.s32 $0x100, s0  }
0x83: {  	[hbm4b:s12+s4] =	stream.linear.scatter [tilespmem:s18], [sflag:$0x2], $0x1400, $0x38;
	[tilespmem:$0x10100] =	vst v63  }
0x84: {  	s10 =	sadd.s32 $0x100, s2  }
0x85: {  	[hbm4b:s10+s4] =	stream.linear.scatter [tilespmem:s19], [sflag:$0x2], $0x1400, $0x38;
	[tilespmem:$0x10100] =	vst v63  }
0x86: {  	s13 =	sadd.s32 $0x380, s0  }
0x87: {  	[hbm4b:s13+s4] =	stream.linear.scatter [tilespmem:s20], [sflag:$0x2], $0x1400, $0x38;
	[tilespmem:$0x10100] =	vst v63  }
0x88: {  	s16 =	sadd.s32 $0x380, s2  }
0x89: {  	[hbm4b:s16+s4] =	stream.linear.scatter [tilespmem:s21], [sflag:$0x2], $0x1400, $0x38;
	[tilespmem:$0x10100] =	vst v63  }
0x8a: {  	s5 =	sadd.s32 $0x600, s0  }
0x8b: {  	[hbm4b:s5+s4] =	stream.linear.scatter [tilespmem:s22], [sflag:$0x2], $0x1400, $0x38;
	[tilespmem:$0x10100] =	vst v63  }
0x8c: {  	s10 =	sadd.s32 $0x600, s2  }
0x8d: {  	[hbm4b:s10+s4] =	stream.linear.scatter [tilespmem:s23], [sflag:$0x2], $0x1400, $0x38;
	[tilespmem:$0x10100] =	vst v63  }
0x8e: {  	s13 =	sadd.s32 $0x880, s0  }
0x8f: {  	[hbm4b:s13+s4] =	stream.linear.scatter [tilespmem:s24], [sflag:$0x2], $0x1400, $0x38;
	[tilespmem:$0x10100] =	vst v63  }
0x90: {  	p6 =	por $0x0, $0x0;
	s16 =	sadd.s32 $0x880, s2  }
0x91: {  	[hbm4b:s16+s4] =	stream.linear.scatter [tilespmem:s25], [sflag:$0x2], $0x1400, $0x38;
	[tilespmem:$0x10100] =	vst v63  }
0x92: {  	p3 =	por p6, p6;
	s12 =	simm.s32 $0xC80;
	s0 =	sadd.s32 $0xB00, s0  }
0x93: {  	[hbm4b:s0+s4] =	stream.linear.scatter [tilespmem:s26], [sflag:$0x2], $0x1400, $0x38;
	[tilespmem:$0x10100] =	vst v63  }
0x94: {  	s13 =	simm.s32 $0x1900;
	s0 =	sadd.s32 $0xB00, s2;
	s2 =	simm.s32 $0x320  }
.LBB2_3:
0x95: {  	[hbm4b:s0+s4] =	stream.linear.scatter [tilespmem:s28], [sflag:$0x2], $0x1400, $0x38;
	[tilespmem:$0x10100] =	vst v63  }
0x96: {  	s16 =	simm.s32 @!p3 $0x2  }
0x97: {  	_ =	swait.ge @!p3 [sflag:s16], $0x1400  }
0x98: {  	[sflag:s16] =	ssyncset.done @!p3 $0x0  }
0x99: {  	[sflag:s16] =	ssyncadd.s32 @!p3 $0xFFFFEC00  }
0x9a: {  	_ =	swait.ge @!p3 [sflag:s16], $0x1400  }
0x9b: {  	[sflag:s16] =	ssyncset.done @!p3 $0x0  }
0x9c: {  	[sflag:s16] =	ssyncadd.s32 @!p3 $0xFFFFEC00  }
0x9d: {  	_ =	swait.ge @!p3 [sflag:s16], $0x1400  }
0x9e: {  	[sflag:s16] =	ssyncset.done @!p3 $0x0  }
0x9f: {  	[sflag:s16] =	ssyncadd.s32 @!p3 $0xFFFFEC00  }
0xa0: {  	_ =	swait.ge @!p3 [sflag:s16], $0x1400  }
0xa1: {  	[sflag:s16] =	ssyncset.done @!p3 $0x0  }
0xa2: {  	[sflag:s16] =	ssyncadd.s32 @!p3 $0xFFFFEC00  }
0xa3: {  	_ =	swait.ge @!p3 [sflag:s16], $0x1400  }
0xa4: {  	[sflag:s16] =	ssyncset.done @!p3 $0x0  }
0xa5: {  	[sflag:s16] =	ssyncadd.s32 @!p3 $0xFFFFEC00  }
0xa6: {  	_ =	swait.ge @!p3 [sflag:s16], $0x1400  }
0xa7: {  	[sflag:s16] =	ssyncset.done @!p3 $0x0  }
0xa8: {  	[sflag:s16] =	ssyncadd.s32 @!p3 $0xFFFFEC00  }
0xa9: {  	_ =	swait.ge @!p3 [sflag:s16], $0x1400  }
0xaa: {  	[sflag:s16] =	ssyncset.done @!p3 $0x0  }
0xab: {  	[sflag:s16] =	ssyncadd.s32 @!p3 $0xFFFFEC00  }
0xac: {  	_ =	swait.ge @!p3 [sflag:s16], $0x1400  }
0xad: {  	[sflag:s16] =	ssyncset.done @!p3 $0x0  }
0xae: {  	[sflag:s16] =	ssyncadd.s32 @!p3 $0xFFFFEC00  }
0xaf: {  	_ =	swait.ge @!p3 [sflag:s16], $0x1400  }
0xb0: {  	[sflag:s16] =	ssyncset.done @!p3 $0x0  }
0xb1: {  	[sflag:s16] =	ssyncadd.s32 @!p3 $0xFFFFEC00  }
0xb2: {  	_ =	swait.ge @!p3 [sflag:s16], $0x1400  }
0xb3: {  	[sflag:s16] =	ssyncset.done @!p3 $0x0  }
0xb4: {  	[sflag:s16] =	ssyncadd.s32 @!p3 $0xFFFFEC00;
	s16 =	sshra.s32 s2, $0x2  }
0xb5: {  	[tilespmem:s18], [sflag:$0x1] =	stream.indirect.gather [hbm4b:s1+s17], $0x80, s16, s17, $0xb8;
	[tilespmem:$0x10100] =	vst v63  }
0xb6: {  	s5 =	sadd.s32 $0x1000, s16  }
0xb7: {  	[tilespmem:s19], [sflag:$0x1] =	stream.indirect.gather [hbm4b:s3+s17], $0x80, s5, s17, $0xb8;
	[tilespmem:$0x10100] =	vst v63  }
0xb8: {  	s10 =	sadd.s32 $0x28, s16  }
0xb9: {  	[tilespmem:s20], [sflag:$0x1] =	stream.indirect.gather [hbm4b:s1+s17], $0x80, s10, s17, $0xb8;
	[tilespmem:$0x10100] =	vst v63  }
0xba: {  	s10 =	sadd.s32 $0x1028, s16  }
0xbb: {  	[tilespmem:s21], [sflag:$0x1] =	stream.indirect.gather [hbm4b:s3+s17], $0x80, s10, s17, $0xb8;
	[tilespmem:$0x10100] =	vst v63  }
0xbc: {  	s10 =	sadd.s32 $0x50, s16  }
0xbd: {  	[tilespmem:s22], [sflag:$0x1] =	stream.indirect.gather [hbm4b:s1+s17], $0x80, s10, s17, $0xb8;
	[tilespmem:$0x10100] =	vst v63  }
0xbe: {  	s10 =	sadd.s32 $0x1050, s16  }
0xbf: {  	[tilespmem:s23], [sflag:$0x1] =	stream.indirect.gather [hbm4b:s3+s17], $0x80, s10, s17, $0xb8;
	[tilespmem:$0x10100] =	vst v63  }
0xc0: {  	s10 =	sadd.s32 $0x78, s16  }
0xc1: {  	[tilespmem:s24], [sflag:$0x1] =	stream.indirect.gather [hbm4b:s1+s17], $0x80, s10, s17, $0xb8;
	[tilespmem:$0x10100] =	vst v63  }
0xc2: {  	s10 =	sadd.s32 $0x1078, s16  }
0xc3: {  	[tilespmem:s25], [sflag:$0x1] =	stream.indirect.gather [hbm4b:s3+s17], $0x80, s10, s17, $0xb8;
	[tilespmem:$0x10100] =	vst v63  }
0xc4: {  	s10 =	sadd.s32 $0xA0, s16  }
0xc5: {  	[tilespmem:s26], [sflag:$0x1] =	stream.indirect.gather [hbm4b:s1+s17], $0x80, s10, s17, $0xb8;
	[tilespmem:$0x10100] =	vst v63  }
0xc6: {  	s16 =	sadd.s32 $0x10A0, s16  }
0xc7: {  	[tilespmem:s28], [sflag:$0x1] =	stream.indirect.gather [hbm4b:s3+s17], $0x80, s16, s17, $0xb8;
	[tilespmem:$0x10100] =	vst v63  }
0xc8: {  	_ =	swait.ge [sflag:s29], $0x1400  }
0xc9: {  	[sflag:s29] =	ssyncset.done $0x0  }
0xca: {  	[sflag:s29] =	ssyncadd.s32 $0xFFFFEC00  }
0xcb: {  	_ =	swait.ge [sflag:s29], $0x1400  }
0xcc: {  	[sflag:s29] =	ssyncset.done $0x0  }
0xcd: {  	[sflag:s29] =	ssyncadd.s32 $0xFFFFEC00  }
0xce: {  	_ =	swait.ge [sflag:s29], $0x1400  }
0xcf: {  	[sflag:s29] =	ssyncset.done $0x0  }
0xd0: {  	[sflag:s29] =	ssyncadd.s32 $0xFFFFEC00  }
0xd1: {  	_ =	swait.ge [sflag:s29], $0x1400  }
0xd2: {  	[sflag:s29] =	ssyncset.done $0x0  }
0xd3: {  	[sflag:s29] =	ssyncadd.s32 $0xFFFFEC00  }
0xd4: {  	_ =	swait.ge [sflag:s29], $0x1400  }
0xd5: {  	[sflag:s29] =	ssyncset.done $0x0  }
0xd6: {  	[sflag:s29] =	ssyncadd.s32 $0xFFFFEC00  }
0xd7: {  	_ =	swait.ge [sflag:s29], $0x1400  }
0xd8: {  	[sflag:s29] =	ssyncset.done $0x0  }
0xd9: {  	[sflag:s29] =	ssyncadd.s32 $0xFFFFEC00  }
0xda: {  	_ =	swait.ge [sflag:s29], $0x1400  }
0xdb: {  	[sflag:s29] =	ssyncset.done $0x0  }
0xdc: {  	[sflag:s29] =	ssyncadd.s32 $0xFFFFEC00  }
0xdd: {  	_ =	swait.ge [sflag:s29], $0x1400  }
0xde: {  	[sflag:s29] =	ssyncset.done $0x0  }
0xdf: {  	[sflag:s29] =	ssyncadd.s32 $0xFFFFEC00  }
0xe0: {  	_ =	swait.ge [sflag:s29], $0x1400  }
0xe1: {  	[sflag:s29] =	ssyncset.done $0x0  }
0xe2: {  	[sflag:s29] =	ssyncadd.s32 $0xFFFFEC00  }
0xe3: {  	_ =	swait.ge [sflag:s29], $0x1400  }
0xe4: {  	s10 =	rddreg [dreg:$0x5]  }
0xe5: {  	s16 =	rddreg [dreg:$0x6];
	[sflag:s29] =	ssyncset.done $0x0;
	s5 =	sadd.s32 s12, s10  }
0xe6: {  	[sflag:s29] =	ssyncadd.s32 $0xFFFFEC00;
	s16 =	sadd.s32 s12, s16;
	s10 =	sadd.s32 $0x100, s5  }
0xe7: {  	[hbm4b:s10+s4] =	stream.linear.scatter [tilespmem:s18], [sflag:$0x2], $0x1400, $0x38;
	[tilespmem:$0x10100] =	vst v63  }
0xe8: {  	s10 =	sadd.s32 $0x100, s16  }
0xe9: {  	[hbm4b:s10+s4] =	stream.linear.scatter [tilespmem:s19], [sflag:$0x2], $0x1400, $0x38;
	[tilespmem:$0x10100] =	vst v63  }
0xea: {  	s10 =	sadd.s32 $0x380, s5  }
0xeb: {  	[hbm4b:s10+s4] =	stream.linear.scatter [tilespmem:s20], [sflag:$0x2], $0x1400, $0x38;
	[tilespmem:$0x10100] =	vst v63  }
0xec: {  	s10 =	sadd.s32 $0x380, s16  }
0xed: {  	[hbm4b:s10+s4] =	stream.linear.scatter [tilespmem:s21], [sflag:$0x2], $0x1400, $0x38;
	[tilespmem:$0x10100] =	vst v63  }
0xee: {  	s10 =	sadd.s32 $0x600, s5  }
0xef: {  	[hbm4b:s10+s4] =	stream.linear.scatter [tilespmem:s22], [sflag:$0x2], $0x1400, $0x38;
	[tilespmem:$0x10100] =	vst v63  }
0xf0: {  	s0 =	smov.u32 s13;
	s13 =	sadd.s32 $0xC80, s13;
	s10 =	sadd.s32 $0x600, s16  }
0xf1: {  	[hbm4b:s10+s4] =	stream.linear.scatter [tilespmem:s23], [sflag:$0x2], $0x1400, $0x38;
	[tilespmem:$0x10100] =	vst v63  }
0xf2: {  	p4 =	sne.s32 s13, $0xFA00;
	s10 =	sadd.s32 $0x880, s5  }
0xf3: {  	[hbm4b:s10+s4] =	stream.linear.scatter [tilespmem:s24], [sflag:$0x2], $0x1400, $0x38;
	[tilespmem:$0x10100] =	vst v63  }
.Ltmp3:
0xf4: {  	p5 =	seq.s32 s0, $0x0;
	(pc) =	sbr.rel @p4 .LBB2_3-.Ltmp3, $4  }
0xf5: {  	p3 =	por p5, p5;
	s2 =	sadd.s32 $0x320, s2;
	s10 =	sadd.s32 $0x880, s16  }
0xf6: {  	[hbm4b:s10+s4] =	stream.linear.scatter [tilespmem:s25], [sflag:$0x2], $0x1400, $0x38;
	[tilespmem:$0x10100] =	vst v63  }
0xf7: {  	s12 =	smov.u32 s0;
	s0 =	sadd.s32 $0xB00, s16;
	s10 =	sadd.s32 $0xB00, s5  }
0xf8: {  	[hbm4b:s10+s4] =	stream.linear.scatter [tilespmem:s26], [sflag:$0x2], $0x1400, $0x38;
	[tilespmem:$0x10100] =	vst v63  }
0xf9: {  	[hbm4b:s0+s4] =	stream.linear.scatter [tilespmem:s28], [sflag:$0x2], $0x1400, $0x38;
	[tilespmem:$0x10100] =	vst v63  }
0xfa: {  	s0 =	simm.s32 @!p3 $0x2  }
0xfb: {  	_ =	swait.ge @!p3 [sflag:s0], $0x1400  }
0xfc: {  	[sflag:s0] =	ssyncset.done @!p3 $0x0  }
0xfd: {  	[sflag:s0] =	ssyncadd.s32 @!p3 $0xFFFFEC00  }
0xfe: {  	_ =	swait.ge @!p3 [sflag:s0], $0x1400  }
0xff: {  	[sflag:s0] =	ssyncset.done @!p3 $0x0  }
0x100: {  	[sflag:s0] =	ssyncadd.s32 @!p3 $0xFFFFEC00  }
0x101: {  	_ =	swait.ge @!p3 [sflag:s0], $0x1400  }
0x102: {  	[sflag:s0] =	ssyncset.done @!p3 $0x0  }
0x103: {  	[sflag:s0] =	ssyncadd.s32 @!p3 $0xFFFFEC00  }
0x104: {  	_ =	swait.ge @!p3 [sflag:s0], $0x1400  }
0x105: {  	[sflag:s0] =	ssyncset.done @!p3 $0x0  }
0x106: {  	[sflag:s0] =	ssyncadd.s32 @!p3 $0xFFFFEC00  }
0x107: {  	_ =	swait.ge @!p3 [sflag:s0], $0x1400  }
0x108: {  	[sflag:s0] =	ssyncset.done @!p3 $0x0  }
0x109: {  	[sflag:s0] =	ssyncadd.s32 @!p3 $0xFFFFEC00  }
0x10a: {  	_ =	swait.ge @!p3 [sflag:s0], $0x1400  }
0x10b: {  	[sflag:s0] =	ssyncset.done @!p3 $0x0  }
0x10c: {  	[sflag:s0] =	ssyncadd.s32 @!p3 $0xFFFFEC00  }
0x10d: {  	_ =	swait.ge @!p3 [sflag:s0], $0x1400  }
0x10e: {  	[sflag:s0] =	ssyncset.done @!p3 $0x0  }
0x10f: {  	[sflag:s0] =	ssyncadd.s32 @!p3 $0xFFFFEC00  }
0x110: {  	_ =	swait.ge @!p3 [sflag:s0], $0x1400  }
0x111: {  	[sflag:s0] =	ssyncset.done @!p3 $0x0  }
0x112: {  	[sflag:s0] =	ssyncadd.s32 @!p3 $0xFFFFEC00  }
0x113: {  	_ =	swait.ge @!p3 [sflag:s0], $0x1400  }
0x114: {  	[sflag:s0] =	ssyncset.done @!p3 $0x0  }
0x115: {  	[sflag:s0] =	ssyncadd.s32 @!p3 $0xFFFFEC00  }
0x116: {  	_ =	swait.ge @!p3 [sflag:s0], $0x1400  }
0x117: {  	[sflag:s0] =	ssyncset.done @!p3 $0x0  }
0x118: {  	[sflag:s0] =	ssyncadd.s32 @!p3 $0xFFFFEC00;
	s0 =	sshra.s32 s2, $0x2  }
0x119: {  	[tilespmem:s18], [sflag:$0x1] =	stream.indirect.gather [hbm4b:s1+s17], $0x80, s0, s17, $0xb8;
	[tilespmem:$0x10100] =	vst v63  }
0x11a: {  	s2 =	sadd.s32 $0x1000, s0  }
0x11b: {  	[tilespmem:s19], [sflag:$0x1] =	stream.indirect.gather [hbm4b:s3+s17], $0x80, s2, s17, $0xb8;
	[tilespmem:$0x10100] =	vst v63  }
0x11c: {  	s16 =	sadd.s32 $0x28, s0  }
0x11d: {  	[tilespmem:s20], [sflag:$0x1] =	stream.indirect.gather [hbm4b:s1+s17], $0x80, s16, s17, $0xb8;
	[tilespmem:$0x10100] =	vst v63  }
0x11e: {  	s5 =	sadd.s32 $0x1028, s0  }
0x11f: {  	[tilespmem:s21], [sflag:$0x1] =	stream.indirect.gather [hbm4b:s3+s17], $0x80, s5, s17, $0xb8;
	[tilespmem:$0x10100] =	vst v63  }
0x120: {  	s10 =	sadd.s32 $0x50, s0  }
0x121: {  	[tilespmem:s22], [sflag:$0x1] =	stream.indirect.gather [hbm4b:s1+s17], $0x80, s10, s17, $0xb8;
	[tilespmem:$0x10100] =	vst v63  }
0x122: {  	s13 =	sadd.s32 $0x1050, s0  }
0x123: {  	[tilespmem:s23], [sflag:$0x1] =	stream.indirect.gather [hbm4b:s3+s17], $0x80, s13, s17, $0xb8;
	[tilespmem:$0x10100] =	vst v63  }
0x124: {  	s16 =	sadd.s32 $0x78, s0  }
0x125: {  	[tilespmem:s24], [sflag:$0x1] =	stream.indirect.gather [hbm4b:s1+s17], $0x80, s16, s17, $0xb8;
	[tilespmem:$0x10100] =	vst v63  }
0x126: {  	s5 =	sadd.s32 $0x1078, s0  }
0x127: {  	[tilespmem:s25], [sflag:$0x1] =	stream.indirect.gather [hbm4b:s3+s17], $0x80, s5, s17, $0xb8;
	[tilespmem:$0x10100] =	vst v63  }
0x128: {  	s10 =	sadd.s32 $0xA0, s0  }
0x129: {  	[tilespmem:s26], [sflag:$0x1] =	stream.indirect.gather [hbm4b:s1+s17], $0x80, s10, s17, $0xb8;
	[tilespmem:$0x10100] =	vst v63  }
0x12a: {  	s0 =	sadd.s32 $0x10A0, s0  }
0x12b: {  	[tilespmem:s28], [sflag:$0x1] =	stream.indirect.gather [hbm4b:s3+s17], $0x80, s0, s17, $0xb8;
	[tilespmem:$0x10100] =	vst v63  }
0x12c: {  	_ =	swait.ge [sflag:s29], $0x1400  }
0x12d: {  	[sflag:s29] =	ssyncset.done $0x0  }
0x12e: {  	[sflag:s29] =	ssyncadd.s32 $0xFFFFEC00  }
0x12f: {  	_ =	swait.ge [sflag:s29], $0x1400  }
0x130: {  	[sflag:s29] =	ssyncset.done $0x0  }
0x131: {  	[sflag:s29] =	ssyncadd.s32 $0xFFFFEC00  }
0x132: {  	_ =	swait.ge [sflag:s29], $0x1400  }
0x133: {  	[sflag:s29] =	ssyncset.done $0x0  }
0x134: {  	[sflag:s29] =	ssyncadd.s32 $0xFFFFEC00  }
0x135: {  	_ =	swait.ge [sflag:s29], $0x1400  }
0x136: {  	[sflag:s29] =	ssyncset.done $0x0  }
0x137: {  	[sflag:s29] =	ssyncadd.s32 $0xFFFFEC00  }
0x138: {  	_ =	swait.ge [sflag:s29], $0x1400  }
0x139: {  	[sflag:s29] =	ssyncset.done $0x0  }
0x13a: {  	[sflag:s29] =	ssyncadd.s32 $0xFFFFEC00  }
0x13b: {  	_ =	swait.ge [sflag:s29], $0x1400  }
0x13c: {  	[sflag:s29] =	ssyncset.done $0x0  }
0x13d: {  	[sflag:s29] =	ssyncadd.s32 $0xFFFFEC00  }
0x13e: {  	_ =	swait.ge [sflag:s29], $0x1400  }
0x13f: {  	[sflag:s29] =	ssyncset.done $0x0  }
0x140: {  	[sflag:s29] =	ssyncadd.s32 $0xFFFFEC00  }
0x141: {  	_ =	swait.ge [sflag:s29], $0x1400  }
0x142: {  	[sflag:s29] =	ssyncset.done $0x0  }
0x143: {  	[sflag:s29] =	ssyncadd.s32 $0xFFFFEC00  }
0x144: {  	_ =	swait.ge [sflag:s29], $0x1400  }
0x145: {  	[sflag:s29] =	ssyncset.done $0x0  }
0x146: {  	[sflag:s29] =	ssyncadd.s32 $0xFFFFEC00  }
0x147: {  	_ =	swait.ge [sflag:s29], $0x1400  }
0x148: {  	s13 =	rddreg [dreg:$0x5]  }
0x149: {  	s16 =	rddreg [dreg:$0x6];
	[sflag:s29] =	ssyncset.done $0x0;
	s0 =	sadd.s32 s12, s13  }
0x14a: {  	[sflag:s29] =	ssyncadd.s32 $0xFFFFEC00;
	s2 =	sadd.s32 s12, s16;
	s5 =	sadd.s32 $0x100, s0  }
0x14b: {  	[hbm4b:s5+s4] =	stream.linear.scatter [tilespmem:s18], [sflag:$0x2], $0x1400, $0x38;
	[tilespmem:$0x10100] =	vst v63  }
0x14c: {  	s10 =	sadd.s32 $0x100, s2  }
0x14d: {  	[hbm4b:s10+s4] =	stream.linear.scatter [tilespmem:s19], [sflag:$0x2], $0x1400, $0x38;
	[tilespmem:$0x10100] =	vst v63  }
0x14e: {  	s12 =	sadd.s32 $0x380, s0  }
0x14f: {  	[hbm4b:s12+s4] =	stream.linear.scatter [tilespmem:s20], [sflag:$0x2], $0x1400, $0x38;
	[tilespmem:$0x10100] =	vst v63  }
0x150: {  	s13 =	sadd.s32 $0x380, s2  }
0x151: {  	[hbm4b:s13+s4] =	stream.linear.scatter [tilespmem:s21], [sflag:$0x2], $0x1400, $0x38;
	[tilespmem:$0x10100] =	vst v63  }
0x152: {  	s16 =	sadd.s32 $0x600, s0  }
0x153: {  	[hbm4b:s16+s4] =	stream.linear.scatter [tilespmem:s22], [sflag:$0x2], $0x1400, $0x38;
	[tilespmem:$0x10100] =	vst v63  }
0x154: {  	s10 =	sadd.s32 $0x600, s2  }
0x155: {  	[hbm4b:s10+s4] =	stream.linear.scatter [tilespmem:s23], [sflag:$0x2], $0x1400, $0x38;
	[tilespmem:$0x10100] =	vst v63  }
0x156: {  	s12 =	sadd.s32 $0x880, s0  }
0x157: {  	[hbm4b:s12+s4] =	stream.linear.scatter [tilespmem:s24], [sflag:$0x2], $0x1400, $0x38;
	[tilespmem:$0x10100] =	vst v63  }
0x158: {  	s13 =	sadd.s32 $0x880, s2  }
0x159: {  	[hbm4b:s13+s4] =	stream.linear.scatter [tilespmem:s25], [sflag:$0x2], $0x1400, $0x38;
	[tilespmem:$0x10100] =	vst v63  }
0x15a: {  	s0 =	sadd.s32 $0xB00, s0  }
0x15b: {  	[hbm4b:s0+s4] =	stream.linear.scatter [tilespmem:s26], [sflag:$0x2], $0x1400, $0x38;
	[tilespmem:$0x10100] =	vst v63  }
0x15c: {  	s16 =	sadd.s32 $0xB00, s2  }
0x15d: {  	[hbm4b:s16+s4] =	stream.linear.scatter [tilespmem:s28], [sflag:$0x2], $0x1400, $0x38;
	[tilespmem:$0x10100] =	vst v63  }
0x15e: {  	_ =	swait.ge [sflag:s30], $0x1400  }
0x15f: {  	[sflag:s30] =	ssyncset.done $0x0  }
0x160: {  	[sflag:s30] =	ssyncadd.s32 $0xFFFFEC00  }
0x161: {  	_ =	swait.ge [sflag:s30], $0x1400  }
0x162: {  	[sflag:s30] =	ssyncset.done $0x0  }
0x163: {  	[sflag:s30] =	ssyncadd.s32 $0xFFFFEC00  }
0x164: {  	_ =	swait.ge [sflag:s30], $0x1400  }
0x165: {  	[sflag:s30] =	ssyncset.done $0x0  }
0x166: {  	[sflag:s30] =	ssyncadd.s32 $0xFFFFEC00  }
0x167: {  	_ =	swait.ge [sflag:s30], $0x1400  }
0x168: {  	[sflag:s30] =	ssyncset.done $0x0  }
0x169: {  	[sflag:s30] =	ssyncadd.s32 $0xFFFFEC00  }
0x16a: {  	_ =	swait.ge [sflag:s30], $0x1400  }
0x16b: {  	[sflag:s30] =	ssyncset.done $0x0  }
0x16c: {  	[sflag:s30] =	ssyncadd.s32 $0xFFFFEC00  }
0x16d: {  	_ =	swait.ge [sflag:s30], $0x1400  }
0x16e: {  	[sflag:s30] =	ssyncset.done $0x0  }
0x16f: {  	[sflag:s30] =	ssyncadd.s32 $0xFFFFEC00  }
0x170: {  	_ =	swait.ge [sflag:s30], $0x1400  }
0x171: {  	[sflag:s30] =	ssyncset.done $0x0  }
0x172: {  	[sflag:s30] =	ssyncadd.s32 $0xFFFFEC00  }
0x173: {  	_ =	swait.ge [sflag:s30], $0x1400  }
0x174: {  	[sflag:s30] =	ssyncset.done $0x0  }
0x175: {  	[sflag:s30] =	ssyncadd.s32 $0xFFFFEC00  }
0x176: {  	_ =	swait.ge [sflag:s30], $0x1400  }
0x177: {  	[sflag:s30] =	ssyncset.done $0x0  }
0x178: {  	[sflag:s30] =	ssyncadd.s32 $0xFFFFEC00  }
0x179: {  	_ =	swait.ge [sflag:s30], $0x1400  }
0x17a: {  	[sflag:s30] =	ssyncset.done $0x0  }
0x17b: {  	[sflag:s30] =	ssyncadd.s32 $0xFFFFEC00  }
.LBB2_5:
.Ltmp4:
0x17c: {  	(pc) =	sbr.rel @p1 .LBB2_8-.Ltmp4, $1  }
0x17d: {  	_ =	sdelay $0x3  }
.Ltmp5:
0x17e: {  	(pc) =	sbr.rel @p2 .LBB2_10-.Ltmp5, $1  }
0x17f: {  	_ =	sdelay $0x3  }
0x180: {  	s0 =	rddreg [dreg:$0xa];
	s2 =	simm.s32 $0xE800  }
0x181: {  	[tilespmem:s2], [sflag:$0x3] =	stream.linear.gather [hbm4b:s0+s4], $0x10, $0x38;
	[tilespmem:$0x10100] =	vst v63  }
0x182: {  	_ =	swait.ge [sflag:s15], $0x10  }
0x183: {  	[sflag:s15] =	ssyncset.done $0x0  }
0x184: {  	s5 =	simm.s32 $0xE880;
	s12 =	rddreg [dreg:$0xb];
	[sflag:s15] =	ssyncadd.s32 $0xFFFFFFF0  }
0x185: {  	[tilespmem:s5], [sflag:$0x3] =	stream.linear.gather [hbm4b:s12+s4], $0x10, $0x38;
	[tilespmem:$0x10100] =	vst v63  }
0x186: {  	_ =	swait.ge [sflag:s15], $0x10  }
0x187: {  	[sflag:s15] =	ssyncset.done $0x0  }
0x188: {  	s13 =	simm.s32 $0x10;
	s10 =	simm.s32 $0xE900;
	[sflag:s15] =	ssyncadd.s32 $0xFFFFFFF0  }
0x189: {  	[tilespmem:s10], [sflag:$0x1] =	stream.indirect.gather [hbm4b:s1+s13], $0x80, s2, s13, $0xb8;
	[tilespmem:$0x10100] =	vst v63  }
0x18a: {  	s16 =	simm.s32 $0xF100  }
0x18b: {  	[tilespmem:s16], [sflag:$0x1] =	stream.indirect.gather [hbm4b:s3+s13], $0x80, s5, s13, $0xb8;
	[tilespmem:$0x10100] =	vst v63  }
0x18c: {  	_ =	swait.ge [sflag:s29], $0x800  }
0x18d: {  	[sflag:s29] =	ssyncset.done $0x0  }
0x18e: {  	[sflag:s29] =	ssyncadd.s32 $0xFFFFF800  }
0x18f: {  	_ =	swait.ge [sflag:s29], $0x800  }
0x190: {  	[sflag:s29] =	ssyncset.done $0x0  }
0x191: {  	[sflag:s29] =	ssyncadd.s32 $0xFFFFF800  }
0x192: {  	[hbm4b:s6+s4] =	stream.linear.scatter [tilespmem:s10], [sflag:$0x3], $0x800, $0x38;
	[tilespmem:$0x10100] =	vst v63  }
.Ltmp6:
0x193: {  	_ = 	snop;
	(pc) =	sbr.rel .LBB2_9-.Ltmp6, $4  }
0x194: {  	_ =	swait.ge [sflag:s15], $0x800  }
0x195: {  	[sflag:s15] =	ssyncset.done $0x0  }
0x196: {  	[sflag:s15] =	ssyncadd.s32 $0xFFFFF800  }
0x197: {  	[hbm4b:s7+s4] =	stream.linear.scatter [tilespmem:s16], [sflag:$0x3], $0x800, $0x38;
	[tilespmem:$0x10100] =	vst v63  }
.LBB2_11:
0x198: {  	_ =	sfence.sel $0x180000  }
0x199: {  	[bflag:$0x0] =	sbarrier.arrive $0xFFFF  }
0x19a: {  	_ =	strace $0x90000047  }
0x19b: {  	s0 =	stileid.u32;
	[bflag:$0x2] =	sbarrier.arrive $0xFFFF  }
0x19c: {  	p0 =	sne.s32 s0, $0x0;
	s0 =	rddreg [dreg:$0x4]  }
0x19d: {  	s0 =	sadd.s32 @!p0 $0x100000, s0  }
0x19e: {  	[sflag:s0] =	ssyncadd.tile.s32 @!p0 $0x1;
	_ =	shalt  }
.Lfunc_end2:
_tile_overlayer_lowered:
.L_overlay_start_2:
0x19f: {  	(tag) =	ssettag $0x2  }
0x1a0: {  	s0 =	rddreg [dreg:$0x0];
	s2 =	stileid.u32  }
0x1a1: {  	s1 =	rddreg [dreg:$0x1];
	p0 =	sne.s32 s2, $0x0  }
0x1a2: {  	s3 =	rddreg [dreg:$0x2];
	[bflag:$0x3] =	sbarrier.arrive $0xFFFF;
	s2 =	simm.s32 @!p0 $0x1C03  }
0x1a3: {  	[timem:s3], [sflag:s2] =	dma.local @!p0 [hbm:s0], s1  }
0x1a4: {  	s0 =	simm.s32 @!p0 $0x3  }
0x1a5: {  	_ =	swait.ge @!p0 [sflag:s0], s1  }
0x1a6: {  	s1 =	ssub.s32 @!p0 $0x0, s1;
	[sflag:s0] =	ssyncset.done @!p0 $0x0  }
0x1a7: {  	[sflag:s0] =	ssyncadd.s32 @!p0 s1  }
0x1a8: {  	[bflag:$0x3] =	sbarrier.arrive $0xFFFF  }
0x1a9: {  	_ =	shalt  }

// kernel: kernel.8.cloned.1.call-start
scs
__scs_entry_jumppad:
0x0: {  	(pc) =	sbr.rel $0x88, $3  }
0x1: {  	(tag) =	ssettag $0x0;
	lr =	simm.s32 $0x1  }
0x2: {  	[smem:$0x3F9A] =	sst lr;
	_ =	strace $0xD0000000  }
0x3: {  	_ = 	snop  }
0x4: {  	_ = 	snop  }
0x5: {  	_ = 	snop  }
0x6: {  	_ = 	snop  }
0x7: {  	_ = 	snop  }
__scs_overlays_trampoline_lowered:
0x8: {  	[smem:$0x3FA9] =	sst s0  }
0x9: {  	[smem:$0x3FAA] =	sst s1  }
0xa: {  	[smem:$0x3FAB] =	sst s2  }
0xb: {  	[smem:$0x3FAC] =	sst s3  }
0xc: {  	[smem:$0x3FAD] =	sst s4  }
0xd: {  	[smem:$0x3FAE] =	sst s5  }
0xe: {  	[smem:$0x3FAF] =	sst s6  }
0xf: {  	[smem:$0x3FB0] =	sst s7  }
0x10: {  	[smem:$0x3FB1] =	sst s8  }
0x11: {  	[smem:$0x3FB2] =	sst s9;
	s0 =	simm.s32 @!p0 $0x0  }
0x12: {  	s1 =	sld [smem:$0x3F98];
	s0 =	simm.s32 @p0 $0x1  }
0x13: {  	[smem:$0x3FB3] =	sst s0;
	s0 =	simm.s32 @!p1 $0x0  }
0x14: {  	s2 =	sld [smem:$0x3F97];
	s0 =	simm.s32 @p1 $0x1  }
0x15: {  	[smem:$0x3FB4] =	sst s0;
	s0 =	simm.s32 @!p2 $0x0  }
0x16: {  	s3 =	sld [smem:$0x3FDB];
	s0 =	simm.s32 @p2 $0x1  }
0x17: {  	s4 =	simm.s32 $0x1BF5;
	[smem:$0x3FB6] =	sst s0  }
0x18: {  	s0 =	sld [smem:$0x3F99];
	_ =	swait.ge [sflag:s4], $0x0  }
0x19: {  	s7 =	sld [smem:$0x3F9A]  }
0x1a: {  	s8 =	sadd.s32 $0xFFFFE003, lr  }
0x1b: {  	s9 =	sadd.s32 $0xFFFFFEF7, lr;
	s5 =	simm.s32 $0xFFFFFFFF;
	p2 =	slt.u32 s8, $0xFFFFF086  }
0x1c: {  	p1 =	slt.u32 s9, $0xF7A;
	s5 =	simm.s32 @!p2 $0x0  }
0x1d: {  	s5 =	simm.s32 @p1 $0x1;
	p0 =	seq.s32 s7, s2  }
0x1e: {  	s7 =	smul.u32 @!p0 $0xF7A, s2;
	p2 =	seq.s32 @!p0 s5, $0x0  }
0x1f: {  	s9 =	smul.u32 $0xF7A, s1;
	s8 =	simm.s32 @!p0 $0x1BF5;
	p2 =	por !p2, p0  }
0x20: {  	[sflag:s8] =	ssyncset.s32 @!p0 $0xFFFFF086;
	s6 =	sadd.s32 @!p0 s3, s7;
	s7 =	simm.s32 @!p0 $0x108  }
0x21: {  	s3 =	sadd.s32 s3, s9;
	s6 =	sadd.s32 @!p0 $0x88, s6;
	s7 =	simm.s32 @p2 $0x1082  }
0x22: {  	[simem:s7], [sflag:s8] =	dma.local @!p0 [hbm:s6], $0xF7A  }
0x23: {  	s9 =	sor.u32 $0xD0000000, s2;
	s6 =	simm.s32 $0x108;
	_ =	swait.ge @!p0 [sflag:s8], $0x0  }
0x24: {  	s3 =	sadd.s32 $0x88, s3;
	s6 =	simm.s32 @!p1 $0x1082;
	[sflag:s4] =	ssyncset.s32 $0xFFFFF086  }
0x25: {  	[simem:s6], [sflag:s4] =	dma.local [hbm:s3], $0xF7A  }
0x26: {  	[smem:$0x3F9A] =	sst s1;
	(tag) =	ssettag s2;
	_ =	strace s9  }
0x27: {  	s1 =	sld [smem:$0x3FAA]  }
0x28: {  	s2 =	sld [smem:$0x3FAB]  }
0x29: {  	s4 =	sld [smem:$0x3FAD]  }
0x2a: {  	p0 =	seq.s32 s5, $0x0;
	s5 =	sld [smem:$0x3FAE]  }
0x2b: {  	s6 =	sld [smem:$0x3FAF]  }
0x2c: {  	s7 =	sld [smem:$0x3FB0]  }
0x2d: {  	s3 =	simm.s32 $0x108;
	s8 =	sld [smem:$0x3FB1]  }
0x2e: {  	s3 =	simm.s32 @!p0 $0x1082;
	s9 =	sld [smem:$0x3FB2]  }
0x2f: {  	lr =	sadd.s32 s0, s3;
	s0 =	sld [smem:$0x3FA9]  }
0x30: {  	s3 =	sld [smem:$0x3FAC]  }
0x31: {  	[smem:$0x3FB5] =	sst s10  }
0x32: {  	s10 =	sld [smem:$0x3FB3];
	_ =	sdelay $0x3  }
0x33: {  	p0 =	seq.s32 s10, $0x1;
	s10 =	sld [smem:$0x3FB5];
	_ =	sdelay $0x3  }
0x34: {  	[smem:$0x3FB5] =	sst s10  }
0x35: {  	s10 =	sld [smem:$0x3FB4];
	_ =	sdelay $0x3  }
0x36: {  	p1 =	seq.s32 s10, $0x1;
	s10 =	sld [smem:$0x3FB5];
	_ =	sdelay $0x3  }
0x37: {  	[smem:$0x3FB5] =	sst s10  }
0x38: {  	s10 =	sld [smem:$0x3FB6]  }
0x39: {  	_ = 	snop;
	(pc) =	sbr.ind lr, $3  }
0x3a: {  	_ = 	snop  }
0x3b: {  	_ = 	snop  }
0x3c: {  	p2 =	seq.s32 s10, $0x1;
	s10 =	sld [smem:$0x3FB5]  }
0x3d: {  	_ =	shalt  }
0x3e: {  	_ =	shalt  }
0x3f: {  	_ =	shalt  }
0x40: {  	_ =	shalt  }
0x41: {  	_ =	shalt  }
0x42: {  	_ =	shalt  }
0x43: {  	_ =	shalt  }
0x44: {  	_ =	shalt  }
0x45: {  	_ =	shalt  }
0x46: {  	_ =	shalt  }
0x47: {  	_ =	shalt  }
0x48: {  	_ =	shalt  }
0x49: {  	_ =	shalt  }
0x4a: {  	_ =	shalt  }
0x4b: {  	_ =	shalt  }
0x4c: {  	_ =	shalt  }
0x4d: {  	_ =	shalt  }
0x4e: {  	_ =	shalt  }
0x4f: {  	_ =	shalt  }
0x50: {  	_ =	shalt  }
0x51: {  	_ =	shalt  }
0x52: {  	_ =	shalt  }
0x53: {  	_ =	shalt  }
0x54: {  	_ =	shalt  }
0x55: {  	_ =	shalt  }
0x56: {  	_ =	shalt  }
0x57: {  	_ =	shalt  }
0x58: {  	_ =	shalt  }
0x59: {  	_ =	shalt  }
0x5a: {  	_ =	shalt  }
0x5b: {  	_ =	shalt  }
0x5c: {  	_ =	shalt  }
0x5d: {  	_ =	shalt  }
0x5e: {  	_ =	shalt  }
0x5f: {  	_ =	shalt  }
0x60: {  	_ =	shalt  }
0x61: {  	_ =	shalt  }
0x62: {  	_ =	shalt  }
0x63: {  	_ =	shalt  }
0x64: {  	_ =	shalt  }
0x65: {  	_ =	shalt  }
0x66: {  	_ =	shalt  }
0x67: {  	_ =	shalt  }
0x68: {  	_ =	shalt  }
0x69: {  	_ =	shalt  }
0x6a: {  	_ =	shalt  }
0x6b: {  	_ =	shalt  }
0x6c: {  	_ =	shalt  }
0x6d: {  	_ =	shalt  }
0x6e: {  	_ =	shalt  }
0x6f: {  	_ =	shalt  }
0x70: {  	_ =	shalt  }
0x71: {  	_ =	shalt  }
0x72: {  	_ =	shalt  }
0x73: {  	_ =	shalt  }
0x74: {  	_ =	shalt  }
0x75: {  	_ =	shalt  }
0x76: {  	_ =	shalt  }
0x77: {  	_ =	shalt  }
0x78: {  	_ =	shalt  }
0x79: {  	_ =	shalt  }
0x7a: {  	_ =	shalt  }
0x7b: {  	_ =	shalt  }
0x7c: {  	_ =	shalt  }
0x7d: {  	_ =	shalt  }
0x7e: {  	_ =	shalt  }
0x7f: {  	_ =	shalt  }
0x80: {  	_ =	shalt  }
0x81: {  	_ =	shalt  }
0x82: {  	_ =	shalt  }
0x83: {  	_ =	shalt  }
0x84: {  	_ =	shalt  }
0x85: {  	_ =	shalt  }
0x86: {  	_ =	shalt  }
0x87: {  	_ =	shalt  }
.Lfunc_end0:
.L_simem_size_0:
called_computation_lowered:
.L_overlay_start_0:
0x88: {  	s2 =	sld [smem:$0x3FD9]  }
0x89: {  	s3 =	sld [smem:$0x3FFE];
	_ =	sdelay $0x1  }
0x8a: {  	s1 =	srdreg.scid  }
0x8b: {  	s0 =	sand.u32 $0x1, s1  }
0x8c: {  	s17 =	sshll.u32 s0, $0xA;
	s2 =	sadd.s32 s3, s2  }
0x8d: {  	s2 =	sadd.s32 s2, s17  }
0x8e: {  	[smem:$0x3FC1] =	sst s2  }
0x8f: {  	_ = 	snop  }
0x90: {  	s18 =	sld [smem:$0x3FC9]  }
0x91: {  	s4 =	sld [smem:$0x3FC7]  }
0x92: {  	s5 =	sld [smem:$0x3FD0];
	(tm) =	ssettm $0x1  }
0x93: {  	s19 =	sld [smem:$0x3FFB];
	_ =	sdelay $0x3  }
0x94: {  	_ =	strace s19  }
0x95: {  	s2 =	sld [smem:$0x3FFC];
	_ =	sdelay $0x3  }
0x96: {  	_ =	strace s2  }
0x97: {  	s2 =	sld [smem:$0x3FFD];
	_ =	sdelay $0x3  }
0x98: {  	_ =	strace s2  }
0x99: {  	_ =	strace $0x8FFFFFFF  }
0x9a: {  	s20 =	sld [smem:$0x3FDB];
	_ =	sdelay $0x1  }
0x9b: {  	s6 =	simm.s32 $_scs_section_size  }
0x9c: {  	s7 =	simm.s32 $_size__tile_overlayer_lowered;
	s8 =	simm.s32 $_tile_overlayer_lowered  }
0x9d: {  	s9 =	simm.s32 $0x1BFF;
	s21 =	sshll.u32 s8, $0x1;
	s6 =	sadd.s32 s6, s20  }
0x9e: {  	s22 =	simm.s32 $0x0;
	s7 =	sshll.u32 s7, $0x1;
	s8 =	sadd.s32 s21, s6  }
0x9f: {  	[timem:s22], [sflag:s9] =	dma.local [hbm:s8], s7  }
0xa0: {  	_ =	swait.ge [sflag:s9], s7  }
0xa1: {  	s7 =	ssub.s32 $0x0, s7;
	[sflag:s9] =	ssyncset.done $0x0  }
0xa2: {  	[sflag:s9] =	ssyncadd.s32 s7;
	_ =	sdelay $0x1  }
0xa3: {  	s23 =	simm.s32 $0x1B8B  }
0xa4: {  	_ =	swait.ge [sflag:s23], $0x1  }
0xa5: {  	[sflag:s23] =	ssyncset.done $0x0  }
0xa6: {  	[sflag:s23] =	ssyncadd.s32 $0xFFFFFFFF  }
0xa7: {  	s7 =	sld [smem:$0x0]  }
0xa8: {  	s8 =	sand.u32 $0xFFFFFFFE, s1  }
0xa9: {  	p0 =	sne.s32 s1, s8  }
0xaa: {  	s8 =	sshll.u32 @p0 s8, $0xE  }
0xab: {  	s8 =	sadd.s32 @p0 $0x11B8D, s8;
	s9 =	sshll.u32 @p0 s7, $0x11  }
0xac: {  	s8 =	sor.u32 @p0 s9, s8  }
0xad: {  	[sflag:s8] =	ssyncadd.remote.s32 @p0 $0x1;
	_ =	sdelay $0x1  }
0xae: {  	s8 =	simm.s32 @p0 $0x1B8D  }
0xaf: {  	_ =	swait.eq @p0 [sflag:s8], $0x1  }
0xb0: {  	[sflag:s8] =	ssyncadd.s32 @p0 $0xFFFFFFFF  }
0xb1: {  	s9 =	sshll.u32 @!p0 s1, $0xE  }
0xb2: {  	s9 =	sor.u32 @!p0 $0x4000, s9;
	s8 =	simm.s32 @!p0 $0x1B8D  }
0xb3: {  	s7 =	sshll.u32 @!p0 s7, $0x11;
	s9 =	sadd.s32 @!p0 $0x11B8D, s9;
	_ =	swait.eq @!p0 [sflag:s8], $0x1  }
0xb4: {  	s7 =	sor.u32 @!p0 s7, s9;
	[sflag:s8] =	ssyncadd.s32 @!p0 $0xFFFFFFFF  }
0xb5: {  	s25 =	simm.s32 $0x1B8E;
	s24 =	sld [smem:$0x3FFE];
	[sflag:s7] =	ssyncadd.remote.s32 @!p0 $0x1  }
0xb6: {  	s26 =	simm.s32 $execute0_lowered;
	[smem:$0x3FD2] =	sst s25  }
0xb7: {  	s8 =	sshll.u32 s26, $0x1;
	_ =	strace $0x80000049;
	[dreg:$0x1] =	wrdreg $0xFFFFFFFF  }
0xb8: {  	s28 =	simm.s32 $_size_execute0_lowered;
	s6 =	sadd.s32 s6, s8;
	[dreg:$0x0] =	wrdreg $0x0  }
0xb9: {  	s8 =	sshll.u32 s28, $0x1;
	[dreg:$0x2] =	wrdreg s6  }
0xba: {  	[dreg:$0x3] =	wrdreg s8  }
0xbb: {  	[dreg:$0x4] =	wrdreg $0xC0  }
0xbc: {  	_ =	task [dreg:s22], $0x5FFFF  }
0xbd: {  	[dreg:$0x1] =	wrdreg $0xFFFFFFFF  }
0xbe: {  	[dreg:$0x0] =	wrdreg $0x60  }
0xbf: {  	[dreg:$0x2] =	wrdreg s18  }
0xc0: {  	[dreg:$0x3] =	wrdreg s4  }
0xc1: {  	[dreg:$0x4] =	wrdreg s5  }
0xc2: {  	[dreg:$0x5] =	wrdreg s24  }
0xc3: {  	[dreg:$0x6] =	wrdreg $0x9  }
0xc4: {  	_ =	task.clear_ibuf [dreg:s22], $0x7FFFF;
	_ =	strace $0x90000049  }
0xc5: {  	s29 =	simm.s32 $0x9;
	_ =	strace $0x8000004B  }
0xc6: {  	_ =	swait.ge [sflag:s29], $0x1  }
0xc7: {  	[sflag:s29] =	ssyncadd.s32 $0xFFFFFFFF  }
0xc8: {  	_ =	strace $0x9000004B  }
0xc9: {  	_ =	sfence  }
0xca: {  	s30 =	sld [smem:$0x0];
	_ =	sdelay $0x2  }
0xcb: {  	s31 =	sshll.u32 s1, $0xD;
	s1 =	sshrl.u32 s1, $0x2  }
0xcc: {  	s4 =	sand.u32 $0x4000, s31;
	s1 =	sadd.s32 s1, s30  }
0xcd: {  	s0 =	sor.u32 s4, s0;
	s1 =	sshll.u32 s1, $0x11  }
0xce: {  	s0 =	sor.u32 s1, s0  }
0xcf: {  	s0 =	sadd.s32 $0x8F2B, s0  }
0xd0: {  	[sflag:s0] =	ssyncadd.remote.s32 $0x1  }
0xd1: {  	_ =	sfence.sel $0xFFFF  }
0xd2: {  	[dreg:$0x0] =	wrdreg $0xFFFFFFFF;
	(pc) =	sbr.abs _section_cstart, $3  }
0xd3: {  	[dreg:$0x1] =	wrdreg $0xFFFFFFFF  }
0xd4: {  	_ =	task.clear_ibuf [dreg:s22], $0x2FFFF;
	_ =	strace $0x9FFFFFFF  }
0xd5: {  	(tm) =	ssettm $0x7FFFFFFF  }
tec
execute0_lowered:
.L_overlay_start_1:
0x0: {  	(tag) =	ssettag $0x1  }
0x1: {  	s1 =	rddreg [dreg:$0x0]  }
0x2: {  	s2 =	rddreg [dreg:$0x1]  }
0x3: {  	s0 =	srdreg.scid;
	s5 =	rddreg [dreg:$0x2]  }
0x4: {  	s13 =	stileid.u32;
	s10 =	rddreg [dreg:$0x3];
	s4 =	simm.s32 $0x0  }
0x5: {  	s15 =	simm.s32 $0x3;
	s17 =	simm.s32 $0x28;
	s18 =	simm.s32 $0x2000  }
0x6: {  	s19 =	simm.s32 $0x8400;
	s20 =	simm.s32 $0x3400;
	s21 =	simm.s32 $0x9800  }
0x7: {  	s22 =	simm.s32 $0x4800;
	s28 =	simm.s32 $0xD400;
	s29 =	simm.s32 $0x1  }
0x8: {  	s30 =	simm.s32 $0x2;
	s31 =	simm.s32 $0xF900;
	s0 =	sand.u32 $0x1, s0  }
0x9: {  	s3 =	sshll.u32 s13, $0x1;
	[smem:$0x7FF] =	sst s4;
	s23 =	sadd.s32 $0x6E00, s10  }
0xa: {  	s7 =	sadd.s32 $0x3B0E00, s10;
	s24 =	smul.u32 $0x1F400, s13;
	s25 =	sadd.s32 $0x4510, s10  }
0xb: {  	s14 =	sadd.s32 $0x3B0D00, s10;
	_ =	strace $0x8000004A;
	[dreg:$0x7] =	wrdreg s23  }
0xc: {  	p0 =	sgt.u32 s13, $0x9;
	s3 =	sor.u32 s0, s3;
	[dreg:$0x9] =	wrdreg s25  }
0xd: {  	s11 =	ssub.s32 $0x2, s0;
	s0 =	smul.u32 $0xFA00, s0;
	[dreg:$0xa] =	wrdreg s14  }
0xe: {  	s23 =	simm.s32 $0xAC00;
	s25 =	simm.s32 $0xC000;
	s6 =	smul.u32 $0xFA0, s3  }
0xf: {  	s12 =	sshrl.u32 s11, $0x1;
	p1 =	seq.s32 s3, $0x15;
	p2 =	sne.s32 s3, $0x14  }
0x10: {  	s11 =	ssub.s32 s11, s12;
	s12 =	sadd.s32 s24, s7;
	s8 =	sshrl.u32 s6, $0x3  }
0x11: {  	s6 =	sadd.s32 $0x278400, s10;
	s14 =	smax.u32 s11, $0x1;
	s9 =	sadd.s32 s8, s10  }
.Ltmp0:
0x12: {  	s8 =	sadd.s32 s5, s8;
	s5 =	sadd.s32 $0x2710, s5;
	(pc) =	sbr.rel .LBB2_1-.Ltmp0, $4  }
0x13: {  	s26 =	sadd.s32 s24, s6;
	s10 =	sadd.s32 $0x4E9700, s10;
	[dreg:$0x8] =	wrdreg s5  }
0x14: {  	s11 =	simm.s32 $0x0;
	s5 =	sadd.s32 s0, s26;
	[dreg:$0xb] =	wrdreg s10  }
0x15: {  	s24 =	simm.s32 $0x5C00;
	s0 =	sadd.s32 s0, s12;
	[dreg:$0x5] =	wrdreg s5  }
0x16: {  	s9 =	sadd.s32 $0x1E00, s9;
	s26 =	simm.s32 $0x7000;
	[dreg:$0x6] =	wrdreg s0  }
.LBB2_8:
0x17: {  	s0 =	rddreg [dreg:$0x7]  }
0x18: {  	[tilespmem:s31], [sflag:$0x3] =	stream.linear.gather [hbm4b:s0+s4], $0x800, $0x38;
	[tilespmem:$0x10100] =	vst v63  }
0x19: {  	_ =	swait.ge [sflag:s15], $0x800  }
0x1a: {  	[sflag:s15] =	ssyncset.done $0x0  }
0x1b: {  	[sflag:s15] =	ssyncadd.s32 $0xFFFFF800  }
0x1c: {  	[hbm4b:s6+s4] =	stream.linear.scatter [tilespmem:s31], [sflag:$0x3], $0x800, $0x38;
	[tilespmem:$0x10100] =	vst v63  }
0x1d: {  	_ =	swait.ge [sflag:s15], $0x800  }
0x1e: {  	[sflag:s15] =	ssyncset.done $0x0  }
0x1f: {  	[sflag:s15] =	ssyncadd.s32 $0xFFFFF800  }
0x20: {  	[hbm4b:s7+s4] =	stream.linear.scatter [tilespmem:s31], [sflag:$0x3], $0x800, $0x38;
	[tilespmem:$0x10100] =	vst v63  }
.LBB2_9:
0x21: {  	_ =	swait.ge [sflag:s15], $0x800  }
0x22: {  	[sflag:s15] =	ssyncset.done $0x0  }
0x23: {  	[sflag:s15] =	ssyncadd.s32 $0xFFFFF800  }
.LBB2_10:
0x24: {  	s11 =	sadd.s32 $0x1, s11  }
0x25: {  	p3 =	sne.s32 s11, s14  }
.Ltmp1:
0x26: {  	_ = 	snop;
	(pc) =	sbr.rel @!p3 .LBB2_11-.Ltmp1, $1  }
0x27: {  	_ =	sdelay $0x3  }
.LBB2_1:
.Ltmp2:
0x28: {  	(pc) =	sbr.rel @p0 .LBB2_5-.Ltmp2, $1  }
0x29: {  	_ =	sdelay $0x3  }
0x2a: {  	s0 =	simm.s32 $0x0  }
0x2b: {  	[tilespmem:s0], [sflag:$0x3] =	stream.linear.gather [hbm4b:s8+s0], $0xFA0, $0x38;
	[tilespmem:$0x10100] =	vst v63  }
0x2c: {  	_ =	swait.ge [sflag:s15], $0xFA0  }
0x2d: {  	[sflag:s15] =	ssyncset.done $0x0  }
0x2e: {  	s3 =	simm.s32 $0x1000;
	[sflag:s15] =	ssyncadd.s32 $0xFFFFF060  }
0x2f: {  	[tilespmem:s3], [sflag:$0x3] =	stream.linear.gather [hbm4b:s9+s0], $0xFA0, $0x38;
	[tilespmem:$0x10100] =	vst v63  }
0x30: {  	p3 =	por $0x1, $0x1;
	_ =	swait.ge [sflag:s15], $0xFA0  }
0x31: {  	p3 =	por p3, p3;
	[sflag:s15] =	ssyncset.done $0x0  }
0x32: {  	s0 =	simm.s32 @!p3 $0x2;
	[sflag:s15] =	ssyncadd.s32 $0xFFFFF060  }
0x33: {  	_ =	swait.ge @!p3 [sflag:s0], $0x1400  }
0x34: {  	[sflag:s0] =	ssyncset.done @!p3 $0x0  }
0x35: {  	[sflag:s0] =	ssyncadd.s32 @!p3 $0xFFFFEC00  }
0x36: {  	_ =	swait.ge @!p3 [sflag:s0], $0x1400  }
0x37: {  	[sflag:s0] =	ssyncset.done @!p3 $0x0  }
0x38: {  	[sflag:s0] =	ssyncadd.s32 @!p3 $0xFFFFEC00  }
0x39: {  	_ =	swait.ge @!p3 [sflag:s0], $0x1400  }
0x3a: {  	[sflag:s0] =	ssyncset.done @!p3 $0x0  }
0x3b: {  	[sflag:s0] =	ssyncadd.s32 @!p3 $0xFFFFEC00  }
0x3c: {  	_ =	swait.ge @!p3 [sflag:s0], $0x1400  }
0x3d: {  	[sflag:s0] =	ssyncset.done @!p3 $0x0  }
0x3e: {  	[sflag:s0] =	ssyncadd.s32 @!p3 $0xFFFFEC00  }
0x3f: {  	_ =	swait.ge @!p3 [sflag:s0], $0x1400  }
0x40: {  	[sflag:s0] =	ssyncset.done @!p3 $0x0  }
0x41: {  	[sflag:s0] =	ssyncadd.s32 @!p3 $0xFFFFEC00  }
0x42: {  	_ =	swait.ge @!p3 [sflag:s0], $0x1400  }
0x43: {  	[sflag:s0] =	ssyncset.done @!p3 $0x0  }
0x44: {  	[sflag:s0] =	ssyncadd.s32 @!p3 $0xFFFFEC00  }
0x45: {  	_ =	swait.ge @!p3 [sflag:s0], $0x1400  }
0x46: {  	[sflag:s0] =	ssyncset.done @!p3 $0x0  }
0x47: {  	[sflag:s0] =	ssyncadd.s32 @!p3 $0xFFFFEC00  }
0x48: {  	_ =	swait.ge @!p3 [sflag:s0], $0x1400  }
0x49: {  	[sflag:s0] =	ssyncset.done @!p3 $0x0  }
0x4a: {  	[sflag:s0] =	ssyncadd.s32 @!p3 $0xFFFFEC00  }
0x4b: {  	_ =	swait.ge @!p3 [sflag:s0], $0x1400  }
0x4c: {  	[sflag:s0] =	ssyncset.done @!p3 $0x0  }
0x4d: {  	[sflag:s0] =	ssyncadd.s32 @!p3 $0xFFFFEC00  }
0x4e: {  	_ =	swait.ge @!p3 [sflag:s0], $0x1400  }
0x4f: {  	[sflag:s0] =	ssyncset.done @!p3 $0x0  }
0x50: {  	s10 =	simm.s32 $0x0;
	[sflag:s0] =	ssyncadd.s32 @!p3 $0xFFFFEC00  }
0x51: {  	[tilespmem:s18], [sflag:$0x1] =	stream.indirect.gather [hbm4b:s1+s17], $0x80, s10, s17, $0xb8;
	[tilespmem:$0x10100] =	vst v63  }
0x52: {  	s12 =	simm.s32 $0x1000  }
0x53: {  	[tilespmem:s19], [sflag:$0x1] =	stream.indirect.gather [hbm4b:s2+s17], $0x80, s12, s17, $0xb8;
	[tilespmem:$0x10100] =	vst v63  }
0x54: {  	s13 =	simm.s32 $0x28  }
0x55: {  	[tilespmem:s20], [sflag:$0x1] =	stream.indirect.gather [hbm4b:s1+s17], $0x80, s13, s17, $0xb8;
	[tilespmem:$0x10100] =	vst v63  }
0x56: {  	s16 =	simm.s32 $0x1028  }
0x57: {  	[tilespmem:s21], [sflag:$0x1] =	stream.indirect.gather [hbm4b:s2+s17], $0x80, s16, s17, $0xb8;
	[tilespmem:$0x10100] =	vst v63  }
0x58: {  	s3 =	simm.s32 $0x50  }
0x59: {  	[tilespmem:s22], [sflag:$0x1] =	stream.indirect.gather [hbm4b:s1+s17], $0x80, s3, s17, $0xb8;
	[tilespmem:$0x10100] =	vst v63  }
0x5a: {  	s5 =	simm.s32 $0x1050  }
0x5b: {  	[tilespmem:s23], [sflag:$0x1] =	stream.indirect.gather [hbm4b:s2+s17], $0x80, s5, s17, $0xb8;
	[tilespmem:$0x10100] =	vst v63  }
0x5c: {  	s10 =	simm.s32 $0x78  }
0x5d: {  	[tilespmem:s24], [sflag:$0x1] =	stream.indirect.gather [hbm4b:s1+s17], $0x80, s10, s17, $0xb8;
	[tilespmem:$0x10100] =	vst v63  }
0x5e: {  	s12 =	simm.s32 $0x1078  }
0x5f: {  	[tilespmem:s25], [sflag:$0x1] =	stream.indirect.gather [hbm4b:s2+s17], $0x80, s12, s17, $0xb8;
	[tilespmem:$0x10100] =	vst v63  }
0x60: {  	s13 =	simm.s32 $0xA0  }
0x61: {  	[tilespmem:s26], [sflag:$0x1] =	stream.indirect.gather [hbm4b:s1+s17], $0x80, s13, s17, $0xb8;
	[tilespmem:$0x10100] =	vst v63  }
0x62: {  	s16 =	simm.s32 $0x10A0  }
0x63: {  	[tilespmem:s28], [sflag:$0x1] =	stream.indirect.gather [hbm4b:s2+s17], $0x80, s16, s17, $0xb8;
	[tilespmem:$0x10100] =	vst v63  }
0x64: {  	_ =	swait.ge [sflag:s29], $0x1400  }
0x65: {  	[sflag:s29] =	ssyncset.done $0x0  }
0x66: {  	[sflag:s29] =	ssyncadd.s32 $0xFFFFEC00  }
0x67: {  	_ =	swait.ge [sflag:s29], $0x1400  }
0x68: {  	[sflag:s29] =	ssyncset.done $0x0  }
0x69: {  	[sflag:s29] =	ssyncadd.s32 $0xFFFFEC00  }
0x6a: {  	_ =	swait.ge [sflag:s29], $0x1400  }
0x6b: {  	[sflag:s29] =	ssyncset.done $0x0  }
0x6c: {  	[sflag:s29] =	ssyncadd.s32 $0xFFFFEC00  }
0x6d: {  	_ =	swait.ge [sflag:s29], $0x1400  }
0x6e: {  	[sflag:s29] =	ssyncset.done $0x0  }
0x6f: {  	[sflag:s29] =	ssyncadd.s32 $0xFFFFEC00  }
0x70: {  	_ =	swait.ge [sflag:s29], $0x1400  }
0x71: {  	[sflag:s29] =	ssyncset.done $0x0  }
0x72: {  	[sflag:s29] =	ssyncadd.s32 $0xFFFFEC00  }
0x73: {  	_ =	swait.ge [sflag:s29], $0x1400  }
0x74: {  	[sflag:s29] =	ssyncset.done $0x0  }
0x75: {  	[sflag:s29] =	ssyncadd.s32 $0xFFFFEC00  }
0x76: {  	_ =	swait.ge [sflag:s29], $0x1400  }
0x77: {  	[sflag:s29] =	ssyncset.done $0x0  }
0x78: {  	[sflag:s29] =	ssyncadd.s32 $0xFFFFEC00  }
0x79: {  	_ =	swait.ge [sflag:s29], $0x1400  }
0x7a: {  	[sflag:s29] =	ssyncset.done $0x0  }
0x7b: {  	[sflag:s29] =	ssyncadd.s32 $0xFFFFEC00  }
0x7c: {  	_ =	swait.ge [sflag:s29], $0x1400  }
0x7d: {  	[sflag:s29] =	ssyncset.done $0x0  }
0x7e: {  	[sflag:s29] =	ssyncadd.s32 $0xFFFFEC00  }
0x7f: {  	_ =	swait.ge [sflag:s29], $0x1400  }
0x80: {  	s3 =	rddreg [dreg:$0x5]  }
0x81: {  	s5 =	rddreg [dreg:$0x6];
	[sflag:s29] =	ssyncset.done $0x0;
	s0 =	sadd.s32 $0x0, s3  }
0x82: {  	[sflag:s29] =	ssyncadd.s32 $0xFFFFEC00;
	s3 =	sadd.s32 $0x0, s5;
	s12 =	sadd.s32 $0x100, s0  }
0x83: {  	[hbm4b:s12+s4] =	stream.linear.scatter [tilespmem:s18], [sflag:$0x2], $0x1400, $0x38;
	[tilespmem:$0x10100] =	vst v63  }
0x84: {  	s10 =	sadd.s32 $0x100, s3  }
0x85: {  	[hbm4b:s10+s4] =	stream.linear.scatter [tilespmem:s19], [sflag:$0x2], $0x1400, $0x38;
	[tilespmem:$0x10100] =	vst v63  }
0x86: {  	s13 =	sadd.s32 $0x380, s0  }
0x87: {  	[hbm4b:s13+s4] =	stream.linear.scatter [tilespmem:s20], [sflag:$0x2], $0x1400, $0x38;
	[tilespmem:$0x10100] =	vst v63  }
0x88: {  	s16 =	sadd.s32 $0x380, s3  }
0x89: {  	[hbm4b:s16+s4] =	stream.linear.scatter [tilespmem:s21], [sflag:$0x2], $0x1400, $0x38;
	[tilespmem:$0x10100] =	vst v63  }
0x8a: {  	s5 =	sadd.s32 $0x600, s0  }
0x8b: {  	[hbm4b:s5+s4] =	stream.linear.scatter [tilespmem:s22], [sflag:$0x2], $0x1400, $0x38;
	[tilespmem:$0x10100] =	vst v63  }
0x8c: {  	s10 =	sadd.s32 $0x600, s3  }
0x8d: {  	[hbm4b:s10+s4] =	stream.linear.scatter [tilespmem:s23], [sflag:$0x2], $0x1400, $0x38;
	[tilespmem:$0x10100] =	vst v63  }
0x8e: {  	s13 =	sadd.s32 $0x880, s0  }
0x8f: {  	[hbm4b:s13+s4] =	stream.linear.scatter [tilespmem:s24], [sflag:$0x2], $0x1400, $0x38;
	[tilespmem:$0x10100] =	vst v63  }
0x90: {  	p6 =	por $0x0, $0x0;
	s16 =	sadd.s32 $0x880, s3  }
0x91: {  	[hbm4b:s16+s4] =	stream.linear.scatter [tilespmem:s25], [sflag:$0x2], $0x1400, $0x38;
	[tilespmem:$0x10100] =	vst v63  }
0x92: {  	p3 =	por p6, p6;
	s12 =	simm.s32 $0xC80;
	s0 =	sadd.s32 $0xB00, s0  }
0x93: {  	[hbm4b:s0+s4] =	stream.linear.scatter [tilespmem:s26], [sflag:$0x2], $0x1400, $0x38;
	[tilespmem:$0x10100] =	vst v63  }
0x94: {  	s13 =	simm.s32 $0x1900;
	s0 =	sadd.s32 $0xB00, s3;
	s3 =	simm.s32 $0x320  }
.LBB2_3:
0x95: {  	[hbm4b:s0+s4] =	stream.linear.scatter [tilespmem:s28], [sflag:$0x2], $0x1400, $0x38;
	[tilespmem:$0x10100] =	vst v63  }
0x96: {  	s16 =	simm.s32 @!p3 $0x2  }
0x97: {  	_ =	swait.ge @!p3 [sflag:s16], $0x1400  }
0x98: {  	[sflag:s16] =	ssyncset.done @!p3 $0x0  }
0x99: {  	[sflag:s16] =	ssyncadd.s32 @!p3 $0xFFFFEC00  }
0x9a: {  	_ =	swait.ge @!p3 [sflag:s16], $0x1400  }
0x9b: {  	[sflag:s16] =	ssyncset.done @!p3 $0x0  }
0x9c: {  	[sflag:s16] =	ssyncadd.s32 @!p3 $0xFFFFEC00  }
0x9d: {  	_ =	swait.ge @!p3 [sflag:s16], $0x1400  }
0x9e: {  	[sflag:s16] =	ssyncset.done @!p3 $0x0  }
0x9f: {  	[sflag:s16] =	ssyncadd.s32 @!p3 $0xFFFFEC00  }
0xa0: {  	_ =	swait.ge @!p3 [sflag:s16], $0x1400  }
0xa1: {  	[sflag:s16] =	ssyncset.done @!p3 $0x0  }
0xa2: {  	[sflag:s16] =	ssyncadd.s32 @!p3 $0xFFFFEC00  }
0xa3: {  	_ =	swait.ge @!p3 [sflag:s16], $0x1400  }
0xa4: {  	[sflag:s16] =	ssyncset.done @!p3 $0x0  }
0xa5: {  	[sflag:s16] =	ssyncadd.s32 @!p3 $0xFFFFEC00  }
0xa6: {  	_ =	swait.ge @!p3 [sflag:s16], $0x1400  }
0xa7: {  	[sflag:s16] =	ssyncset.done @!p3 $0x0  }
0xa8: {  	[sflag:s16] =	ssyncadd.s32 @!p3 $0xFFFFEC00  }
0xa9: {  	_ =	swait.ge @!p3 [sflag:s16], $0x1400  }
0xaa: {  	[sflag:s16] =	ssyncset.done @!p3 $0x0  }
0xab: {  	[sflag:s16] =	ssyncadd.s32 @!p3 $0xFFFFEC00  }
0xac: {  	_ =	swait.ge @!p3 [sflag:s16], $0x1400  }
0xad: {  	[sflag:s16] =	ssyncset.done @!p3 $0x0  }
0xae: {  	[sflag:s16] =	ssyncadd.s32 @!p3 $0xFFFFEC00  }
0xaf: {  	_ =	swait.ge @!p3 [sflag:s16], $0x1400  }
0xb0: {  	[sflag:s16] =	ssyncset.done @!p3 $0x0  }
0xb1: {  	[sflag:s16] =	ssyncadd.s32 @!p3 $0xFFFFEC00  }
0xb2: {  	_ =	swait.ge @!p3 [sflag:s16], $0x1400  }
0xb3: {  	[sflag:s16] =	ssyncset.done @!p3 $0x0  }
0xb4: {  	[sflag:s16] =	ssyncadd.s32 @!p3 $0xFFFFEC00;
	s16 =	sshra.s32 s3, $0x2  }
0xb5: {  	[tilespmem:s18], [sflag:$0x1] =	stream.indirect.gather [hbm4b:s1+s17], $0x80, s16, s17, $0xb8;
	[tilespmem:$0x10100] =	vst v63  }
0xb6: {  	s5 =	sadd.s32 $0x1000, s16  }
0xb7: {  	[tilespmem:s19], [sflag:$0x1] =	stream.indirect.gather [hbm4b:s2+s17], $0x80, s5, s17, $0xb8;
	[tilespmem:$0x10100] =	vst v63  }
0xb8: {  	s10 =	sadd.s32 $0x28, s16  }
0xb9: {  	[tilespmem:s20], [sflag:$0x1] =	stream.indirect.gather [hbm4b:s1+s17], $0x80, s10, s17, $0xb8;
	[tilespmem:$0x10100] =	vst v63  }
0xba: {  	s10 =	sadd.s32 $0x1028, s16  }
0xbb: {  	[tilespmem:s21], [sflag:$0x1] =	stream.indirect.gather [hbm4b:s2+s17], $0x80, s10, s17, $0xb8;
	[tilespmem:$0x10100] =	vst v63  }
0xbc: {  	s10 =	sadd.s32 $0x50, s16  }
0xbd: {  	[tilespmem:s22], [sflag:$0x1] =	stream.indirect.gather [hbm4b:s1+s17], $0x80, s10, s17, $0xb8;
	[tilespmem:$0x10100] =	vst v63  }
0xbe: {  	s10 =	sadd.s32 $0x1050, s16  }
0xbf: {  	[tilespmem:s23], [sflag:$0x1] =	stream.indirect.gather [hbm4b:s2+s17], $0x80, s10, s17, $0xb8;
	[tilespmem:$0x10100] =	vst v63  }
0xc0: {  	s10 =	sadd.s32 $0x78, s16  }
0xc1: {  	[tilespmem:s24], [sflag:$0x1] =	stream.indirect.gather [hbm4b:s1+s17], $0x80, s10, s17, $0xb8;
	[tilespmem:$0x10100] =	vst v63  }
0xc2: {  	s10 =	sadd.s32 $0x1078, s16  }
0xc3: {  	[tilespmem:s25], [sflag:$0x1] =	stream.indirect.gather [hbm4b:s2+s17], $0x80, s10, s17, $0xb8;
	[tilespmem:$0x10100] =	vst v63  }
0xc4: {  	s10 =	sadd.s32 $0xA0, s16  }
0xc5: {  	[tilespmem:s26], [sflag:$0x1] =	stream.indirect.gather [hbm4b:s1+s17], $0x80, s10, s17, $0xb8;
	[tilespmem:$0x10100] =	vst v63  }
0xc6: {  	s16 =	sadd.s32 $0x10A0, s16  }
0xc7: {  	[tilespmem:s28], [sflag:$0x1] =	stream.indirect.gather [hbm4b:s2+s17], $0x80, s16, s17, $0xb8;
	[tilespmem:$0x10100] =	vst v63  }
0xc8: {  	_ =	swait.ge [sflag:s29], $0x1400  }
0xc9: {  	[sflag:s29] =	ssyncset.done $0x0  }
0xca: {  	[sflag:s29] =	ssyncadd.s32 $0xFFFFEC00  }
0xcb: {  	_ =	swait.ge [sflag:s29], $0x1400  }
0xcc: {  	[sflag:s29] =	ssyncset.done $0x0  }
0xcd: {  	[sflag:s29] =	ssyncadd.s32 $0xFFFFEC00  }
0xce: {  	_ =	swait.ge [sflag:s29], $0x1400  }
0xcf: {  	[sflag:s29] =	ssyncset.done $0x0  }
0xd0: {  	[sflag:s29] =	ssyncadd.s32 $0xFFFFEC00  }
0xd1: {  	_ =	swait.ge [sflag:s29], $0x1400  }
0xd2: {  	[sflag:s29] =	ssyncset.done $0x0  }
0xd3: {  	[sflag:s29] =	ssyncadd.s32 $0xFFFFEC00  }
0xd4: {  	_ =	swait.ge [sflag:s29], $0x1400  }
0xd5: {  	[sflag:s29] =	ssyncset.done $0x0  }
0xd6: {  	[sflag:s29] =	ssyncadd.s32 $0xFFFFEC00  }
0xd7: {  	_ =	swait.ge [sflag:s29], $0x1400  }
0xd8: {  	[sflag:s29] =	ssyncset.done $0x0  }
0xd9: {  	[sflag:s29] =	ssyncadd.s32 $0xFFFFEC00  }
0xda: {  	_ =	swait.ge [sflag:s29], $0x1400  }
0xdb: {  	[sflag:s29] =	ssyncset.done $0x0  }
0xdc: {  	[sflag:s29] =	ssyncadd.s32 $0xFFFFEC00  }
0xdd: {  	_ =	swait.ge [sflag:s29], $0x1400  }
0xde: {  	[sflag:s29] =	ssyncset.done $0x0  }
0xdf: {  	[sflag:s29] =	ssyncadd.s32 $0xFFFFEC00  }
0xe0: {  	_ =	swait.ge [sflag:s29], $0x1400  }
0xe1: {  	[sflag:s29] =	ssyncset.done $0x0  }
0xe2: {  	[sflag:s29] =	ssyncadd.s32 $0xFFFFEC00  }
0xe3: {  	_ =	swait.ge [sflag:s29], $0x1400  }
0xe4: {  	s10 =	rddreg [dreg:$0x5]  }
0xe5: {  	s16 =	rddreg [dreg:$0x6];
	[sflag:s29] =	ssyncset.done $0x0;
	s5 =	sadd.s32 s12, s10  }
0xe6: {  	[sflag:s29] =	ssyncadd.s32 $0xFFFFEC00;
	s16 =	sadd.s32 s12, s16;
	s10 =	sadd.s32 $0x100, s5  }
0xe7: {  	[hbm4b:s10+s4] =	stream.linear.scatter [tilespmem:s18], [sflag:$0x2], $0x1400, $0x38;
	[tilespmem:$0x10100] =	vst v63  }
0xe8: {  	s10 =	sadd.s32 $0x100, s16  }
0xe9: {  	[hbm4b:s10+s4] =	stream.linear.scatter [tilespmem:s19], [sflag:$0x2], $0x1400, $0x38;
	[tilespmem:$0x10100] =	vst v63  }
0xea: {  	s10 =	sadd.s32 $0x380, s5  }
0xeb: {  	[hbm4b:s10+s4] =	stream.linear.scatter [tilespmem:s20], [sflag:$0x2], $0x1400, $0x38;
	[tilespmem:$0x10100] =	vst v63  }
0xec: {  	s10 =	sadd.s32 $0x380, s16  }
0xed: {  	[hbm4b:s10+s4] =	stream.linear.scatter [tilespmem:s21], [sflag:$0x2], $0x1400, $0x38;
	[tilespmem:$0x10100] =	vst v63  }
0xee: {  	s10 =	sadd.s32 $0x600, s5  }
0xef: {  	[hbm4b:s10+s4] =	stream.linear.scatter [tilespmem:s22], [sflag:$0x2], $0x1400, $0x38;
	[tilespmem:$0x10100] =	vst v63  }
0xf0: {  	s0 =	smov.u32 s13;
	s13 =	sadd.s32 $0xC80, s13;
	s10 =	sadd.s32 $0x600, s16  }
0xf1: {  	[hbm4b:s10+s4] =	stream.linear.scatter [tilespmem:s23], [sflag:$0x2], $0x1400, $0x38;
	[tilespmem:$0x10100] =	vst v63  }
0xf2: {  	p4 =	sne.s32 s13, $0xFA00;
	s10 =	sadd.s32 $0x880, s5  }
0xf3: {  	[hbm4b:s10+s4] =	stream.linear.scatter [tilespmem:s24], [sflag:$0x2], $0x1400, $0x38;
	[tilespmem:$0x10100] =	vst v63  }
.Ltmp3:
0xf4: {  	p5 =	seq.s32 s0, $0x0;
	(pc) =	sbr.rel @p4 .LBB2_3-.Ltmp3, $4  }
0xf5: {  	p3 =	por p5, p5;
	s3 =	sadd.s32 $0x320, s3;
	s10 =	sadd.s32 $0x880, s16  }
0xf6: {  	[hbm4b:s10+s4] =	stream.linear.scatter [tilespmem:s25], [sflag:$0x2], $0x1400, $0x38;
	[tilespmem:$0x10100] =	vst v63  }
0xf7: {  	s12 =	smov.u32 s0;
	s0 =	sadd.s32 $0xB00, s16;
	s10 =	sadd.s32 $0xB00, s5  }
0xf8: {  	[hbm4b:s10+s4] =	stream.linear.scatter [tilespmem:s26], [sflag:$0x2], $0x1400, $0x38;
	[tilespmem:$0x10100] =	vst v63  }
0xf9: {  	[hbm4b:s0+s4] =	stream.linear.scatter [tilespmem:s28], [sflag:$0x2], $0x1400, $0x38;
	[tilespmem:$0x10100] =	vst v63  }
0xfa: {  	s0 =	simm.s32 @!p3 $0x2  }
0xfb: {  	_ =	swait.ge @!p3 [sflag:s0], $0x1400  }
0xfc: {  	[sflag:s0] =	ssyncset.done @!p3 $0x0  }
0xfd: {  	[sflag:s0] =	ssyncadd.s32 @!p3 $0xFFFFEC00  }
0xfe: {  	_ =	swait.ge @!p3 [sflag:s0], $0x1400  }
0xff: {  	[sflag:s0] =	ssyncset.done @!p3 $0x0  }
0x100: {  	[sflag:s0] =	ssyncadd.s32 @!p3 $0xFFFFEC00  }
0x101: {  	_ =	swait.ge @!p3 [sflag:s0], $0x1400  }
0x102: {  	[sflag:s0] =	ssyncset.done @!p3 $0x0  }
0x103: {  	[sflag:s0] =	ssyncadd.s32 @!p3 $0xFFFFEC00  }
0x104: {  	_ =	swait.ge @!p3 [sflag:s0], $0x1400  }
0x105: {  	[sflag:s0] =	ssyncset.done @!p3 $0x0  }
0x106: {  	[sflag:s0] =	ssyncadd.s32 @!p3 $0xFFFFEC00  }
0x107: {  	_ =	swait.ge @!p3 [sflag:s0], $0x1400  }
0x108: {  	[sflag:s0] =	ssyncset.done @!p3 $0x0  }
0x109: {  	[sflag:s0] =	ssyncadd.s32 @!p3 $0xFFFFEC00  }
0x10a: {  	_ =	swait.ge @!p3 [sflag:s0], $0x1400  }
0x10b: {  	[sflag:s0] =	ssyncset.done @!p3 $0x0  }
0x10c: {  	[sflag:s0] =	ssyncadd.s32 @!p3 $0xFFFFEC00  }
0x10d: {  	_ =	swait.ge @!p3 [sflag:s0], $0x1400  }
0x10e: {  	[sflag:s0] =	ssyncset.done @!p3 $0x0  }
0x10f: {  	[sflag:s0] =	ssyncadd.s32 @!p3 $0xFFFFEC00  }
0x110: {  	_ =	swait.ge @!p3 [sflag:s0], $0x1400  }
0x111: {  	[sflag:s0] =	ssyncset.done @!p3 $0x0  }
0x112: {  	[sflag:s0] =	ssyncadd.s32 @!p3 $0xFFFFEC00  }
0x113: {  	_ =	swait.ge @!p3 [sflag:s0], $0x1400  }
0x114: {  	[sflag:s0] =	ssyncset.done @!p3 $0x0  }
0x115: {  	[sflag:s0] =	ssyncadd.s32 @!p3 $0xFFFFEC00  }
0x116: {  	_ =	swait.ge @!p3 [sflag:s0], $0x1400  }
0x117: {  	[sflag:s0] =	ssyncset.done @!p3 $0x0  }
0x118: {  	[sflag:s0] =	ssyncadd.s32 @!p3 $0xFFFFEC00;
	s0 =	sshra.s32 s3, $0x2  }
0x119: {  	[tilespmem:s18], [sflag:$0x1] =	stream.indirect.gather [hbm4b:s1+s17], $0x80, s0, s17, $0xb8;
	[tilespmem:$0x10100] =	vst v63  }
0x11a: {  	s3 =	sadd.s32 $0x1000, s0  }
0x11b: {  	[tilespmem:s19], [sflag:$0x1] =	stream.indirect.gather [hbm4b:s2+s17], $0x80, s3, s17, $0xb8;
	[tilespmem:$0x10100] =	vst v63  }
0x11c: {  	s16 =	sadd.s32 $0x28, s0  }
0x11d: {  	[tilespmem:s20], [sflag:$0x1] =	stream.indirect.gather [hbm4b:s1+s17], $0x80, s16, s17, $0xb8;
	[tilespmem:$0x10100] =	vst v63  }
0x11e: {  	s5 =	sadd.s32 $0x1028, s0  }
0x11f: {  	[tilespmem:s21], [sflag:$0x1] =	stream.indirect.gather [hbm4b:s2+s17], $0x80, s5, s17, $0xb8;
	[tilespmem:$0x10100] =	vst v63  }
0x120: {  	s10 =	sadd.s32 $0x50, s0  }
0x121: {  	[tilespmem:s22], [sflag:$0x1] =	stream.indirect.gather [hbm4b:s1+s17], $0x80, s10, s17, $0xb8;
	[tilespmem:$0x10100] =	vst v63  }
0x122: {  	s13 =	sadd.s32 $0x1050, s0  }
0x123: {  	[tilespmem:s23], [sflag:$0x1] =	stream.indirect.gather [hbm4b:s2+s17], $0x80, s13, s17, $0xb8;
	[tilespmem:$0x10100] =	vst v63  }
0x124: {  	s16 =	sadd.s32 $0x78, s0  }
0x125: {  	[tilespmem:s24], [sflag:$0x1] =	stream.indirect.gather [hbm4b:s1+s17], $0x80, s16, s17, $0xb8;
	[tilespmem:$0x10100] =	vst v63  }
0x126: {  	s5 =	sadd.s32 $0x1078, s0  }
0x127: {  	[tilespmem:s25], [sflag:$0x1] =	stream.indirect.gather [hbm4b:s2+s17], $0x80, s5, s17, $0xb8;
	[tilespmem:$0x10100] =	vst v63  }
0x128: {  	s10 =	sadd.s32 $0xA0, s0  }
0x129: {  	[tilespmem:s26], [sflag:$0x1] =	stream.indirect.gather [hbm4b:s1+s17], $0x80, s10, s17, $0xb8;
	[tilespmem:$0x10100] =	vst v63  }
0x12a: {  	s0 =	sadd.s32 $0x10A0, s0  }
0x12b: {  	[tilespmem:s28], [sflag:$0x1] =	stream.indirect.gather [hbm4b:s2+s17], $0x80, s0, s17, $0xb8;
	[tilespmem:$0x10100] =	vst v63  }
0x12c: {  	_ =	swait.ge [sflag:s29], $0x1400  }
0x12d: {  	[sflag:s29] =	ssyncset.done $0x0  }
0x12e: {  	[sflag:s29] =	ssyncadd.s32 $0xFFFFEC00  }
0x12f: {  	_ =	swait.ge [sflag:s29], $0x1400  }
0x130: {  	[sflag:s29] =	ssyncset.done $0x0  }
0x131: {  	[sflag:s29] =	ssyncadd.s32 $0xFFFFEC00  }
0x132: {  	_ =	swait.ge [sflag:s29], $0x1400  }
0x133: {  	[sflag:s29] =	ssyncset.done $0x0  }
0x134: {  	[sflag:s29] =	ssyncadd.s32 $0xFFFFEC00  }
0x135: {  	_ =	swait.ge [sflag:s29], $0x1400  }
0x136: {  	[sflag:s29] =	ssyncset.done $0x0  }
0x137: {  	[sflag:s29] =	ssyncadd.s32 $0xFFFFEC00  }
0x138: {  	_ =	swait.ge [sflag:s29], $0x1400  }
0x139: {  	[sflag:s29] =	ssyncset.done $0x0  }
0x13a: {  	[sflag:s29] =	ssyncadd.s32 $0xFFFFEC00  }
0x13b: {  	_ =	swait.ge [sflag:s29], $0x1400  }
0x13c: {  	[sflag:s29] =	ssyncset.done $0x0  }
0x13d: {  	[sflag:s29] =	ssyncadd.s32 $0xFFFFEC00  }
0x13e: {  	_ =	swait.ge [sflag:s29], $0x1400  }
0x13f: {  	[sflag:s29] =	ssyncset.done $0x0  }
0x140: {  	[sflag:s29] =	ssyncadd.s32 $0xFFFFEC00  }
0x141: {  	_ =	swait.ge [sflag:s29], $0x1400  }
0x142: {  	[sflag:s29] =	ssyncset.done $0x0  }
0x143: {  	[sflag:s29] =	ssyncadd.s32 $0xFFFFEC00  }
0x144: {  	_ =	swait.ge [sflag:s29], $0x1400  }
0x145: {  	[sflag:s29] =	ssyncset.done $0x0  }
0x146: {  	[sflag:s29] =	ssyncadd.s32 $0xFFFFEC00  }
0x147: {  	_ =	swait.ge [sflag:s29], $0x1400  }
0x148: {  	s13 =	rddreg [dreg:$0x5]  }
0x149: {  	s16 =	rddreg [dreg:$0x6];
	[sflag:s29] =	ssyncset.done $0x0;
	s0 =	sadd.s32 s12, s13  }
0x14a: {  	[sflag:s29] =	ssyncadd.s32 $0xFFFFEC00;
	s3 =	sadd.s32 s12, s16;
	s5 =	sadd.s32 $0x100, s0  }
0x14b: {  	[hbm4b:s5+s4] =	stream.linear.scatter [tilespmem:s18], [sflag:$0x2], $0x1400, $0x38;
	[tilespmem:$0x10100] =	vst v63  }
0x14c: {  	s10 =	sadd.s32 $0x100, s3  }
0x14d: {  	[hbm4b:s10+s4] =	stream.linear.scatter [tilespmem:s19], [sflag:$0x2], $0x1400, $0x38;
	[tilespmem:$0x10100] =	vst v63  }
0x14e: {  	s12 =	sadd.s32 $0x380, s0  }
0x14f: {  	[hbm4b:s12+s4] =	stream.linear.scatter [tilespmem:s20], [sflag:$0x2], $0x1400, $0x38;
	[tilespmem:$0x10100] =	vst v63  }
0x150: {  	s13 =	sadd.s32 $0x380, s3  }
0x151: {  	[hbm4b:s13+s4] =	stream.linear.scatter [tilespmem:s21], [sflag:$0x2], $0x1400, $0x38;
	[tilespmem:$0x10100] =	vst v63  }
0x152: {  	s16 =	sadd.s32 $0x600, s0  }
0x153: {  	[hbm4b:s16+s4] =	stream.linear.scatter [tilespmem:s22], [sflag:$0x2], $0x1400, $0x38;
	[tilespmem:$0x10100] =	vst v63  }
0x154: {  	s10 =	sadd.s32 $0x600, s3  }
0x155: {  	[hbm4b:s10+s4] =	stream.linear.scatter [tilespmem:s23], [sflag:$0x2], $0x1400, $0x38;
	[tilespmem:$0x10100] =	vst v63  }
0x156: {  	s12 =	sadd.s32 $0x880, s0  }
0x157: {  	[hbm4b:s12+s4] =	stream.linear.scatter [tilespmem:s24], [sflag:$0x2], $0x1400, $0x38;
	[tilespmem:$0x10100] =	vst v63  }
0x158: {  	s13 =	sadd.s32 $0x880, s3  }
0x159: {  	[hbm4b:s13+s4] =	stream.linear.scatter [tilespmem:s25], [sflag:$0x2], $0x1400, $0x38;
	[tilespmem:$0x10100] =	vst v63  }
0x15a: {  	s0 =	sadd.s32 $0xB00, s0  }
0x15b: {  	[hbm4b:s0+s4] =	stream.linear.scatter [tilespmem:s26], [sflag:$0x2], $0x1400, $0x38;
	[tilespmem:$0x10100] =	vst v63  }
0x15c: {  	s16 =	sadd.s32 $0xB00, s3  }
0x15d: {  	[hbm4b:s16+s4] =	stream.linear.scatter [tilespmem:s28], [sflag:$0x2], $0x1400, $0x38;
	[tilespmem:$0x10100] =	vst v63  }
0x15e: {  	_ =	swait.ge [sflag:s30], $0x1400  }
0x15f: {  	[sflag:s30] =	ssyncset.done $0x0  }
0x160: {  	[sflag:s30] =	ssyncadd.s32 $0xFFFFEC00  }
0x161: {  	_ =	swait.ge [sflag:s30], $0x1400  }
0x162: {  	[sflag:s30] =	ssyncset.done $0x0  }
0x163: {  	[sflag:s30] =	ssyncadd.s32 $0xFFFFEC00  }
0x164: {  	_ =	swait.ge [sflag:s30], $0x1400  }
0x165: {  	[sflag:s30] =	ssyncset.done $0x0  }
0x166: {  	[sflag:s30] =	ssyncadd.s32 $0xFFFFEC00  }
0x167: {  	_ =	swait.ge [sflag:s30], $0x1400  }
0x168: {  	[sflag:s30] =	ssyncset.done $0x0  }
0x169: {  	[sflag:s30] =	ssyncadd.s32 $0xFFFFEC00  }
0x16a: {  	_ =	swait.ge [sflag:s30], $0x1400  }
0x16b: {  	[sflag:s30] =	ssyncset.done $0x0  }
0x16c: {  	[sflag:s30] =	ssyncadd.s32 $0xFFFFEC00  }
0x16d: {  	_ =	swait.ge [sflag:s30], $0x1400  }
0x16e: {  	[sflag:s30] =	ssyncset.done $0x0  }
0x16f: {  	[sflag:s30] =	ssyncadd.s32 $0xFFFFEC00  }
0x170: {  	_ =	swait.ge [sflag:s30], $0x1400  }
0x171: {  	[sflag:s30] =	ssyncset.done $0x0  }
0x172: {  	[sflag:s30] =	ssyncadd.s32 $0xFFFFEC00  }
0x173: {  	_ =	swait.ge [sflag:s30], $0x1400  }
0x174: {  	[sflag:s30] =	ssyncset.done $0x0  }
0x175: {  	[sflag:s30] =	ssyncadd.s32 $0xFFFFEC00  }
0x176: {  	_ =	swait.ge [sflag:s30], $0x1400  }
0x177: {  	[sflag:s30] =	ssyncset.done $0x0  }
0x178: {  	[sflag:s30] =	ssyncadd.s32 $0xFFFFEC00  }
0x179: {  	_ =	swait.ge [sflag:s30], $0x1400  }
0x17a: {  	[sflag:s30] =	ssyncset.done $0x0  }
0x17b: {  	[sflag:s30] =	ssyncadd.s32 $0xFFFFEC00  }
.LBB2_5:
.Ltmp4:
0x17c: {  	(pc) =	sbr.rel @p1 .LBB2_8-.Ltmp4, $1  }
0x17d: {  	_ =	sdelay $0x3  }
.Ltmp5:
0x17e: {  	(pc) =	sbr.rel @p2 .LBB2_10-.Ltmp5, $1  }
0x17f: {  	_ =	sdelay $0x3  }
0x180: {  	s0 =	rddreg [dreg:$0x8];
	s3 =	simm.s32 $0xE800  }
0x181: {  	[tilespmem:s3], [sflag:$0x3] =	stream.linear.gather [hbm4b:s0+s4], $0x10, $0x38;
	[tilespmem:$0x10100] =	vst v63  }
0x182: {  	_ =	swait.ge [sflag:s15], $0x10  }
0x183: {  	[sflag:s15] =	ssyncset.done $0x0  }
0x184: {  	s5 =	simm.s32 $0xE880;
	s13 =	rddreg [dreg:$0x9];
	[sflag:s15] =	ssyncadd.s32 $0xFFFFFFF0  }
0x185: {  	[tilespmem:s5], [sflag:$0x3] =	stream.linear.gather [hbm4b:s13+s4], $0x10, $0x38;
	[tilespmem:$0x10100] =	vst v63  }
0x186: {  	_ =	swait.ge [sflag:s15], $0x10  }
0x187: {  	[sflag:s15] =	ssyncset.done $0x0  }
0x188: {  	s16 =	simm.s32 $0x10;
	s10 =	simm.s32 $0xE900;
	[sflag:s15] =	ssyncadd.s32 $0xFFFFFFF0  }
0x189: {  	[tilespmem:s10], [sflag:$0x1] =	stream.indirect.gather [hbm4b:s1+s16], $0x80, s3, s16, $0xb8;
	[tilespmem:$0x10100] =	vst v63  }
0x18a: {  	s12 =	simm.s32 $0xF100  }
0x18b: {  	[tilespmem:s12], [sflag:$0x1] =	stream.indirect.gather [hbm4b:s2+s16], $0x80, s5, s16, $0xb8;
	[tilespmem:$0x10100] =	vst v63  }
0x18c: {  	_ =	swait.ge [sflag:s29], $0x800  }
0x18d: {  	[sflag:s29] =	ssyncset.done $0x0  }
0x18e: {  	[sflag:s29] =	ssyncadd.s32 $0xFFFFF800  }
0x18f: {  	_ =	swait.ge [sflag:s29], $0x800  }
0x190: {  	[sflag:s29] =	ssyncset.done $0x0  }
0x191: {  	s13 =	rddreg [dreg:$0xa];
	[sflag:s29] =	ssyncadd.s32 $0xFFFFF800  }
0x192: {  	[hbm4b:s13+s4] =	stream.linear.scatter [tilespmem:s10], [sflag:$0x3], $0x800, $0x38;
	[tilespmem:$0x10100] =	vst v63  }
.Ltmp6:
0x193: {  	_ = 	snop;
	(pc) =	sbr.rel .LBB2_9-.Ltmp6, $4  }
0x194: {  	_ =	swait.ge [sflag:s15], $0x800  }
0x195: {  	[sflag:s15] =	ssyncset.done $0x0  }
0x196: {  	s16 =	rddreg [dreg:$0xb];
	[sflag:s15] =	ssyncadd.s32 $0xFFFFF800  }
0x197: {  	[hbm4b:s16+s4] =	stream.linear.scatter [tilespmem:s12], [sflag:$0x3], $0x800, $0x38;
	[tilespmem:$0x10100] =	vst v63  }
.LBB2_11:
0x198: {  	_ =	sfence.sel $0x180000  }
0x199: {  	[bflag:$0x0] =	sbarrier.arrive $0xFFFF  }
0x19a: {  	_ =	strace $0x9000004A  }
0x19b: {  	s0 =	stileid.u32;
	[bflag:$0x2] =	sbarrier.arrive $0xFFFF  }
0x19c: {  	p0 =	sne.s32 s0, $0x0;
	s0 =	rddreg [dreg:$0x4]  }
0x19d: {  	s0 =	sadd.s32 @!p0 $0x100000, s0  }
0x19e: {  	[sflag:s0] =	ssyncadd.tile.s32 @!p0 $0x1;
	_ =	shalt  }
.Lfunc_end2:
_tile_overlayer_lowered:
.L_overlay_start_2:
0x19f: {  	(tag) =	ssettag $0x2  }
0x1a0: {  	s0 =	rddreg [dreg:$0x0];
	s2 =	stileid.u32  }
0x1a1: {  	s1 =	rddreg [dreg:$0x1];
	p0 =	sne.s32 s2, $0x0  }
0x1a2: {  	s3 =	rddreg [dreg:$0x2];
	[bflag:$0x3] =	sbarrier.arrive $0xFFFF;
	s2 =	simm.s32 @!p0 $0x1C03  }
0x1a3: {  	[timem:s3], [sflag:s2] =	dma.local @!p0 [hbm:s0], s1  }
0x1a4: {  	s0 =	simm.s32 @!p0 $0x3  }
0x1a5: {  	_ =	swait.ge @!p0 [sflag:s0], s1  }
0x1a6: {  	s1 =	ssub.s32 @!p0 $0x0, s1;
	[sflag:s0] =	ssyncset.done @!p0 $0x0  }
0x1a7: {  	[sflag:s0] =	ssyncadd.s32 @!p0 s1  }
0x1a8: {  	[bflag:$0x3] =	sbarrier.arrive $0xFFFF  }
0x1a9: {  	_ =	shalt  }

</sc_bundles>
